<compile_context>
chip_gen: v7x
topology: tpu7x:2x2x1
jax: 0.10.2.dev20260603
libtpu: 0.0.44.dev20260713+nightly
codegen_flags: <defaults>
</compile_context>

<pallas_src>
import functools
import jax
import jax.numpy as jnp
from jax import lax
from jax.experimental import pallas as pl
from jax.experimental.pallas import tpu as pltpu
from jax.experimental.pallas import tpu_sc as plsc

B, C, N, K, O = 8, 128, 4096, 16, 128
NW = 32
ROWS = B * N
RPW = ROWS // NW
CH = 16
NCH = RPW // CH
NIL = 128
NB = 2048
NB2 = 2048


def _matmul_body(f_ref, w12_ref, b12_ref, wd_ref, bd_ref, t12_ref, d_ref):
    fb = f_ref[0]
    cn = (((0,), (1,)), ((), ()))
    g12 = lax.dot_general(fb, w12_ref[...], cn, preferred_element_type=jnp.float32)
    t12_ref[0] = (g12 + b12_ref[...]).astype(jnp.bfloat16).reshape(NB, 2, O)
    d = lax.dot_general(fb, wd_ref[...], cn, preferred_element_type=jnp.float32)
    d_ref[0] = (d + bd_ref[...]).astype(jnp.bfloat16).reshape(NB // 2, 2, O)


def _sc_body(t12_hbm, idx_hbm, d_hbm, h_hbm, stats_hbm,
             idx_v, g0, g1, g2, d0, d1, d2, h0, h1, h2, stats_v,
             sem_g0, sem_g1, sem_g2, sem_d0, sem_d1, sem_d2,
             sem_h0, sem_h1, sem_h2):
    wid = lax.axis_index("s") * 2 + lax.axis_index("c")
    base = wid * RPW

    pltpu.sync_copy(idx_hbm.at[pl.ds(wid * 2 * NCH, 2 * NCH)], idx_v)

    gbufs = (g0, g1, g2)
    dbufs = (d0, d1, d2)
    hbufs = (h0, h1, h2)
    gsems = (sem_g0, sem_g1, sem_g2)
    dsems = (sem_d0, sem_d1, sem_d2)
    hsems = (sem_h0, sem_h1, sem_h2)
    t32 = t12_hbm.bitcast(jnp.int32)
    g32 = tuple(g.bitcast(jnp.int32) for g in gbufs)
    d32h = d_hbm.bitcast(jnp.int32)
    d32 = tuple(dd.bitcast(jnp.int32) for dd in dbufs)
    h32h = h_hbm.bitcast(jnp.int32)
    h32 = tuple(hh.bitcast(jnp.int32) for hh in hbufs)
    base2 = base // 2
    CH2 = CH // 2

    def g_copy_a(c, bi):
        return pltpu.make_async_copy(t32.at[idx_v.at[2 * c]],
                                     g32[bi].at[pl.ds(0, NIL)], gsems[bi])

    def g_copy_b(c, bi):
        return pltpu.make_async_copy(t32.at[idx_v.at[2 * c + 1]],
                                     g32[bi].at[pl.ds(NIL, NIL)], gsems[bi])

    def g_start(c, bi):
        g_copy_a(c, bi).start()
        g_copy_b(c, bi).start()

    def g_wait(c, bi):
        g_copy_a(c, bi).wait()
        g_copy_b(c, bi).wait()

    def d_copy(c, bi):
        return pltpu.make_async_copy(d32h.at[pl.ds(base2 + c * CH2, CH2)],
                                     d32[bi], dsems[bi])

    def h_copy(c, bi):
        return pltpu.make_async_copy(h32[bi],
                                     h32h.at[pl.ds(base2 + c * CH2, CH2)],
                                     hsems[bi])

    stats_v[...] = jnp.zeros((2 * O,), jnp.float32)

    g_start(0, 0)
    d_copy(0, 0).start()
    g_start(1, 1)
    d_copy(1, 1).start()
    g_start(2, 2)
    d_copy(2, 2).start()

    def pair_body(i, carry):
        for bi in range(3):
            c = 3 * i + bi
            g_wait(c, bi)
            d_copy(c, bi).wait()

            @pl.when(c >= 3)
            def _():
                h_copy(c - 3, bi).wait()

            gb = gbufs[bi]
            db = dbufs[bi]
            hb = hbufs[bi]

            def row_body(r2, rcarry):
                dslab = db[r2].astype(jnp.float32)
                hrows = []
                for p in range(2):
                    rb = (2 * r2 + p) * K
                    m = gb[rb]
                    for k_ in range(1, K):
                        m = jnp.maximum(m, gb[rb + k_])
                    mf = m.astype(jnp.float32)
                    hrow = mf[0] + mf[1] + dslab[p]
                    plsc.addupdate(stats_v.at[pl.ds(0, O)], hrow)
                    plsc.addupdate(stats_v.at[pl.ds(O, O)], hrow * hrow)
                    hrows.append(hrow[None])
                h2 = jnp.concatenate(hrows, axis=0).astype(jnp.bfloat16)
                hb[r2] = h2
                return rcarry

            lax.fori_loop(0, CH2, row_body, 0)
            h_copy(c, bi).start()

            nc = c + 3

            @pl.when(nc < NCH)
            def _():
                g_start(nc, bi)
                d_copy(nc, bi).start()
        return carry

    lax.fori_loop(0, (NCH - 1) // 3, pair_body, 0)
    ct = NCH - 1
    g_wait(ct, 0)
    d_copy(ct, 0).wait()
    h_copy(ct - 3, 0).wait()
    gb, db, hb = gbufs[0], dbufs[0], hbufs[0]

    def tail_row(r2, rcarry):
        dslab = db[r2].astype(jnp.float32)
        hrows = []
        for p in range(2):
            rb = (2 * r2 + p) * K
            m = gb[rb]
            for k_ in range(1, K):
                m = jnp.maximum(m, gb[rb + k_])
            mf = m.astype(jnp.float32)
            hrow = mf[0] + mf[1] + dslab[p]
            plsc.addupdate(stats_v.at[pl.ds(0, O)], hrow)
            plsc.addupdate(stats_v.at[pl.ds(O, O)], hrow * hrow)
            hrows.append(hrow[None])
        hb[r2] = jnp.concatenate(hrows, axis=0).astype(jnp.bfloat16)
        return rcarry

    lax.fori_loop(0, CH2, tail_row, 0)
    h_copy(ct, 0).start()
    h_copy(NCH - 3, 1).wait()
    h_copy(NCH - 2, 2).wait()
    h_copy(ct, 0).wait()
    pltpu.sync_copy(stats_v, stats_hbm.at[wid])


def _norm_body(h_ref, stats_ref, gamma_ref, beta_ref, out_ref):
    s = stats_ref[...]
    ssum = jnp.sum(s[:, :128], axis=0)
    ssq = jnp.sum(s[:, 128:], axis=0)
    cnt = jnp.float32(ROWS)
    mean = ssum / cnt
    var = ssq / cnt - mean * mean
    scale = gamma_ref[0] * lax.rsqrt(var + 1e-5)
    shift = beta_ref[0] - mean * scale
    hb = h_ref[0].astype(jnp.float32)
    out_ref[0] = hb.T * scale[:, None] + shift[:, None]


def kernel(f, idx, W1, b1, W2, b2, W3, b3, gamma, beta):
    W12 = jnp.concatenate([W1, W2], axis=0)
    b12 = jnp.concatenate([b1, b2])[None, :]
    Wd = W3 - W1
    bd = (b3 - b1)[None, :]

    t12, d = pl.pallas_call(
        _matmul_body,
        grid=(B, N // NB),
        in_specs=[
            pl.BlockSpec((1, C, NB), lambda b, n: (b, 0, n)),
            pl.BlockSpec((2 * O, C), lambda b, n: (0, 0)),
            pl.BlockSpec((1, 2 * O), lambda b, n: (0, 0)),
            pl.BlockSpec((O, C), lambda b, n: (0, 0)),
            pl.BlockSpec((1, O), lambda b, n: (0, 0)),
        ],
        out_specs=[
            pl.BlockSpec((1, NB, 2, O), lambda b, n: (b, n, 0, 0)),
            pl.BlockSpec((1, NB // 2, 2, O), lambda b, n: (b, n, 0, 0)),
        ],
        out_shape=[
            jax.ShapeDtypeStruct((B, N, 2, O), jnp.bfloat16),
            jax.ShapeDtypeStruct((B, N // 2, 2, O), jnp.bfloat16),
        ],
    )(f, W12, b12, Wd, bd)

    t12 = t12.reshape(ROWS, 2, O)
    d2 = d.reshape(ROWS // 2, 2, O)
    idxg = (idx + (jnp.arange(B, dtype=jnp.int32) * N)[:, None, None])
    idxg = idxg.reshape(NW * 2 * NCH, NIL)

    mesh = plsc.VectorSubcoreMesh(core_axis_name="c", subcore_axis_name="s",
                                  num_cores=2, num_subcores=16)
    sc = pl.kernel(
        _sc_body,
        mesh=mesh,
        out_type=[
            jax.ShapeDtypeStruct((ROWS // 2, 2, O), jnp.bfloat16),
            jax.ShapeDtypeStruct((NW, 2 * O), jnp.float32),
        ],
        scratch_types=[
            pltpu.VMEM((2 * NCH, NIL), jnp.int32),
            pltpu.VMEM((CH * K, 2, O), jnp.bfloat16),
            pltpu.VMEM((CH * K, 2, O), jnp.bfloat16),
            pltpu.VMEM((CH * K, 2, O), jnp.bfloat16),
            pltpu.VMEM((CH // 2, 2, O), jnp.bfloat16),
            pltpu.VMEM((CH // 2, 2, O), jnp.bfloat16),
            pltpu.VMEM((CH // 2, 2, O), jnp.bfloat16),
            pltpu.VMEM((CH // 2, 2, O), jnp.bfloat16),
            pltpu.VMEM((CH // 2, 2, O), jnp.bfloat16),
            pltpu.VMEM((CH // 2, 2, O), jnp.bfloat16),
            pltpu.VMEM((2 * O,), jnp.float32),
            pltpu.SemaphoreType.DMA,
            pltpu.SemaphoreType.DMA,
            pltpu.SemaphoreType.DMA,
            pltpu.SemaphoreType.DMA,
            pltpu.SemaphoreType.DMA,
            pltpu.SemaphoreType.DMA,
            pltpu.SemaphoreType.DMA,
            pltpu.SemaphoreType.DMA,
            pltpu.SemaphoreType.DMA,
        ],
    )
    h, stats = sc(t12, idxg, d2)

    h3 = h.reshape(B, N, O)
    out = pl.pallas_call(
        _norm_body,
        grid=(B, N // NB2),
        in_specs=[
            pl.BlockSpec((1, NB2, O), lambda b, n: (b, n, 0)),
            pl.BlockSpec((NW, 2 * O), lambda b, n: (0, 0)),
            pl.BlockSpec((1, O), lambda b, n: (0, 0)),
            pl.BlockSpec((1, O), lambda b, n: (0, 0)),
        ],
        out_specs=pl.BlockSpec((1, O, NB2), lambda b, n: (b, 0, n)),
        out_shape=jax.ShapeDtypeStruct((B, O, N), jnp.float32),
    )(h3, stats, gamma[None, :], beta[None, :])
    return out

# --- scband reference (transcript-rebuilt; emitter-appended) ---
"""Pipeline reference for scband-lpfma-48945447305224 (READ-ONLY COPY).

The authoritative reference and input builder live on the scoring server;
editing this copy changes nothing except your own understanding.
"""

import jax, jax.numpy as jnp
import numpy as np

B, C, N, K, O = 8, 128, 4096, 16, 128

def knn_edge_maxpool(x, idx):
    # x: [B, N, C], idx: [B, N, K] neighbor indices into N
    nbr = jax.vmap(lambda xb, ib: xb[ib])(x, idx)  # gather -> [B, N, K, C]
    return jnp.max(nbr - x[:, :, None, :], axis=2)  # edge max pooling -> [B, N, C]

def setup_inputs(seed: int = 0) -> dict:
    key = jax.random.key(seed)
    ks = jax.random.split(key, 10)
    f = jax.random.normal(ks[0], (B, C, N), dtype=jnp.float32)
    idx = jax.random.randint(ks[1], (B, N, K), 0, N, dtype=jnp.int32)
    s = 1.0 / np.sqrt(C)
    W1 = jax.random.uniform(ks[2], (O, C), minval=-s, maxval=s, dtype=jnp.float32)
    b1 = jax.random.uniform(ks[3], (O,), minval=-s, maxval=s, dtype=jnp.float32)
    W2 = jax.random.uniform(ks[4], (O, C), minval=-s, maxval=s, dtype=jnp.float32)
    b2 = jax.random.uniform(ks[5], (O,), minval=-s, maxval=s, dtype=jnp.float32)
    W3 = jax.random.uniform(ks[6], (O, C), minval=-s, maxval=s, dtype=jnp.float32)
    b3 = jax.random.uniform(ks[7], (O,), minval=-s, maxval=s, dtype=jnp.float32)
    gamma = jnp.ones((O,), dtype=jnp.float32)
    beta = jnp.zeros((O,), dtype=jnp.float32)
    return {"f": f, "idx": idx, "W1": W1, "b1": b1, "W2": W2, "b2": b2, "W3": W3, "b3": b3, "gamma": gamma, "beta": beta}

def reference(f, idx, W1, b1, W2, b2, W3, b3, gamma, beta):
    # 1x1 Conv1d == per-point linear: [O,C] x [B,C,N] -> [B,O,N]
    f1 = jnp.einsum('oc,bcn->bon', W1, f) + b1[None, :, None]
    f2 = jnp.einsum('oc,bcn->bon', W2, f) + b2[None, :, None]
    f3 = jnp.einsum('oc,bcn->bon', W3, f) + b3[None, :, None]
    f_agg = knn_edge_maxpool(jnp.transpose(f1, (0, 2, 1)), idx)
    f_agg = jnp.transpose(f_agg, (0, 2, 1))
    f_agg2 = knn_edge_maxpool(jnp.transpose(f2, (0, 2, 1)), idx)
    f_agg2 = jnp.transpose(f_agg2, (0, 2, 1)) + f2
    h = f_agg + f_agg2 + f3
    # BatchNorm1d (training-mode batch statistics over B and N dims)
    mean = jnp.mean(h, axis=(0, 2), keepdims=True)
    var = jnp.var(h, axis=(0, 2), keepdims=True)
    out = (h - mean) / jnp.sqrt(var + 1e-5) * gamma[None, :, None] + beta[None, :, None]
    return out

if __name__ == "__main__":
    import jax
    _d = setup_inputs()
    print(jax.jit(kernel)(*tuple(_d.values())))

</pallas_src>

<mosaic_0001>
#map = affine_map<(d0, d1) -> (0, 0, 0)>
#map1 = affine_map<(d0, d1) -> (0, 0)>
module attributes {stable_mosaic.version = 14 : i64} {
  func.func @_sc_body(%arg0: i32, %arg1: i32, %arg2: memref<32768x2x128xbf16, #tpu.memory_space<hbm>>, %arg3: memref<4096x128xi32, #tpu.memory_space<hbm>>, %arg4: memref<16384x2x128xbf16, #tpu.memory_space<hbm>>, %arg5: memref<16384x2x128xbf16, #tpu.memory_space<hbm>>, %arg6: memref<32x256xf32, #tpu.memory_space<hbm>>, %arg7: memref<128x128xi32, #tpu.memory_space<vmem>>, %arg8: memref<256x2x128xbf16, #tpu.memory_space<vmem>>, %arg9: memref<256x2x128xbf16, #tpu.memory_space<vmem>>, %arg10: memref<256x2x128xbf16, #tpu.memory_space<vmem>>, %arg11: memref<8x2x128xbf16, #tpu.memory_space<vmem>>, %arg12: memref<8x2x128xbf16, #tpu.memory_space<vmem>>, %arg13: memref<8x2x128xbf16, #tpu.memory_space<vmem>>, %arg14: memref<8x2x128xbf16, #tpu.memory_space<vmem>>, %arg15: memref<8x2x128xbf16, #tpu.memory_space<vmem>>, %arg16: memref<8x2x128xbf16, #tpu.memory_space<vmem>>, %arg17: memref<256xf32, #tpu.memory_space<vmem>>, %arg18: memref<!tpu.dma_semaphore, #tpu.memory_space<semaphore_mem>>, %arg19: memref<!tpu.dma_semaphore, #tpu.memory_space<semaphore_mem>>, %arg20: memref<!tpu.dma_semaphore, #tpu.memory_space<semaphore_mem>>, %arg21: memref<!tpu.dma_semaphore, #tpu.memory_space<semaphore_mem>>, %arg22: memref<!tpu.dma_semaphore, #tpu.memory_space<semaphore_mem>>, %arg23: memref<!tpu.dma_semaphore, #tpu.memory_space<semaphore_mem>>, %arg24: memref<!tpu.dma_semaphore, #tpu.memory_space<semaphore_mem>>, %arg25: memref<!tpu.dma_semaphore, #tpu.memory_space<semaphore_mem>>, %arg26: memref<!tpu.dma_semaphore, #tpu.memory_space<semaphore_mem>>) attributes {dimension_semantics = [#tpu.dimension_semantics<core_parallel>, #tpu.dimension_semantics<subcore_parallel>], iteration_bounds = array<i64: 2, 16>, scalar_prefetch = 0 : i64, scratch_operands = 20 : i64, tpu.core_type = #tpu.core_type<sc_vector_subcore>, window_params = [{transform_indices = #map}, {transform_indices = #map1}, {transform_indices = #map}, {transform_indices = #map}, {transform_indices = #map1}]} {
    %mul3A = arith.constant 2 : i32
    %mul3A_0 = arith.muli %arg1, %mul3A : i32
    %add3A = arith.addi %mul3A_0, %arg0 : i32
    %mul3A_1 = arith.constant 1024 : i32
    %mul3A_2 = arith.muli %add3A, %mul3A_1 : i32
    %mul3A_3 = arith.constant 2 : i32
    %mul3A_4 = arith.muli %add3A, %mul3A_3 : i32
    %mul3A_5 = arith.constant 64 : i32
    %mul3A_6 = arith.muli %mul3A_4, %mul3A_5 : i32
    "tpu.region"() ({
      %run_scoped3A = tpu.sem_alloc : memref<!tpu.dma_semaphore, #tpu.memory_space<semaphore_mem>>
      %dma_start3A_256 = arith.constant 0 : i32
      %dma_start3A_257 = tpu.memref_slice %arg3[%mul3A_6, %dma_start3A_256] : memref<4096x128xi32, #tpu.memory_space<hbm>> -> memref<128x128xi32, #tpu.memory_space<hbm>>
      %dma_start3A_258 = arith.constant 0 : i32
      %dma_start3A_259 = tpu.memref_slice %arg3[%mul3A_6, %dma_start3A_258] : memref<4096x128xi32, #tpu.memory_space<hbm>> -> memref<128x128xi32, #tpu.memory_space<hbm>>
      tpu.enqueue_dma source(%dma_start3A_259 : memref<128x128xi32, #tpu.memory_space<hbm>>) target(%arg7 : memref<128x128xi32, #tpu.memory_space<vmem>>) target_semaphore(%run_scoped3A : memref<!tpu.dma_semaphore, #tpu.memory_space<semaphore_mem>>)
      %dma_wait3A_260 = arith.constant 0 : i32
      %dma_wait3A_261 = tpu.memref_slice %arg3[%mul3A_6, %dma_wait3A_260] : memref<4096x128xi32, #tpu.memory_space<hbm>> -> memref<128x128xi32, #tpu.memory_space<hbm>>
      %dma_wait3A_262 = arith.constant 0 : i32
      %dma_wait3A_263 = tpu.memref_slice %arg3[%mul3A_6, %dma_wait3A_262] : memref<4096x128xi32, #tpu.memory_space<hbm>> -> memref<128x128xi32, #tpu.memory_space<hbm>>
      tpu.wait_dma2 semaphore(%run_scoped3A : memref<!tpu.dma_semaphore, #tpu.memory_space<semaphore_mem>>) src(%dma_wait3A_263 : memref<128x128xi32, #tpu.memory_space<hbm>>) dst(%arg7 : memref<128x128xi32, #tpu.memory_space<vmem>>)
      tpu.yield
    }) : () -> ()
    %jit3A = arith.constant 2 : i32
    %div3A = arith.divsi %mul3A_2, %jit3A : i32
    %sign3A = arith.constant 0 : i32
    %sign3A_7 = arith.cmpi sgt, %mul3A_2, %sign3A : i32
    %sign3A_8 = arith.extui %sign3A_7 : i1 to i32
    %sign3A_9 = arith.constant 0 : i32
    %sign3A_10 = arith.cmpi slt, %mul3A_2, %sign3A_9 : i32
    %sign3A_11 = arith.extui %sign3A_10 : i1 to i32
    %sign3A_12 = arith.subi %sign3A_8, %sign3A_11 : i32
    %sign3A_13 = arith.constant 0 : i32
    %sign3A_14 = arith.cmpi sgt, %jit3A, %sign3A_13 : i32
    %sign3A_15 = arith.extui %sign3A_14 : i1 to i32
    %sign3A_16 = arith.constant 0 : i32
    %sign3A_17 = arith.cmpi slt, %jit3A, %sign3A_16 : i32
    %sign3A_18 = arith.extui %sign3A_17 : i1 to i32
    %sign3A_19 = arith.subi %sign3A_15, %sign3A_18 : i32
    %ne3A = arith.cmpi ne, %sign3A_12, %sign3A_19 : i32
    %rem3A = arith.remsi %mul3A_2, %jit3A : i32
    %ne3A_20 = arith.constant 0 : i32
    %ne3A_21 = arith.cmpi ne, %rem3A, %ne3A_20 : i32
    %and3A = arith.andi %ne3A, %ne3A_21 : i1
    %sub3A = arith.constant 1 : i32
    %sub3A_22 = arith.subi %div3A, %sub3A : i32
    %select_n3A = arith.select %and3A, %sub3A_22, %div3A : i32
    %broadcast_in_dim3A = arith.constant 0.000000e+00 : f32
    %broadcast_in_dim3A_23 = vector.broadcast %broadcast_in_dim3A : f32 to vector<256xf32>
    %swap3A = arith.constant 0 : index
    %swap3A_24 = tpu.vector_load %arg17[%swap3A] {strides = array<i32>} : memref<256xf32, #tpu.memory_space<vmem>>, vector<256xf32>,
    %swap3A_25 = vector.shape_cast %swap3A_24 : vector<256xf32> to vector<256xf32>
    %swap3A_26 = vector.shape_cast %broadcast_in_dim3A_23 : vector<256xf32> to vector<256xf32>
    tpu.vector_store %arg17[%swap3A], %swap3A_26 {strides = array<i32>} : memref<256xf32, #tpu.memory_space<vmem>>, vector<256xf32>,
    %dma_start3A = arith.constant 0 : i32
    %dma_start3A_27 = tpu.memref_bitcast %arg8 : memref<256x2x128xbf16, #tpu.memory_space<vmem>> -> memref<256x1x128xi32, #tpu.memory_space<vmem>>
    %dma_start3A_28 = arith.constant 0 : i32
    %dma_start3A_29 = arith.constant 0 : i32
    %dma_start3A_30 = arith.constant 0 : i32
    %dma_start3A_31 = tpu.memref_slice %dma_start3A_27[%dma_start3A_28, %dma_start3A_29, %dma_start3A_30] : memref<256x1x128xi32, #tpu.memory_space<vmem>> -> memref<128x1x128xi32, #tpu.memory_space<vmem>>
    %dma_start3A_32 = arith.constant 0 : i32
    %dma_start3A_33 = tpu.memref_slice %arg7[%dma_start3A, %dma_start3A_32] : memref<128x128xi32, #tpu.memory_space<vmem>> -> memref<1x128xi32, #tpu.memory_space<vmem>>
    %dma_start3A_34 = tpu.memref_squeeze %dma_start3A_33 : memref<1x128xi32, #tpu.memory_space<vmem>> -> memref<128xi32, #tpu.memory_space<vmem>>
    %dma_start3A_35 = tpu.memref_bitcast %arg2 : memref<32768x2x128xbf16, #tpu.memory_space<hbm>> -> memref<32768x1x128xi32, #tpu.memory_space<hbm>>
    %dma_start3A_36 = arith.constant 0 : i32
    %dma_start3A_37 = arith.constant 0 : i32
    %dma_start3A_38 = arith.constant 0 : i32
    %dma_start3A_39 = tpu.memref_slice %dma_start3A_35[%dma_start3A_36, %dma_start3A_37, %dma_start3A_38] : memref<32768x1x128xi32, #tpu.memory_space<hbm>> -> memref<32768x1x128xi32, #tpu.memory_space<hbm>>
    tpu.enqueue_indirect_dma source(%dma_start3A_39 : memref<32768x1x128xi32, #tpu.memory_space<hbm>>) target(%dma_start3A_31 : memref<128x1x128xi32, #tpu.memory_space<vmem>>) offsets(%dma_start3A_34 : memref<128xi32, #tpu.memory_space<vmem>>) semaphore(%arg18 : memref<!tpu.dma_semaphore, #tpu.memory_space<semaphore_mem>>)
    %dma_start3A_40 = arith.constant 1 : i32
    %dma_start3A_41 = tpu.memref_bitcast %arg8 : memref<256x2x128xbf16, #tpu.memory_space<vmem>> -> memref<256x1x128xi32, #tpu.memory_space<vmem>>
    %dma_start3A_42 = arith.constant 128 : i32
    %dma_start3A_43 = arith.constant 0 : i32
    %dma_start3A_44 = arith.constant 0 : i32
    %dma_start3A_45 = tpu.memref_slice %dma_start3A_41[%dma_start3A_42, %dma_start3A_43, %dma_start3A_44] : memref<256x1x128xi32, #tpu.memory_space<vmem>> -> memref<128x1x128xi32, #tpu.memory_space<vmem>>
    %dma_start3A_46 = arith.constant 0 : i32
    %dma_start3A_47 = tpu.memref_slice %arg7[%dma_start3A_40, %dma_start3A_46] : memref<128x128xi32, #tpu.memory_space<vmem>> -> memref<1x128xi32, #tpu.memory_space<vmem>>
    %dma_start3A_48 = tpu.memref_squeeze %dma_start3A_47 : memref<1x128xi32, #tpu.memory_space<vmem>> -> memref<128xi32, #tpu.memory_space<vmem>>
    %dma_start3A_49 = tpu.memref_bitcast %arg2 : memref<32768x2x128xbf16, #tpu.memory_space<hbm>> -> memref<32768x1x128xi32, #tpu.memory_space<hbm>>
    %dma_start3A_50 = arith.constant 0 : i32
    %dma_start3A_51 = arith.constant 0 : i32
    %dma_start3A_52 = arith.constant 0 : i32
    %dma_start3A_53 = tpu.memref_slice %dma_start3A_49[%dma_start3A_50, %dma_start3A_51, %dma_start3A_52] : memref<32768x1x128xi32, #tpu.memory_space<hbm>> -> memref<32768x1x128xi32, #tpu.memory_space<hbm>>
    tpu.enqueue_indirect_dma source(%dma_start3A_53 : memref<32768x1x128xi32, #tpu.memory_space<hbm>>) target(%dma_start3A_45 : memref<128x1x128xi32, #tpu.memory_space<vmem>>) offsets(%dma_start3A_48 : memref<128xi32, #tpu.memory_space<vmem>>) semaphore(%arg18 : memref<!tpu.dma_semaphore, #tpu.memory_space<semaphore_mem>>)
    %add3A_54 = arith.constant 0 : i32
    %add3A_55 = arith.addi %select_n3A, %add3A_54 : i32
    %dma_start3A_56 = tpu.memref_bitcast %arg11 : memref<8x2x128xbf16, #tpu.memory_space<vmem>> -> memref<8x1x128xi32, #tpu.memory_space<vmem>>
    %dma_start3A_57 = tpu.memref_bitcast %arg4 : memref<16384x2x128xbf16, #tpu.memory_space<hbm>> -> memref<16384x1x128xi32, #tpu.memory_space<hbm>>
    %dma_start3A_58 = arith.constant 0 : i32
    %dma_start3A_59 = arith.constant 0 : i32
    %dma_start3A_60 = tpu.memref_slice %dma_start3A_57[%add3A_55, %dma_start3A_58, %dma_start3A_59] : memref<16384x1x128xi32, #tpu.memory_space<hbm>> -> memref<8x1x128xi32, #tpu.memory_space<hbm>>
    %dma_start3A_61 = tpu.memref_bitcast %arg11 : memref<8x2x128xbf16, #tpu.memory_space<vmem>> -> memref<8x1x128xi32, #tpu.memory_space<vmem>>
    %dma_start3A_62 = tpu.memref_bitcast %arg4 : memref<16384x2x128xbf16, #tpu.memory_space<hbm>> -> memref<16384x1x128xi32, #tpu.memory_space<hbm>>
    %dma_start3A_63 = arith.constant 0 : i32
    %dma_start3A_64 = arith.constant 0 : i32
    %dma_start3A_65 = tpu.memref_slice %dma_start3A_62[%add3A_55, %dma_start3A_63, %dma_start3A_64] : memref<16384x1x128xi32, #tpu.memory_space<hbm>> -> memref<8x1x128xi32, #tpu.memory_space<hbm>>
    tpu.enqueue_dma source(%dma_start3A_65 : memref<8x1x128xi32, #tpu.memory_space<hbm>>) target(%dma_start3A_61 : memref<8x1x128xi32, #tpu.memory_space<vmem>>) target_semaphore(%arg21 : memref<!tpu.dma_semaphore, #tpu.memory_space<semaphore_mem>>)
    %dma_start3A_66 = arith.constant 2 : i32
    %dma_start3A_67 = tpu.memref_bitcast %arg9 : memref<256x2x128xbf16, #tpu.memory_space<vmem>> -> memref<256x1x128xi32, #tpu.memory_space<vmem>>
    %dma_start3A_68 = arith.constant 0 : i32
    %dma_start3A_69 = arith.constant 0 : i32
    %dma_start3A_70 = arith.constant 0 : i32
    %dma_start3A_71 = tpu.memref_slice %dma_start3A_67[%dma_start3A_68, %dma_start3A_69, %dma_start3A_70] : memref<256x1x128xi32, #tpu.memory_space<vmem>> -> memref<128x1x128xi32, #tpu.memory_space<vmem>>
    %dma_start3A_72 = arith.constant 0 : i32
    %dma_start3A_73 = tpu.memref_slice %arg7[%dma_start3A_66, %dma_start3A_72] : memref<128x128xi32, #tpu.memory_space<vmem>> -> memref<1x128xi32, #tpu.memory_space<vmem>>
    %dma_start3A_74 = tpu.memref_squeeze %dma_start3A_73 : memref<1x128xi32, #tpu.memory_space<vmem>> -> memref<128xi32, #tpu.memory_space<vmem>>
    %dma_start3A_75 = tpu.memref_bitcast %arg2 : memref<32768x2x128xbf16, #tpu.memory_space<hbm>> -> memref<32768x1x128xi32, #tpu.memory_space<hbm>>
    %dma_start3A_76 = arith.constant 0 : i32
    %dma_start3A_77 = arith.constant 0 : i32
    %dma_start3A_78 = arith.constant 0 : i32
    %dma_start3A_79 = tpu.memref_slice %dma_start3A_75[%dma_start3A_76, %dma_start3A_77, %dma_start3A_78] : memref<32768x1x128xi32, #tpu.memory_space<hbm>> -> memref<32768x1x128xi32, #tpu.memory_space<hbm>>
    tpu.enqueue_indirect_dma source(%dma_start3A_79 : memref<32768x1x128xi32, #tpu.memory_space<hbm>>) target(%dma_start3A_71 : memref<128x1x128xi32, #tpu.memory_space<vmem>>) offsets(%dma_start3A_74 : memref<128xi32, #tpu.memory_space<vmem>>) semaphore(%arg19 : memref<!tpu.dma_semaphore, #tpu.memory_space<semaphore_mem>>)
    %dma_start3A_80 = arith.constant 3 : i32
    %dma_start3A_81 = tpu.memref_bitcast %arg9 : memref<256x2x128xbf16, #tpu.memory_space<vmem>> -> memref<256x1x128xi32, #tpu.memory_space<vmem>>
    %dma_start3A_82 = arith.constant 128 : i32
    %dma_start3A_83 = arith.constant 0 : i32
    %dma_start3A_84 = arith.constant 0 : i32
    %dma_start3A_85 = tpu.memref_slice %dma_start3A_81[%dma_start3A_82, %dma_start3A_83, %dma_start3A_84] : memref<256x1x128xi32, #tpu.memory_space<vmem>> -> memref<128x1x128xi32, #tpu.memory_space<vmem>>
    %dma_start3A_86 = arith.constant 0 : i32
    %dma_start3A_87 = tpu.memref_slice %arg7[%dma_start3A_80, %dma_start3A_86] : memref<128x128xi32, #tpu.memory_space<vmem>> -> memref<1x128xi32, #tpu.memory_space<vmem>>
    %dma_start3A_88 = tpu.memref_squeeze %dma_start3A_87 : memref<1x128xi32, #tpu.memory_space<vmem>> -> memref<128xi32, #tpu.memory_space<vmem>>
    %dma_start3A_89 = tpu.memref_bitcast %arg2 : memref<32768x2x128xbf16, #tpu.memory_space<hbm>> -> memref<32768x1x128xi32, #tpu.memory_space<hbm>>
    %dma_start3A_90 = arith.constant 0 : i32
    %dma_start3A_91 = arith.constant 0 : i32
    %dma_start3A_92 = arith.constant 0 : i32
    %dma_start3A_93 = tpu.memref_slice %dma_start3A_89[%dma_start3A_90, %dma_start3A_91, %dma_start3A_92] : memref<32768x1x128xi32, #tpu.memory_space<hbm>> -> memref<32768x1x128xi32, #tpu.memory_space<hbm>>
    tpu.enqueue_indirect_dma source(%dma_start3A_93 : memref<32768x1x128xi32, #tpu.memory_space<hbm>>) target(%dma_start3A_85 : memref<128x1x128xi32, #tpu.memory_space<vmem>>) offsets(%dma_start3A_88 : memref<128xi32, #tpu.memory_space<vmem>>) semaphore(%arg19 : memref<!tpu.dma_semaphore, #tpu.memory_space<semaphore_mem>>)
    %add3A_94 = arith.constant 8 : i32
    %add3A_95 = arith.addi %select_n3A, %add3A_94 : i32
    %dma_start3A_96 = tpu.memref_bitcast %arg12 : memref<8x2x128xbf16, #tpu.memory_space<vmem>> -> memref<8x1x128xi32, #tpu.memory_space<vmem>>
    %dma_start3A_97 = tpu.memref_bitcast %arg4 : memref<16384x2x128xbf16, #tpu.memory_space<hbm>> -> memref<16384x1x128xi32, #tpu.memory_space<hbm>>
    %dma_start3A_98 = arith.constant 0 : i32
    %dma_start3A_99 = arith.constant 0 : i32
    %dma_start3A_100 = tpu.memref_slice %dma_start3A_97[%add3A_95, %dma_start3A_98, %dma_start3A_99] : memref<16384x1x128xi32, #tpu.memory_space<hbm>> -> memref<8x1x128xi32, #tpu.memory_space<hbm>>
    %dma_start3A_101 = tpu.memref_bitcast %arg12 : memref<8x2x128xbf16, #tpu.memory_space<vmem>> -> memref<8x1x128xi32, #tpu.memory_space<vmem>>
    %dma_start3A_102 = tpu.memref_bitcast %arg4 : memref<16384x2x128xbf16, #tpu.memory_space<hbm>> -> memref<16384x1x128xi32, #tpu.memory_space<hbm>>
    %dma_start3A_103 = arith.constant 0 : i32
    %dma_start3A_104 = arith.constant 0 : i32
    %dma_start3A_105 = tpu.memref_slice %dma_start3A_102[%add3A_95, %dma_start3A_103, %dma_start3A_104] : memref<16384x1x128xi32, #tpu.memory_space<hbm>> -> memref<8x1x128xi32, #tpu.memory_space<hbm>>
    tpu.enqueue_dma source(%dma_start3A_105 : memref<8x1x128xi32, #tpu.memory_space<hbm>>) target(%dma_start3A_101 : memref<8x1x128xi32, #tpu.memory_space<vmem>>) target_semaphore(%arg22 : memref<!tpu.dma_semaphore, #tpu.memory_space<semaphore_mem>>)
    %dma_start3A_106 = arith.constant 4 : i32
    %dma_start3A_107 = tpu.memref_bitcast %arg10 : memref<256x2x128xbf16, #tpu.memory_space<vmem>> -> memref<256x1x128xi32, #tpu.memory_space<vmem>>
    %dma_start3A_108 = arith.constant 0 : i32
    %dma_start3A_109 = arith.constant 0 : i32
    %dma_start3A_110 = arith.constant 0 : i32
    %dma_start3A_111 = tpu.memref_slice %dma_start3A_107[%dma_start3A_108, %dma_start3A_109, %dma_start3A_110] : memref<256x1x128xi32, #tpu.memory_space<vmem>> -> memref<128x1x128xi32, #tpu.memory_space<vmem>>
    %dma_start3A_112 = arith.constant 0 : i32
    %dma_start3A_113 = tpu.memref_slice %arg7[%dma_start3A_106, %dma_start3A_112] : memref<128x128xi32, #tpu.memory_space<vmem>> -> memref<1x128xi32, #tpu.memory_space<vmem>>
    %dma_start3A_114 = tpu.memref_squeeze %dma_start3A_113 : memref<1x128xi32, #tpu.memory_space<vmem>> -> memref<128xi32, #tpu.memory_space<vmem>>
    %dma_start3A_115 = tpu.memref_bitcast %arg2 : memref<32768x2x128xbf16, #tpu.memory_space<hbm>> -> memref<32768x1x128xi32, #tpu.memory_space<hbm>>
    %dma_start3A_116 = arith.constant 0 : i32
    %dma_start3A_117 = arith.constant 0 : i32
    %dma_start3A_118 = arith.constant 0 : i32
    %dma_start3A_119 = tpu.memref_slice %dma_start3A_115[%dma_start3A_116, %dma_start3A_117, %dma_start3A_118] : memref<32768x1x128xi32, #tpu.memory_space<hbm>> -> memref<32768x1x128xi32, #tpu.memory_space<hbm>>
    tpu.enqueue_indirect_dma source(%dma_start3A_119 : memref<32768x1x128xi32, #tpu.memory_space<hbm>>) target(%dma_start3A_111 : memref<128x1x128xi32, #tpu.memory_space<vmem>>) offsets(%dma_start3A_114 : memref<128xi32, #tpu.memory_space<vmem>>) semaphore(%arg20 : memref<!tpu.dma_semaphore, #tpu.memory_space<semaphore_mem>>)
    %dma_start3A_120 = arith.constant 5 : i32
    %dma_start3A_121 = tpu.memref_bitcast %arg10 : memref<256x2x128xbf16, #tpu.memory_space<vmem>> -> memref<256x1x128xi32, #tpu.memory_space<vmem>>
    %dma_start3A_122 = arith.constant 128 : i32
    %dma_start3A_123 = arith.constant 0 : i32
    %dma_start3A_124 = arith.constant 0 : i32
    %dma_start3A_125 = tpu.memref_slice %dma_start3A_121[%dma_start3A_122, %dma_start3A_123, %dma_start3A_124] : memref<256x1x128xi32, #tpu.memory_space<vmem>> -> memref<128x1x128xi32, #tpu.memory_space<vmem>>
    %dma_start3A_126 = arith.constant 0 : i32
    %dma_start3A_127 = tpu.memref_slice %arg7[%dma_start3A_120, %dma_start3A_126] : memref<128x128xi32, #tpu.memory_space<vmem>> -> memref<1x128xi32, #tpu.memory_space<vmem>>
    %dma_start3A_128 = tpu.memref_squeeze %dma_start3A_127 : memref<1x128xi32, #tpu.memory_space<vmem>> -> memref<128xi32, #tpu.memory_space<vmem>>
    %dma_start3A_129 = tpu.memref_bitcast %arg2 : memref<32768x2x128xbf16, #tpu.memory_space<hbm>> -> memref<32768x1x128xi32, #tpu.memory_space<hbm>>
    %dma_start3A_130 = arith.constant 0 : i32
    %dma_start3A_131 = arith.constant 0 : i32
    %dma_start3A_132 = arith.constant 0 : i32
    %dma_start3A_133 = tpu.memref_slice %dma_start3A_129[%dma_start3A_130, %dma_start3A_131, %dma_start3A_132] : memref<32768x1x128xi32, #tpu.memory_space<hbm>> -> memref<32768x1x128xi32, #tpu.memory_space<hbm>>
    tpu.enqueue_indirect_dma source(%dma_start3A_133 : memref<32768x1x128xi32, #tpu.memory_space<hbm>>) target(%dma_start3A_125 : memref<128x1x128xi32, #tpu.memory_space<vmem>>) offsets(%dma_start3A_128 : memref<128xi32, #tpu.memory_space<vmem>>) semaphore(%arg20 : memref<!tpu.dma_semaphore, #tpu.memory_space<semaphore_mem>>)
    %add3A_134 = arith.constant 16 : i32
    %add3A_135 = arith.addi %select_n3A, %add3A_134 : i32
    %dma_start3A_136 = tpu.memref_bitcast %arg13 : memref<8x2x128xbf16, #tpu.memory_space<vmem>> -> memref<8x1x128xi32, #tpu.memory_space<vmem>>
    %dma_start3A_137 = tpu.memref_bitcast %arg4 : memref<16384x2x128xbf16, #tpu.memory_space<hbm>> -> memref<16384x1x128xi32, #tpu.memory_space<hbm>>
    %dma_start3A_138 = arith.constant 0 : i32
    %dma_start3A_139 = arith.constant 0 : i32
    %dma_start3A_140 = tpu.memref_slice %dma_start3A_137[%add3A_135, %dma_start3A_138, %dma_start3A_139] : memref<16384x1x128xi32, #tpu.memory_space<hbm>> -> memref<8x1x128xi32, #tpu.memory_space<hbm>>
    %dma_start3A_141 = tpu.memref_bitcast %arg13 : memref<8x2x128xbf16, #tpu.memory_space<vmem>> -> memref<8x1x128xi32, #tpu.memory_space<vmem>>
    %dma_start3A_142 = tpu.memref_bitcast %arg4 : memref<16384x2x128xbf16, #tpu.memory_space<hbm>> -> memref<16384x1x128xi32, #tpu.memory_space<hbm>>
    %dma_start3A_143 = arith.constant 0 : i32
    %dma_start3A_144 = arith.constant 0 : i32
    %dma_start3A_145 = tpu.memref_slice %dma_start3A_142[%add3A_135, %dma_start3A_143, %dma_start3A_144] : memref<16384x1x128xi32, #tpu.memory_space<hbm>> -> memref<8x1x128xi32, #tpu.memory_space<hbm>>
    tpu.enqueue_dma source(%dma_start3A_145 : memref<8x1x128xi32, #tpu.memory_space<hbm>>) target(%dma_start3A_141 : memref<8x1x128xi32, #tpu.memory_space<vmem>>) target_semaphore(%arg23 : memref<!tpu.dma_semaphore, #tpu.memory_space<semaphore_mem>>)
    %scan3A = arith.constant 0 : i32
    %scan3A_146 = arith.constant 0 : i32
    %scan3A_147 = arith.constant 21 : i32
    %scan3A_148 = arith.addi %scan3A_146, %scan3A_147 : i32
    %scan3A_149 = arith.constant 1 : i32
    scf.for %scan3A_256 = %scan3A_146 to %scan3A_148 step %scan3A_149  : i32 {
      %mul3A_257 = arith.constant 3 : i32
      %mul3A_258 = arith.muli %mul3A_257, %scan3A_256 : i32
      %add3A_259 = arith.constant 0 : i32
      %add3A_260 = arith.addi %mul3A_258, %add3A_259 : i32
      %mul3A_261 = arith.constant 2 : i32
      %mul3A_262 = arith.muli %mul3A_261, %add3A_260 : i32
      %dma_wait3A_263 = tpu.memref_bitcast %arg8 : memref<256x2x128xbf16, #tpu.memory_space<vmem>> -> memref<256x1x128xi32, #tpu.memory_space<vmem>>
      %dma_wait3A_264 = arith.constant 0 : i32
      %dma_wait3A_265 = arith.constant 0 : i32
      %dma_wait3A_266 = arith.constant 0 : i32
      %dma_wait3A_267 = tpu.memref_slice %dma_wait3A_263[%dma_wait3A_264, %dma_wait3A_265, %dma_wait3A_266] : memref<256x1x128xi32, #tpu.memory_space<vmem>> -> memref<128x1x128xi32, #tpu.memory_space<vmem>>
      %dma_wait3A_268 = arith.constant 0 : i32
      %dma_wait3A_269 = tpu.memref_slice %arg7[%mul3A_262, %dma_wait3A_268] : memref<128x128xi32, #tpu.memory_space<vmem>> -> memref<1x128xi32, #tpu.memory_space<vmem>>
      %dma_wait3A_270 = tpu.memref_squeeze %dma_wait3A_269 : memref<1x128xi32, #tpu.memory_space<vmem>> -> memref<128xi32, #tpu.memory_space<vmem>>
      %dma_wait3A_271 = tpu.memref_bitcast %arg2 : memref<32768x2x128xbf16, #tpu.memory_space<hbm>> -> memref<32768x1x128xi32, #tpu.memory_space<hbm>>
      %dma_wait3A_272 = arith.constant 0 : i32
      %dma_wait3A_273 = arith.constant 0 : i32
      %dma_wait3A_274 = arith.constant 0 : i32
      %dma_wait3A_275 = tpu.memref_slice %dma_wait3A_271[%dma_wait3A_272, %dma_wait3A_273, %dma_wait3A_274] : memref<32768x1x128xi32, #tpu.memory_space<hbm>> -> memref<32768x1x128xi32, #tpu.memory_space<hbm>>
      tpu.wait_indirect_dma semaphore(%arg18 : memref<!tpu.dma_semaphore, #tpu.memory_space<semaphore_mem>>) src(%dma_wait3A_275 : memref<32768x1x128xi32, #tpu.memory_space<hbm>>) dst(%dma_wait3A_267 : memref<128x1x128xi32, #tpu.memory_space<vmem>>)
      %mul3A_276 = arith.constant 2 : i32
      %mul3A_277 = arith.muli %mul3A_276, %add3A_260 : i32
      %add3A_278 = arith.constant 1 : i32
      %add3A_279 = arith.addi %mul3A_277, %add3A_278 : i32
      %dma_wait3A_280 = tpu.memref_bitcast %arg8 : memref<256x2x128xbf16, #tpu.memory_space<vmem>> -> memref<256x1x128xi32, #tpu.memory_space<vmem>>
      %dma_wait3A_281 = arith.constant 128 : i32
      %dma_wait3A_282 = arith.constant 0 : i32
      %dma_wait3A_283 = arith.constant 0 : i32
      %dma_wait3A_284 = tpu.memref_slice %dma_wait3A_280[%dma_wait3A_281, %dma_wait3A_282, %dma_wait3A_283] : memref<256x1x128xi32, #tpu.memory_space<vmem>> -> memref<128x1x128xi32, #tpu.memory_space<vmem>>
      %dma_wait3A_285 = arith.constant 0 : i32
      %dma_wait3A_286 = tpu.memref_slice %arg7[%add3A_279, %dma_wait3A_285] : memref<128x128xi32, #tpu.memory_space<vmem>> -> memref<1x128xi32, #tpu.memory_space<vmem>>
      %dma_wait3A_287 = tpu.memref_squeeze %dma_wait3A_286 : memref<1x128xi32, #tpu.memory_space<vmem>> -> memref<128xi32, #tpu.memory_space<vmem>>
      %dma_wait3A_288 = tpu.memref_bitcast %arg2 : memref<32768x2x128xbf16, #tpu.memory_space<hbm>> -> memref<32768x1x128xi32, #tpu.memory_space<hbm>>
      %dma_wait3A_289 = arith.constant 0 : i32
      %dma_wait3A_290 = arith.constant 0 : i32
      %dma_wait3A_291 = arith.constant 0 : i32
      %dma_wait3A_292 = tpu.memref_slice %dma_wait3A_288[%dma_wait3A_289, %dma_wait3A_290, %dma_wait3A_291] : memref<32768x1x128xi32, #tpu.memory_space<hbm>> -> memref<32768x1x128xi32, #tpu.memory_space<hbm>>
      tpu.wait_indirect_dma semaphore(%arg18 : memref<!tpu.dma_semaphore, #tpu.memory_space<semaphore_mem>>) src(%dma_wait3A_292 : memref<32768x1x128xi32, #tpu.memory_space<hbm>>) dst(%dma_wait3A_284 : memref<128x1x128xi32, #tpu.memory_space<vmem>>)
      %mul3A_293 = arith.constant 8 : i32
      %mul3A_294 = arith.muli %add3A_260, %mul3A_293 : i32
      %add3A_295 = arith.addi %select_n3A, %mul3A_294 : i32
      %dma_wait3A_296 = tpu.memref_bitcast %arg11 : memref<8x2x128xbf16, #tpu.memory_space<vmem>> -> memref<8x1x128xi32, #tpu.memory_space<vmem>>
      %dma_wait3A_297 = tpu.memref_bitcast %arg4 : memref<16384x2x128xbf16, #tpu.memory_space<hbm>> -> memref<16384x1x128xi32, #tpu.memory_space<hbm>>
      %dma_wait3A_298 = arith.constant 0 : i32
      %dma_wait3A_299 = arith.constant 0 : i32
      %dma_wait3A_300 = tpu.memref_slice %dma_wait3A_297[%add3A_295, %dma_wait3A_298, %dma_wait3A_299] : memref<16384x1x128xi32, #tpu.memory_space<hbm>> -> memref<8x1x128xi32, #tpu.memory_space<hbm>>
      %dma_wait3A_301 = tpu.memref_bitcast %arg11 : memref<8x2x128xbf16, #tpu.memory_space<vmem>> -> memref<8x1x128xi32, #tpu.memory_space<vmem>>
      %dma_wait3A_302 = tpu.memref_bitcast %arg4 : memref<16384x2x128xbf16, #tpu.memory_space<hbm>> -> memref<16384x1x128xi32, #tpu.memory_space<hbm>>
      %dma_wait3A_303 = arith.constant 0 : i32
      %dma_wait3A_304 = arith.constant 0 : i32
      %dma_wait3A_305 = tpu.memref_slice %dma_wait3A_302[%add3A_295, %dma_wait3A_303, %dma_wait3A_304] : memref<16384x1x128xi32, #tpu.memory_space<hbm>> -> memref<8x1x128xi32, #tpu.memory_space<hbm>>
      tpu.wait_dma2 semaphore(%arg21 : memref<!tpu.dma_semaphore, #tpu.memory_space<semaphore_mem>>) src(%dma_wait3A_305 : memref<8x1x128xi32, #tpu.memory_space<hbm>>) dst(%dma_wait3A_301 : memref<8x1x128xi32, #tpu.memory_space<vmem>>)
      %ge3A = arith.constant 3 : i32
      %ge3A_306 = arith.cmpi sge, %add3A_260, %ge3A : i32
      %convert_element_type3A = arith.extui %ge3A_306 : i1 to i32
      %cond3A = arith.constant 0 : i32
      %cond3A_307 = arith.cmpi ne, %convert_element_type3A, %cond3A : i32
      scf.if %cond3A_307 {
        %sub3A_493 = arith.constant 3 : i32
        %sub3A_494 = arith.subi %add3A_260, %sub3A_493 : i32
        %mul3A_495 = arith.constant 8 : i32
        %mul3A_496 = arith.muli %sub3A_494, %mul3A_495 : i32
        %add3A_497 = arith.addi %select_n3A, %mul3A_496 : i32
        %dma_wait3A_498 = tpu.memref_bitcast %arg14 : memref<8x2x128xbf16, #tpu.memory_space<vmem>> -> memref<8x1x128xi32, #tpu.memory_space<vmem>>
        %dma_wait3A_499 = tpu.memref_bitcast %arg5 : memref<16384x2x128xbf16, #tpu.memory_space<hbm>> -> memref<16384x1x128xi32, #tpu.memory_space<hbm>>
        %dma_wait3A_500 = arith.constant 0 : i32
        %dma_wait3A_501 = arith.constant 0 : i32
        %dma_wait3A_502 = tpu.memref_slice %dma_wait3A_499[%add3A_497, %dma_wait3A_500, %dma_wait3A_501] : memref<16384x1x128xi32, #tpu.memory_space<hbm>> -> memref<8x1x128xi32, #tpu.memory_space<hbm>>
        %dma_wait3A_503 = tpu.memref_bitcast %arg5 : memref<16384x2x128xbf16, #tpu.memory_space<hbm>> -> memref<16384x1x128xi32, #tpu.memory_space<hbm>>
        %dma_wait3A_504 = arith.constant 0 : i32
        %dma_wait3A_505 = arith.constant 0 : i32
        %dma_wait3A_506 = tpu.memref_slice %dma_wait3A_503[%add3A_497, %dma_wait3A_504, %dma_wait3A_505] : memref<16384x1x128xi32, #tpu.memory_space<hbm>> -> memref<8x1x128xi32, #tpu.memory_space<hbm>>
        %dma_wait3A_507 = tpu.memref_bitcast %arg14 : memref<8x2x128xbf16, #tpu.memory_space<vmem>> -> memref<8x1x128xi32, #tpu.memory_space<vmem>>
        tpu.wait_dma2 semaphore(%arg24 : memref<!tpu.dma_semaphore, #tpu.memory_space<semaphore_mem>>) src(%dma_wait3A_507 : memref<8x1x128xi32, #tpu.memory_space<vmem>>) dst(%dma_wait3A_506 : memref<8x1x128xi32, #tpu.memory_space<hbm>>)
      } else {
      }
      %scan3A_308 = arith.constant 0 : i32
      %scan3A_309 = arith.constant 0 : i32
      %scan3A_310 = arith.constant 8 : i32
      %scan3A_311 = arith.addi %scan3A_309, %scan3A_310 : i32
      %scan3A_312 = arith.constant 1 : i32
      scf.for %scan3A_493 = %scan3A_309 to %scan3A_311 step %scan3A_312  : i32 {
        %get3A = arith.index_cast %scan3A_493 : i32 to index
        %get3A_494 = arith.constant 0 : index
        %get3A_495 = arith.constant 0 : index
        %get3A_496 = tpu.vector_load %arg11[%get3A, %get3A_494, %get3A_495] {strides = array<i32>} : memref<8x2x128xbf16, #tpu.memory_space<vmem>>, vector<1x2x128xbf16>,
        %get3A_497 = vector.shape_cast %get3A_496 : vector<1x2x128xbf16> to vector<2x128xbf16>
        %convert_element_type3A_498 = arith.extf %get3A_497 : vector<2x128xbf16> to vector<2x128xf32>
        %mul3A_499 = arith.constant 2 : i32
        %mul3A_500 = arith.muli %mul3A_499, %scan3A_493 : i32
        %add3A_501 = arith.constant 0 : i32
        %add3A_502 = arith.addi %mul3A_500, %add3A_501 : i32
        %mul3A_503 = arith.constant 16 : i32
        %mul3A_504 = arith.muli %add3A_502, %mul3A_503 : i32
        %get3A_505 = arith.index_cast %mul3A_504 : i32 to index
        %get3A_506 = arith.constant 0 : index
        %get3A_507 = arith.constant 0 : index
        %get3A_508 = tpu.vector_load %arg8[%get3A_505, %get3A_506, %get3A_507] {strides = array<i32>} : memref<256x2x128xbf16, #tpu.memory_space<vmem>>, vector<1x2x128xbf16>,
        %get3A_509 = vector.shape_cast %get3A_508 : vector<1x2x128xbf16> to vector<2x128xbf16>
        %add3A_510 = arith.constant 1 : i32
        %add3A_511 = arith.addi %mul3A_504, %add3A_510 : i32
        %get3A_512 = arith.index_cast %add3A_511 : i32 to index
        %get3A_513 = arith.constant 0 : index
        %get3A_514 = arith.constant 0 : index
        %get3A_515 = tpu.vector_load %arg8[%get3A_512, %get3A_513, %get3A_514] {strides = array<i32>} : memref<256x2x128xbf16, #tpu.memory_space<vmem>>, vector<1x2x128xbf16>,
        %get3A_516 = vector.shape_cast %get3A_515 : vector<1x2x128xbf16> to vector<2x128xbf16>
        %max3A = arith.maximumf %get3A_509, %get3A_516 : vector<2x128xbf16>
        %add3A_517 = arith.constant 2 : i32
        %add3A_518 = arith.addi %mul3A_504, %add3A_517 : i32
        %get3A_519 = arith.index_cast %add3A_518 : i32 to index
        %get3A_520 = arith.constant 0 : index
        %get3A_521 = arith.constant 0 : index
        %get3A_522 = tpu.vector_load %arg8[%get3A_519, %get3A_520, %get3A_521] {strides = array<i32>} : memref<256x2x128xbf16, #tpu.memory_space<vmem>>, vector<1x2x128xbf16>,
        %get3A_523 = vector.shape_cast %get3A_522 : vector<1x2x128xbf16> to vector<2x128xbf16>
        %max3A_524 = arith.maximumf %max3A, %get3A_523 : vector<2x128xbf16>
        %add3A_525 = arith.constant 3 : i32
        %add3A_526 = arith.addi %mul3A_504, %add3A_525 : i32
        %get3A_527 = arith.index_cast %add3A_526 : i32 to index
        %get3A_528 = arith.constant 0 : index
        %get3A_529 = arith.constant 0 : index
        %get3A_530 = tpu.vector_load %arg8[%get3A_527, %get3A_528, %get3A_529] {strides = array<i32>} : memref<256x2x128xbf16, #tpu.memory_space<vmem>>, vector<1x2x128xbf16>,
        %get3A_531 = vector.shape_cast %get3A_530 : vector<1x2x128xbf16> to vector<2x128xbf16>
        %max3A_532 = arith.maximumf %max3A_524, %get3A_531 : vector<2x128xbf16>
        %add3A_533 = arith.constant 4 : i32
        %add3A_534 = arith.addi %mul3A_504, %add3A_533 : i32
        %get3A_535 = arith.index_cast %add3A_534 : i32 to index
        %get3A_536 = arith.constant 0 : index
        %get3A_537 = arith.constant 0 : index
        %get3A_538 = tpu.vector_load %arg8[%get3A_535, %get3A_536, %get3A_537] {strides = array<i32>} : memref<256x2x128xbf16, #tpu.memory_space<vmem>>, vector<1x2x128xbf16>,
        %get3A_539 = vector.shape_cast %get3A_538 : vector<1x2x128xbf16> to vector<2x128xbf16>
        %max3A_540 = arith.maximumf %max3A_532, %get3A_539 : vector<2x128xbf16>
        %add3A_541 = arith.constant 5 : i32
        %add3A_542 = arith.addi %mul3A_504, %add3A_541 : i32
        %get3A_543 = arith.index_cast %add3A_542 : i32 to index
        %get3A_544 = arith.constant 0 : index
        %get3A_545 = arith.constant 0 : index
        %get3A_546 = tpu.vector_load %arg8[%get3A_543, %get3A_544, %get3A_545] {strides = array<i32>} : memref<256x2x128xbf16, #tpu.memory_space<vmem>>, vector<1x2x128xbf16>,
        %get3A_547 = vector.shape_cast %get3A_546 : vector<1x2x128xbf16> to vector<2x128xbf16>
        %max3A_548 = arith.maximumf %max3A_540, %get3A_547 : vector<2x128xbf16>
        %add3A_549 = arith.constant 6 : i32
        %add3A_550 = arith.addi %mul3A_504, %add3A_549 : i32
        %get3A_551 = arith.index_cast %add3A_550 : i32 to index
        %get3A_552 = arith.constant 0 : index
        %get3A_553 = arith.constant 0 : index
        %get3A_554 = tpu.vector_load %arg8[%get3A_551, %get3A_552, %get3A_553] {strides = array<i32>} : memref<256x2x128xbf16, #tpu.memory_space<vmem>>, vector<1x2x128xbf16>,
        %get3A_555 = vector.shape_cast %get3A_554 : vector<1x2x128xbf16> to vector<2x128xbf16>
        %max3A_556 = arith.maximumf %max3A_548, %get3A_555 : vector<2x128xbf16>
        %add3A_557 = arith.constant 7 : i32
        %add3A_558 = arith.addi %mul3A_504, %add3A_557 : i32
        %get3A_559 = arith.index_cast %add3A_558 : i32 to index
        %get3A_560 = arith.constant 0 : index
        %get3A_561 = arith.constant 0 : index
        %get3A_562 = tpu.vector_load %arg8[%get3A_559, %get3A_560, %get3A_561] {strides = array<i32>} : memref<256x2x128xbf16, #tpu.memory_space<vmem>>, vector<1x2x128xbf16>,
        %get3A_563 = vector.shape_cast %get3A_562 : vector<1x2x128xbf16> to vector<2x128xbf16>
        %max3A_564 = arith.maximumf %max3A_556, %get3A_563 : vector<2x128xbf16>
        %add3A_565 = arith.constant 8 : i32
        %add3A_566 = arith.addi %mul3A_504, %add3A_565 : i32
        %get3A_567 = arith.index_cast %add3A_566 : i32 to index
        %get3A_568 = arith.constant 0 : index
        %get3A_569 = arith.constant 0 : index
        %get3A_570 = tpu.vector_load %arg8[%get3A_567, %get3A_568, %get3A_569] {strides = array<i32>} : memref<256x2x128xbf16, #tpu.memory_space<vmem>>, vector<1x2x128xbf16>,
        %get3A_571 = vector.shape_cast %get3A_570 : vector<1x2x128xbf16> to vector<2x128xbf16>
        %max3A_572 = arith.maximumf %max3A_564, %get3A_571 : vector<2x128xbf16>
        %add3A_573 = arith.constant 9 : i32
        %add3A_574 = arith.addi %mul3A_504, %add3A_573 : i32
        %get3A_575 = arith.index_cast %add3A_574 : i32 to index
        %get3A_576 = arith.constant 0 : index
        %get3A_577 = arith.constant 0 : index
        %get3A_578 = tpu.vector_load %arg8[%get3A_575, %get3A_576, %get3A_577] {strides = array<i32>} : memref<256x2x128xbf16, #tpu.memory_space<vmem>>, vector<1x2x128xbf16>,
        %get3A_579 = vector.shape_cast %get3A_578 : vector<1x2x128xbf16> to vector<2x128xbf16>
        %max3A_580 = arith.maximumf %max3A_572, %get3A_579 : vector<2x128xbf16>
        %add3A_581 = arith.constant 10 : i32
        %add3A_582 = arith.addi %mul3A_504, %add3A_581 : i32
        %get3A_583 = arith.index_cast %add3A_582 : i32 to index
        %get3A_584 = arith.constant 0 : index
        %get3A_585 = arith.constant 0 : index
        %get3A_586 = tpu.vector_load %arg8[%get3A_583, %get3A_584, %get3A_585] {strides = array<i32>} : memref<256x2x128xbf16, #tpu.memory_space<vmem>>, vector<1x2x128xbf16>,
        %get3A_587 = vector.shape_cast %get3A_586 : vector<1x2x128xbf16> to vector<2x128xbf16>
        %max3A_588 = arith.maximumf %max3A_580, %get3A_587 : vector<2x128xbf16>
        %add3A_589 = arith.constant 11 : i32
        %add3A_590 = arith.addi %mul3A_504, %add3A_589 : i32
        %get3A_591 = arith.index_cast %add3A_590 : i32 to index
        %get3A_592 = arith.constant 0 : index
        %get3A_593 = arith.constant 0 : index
        %get3A_594 = tpu.vector_load %arg8[%get3A_591, %get3A_592, %get3A_593] {strides = array<i32>} : memref<256x2x128xbf16, #tpu.memory_space<vmem>>, vector<1x2x128xbf16>,
        %get3A_595 = vector.shape_cast %get3A_594 : vector<1x2x128xbf16> to vector<2x128xbf16>
        %max3A_596 = arith.maximumf %max3A_588, %get3A_595 : vector<2x128xbf16>
        %add3A_597 = arith.constant 12 : i32
        %add3A_598 = arith.addi %mul3A_504, %add3A_597 : i32
        %get3A_599 = arith.index_cast %add3A_598 : i32 to index
        %get3A_600 = arith.constant 0 : index
        %get3A_601 = arith.constant 0 : index
        %get3A_602 = tpu.vector_load %arg8[%get3A_599, %get3A_600, %get3A_601] {strides = array<i32>} : memref<256x2x128xbf16, #tpu.memory_space<vmem>>, vector<1x2x128xbf16>,
        %get3A_603 = vector.shape_cast %get3A_602 : vector<1x2x128xbf16> to vector<2x128xbf16>
        %max3A_604 = arith.maximumf %max3A_596, %get3A_603 : vector<2x128xbf16>
        %add3A_605 = arith.constant 13 : i32
        %add3A_606 = arith.addi %mul3A_504, %add3A_605 : i32
        %get3A_607 = arith.index_cast %add3A_606 : i32 to index
        %get3A_608 = arith.constant 0 : index
        %get3A_609 = arith.constant 0 : index
        %get3A_610 = tpu.vector_load %arg8[%get3A_607, %get3A_608, %get3A_609] {strides = array<i32>} : memref<256x2x128xbf16, #tpu.memory_space<vmem>>, vector<1x2x128xbf16>,
        %get3A_611 = vector.shape_cast %get3A_610 : vector<1x2x128xbf16> to vector<2x128xbf16>
        %max3A_612 = arith.maximumf %max3A_604, %get3A_611 : vector<2x128xbf16>
        %add3A_613 = arith.constant 14 : i32
        %add3A_614 = arith.addi %mul3A_504, %add3A_613 : i32
        %get3A_615 = arith.index_cast %add3A_614 : i32 to index
        %get3A_616 = arith.constant 0 : index
        %get3A_617 = arith.constant 0 : index
        %get3A_618 = tpu.vector_load %arg8[%get3A_615, %get3A_616, %get3A_617] {strides = array<i32>} : memref<256x2x128xbf16, #tpu.memory_space<vmem>>, vector<1x2x128xbf16>,
        %get3A_619 = vector.shape_cast %get3A_618 : vector<1x2x128xbf16> to vector<2x128xbf16>
        %max3A_620 = arith.maximumf %max3A_612, %get3A_619 : vector<2x128xbf16>
        %add3A_621 = arith.constant 15 : i32
        %add3A_622 = arith.addi %mul3A_504, %add3A_621 : i32
        %get3A_623 = arith.index_cast %add3A_622 : i32 to index
        %get3A_624 = arith.constant 0 : index
        %get3A_625 = arith.constant 0 : index
        %get3A_626 = tpu.vector_load %arg8[%get3A_623, %get3A_624, %get3A_625] {strides = array<i32>} : memref<256x2x128xbf16, #tpu.memory_space<vmem>>, vector<1x2x128xbf16>,
        %get3A_627 = vector.shape_cast %get3A_626 : vector<1x2x128xbf16> to vector<2x128xbf16>
        %max3A_628 = arith.maximumf %max3A_620, %get3A_627 : vector<2x128xbf16>
        %convert_element_type3A_629 = arith.extf %max3A_628 : vector<2x128xbf16> to vector<2x128xf32>
        %slice3A = vector.extract_strided_slice %convert_element_type3A_629 {offsets = [0, 0], sizes = [1, 128], strides = [1, 1]} : vector<2x128xf32> to vector<1x128xf32>
        %squeeze3A = vector.shape_cast %slice3A : vector<1x128xf32> to vector<128xf32>
        %slice3A_630 = vector.extract_strided_slice %convert_element_type3A_629 {offsets = [1, 0], sizes = [1, 128], strides = [1, 1]} : vector<2x128xf32> to vector<1x128xf32>
        %squeeze3A_631 = vector.shape_cast %slice3A_630 : vector<1x128xf32> to vector<128xf32>
        %add3A_632 = arith.addf %squeeze3A, %squeeze3A_631 : vector<128xf32>
        %slice3A_633 = vector.extract_strided_slice %convert_element_type3A_498 {offsets = [0, 0], sizes = [1, 128], strides = [1, 1]} : vector<2x128xf32> to vector<1x128xf32>
        %squeeze3A_634 = vector.shape_cast %slice3A_633 : vector<1x128xf32> to vector<128xf32>
        %add3A_635 = arith.addf %add3A_632, %squeeze3A_634 : vector<128xf32>
        %swap3A_636 = arith.constant 0 : index
        %swap3A_637 = tpu.vector_load %arg17[%swap3A_636] {strides = array<i32>} : memref<256xf32, #tpu.memory_space<vmem>>, vector<128xf32>,
        %swap3A_638 = vector.shape_cast %swap3A_637 : vector<128xf32> to vector<128xf32>
        %swap3A_639 = vector.shape_cast %add3A_635 : vector<128xf32> to vector<128xf32>
        tpu.vector_store %arg17[%swap3A_636], %swap3A_639 {add = true, strides = array<i32>} : memref<256xf32, #tpu.memory_space<vmem>>, vector<128xf32>,
        %mul3A_640 = arith.mulf %add3A_635, %add3A_635 : vector<128xf32>
        %swap3A_641 = arith.constant 128 : index
        %swap3A_642 = tpu.vector_load %arg17[%swap3A_641] {strides = array<i32>} : memref<256xf32, #tpu.memory_space<vmem>>, vector<128xf32>,
        %swap3A_643 = vector.shape_cast %swap3A_642 : vector<128xf32> to vector<128xf32>
        %swap3A_644 = vector.shape_cast %mul3A_640 : vector<128xf32> to vector<128xf32>
        tpu.vector_store %arg17[%swap3A_641], %swap3A_644 {add = true, strides = array<i32>} : memref<256xf32, #tpu.memory_space<vmem>>, vector<128xf32>,
        %broadcast_in_dim3A_645 = vector.shape_cast %add3A_635 : vector<128xf32> to vector<1x128xf32>
        %mul3A_646 = arith.constant 2 : i32
        %mul3A_647 = arith.muli %mul3A_646, %scan3A_493 : i32
        %add3A_648 = arith.constant 1 : i32
        %add3A_649 = arith.addi %mul3A_647, %add3A_648 : i32
        %mul3A_650 = arith.constant 16 : i32
        %mul3A_651 = arith.muli %add3A_649, %mul3A_650 : i32
        %get3A_652 = arith.index_cast %mul3A_651 : i32 to index
        %get3A_653 = arith.constant 0 : index
        %get3A_654 = arith.constant 0 : index
        %get3A_655 = tpu.vector_load %arg8[%get3A_652, %get3A_653, %get3A_654] {strides = array<i32>} : memref<256x2x128xbf16, #tpu.memory_space<vmem>>, vector<1x2x128xbf16>,
        %get3A_656 = vector.shape_cast %get3A_655 : vector<1x2x128xbf16> to vector<2x128xbf16>
        %add3A_657 = arith.constant 1 : i32
        %add3A_658 = arith.addi %mul3A_651, %add3A_657 : i32
        %get3A_659 = arith.index_cast %add3A_658 : i32 to index
        %get3A_660 = arith.constant 0 : index
        %get3A_661 = arith.constant 0 : index
        %get3A_662 = tpu.vector_load %arg8[%get3A_659, %get3A_660, %get3A_661] {strides = array<i32>} : memref<256x2x128xbf16, #tpu.memory_space<vmem>>, vector<1x2x128xbf16>,
        %get3A_663 = vector.shape_cast %get3A_662 : vector<1x2x128xbf16> to vector<2x128xbf16>
        %max3A_664 = arith.maximumf %get3A_656, %get3A_663 : vector<2x128xbf16>
        %add3A_665 = arith.constant 2 : i32
        %add3A_666 = arith.addi %mul3A_651, %add3A_665 : i32
        %get3A_667 = arith.index_cast %add3A_666 : i32 to index
        %get3A_668 = arith.constant 0 : index
        %get3A_669 = arith.constant 0 : index
        %get3A_670 = tpu.vector_load %arg8[%get3A_667, %get3A_668, %get3A_669] {strides = array<i32>} : memref<256x2x128xbf16, #tpu.memory_space<vmem>>, vector<1x2x128xbf16>,
        %get3A_671 = vector.shape_cast %get3A_670 : vector<1x2x128xbf16> to vector<2x128xbf16>
        %max3A_672 = arith.maximumf %max3A_664, %get3A_671 : vector<2x128xbf16>
        %add3A_673 = arith.constant 3 : i32
        %add3A_674 = arith.addi %mul3A_651, %add3A_673 : i32
        %get3A_675 = arith.index_cast %add3A_674 : i32 to index
        %get3A_676 = arith.constant 0 : index
        %get3A_677 = arith.constant 0 : index
        %get3A_678 = tpu.vector_load %arg8[%get3A_675, %get3A_676, %get3A_677] {strides = array<i32>} : memref<256x2x128xbf16, #tpu.memory_space<vmem>>, vector<1x2x128xbf16>,
        %get3A_679 = vector.shape_cast %get3A_678 : vector<1x2x128xbf16> to vector<2x128xbf16>
        %max3A_680 = arith.maximumf %max3A_672, %get3A_679 : vector<2x128xbf16>
        %add3A_681 = arith.constant 4 : i32
        %add3A_682 = arith.addi %mul3A_651, %add3A_681 : i32
        %get3A_683 = arith.index_cast %add3A_682 : i32 to index
        %get3A_684 = arith.constant 0 : index
        %get3A_685 = arith.constant 0 : index
        %get3A_686 = tpu.vector_load %arg8[%get3A_683, %get3A_684, %get3A_685] {strides = array<i32>} : memref<256x2x128xbf16, #tpu.memory_space<vmem>>, vector<1x2x128xbf16>,
        %get3A_687 = vector.shape_cast %get3A_686 : vector<1x2x128xbf16> to vector<2x128xbf16>
        %max3A_688 = arith.maximumf %max3A_680, %get3A_687 : vector<2x128xbf16>
        %add3A_689 = arith.constant 5 : i32
        %add3A_690 = arith.addi %mul3A_651, %add3A_689 : i32
        %get3A_691 = arith.index_cast %add3A_690 : i32 to index
        %get3A_692 = arith.constant 0 : index
        %get3A_693 = arith.constant 0 : index
        %get3A_694 = tpu.vector_load %arg8[%get3A_691, %get3A_692, %get3A_693] {strides = array<i32>} : memref<256x2x128xbf16, #tpu.memory_space<vmem>>, vector<1x2x128xbf16>,
        %get3A_695 = vector.shape_cast %get3A_694 : vector<1x2x128xbf16> to vector<2x128xbf16>
        %max3A_696 = arith.maximumf %max3A_688, %get3A_695 : vector<2x128xbf16>
        %add3A_697 = arith.constant 6 : i32
        %add3A_698 = arith.addi %mul3A_651, %add3A_697 : i32
        %get3A_699 = arith.index_cast %add3A_698 : i32 to index
        %get3A_700 = arith.constant 0 : index
        %get3A_701 = arith.constant 0 : index
        %get3A_702 = tpu.vector_load %arg8[%get3A_699, %get3A_700, %get3A_701] {strides = array<i32>} : memref<256x2x128xbf16, #tpu.memory_space<vmem>>, vector<1x2x128xbf16>,
        %get3A_703 = vector.shape_cast %get3A_702 : vector<1x2x128xbf16> to vector<2x128xbf16>
        %max3A_704 = arith.maximumf %max3A_696, %get3A_703 : vector<2x128xbf16>
        %add3A_705 = arith.constant 7 : i32
        %add3A_706 = arith.addi %mul3A_651, %add3A_705 : i32
        %get3A_707 = arith.index_cast %add3A_706 : i32 to index
        %get3A_708 = arith.constant 0 : index
        %get3A_709 = arith.constant 0 : index
        %get3A_710 = tpu.vector_load %arg8[%get3A_707, %get3A_708, %get3A_709] {strides = array<i32>} : memref<256x2x128xbf16, #tpu.memory_space<vmem>>, vector<1x2x128xbf16>,
        %get3A_711 = vector.shape_cast %get3A_710 : vector<1x2x128xbf16> to vector<2x128xbf16>
        %max3A_712 = arith.maximumf %max3A_704, %get3A_711 : vector<2x128xbf16>
        %add3A_713 = arith.constant 8 : i32
        %add3A_714 = arith.addi %mul3A_651, %add3A_713 : i32
        %get3A_715 = arith.index_cast %add3A_714 : i32 to index
        %get3A_716 = arith.constant 0 : index
        %get3A_717 = arith.constant 0 : index
        %get3A_718 = tpu.vector_load %arg8[%get3A_715, %get3A_716, %get3A_717] {strides = array<i32>} : memref<256x2x128xbf16, #tpu.memory_space<vmem>>, vector<1x2x128xbf16>,
        %get3A_719 = vector.shape_cast %get3A_718 : vector<1x2x128xbf16> to vector<2x128xbf16>
        %max3A_720 = arith.maximumf %max3A_712, %get3A_719 : vector<2x128xbf16>
        %add3A_721 = arith.constant 9 : i32
        %add3A_722 = arith.addi %mul3A_651, %add3A_721 : i32
        %get3A_723 = arith.index_cast %add3A_722 : i32 to index
        %get3A_724 = arith.constant 0 : index
        %get3A_725 = arith.constant 0 : index
        %get3A_726 = tpu.vector_load %arg8[%get3A_723, %get3A_724, %get3A_725] {strides = array<i32>} : memref<256x2x128xbf16, #tpu.memory_space<vmem>>, vector<1x2x128xbf16>,
        %get3A_727 = vector.shape_cast %get3A_726 : vector<1x2x128xbf16> to vector<2x128xbf16>
        %max3A_728 = arith.maximumf %max3A_720, %get3A_727 : vector<2x128xbf16>
        %add3A_729 = arith.constant 10 : i32
        %add3A_730 = arith.addi %mul3A_651, %add3A_729 : i32
        %get3A_731 = arith.index_cast %add3A_730 : i32 to index
        %get3A_732 = arith.constant 0 : index
        %get3A_733 = arith.constant 0 : index
        %get3A_734 = tpu.vector_load %arg8[%get3A_731, %get3A_732, %get3A_733] {strides = array<i32>} : memref<256x2x128xbf16, #tpu.memory_space<vmem>>, vector<1x2x128xbf16>,
        %get3A_735 = vector.shape_cast %get3A_734 : vector<1x2x128xbf16> to vector<2x128xbf16>
        %max3A_736 = arith.maximumf %max3A_728, %get3A_735 : vector<2x128xbf16>
        %add3A_737 = arith.constant 11 : i32
        %add3A_738 = arith.addi %mul3A_651, %add3A_737 : i32
        %get3A_739 = arith.index_cast %add3A_738 : i32 to index
        %get3A_740 = arith.constant 0 : index
        %get3A_741 = arith.constant 0 : index
        %get3A_742 = tpu.vector_load %arg8[%get3A_739, %get3A_740, %get3A_741] {strides = array<i32>} : memref<256x2x128xbf16, #tpu.memory_space<vmem>>, vector<1x2x128xbf16>,
        %get3A_743 = vector.shape_cast %get3A_742 : vector<1x2x128xbf16> to vector<2x128xbf16>
        %max3A_744 = arith.maximumf %max3A_736, %get3A_743 : vector<2x128xbf16>
        %add3A_745 = arith.constant 12 : i32
        %add3A_746 = arith.addi %mul3A_651, %add3A_745 : i32
        %get3A_747 = arith.index_cast %add3A_746 : i32 to index
        %get3A_748 = arith.constant 0 : index
        %get3A_749 = arith.constant 0 : index
        %get3A_750 = tpu.vector_load %arg8[%get3A_747, %get3A_748, %get3A_749] {strides = array<i32>} : memref<256x2x128xbf16, #tpu.memory_space<vmem>>, vector<1x2x128xbf16>,
        %get3A_751 = vector.shape_cast %get3A_750 : vector<1x2x128xbf16> to vector<2x128xbf16>
        %max3A_752 = arith.maximumf %max3A_744, %get3A_751 : vector<2x128xbf16>
        %add3A_753 = arith.constant 13 : i32
        %add3A_754 = arith.addi %mul3A_651, %add3A_753 : i32
        %get3A_755 = arith.index_cast %add3A_754 : i32 to index
        %get3A_756 = arith.constant 0 : index
        %get3A_757 = arith.constant 0 : index
        %get3A_758 = tpu.vector_load %arg8[%get3A_755, %get3A_756, %get3A_757] {strides = array<i32>} : memref<256x2x128xbf16, #tpu.memory_space<vmem>>, vector<1x2x128xbf16>,
        %get3A_759 = vector.shape_cast %get3A_758 : vector<1x2x128xbf16> to vector<2x128xbf16>
        %max3A_760 = arith.maximumf %max3A_752, %get3A_759 : vector<2x128xbf16>
        %add3A_761 = arith.constant 14 : i32
        %add3A_762 = arith.addi %mul3A_651, %add3A_761 : i32
        %get3A_763 = arith.index_cast %add3A_762 : i32 to index
        %get3A_764 = arith.constant 0 : index
        %get3A_765 = arith.constant 0 : index
        %get3A_766 = tpu.vector_load %arg8[%get3A_763, %get3A_764, %get3A_765] {strides = array<i32>} : memref<256x2x128xbf16, #tpu.memory_space<vmem>>, vector<1x2x128xbf16>,
        %get3A_767 = vector.shape_cast %get3A_766 : vector<1x2x128xbf16> to vector<2x128xbf16>
        %max3A_768 = arith.maximumf %max3A_760, %get3A_767 : vector<2x128xbf16>
        %add3A_769 = arith.constant 15 : i32
        %add3A_770 = arith.addi %mul3A_651, %add3A_769 : i32
        %get3A_771 = arith.index_cast %add3A_770 : i32 to index
        %get3A_772 = arith.constant 0 : index
        %get3A_773 = arith.constant 0 : index
        %get3A_774 = tpu.vector_load %arg8[%get3A_771, %get3A_772, %get3A_773] {strides = array<i32>} : memref<256x2x128xbf16, #tpu.memory_space<vmem>>, vector<1x2x128xbf16>,
        %get3A_775 = vector.shape_cast %get3A_774 : vector<1x2x128xbf16> to vector<2x128xbf16>
        %max3A_776 = arith.maximumf %max3A_768, %get3A_775 : vector<2x128xbf16>
        %convert_element_type3A_777 = arith.extf %max3A_776 : vector<2x128xbf16> to vector<2x128xf32>
        %slice3A_778 = vector.extract_strided_slice %convert_element_type3A_777 {offsets = [0, 0], sizes = [1, 128], strides = [1, 1]} : vector<2x128xf32> to vector<1x128xf32>
        %squeeze3A_779 = vector.shape_cast %slice3A_778 : vector<1x128xf32> to vector<128xf32>
        %slice3A_780 = vector.extract_strided_slice %convert_element_type3A_777 {offsets = [1, 0], sizes = [1, 128], strides = [1, 1]} : vector<2x128xf32> to vector<1x128xf32>
        %squeeze3A_781 = vector.shape_cast %slice3A_780 : vector<1x128xf32> to vector<128xf32>
        %add3A_782 = arith.addf %squeeze3A_779, %squeeze3A_781 : vector<128xf32>
        %slice3A_783 = vector.extract_strided_slice %convert_element_type3A_498 {offsets = [1, 0], sizes = [1, 128], strides = [1, 1]} : vector<2x128xf32> to vector<1x128xf32>
        %squeeze3A_784 = vector.shape_cast %slice3A_783 : vector<1x128xf32> to vector<128xf32>
        %add3A_785 = arith.addf %add3A_782, %squeeze3A_784 : vector<128xf32>
        %swap3A_786 = arith.constant 0 : index
        %swap3A_787 = tpu.vector_load %arg17[%swap3A_786] {strides = array<i32>} : memref<256xf32, #tpu.memory_space<vmem>>, vector<128xf32>,
        %swap3A_788 = vector.shape_cast %swap3A_787 : vector<128xf32> to vector<128xf32>
        %swap3A_789 = vector.shape_cast %add3A_785 : vector<128xf32> to vector<128xf32>
        tpu.vector_store %arg17[%swap3A_786], %swap3A_789 {add = true, strides = array<i32>} : memref<256xf32, #tpu.memory_space<vmem>>, vector<128xf32>,
        %mul3A_790 = arith.mulf %add3A_785, %add3A_785 : vector<128xf32>
        %swap3A_791 = arith.constant 128 : index
        %swap3A_792 = tpu.vector_load %arg17[%swap3A_791] {strides = array<i32>} : memref<256xf32, #tpu.memory_space<vmem>>, vector<128xf32>,
        %swap3A_793 = vector.shape_cast %swap3A_792 : vector<128xf32> to vector<128xf32>
        %swap3A_794 = vector.shape_cast %mul3A_790 : vector<128xf32> to vector<128xf32>
        tpu.vector_store %arg17[%swap3A_791], %swap3A_794 {add = true, strides = array<i32>} : memref<256xf32, #tpu.memory_space<vmem>>, vector<128xf32>,
        %broadcast_in_dim3A_795 = vector.shape_cast %add3A_785 : vector<128xf32> to vector<1x128xf32>
        %concatenate3A = tpu.concatenate %broadcast_in_dim3A_645, %broadcast_in_dim3A_795 in 0 : vector<1x128xf32>, vector<1x128xf32> -> vector<2x128xf32>
        %convert_element_type3A_796 = arith.truncf %concatenate3A : vector<2x128xf32> to vector<2x128xbf16>
        %swap3A_797 = arith.index_cast %scan3A_493 : i32 to index
        %swap3A_798 = arith.constant 0 : index
        %swap3A_799 = arith.constant 0 : index
        %swap3A_800 = tpu.vector_load %arg14[%swap3A_797, %swap3A_798, %swap3A_799] {strides = array<i32>} : memref<8x2x128xbf16, #tpu.memory_space<vmem>>, vector<1x2x128xbf16>,
        %swap3A_801 = vector.shape_cast %swap3A_800 : vector<1x2x128xbf16> to vector<2x128xbf16>
        %swap3A_802 = vector.shape_cast %convert_element_type3A_796 : vector<2x128xbf16> to vector<1x2x128xbf16>
        tpu.vector_store %arg14[%swap3A_797, %swap3A_798, %swap3A_799], %swap3A_802 {strides = array<i32>} : memref<8x2x128xbf16, #tpu.memory_space<vmem>>, vector<1x2x128xbf16>,
      }
      %scan3A_313 = arith.constant 8 : i32
      %mul3A_314 = arith.constant 8 : i32
      %mul3A_315 = arith.muli %add3A_260, %mul3A_314 : i32
      %add3A_316 = arith.addi %select_n3A, %mul3A_315 : i32
      %dma_start3A_317 = tpu.memref_bitcast %arg14 : memref<8x2x128xbf16, #tpu.memory_space<vmem>> -> memref<8x1x128xi32, #tpu.memory_space<vmem>>
      %dma_start3A_318 = tpu.memref_bitcast %arg5 : memref<16384x2x128xbf16, #tpu.memory_space<hbm>> -> memref<16384x1x128xi32, #tpu.memory_space<hbm>>
      %dma_start3A_319 = arith.constant 0 : i32
      %dma_start3A_320 = arith.constant 0 : i32
      %dma_start3A_321 = tpu.memref_slice %dma_start3A_318[%add3A_316, %dma_start3A_319, %dma_start3A_320] : memref<16384x1x128xi32, #tpu.memory_space<hbm>> -> memref<8x1x128xi32, #tpu.memory_space<hbm>>
      %dma_start3A_322 = tpu.memref_bitcast %arg5 : memref<16384x2x128xbf16, #tpu.memory_space<hbm>> -> memref<16384x1x128xi32, #tpu.memory_space<hbm>>
      %dma_start3A_323 = arith.constant 0 : i32
      %dma_start3A_324 = arith.constant 0 : i32
      %dma_start3A_325 = tpu.memref_slice %dma_start3A_322[%add3A_316, %dma_start3A_323, %dma_start3A_324] : memref<16384x1x128xi32, #tpu.memory_space<hbm>> -> memref<8x1x128xi32, #tpu.memory_space<hbm>>
      %dma_start3A_326 = tpu.memref_bitcast %arg14 : memref<8x2x128xbf16, #tpu.memory_space<vmem>> -> memref<8x1x128xi32, #tpu.memory_space<vmem>>
      tpu.enqueue_dma source(%dma_start3A_326 : memref<8x1x128xi32, #tpu.memory_space<vmem>>) target(%dma_start3A_325 : memref<8x1x128xi32, #tpu.memory_space<hbm>>) target_semaphore(%arg24 : memref<!tpu.dma_semaphore, #tpu.memory_space<semaphore_mem>>)
      %add3A_327 = arith.constant 3 : i32
      %add3A_328 = arith.addi %add3A_260, %add3A_327 : i32
      %lt3A = arith.constant 64 : i32
      %lt3A_329 = arith.cmpi slt, %add3A_328, %lt3A : i32
      %convert_element_type3A_330 = arith.extui %lt3A_329 : i1 to i32
      %cond3A_331 = arith.constant 0 : i32
      %cond3A_332 = arith.cmpi ne, %convert_element_type3A_330, %cond3A_331 : i32
      scf.if %cond3A_332 {
        %mul3A_493 = arith.constant 2 : i32
        %mul3A_494 = arith.muli %mul3A_493, %add3A_328 : i32
        %dma_start3A_495 = tpu.memref_bitcast %arg8 : memref<256x2x128xbf16, #tpu.memory_space<vmem>> -> memref<256x1x128xi32, #tpu.memory_space<vmem>>
        %dma_start3A_496 = arith.constant 0 : i32
        %dma_start3A_497 = arith.constant 0 : i32
        %dma_start3A_498 = arith.constant 0 : i32
        %dma_start3A_499 = tpu.memref_slice %dma_start3A_495[%dma_start3A_496, %dma_start3A_497, %dma_start3A_498] : memref<256x1x128xi32, #tpu.memory_space<vmem>> -> memref<128x1x128xi32, #tpu.memory_space<vmem>>
        %dma_start3A_500 = arith.constant 0 : i32
        %dma_start3A_501 = tpu.memref_slice %arg7[%mul3A_494, %dma_start3A_500] : memref<128x128xi32, #tpu.memory_space<vmem>> -> memref<1x128xi32, #tpu.memory_space<vmem>>
        %dma_start3A_502 = tpu.memref_squeeze %dma_start3A_501 : memref<1x128xi32, #tpu.memory_space<vmem>> -> memref<128xi32, #tpu.memory_space<vmem>>
        %dma_start3A_503 = tpu.memref_bitcast %arg2 : memref<32768x2x128xbf16, #tpu.memory_space<hbm>> -> memref<32768x1x128xi32, #tpu.memory_space<hbm>>
        %dma_start3A_504 = arith.constant 0 : i32
        %dma_start3A_505 = arith.constant 0 : i32
        %dma_start3A_506 = arith.constant 0 : i32
        %dma_start3A_507 = tpu.memref_slice %dma_start3A_503[%dma_start3A_504, %dma_start3A_505, %dma_start3A_506] : memref<32768x1x128xi32, #tpu.memory_space<hbm>> -> memref<32768x1x128xi32, #tpu.memory_space<hbm>>
        tpu.enqueue_indirect_dma source(%dma_start3A_507 : memref<32768x1x128xi32, #tpu.memory_space<hbm>>) target(%dma_start3A_499 : memref<128x1x128xi32, #tpu.memory_space<vmem>>) offsets(%dma_start3A_502 : memref<128xi32, #tpu.memory_space<vmem>>) semaphore(%arg18 : memref<!tpu.dma_semaphore, #tpu.memory_space<semaphore_mem>>)
        %mul3A_508 = arith.constant 2 : i32
        %mul3A_509 = arith.muli %mul3A_508, %add3A_328 : i32
        %add3A_510 = arith.constant 1 : i32
        %add3A_511 = arith.addi %mul3A_509, %add3A_510 : i32
        %dma_start3A_512 = tpu.memref_bitcast %arg8 : memref<256x2x128xbf16, #tpu.memory_space<vmem>> -> memref<256x1x128xi32, #tpu.memory_space<vmem>>
        %dma_start3A_513 = arith.constant 128 : i32
        %dma_start3A_514 = arith.constant 0 : i32
        %dma_start3A_515 = arith.constant 0 : i32
        %dma_start3A_516 = tpu.memref_slice %dma_start3A_512[%dma_start3A_513, %dma_start3A_514, %dma_start3A_515] : memref<256x1x128xi32, #tpu.memory_space<vmem>> -> memref<128x1x128xi32, #tpu.memory_space<vmem>>
        %dma_start3A_517 = arith.constant 0 : i32
        %dma_start3A_518 = tpu.memref_slice %arg7[%add3A_511, %dma_start3A_517] : memref<128x128xi32, #tpu.memory_space<vmem>> -> memref<1x128xi32, #tpu.memory_space<vmem>>
        %dma_start3A_519 = tpu.memref_squeeze %dma_start3A_518 : memref<1x128xi32, #tpu.memory_space<vmem>> -> memref<128xi32, #tpu.memory_space<vmem>>
        %dma_start3A_520 = tpu.memref_bitcast %arg2 : memref<32768x2x128xbf16, #tpu.memory_space<hbm>> -> memref<32768x1x128xi32, #tpu.memory_space<hbm>>
        %dma_start3A_521 = arith.constant 0 : i32
        %dma_start3A_522 = arith.constant 0 : i32
        %dma_start3A_523 = arith.constant 0 : i32
        %dma_start3A_524 = tpu.memref_slice %dma_start3A_520[%dma_start3A_521, %dma_start3A_522, %dma_start3A_523] : memref<32768x1x128xi32, #tpu.memory_space<hbm>> -> memref<32768x1x128xi32, #tpu.memory_space<hbm>>
        tpu.enqueue_indirect_dma source(%dma_start3A_524 : memref<32768x1x128xi32, #tpu.memory_space<hbm>>) target(%dma_start3A_516 : memref<128x1x128xi32, #tpu.memory_space<vmem>>) offsets(%dma_start3A_519 : memref<128xi32, #tpu.memory_space<vmem>>) semaphore(%arg18 : memref<!tpu.dma_semaphore, #tpu.memory_space<semaphore_mem>>)
        %mul3A_525 = arith.constant 8 : i32
        %mul3A_526 = arith.muli %add3A_328, %mul3A_525 : i32
        %add3A_527 = arith.addi %select_n3A, %mul3A_526 : i32
        %dma_start3A_528 = tpu.memref_bitcast %arg11 : memref<8x2x128xbf16, #tpu.memory_space<vmem>> -> memref<8x1x128xi32, #tpu.memory_space<vmem>>
        %dma_start3A_529 = tpu.memref_bitcast %arg4 : memref<16384x2x128xbf16, #tpu.memory_space<hbm>> -> memref<16384x1x128xi32, #tpu.memory_space<hbm>>
        %dma_start3A_530 = arith.constant 0 : i32
        %dma_start3A_531 = arith.constant 0 : i32
        %dma_start3A_532 = tpu.memref_slice %dma_start3A_529[%add3A_527, %dma_start3A_530, %dma_start3A_531] : memref<16384x1x128xi32, #tpu.memory_space<hbm>> -> memref<8x1x128xi32, #tpu.memory_space<hbm>>
        %dma_start3A_533 = tpu.memref_bitcast %arg11 : memref<8x2x128xbf16, #tpu.memory_space<vmem>> -> memref<8x1x128xi32, #tpu.memory_space<vmem>>
        %dma_start3A_534 = tpu.memref_bitcast %arg4 : memref<16384x2x128xbf16, #tpu.memory_space<hbm>> -> memref<16384x1x128xi32, #tpu.memory_space<hbm>>
        %dma_start3A_535 = arith.constant 0 : i32
        %dma_start3A_536 = arith.constant 0 : i32
        %dma_start3A_537 = tpu.memref_slice %dma_start3A_534[%add3A_527, %dma_start3A_535, %dma_start3A_536] : memref<16384x1x128xi32, #tpu.memory_space<hbm>> -> memref<8x1x128xi32, #tpu.memory_space<hbm>>
        tpu.enqueue_dma source(%dma_start3A_537 : memref<8x1x128xi32, #tpu.memory_space<hbm>>) target(%dma_start3A_533 : memref<8x1x128xi32, #tpu.memory_space<vmem>>) target_semaphore(%arg21 : memref<!tpu.dma_semaphore, #tpu.memory_space<semaphore_mem>>)
      } else {
      }
      %mul3A_333 = arith.constant 3 : i32
      %mul3A_334 = arith.muli %mul3A_333, %scan3A_256 : i32
      %add3A_335 = arith.constant 1 : i32
      %add3A_336 = arith.addi %mul3A_334, %add3A_335 : i32
      %mul3A_337 = arith.constant 2 : i32
      %mul3A_338 = arith.muli %mul3A_337, %add3A_336 : i32
      %dma_wait3A_339 = tpu.memref_bitcast %arg9 : memref<256x2x128xbf16, #tpu.memory_space<vmem>> -> memref<256x1x128xi32, #tpu.memory_space<vmem>>
      %dma_wait3A_340 = arith.constant 0 : i32
      %dma_wait3A_341 = arith.constant 0 : i32
      %dma_wait3A_342 = arith.constant 0 : i32
      %dma_wait3A_343 = tpu.memref_slice %dma_wait3A_339[%dma_wait3A_340, %dma_wait3A_341, %dma_wait3A_342] : memref<256x1x128xi32, #tpu.memory_space<vmem>> -> memref<128x1x128xi32, #tpu.memory_space<vmem>>
      %dma_wait3A_344 = arith.constant 0 : i32
      %dma_wait3A_345 = tpu.memref_slice %arg7[%mul3A_338, %dma_wait3A_344] : memref<128x128xi32, #tpu.memory_space<vmem>> -> memref<1x128xi32, #tpu.memory_space<vmem>>
      %dma_wait3A_346 = tpu.memref_squeeze %dma_wait3A_345 : memref<1x128xi32, #tpu.memory_space<vmem>> -> memref<128xi32, #tpu.memory_space<vmem>>
      %dma_wait3A_347 = tpu.memref_bitcast %arg2 : memref<32768x2x128xbf16, #tpu.memory_space<hbm>> -> memref<32768x1x128xi32, #tpu.memory_space<hbm>>
      %dma_wait3A_348 = arith.constant 0 : i32
      %dma_wait3A_349 = arith.constant 0 : i32
      %dma_wait3A_350 = arith.constant 0 : i32
      %dma_wait3A_351 = tpu.memref_slice %dma_wait3A_347[%dma_wait3A_348, %dma_wait3A_349, %dma_wait3A_350] : memref<32768x1x128xi32, #tpu.memory_space<hbm>> -> memref<32768x1x128xi32, #tpu.memory_space<hbm>>
      tpu.wait_indirect_dma semaphore(%arg19 : memref<!tpu.dma_semaphore, #tpu.memory_space<semaphore_mem>>) src(%dma_wait3A_351 : memref<32768x1x128xi32, #tpu.memory_space<hbm>>) dst(%dma_wait3A_343 : memref<128x1x128xi32, #tpu.memory_space<vmem>>)
      %mul3A_352 = arith.constant 2 : i32
      %mul3A_353 = arith.muli %mul3A_352, %add3A_336 : i32
      %add3A_354 = arith.constant 1 : i32
      %add3A_355 = arith.addi %mul3A_353, %add3A_354 : i32
      %dma_wait3A_356 = tpu.memref_bitcast %arg9 : memref<256x2x128xbf16, #tpu.memory_space<vmem>> -> memref<256x1x128xi32, #tpu.memory_space<vmem>>
      %dma_wait3A_357 = arith.constant 128 : i32
      %dma_wait3A_358 = arith.constant 0 : i32
      %dma_wait3A_359 = arith.constant 0 : i32
      %dma_wait3A_360 = tpu.memref_slice %dma_wait3A_356[%dma_wait3A_357, %dma_wait3A_358, %dma_wait3A_359] : memref<256x1x128xi32, #tpu.memory_space<vmem>> -> memref<128x1x128xi32, #tpu.memory_space<vmem>>
      %dma_wait3A_361 = arith.constant 0 : i32
      %dma_wait3A_362 = tpu.memref_slice %arg7[%add3A_355, %dma_wait3A_361] : memref<128x128xi32, #tpu.memory_space<vmem>> -> memref<1x128xi32, #tpu.memory_space<vmem>>
      %dma_wait3A_363 = tpu.memref_squeeze %dma_wait3A_362 : memref<1x128xi32, #tpu.memory_space<vmem>> -> memref<128xi32, #tpu.memory_space<vmem>>
      %dma_wait3A_364 = tpu.memref_bitcast %arg2 : memref<32768x2x128xbf16, #tpu.memory_space<hbm>> -> memref<32768x1x128xi32, #tpu.memory_space<hbm>>
      %dma_wait3A_365 = arith.constant 0 : i32
      %dma_wait3A_366 = arith.constant 0 : i32
      %dma_wait3A_367 = arith.constant 0 : i32
      %dma_wait3A_368 = tpu.memref_slice %dma_wait3A_364[%dma_wait3A_365, %dma_wait3A_366, %dma_wait3A_367] : memref<32768x1x128xi32, #tpu.memory_space<hbm>> -> memref<32768x1x128xi32, #tpu.memory_space<hbm>>
      tpu.wait_indirect_dma semaphore(%arg19 : memref<!tpu.dma_semaphore, #tpu.memory_space<semaphore_mem>>) src(%dma_wait3A_368 : memref<32768x1x128xi32, #tpu.memory_space<hbm>>) dst(%dma_wait3A_360 : memref<128x1x128xi32, #tpu.memory_space<vmem>>)
      %mul3A_369 = arith.constant 8 : i32
      %mul3A_370 = arith.muli %add3A_336, %mul3A_369 : i32
      %add3A_371 = arith.addi %select_n3A, %mul3A_370 : i32
      %dma_wait3A_372 = tpu.memref_bitcast %arg12 : memref<8x2x128xbf16, #tpu.memory_space<vmem>> -> memref<8x1x128xi32, #tpu.memory_space<vmem>>
      %dma_wait3A_373 = tpu.memref_bitcast %arg4 : memref<16384x2x128xbf16, #tpu.memory_space<hbm>> -> memref<16384x1x128xi32, #tpu.memory_space<hbm>>
      %dma_wait3A_374 = arith.constant 0 : i32
      %dma_wait3A_375 = arith.constant 0 : i32
      %dma_wait3A_376 = tpu.memref_slice %dma_wait3A_373[%add3A_371, %dma_wait3A_374, %dma_wait3A_375] : memref<16384x1x128xi32, #tpu.memory_space<hbm>> -> memref<8x1x128xi32, #tpu.memory_space<hbm>>
      %dma_wait3A_377 = tpu.memref_bitcast %arg12 : memref<8x2x128xbf16, #tpu.memory_space<vmem>> -> memref<8x1x128xi32, #tpu.memory_space<vmem>>
      %dma_wait3A_378 = tpu.memref_bitcast %arg4 : memref<16384x2x128xbf16, #tpu.memory_space<hbm>> -> memref<16384x1x128xi32, #tpu.memory_space<hbm>>
      %dma_wait3A_379 = arith.constant 0 : i32
      %dma_wait3A_380 = arith.constant 0 : i32
      %dma_wait3A_381 = tpu.memref_slice %dma_wait3A_378[%add3A_371, %dma_wait3A_379, %dma_wait3A_380] : memref<16384x1x128xi32, #tpu.memory_space<hbm>> -> memref<8x1x128xi32, #tpu.memory_space<hbm>>
      tpu.wait_dma2 semaphore(%arg22 : memref<!tpu.dma_semaphore, #tpu.memory_space<semaphore_mem>>) src(%dma_wait3A_381 : memref<8x1x128xi32, #tpu.memory_space<hbm>>) dst(%dma_wait3A_377 : memref<8x1x128xi32, #tpu.memory_space<vmem>>)
      %ge3A_382 = arith.constant 3 : i32
      %ge3A_383 = arith.cmpi sge, %add3A_336, %ge3A_382 : i32
      %convert_element_type3A_384 = arith.extui %ge3A_383 : i1 to i32
      %cond3A_385 = arith.constant 0 : i32
      %cond3A_386 = arith.cmpi ne, %convert_element_type3A_384, %cond3A_385 : i32
      scf.if %cond3A_386 {
        %sub3A_493 = arith.constant 3 : i32
        %sub3A_494 = arith.subi %add3A_336, %sub3A_493 : i32
        %mul3A_495 = arith.constant 8 : i32
        %mul3A_496 = arith.muli %sub3A_494, %mul3A_495 : i32
        %add3A_497 = arith.addi %select_n3A, %mul3A_496 : i32
        %dma_wait3A_498 = tpu.memref_bitcast %arg15 : memref<8x2x128xbf16, #tpu.memory_space<vmem>> -> memref<8x1x128xi32, #tpu.memory_space<vmem>>
        %dma_wait3A_499 = tpu.memref_bitcast %arg5 : memref<16384x2x128xbf16, #tpu.memory_space<hbm>> -> memref<16384x1x128xi32, #tpu.memory_space<hbm>>
        %dma_wait3A_500 = arith.constant 0 : i32
        %dma_wait3A_501 = arith.constant 0 : i32
        %dma_wait3A_502 = tpu.memref_slice %dma_wait3A_499[%add3A_497, %dma_wait3A_500, %dma_wait3A_501] : memref<16384x1x128xi32, #tpu.memory_space<hbm>> -> memref<8x1x128xi32, #tpu.memory_space<hbm>>
        %dma_wait3A_503 = tpu.memref_bitcast %arg5 : memref<16384x2x128xbf16, #tpu.memory_space<hbm>> -> memref<16384x1x128xi32, #tpu.memory_space<hbm>>
        %dma_wait3A_504 = arith.constant 0 : i32
        %dma_wait3A_505 = arith.constant 0 : i32
        %dma_wait3A_506 = tpu.memref_slice %dma_wait3A_503[%add3A_497, %dma_wait3A_504, %dma_wait3A_505] : memref<16384x1x128xi32, #tpu.memory_space<hbm>> -> memref<8x1x128xi32, #tpu.memory_space<hbm>>
        %dma_wait3A_507 = tpu.memref_bitcast %arg15 : memref<8x2x128xbf16, #tpu.memory_space<vmem>> -> memref<8x1x128xi32, #tpu.memory_space<vmem>>
        tpu.wait_dma2 semaphore(%arg25 : memref<!tpu.dma_semaphore, #tpu.memory_space<semaphore_mem>>) src(%dma_wait3A_507 : memref<8x1x128xi32, #tpu.memory_space<vmem>>) dst(%dma_wait3A_506 : memref<8x1x128xi32, #tpu.memory_space<hbm>>)
      } else {
      }
      %scan3A_387 = arith.constant 0 : i32
      %scan3A_388 = arith.constant 0 : i32
      %scan3A_389 = arith.constant 8 : i32
      %scan3A_390 = arith.addi %scan3A_388, %scan3A_389 : i32
      %scan3A_391 = arith.constant 1 : i32
      scf.for %scan3A_493 = %scan3A_388 to %scan3A_390 step %scan3A_391  : i32 {
        %get3A = arith.index_cast %scan3A_493 : i32 to index
        %get3A_494 = arith.constant 0 : index
        %get3A_495 = arith.constant 0 : index
        %get3A_496 = tpu.vector_load %arg12[%get3A, %get3A_494, %get3A_495] {strides = array<i32>} : memref<8x2x128xbf16, #tpu.memory_space<vmem>>, vector<1x2x128xbf16>,
        %get3A_497 = vector.shape_cast %get3A_496 : vector<1x2x128xbf16> to vector<2x128xbf16>
        %convert_element_type3A_498 = arith.extf %get3A_497 : vector<2x128xbf16> to vector<2x128xf32>
        %mul3A_499 = arith.constant 2 : i32
        %mul3A_500 = arith.muli %mul3A_499, %scan3A_493 : i32
        %add3A_501 = arith.constant 0 : i32
        %add3A_502 = arith.addi %mul3A_500, %add3A_501 : i32
        %mul3A_503 = arith.constant 16 : i32
        %mul3A_504 = arith.muli %add3A_502, %mul3A_503 : i32
        %get3A_505 = arith.index_cast %mul3A_504 : i32 to index
        %get3A_506 = arith.constant 0 : index
        %get3A_507 = arith.constant 0 : index
        %get3A_508 = tpu.vector_load %arg9[%get3A_505, %get3A_506, %get3A_507] {strides = array<i32>} : memref<256x2x128xbf16, #tpu.memory_space<vmem>>, vector<1x2x128xbf16>,
        %get3A_509 = vector.shape_cast %get3A_508 : vector<1x2x128xbf16> to vector<2x128xbf16>
        %add3A_510 = arith.constant 1 : i32
        %add3A_511 = arith.addi %mul3A_504, %add3A_510 : i32
        %get3A_512 = arith.index_cast %add3A_511 : i32 to index
        %get3A_513 = arith.constant 0 : index
        %get3A_514 = arith.constant 0 : index
        %get3A_515 = tpu.vector_load %arg9[%get3A_512, %get3A_513, %get3A_514] {strides = array<i32>} : memref<256x2x128xbf16, #tpu.memory_space<vmem>>, vector<1x2x128xbf16>,
        %get3A_516 = vector.shape_cast %get3A_515 : vector<1x2x128xbf16> to vector<2x128xbf16>
        %max3A = arith.maximumf %get3A_509, %get3A_516 : vector<2x128xbf16>
        %add3A_517 = arith.constant 2 : i32
        %add3A_518 = arith.addi %mul3A_504, %add3A_517 : i32
        %get3A_519 = arith.index_cast %add3A_518 : i32 to index
        %get3A_520 = arith.constant 0 : index
        %get3A_521 = arith.constant 0 : index
        %get3A_522 = tpu.vector_load %arg9[%get3A_519, %get3A_520, %get3A_521] {strides = array<i32>} : memref<256x2x128xbf16, #tpu.memory_space<vmem>>, vector<1x2x128xbf16>,
        %get3A_523 = vector.shape_cast %get3A_522 : vector<1x2x128xbf16> to vector<2x128xbf16>
        %max3A_524 = arith.maximumf %max3A, %get3A_523 : vector<2x128xbf16>
        %add3A_525 = arith.constant 3 : i32
        %add3A_526 = arith.addi %mul3A_504, %add3A_525 : i32
        %get3A_527 = arith.index_cast %add3A_526 : i32 to index
        %get3A_528 = arith.constant 0 : index
        %get3A_529 = arith.constant 0 : index
        %get3A_530 = tpu.vector_load %arg9[%get3A_527, %get3A_528, %get3A_529] {strides = array<i32>} : memref<256x2x128xbf16, #tpu.memory_space<vmem>>, vector<1x2x128xbf16>,
        %get3A_531 = vector.shape_cast %get3A_530 : vector<1x2x128xbf16> to vector<2x128xbf16>
        %max3A_532 = arith.maximumf %max3A_524, %get3A_531 : vector<2x128xbf16>
        %add3A_533 = arith.constant 4 : i32
        %add3A_534 = arith.addi %mul3A_504, %add3A_533 : i32
        %get3A_535 = arith.index_cast %add3A_534 : i32 to index
        %get3A_536 = arith.constant 0 : index
        %get3A_537 = arith.constant 0 : index
        %get3A_538 = tpu.vector_load %arg9[%get3A_535, %get3A_536, %get3A_537] {strides = array<i32>} : memref<256x2x128xbf16, #tpu.memory_space<vmem>>, vector<1x2x128xbf16>,
        %get3A_539 = vector.shape_cast %get3A_538 : vector<1x2x128xbf16> to vector<2x128xbf16>
        %max3A_540 = arith.maximumf %max3A_532, %get3A_539 : vector<2x128xbf16>
        %add3A_541 = arith.constant 5 : i32
        %add3A_542 = arith.addi %mul3A_504, %add3A_541 : i32
        %get3A_543 = arith.index_cast %add3A_542 : i32 to index
        %get3A_544 = arith.constant 0 : index
        %get3A_545 = arith.constant 0 : index
        %get3A_546 = tpu.vector_load %arg9[%get3A_543, %get3A_544, %get3A_545] {strides = array<i32>} : memref<256x2x128xbf16, #tpu.memory_space<vmem>>, vector<1x2x128xbf16>,
        %get3A_547 = vector.shape_cast %get3A_546 : vector<1x2x128xbf16> to vector<2x128xbf16>
        %max3A_548 = arith.maximumf %max3A_540, %get3A_547 : vector<2x128xbf16>
        %add3A_549 = arith.constant 6 : i32
        %add3A_550 = arith.addi %mul3A_504, %add3A_549 : i32
        %get3A_551 = arith.index_cast %add3A_550 : i32 to index
        %get3A_552 = arith.constant 0 : index
        %get3A_553 = arith.constant 0 : index
        %get3A_554 = tpu.vector_load %arg9[%get3A_551, %get3A_552, %get3A_553] {strides = array<i32>} : memref<256x2x128xbf16, #tpu.memory_space<vmem>>, vector<1x2x128xbf16>,
        %get3A_555 = vector.shape_cast %get3A_554 : vector<1x2x128xbf16> to vector<2x128xbf16>
        %max3A_556 = arith.maximumf %max3A_548, %get3A_555 : vector<2x128xbf16>
        %add3A_557 = arith.constant 7 : i32
        %add3A_558 = arith.addi %mul3A_504, %add3A_557 : i32
        %get3A_559 = arith.index_cast %add3A_558 : i32 to index
        %get3A_560 = arith.constant 0 : index
        %get3A_561 = arith.constant 0 : index
        %get3A_562 = tpu.vector_load %arg9[%get3A_559, %get3A_560, %get3A_561] {strides = array<i32>} : memref<256x2x128xbf16, #tpu.memory_space<vmem>>, vector<1x2x128xbf16>,
        %get3A_563 = vector.shape_cast %get3A_562 : vector<1x2x128xbf16> to vector<2x128xbf16>
        %max3A_564 = arith.maximumf %max3A_556, %get3A_563 : vector<2x128xbf16>
        %add3A_565 = arith.constant 8 : i32
        %add3A_566 = arith.addi %mul3A_504, %add3A_565 : i32
        %get3A_567 = arith.index_cast %add3A_566 : i32 to index
        %get3A_568 = arith.constant 0 : index
        %get3A_569 = arith.constant 0 : index
        %get3A_570 = tpu.vector_load %arg9[%get3A_567, %get3A_568, %get3A_569] {strides = array<i32>} : memref<256x2x128xbf16, #tpu.memory_space<vmem>>, vector<1x2x128xbf16>,
        %get3A_571 = vector.shape_cast %get3A_570 : vector<1x2x128xbf16> to vector<2x128xbf16>
        %max3A_572 = arith.maximumf %max3A_564, %get3A_571 : vector<2x128xbf16>
        %add3A_573 = arith.constant 9 : i32
        %add3A_574 = arith.addi %mul3A_504, %add3A_573 : i32
        %get3A_575 = arith.index_cast %add3A_574 : i32 to index
        %get3A_576 = arith.constant 0 : index
        %get3A_577 = arith.constant 0 : index
        %get3A_578 = tpu.vector_load %arg9[%get3A_575, %get3A_576, %get3A_577] {strides = array<i32>} : memref<256x2x128xbf16, #tpu.memory_space<vmem>>, vector<1x2x128xbf16>,
        %get3A_579 = vector.shape_cast %get3A_578 : vector<1x2x128xbf16> to vector<2x128xbf16>
        %max3A_580 = arith.maximumf %max3A_572, %get3A_579 : vector<2x128xbf16>
        %add3A_581 = arith.constant 10 : i32
        %add3A_582 = arith.addi %mul3A_504, %add3A_581 : i32
        %get3A_583 = arith.index_cast %add3A_582 : i32 to index
        %get3A_584 = arith.constant 0 : index
        %get3A_585 = arith.constant 0 : index
        %get3A_586 = tpu.vector_load %arg9[%get3A_583, %get3A_584, %get3A_585] {strides = array<i32>} : memref<256x2x128xbf16, #tpu.memory_space<vmem>>, vector<1x2x128xbf16>,
        %get3A_587 = vector.shape_cast %get3A_586 : vector<1x2x128xbf16> to vector<2x128xbf16>
        %max3A_588 = arith.maximumf %max3A_580, %get3A_587 : vector<2x128xbf16>
        %add3A_589 = arith.constant 11 : i32
        %add3A_590 = arith.addi %mul3A_504, %add3A_589 : i32
        %get3A_591 = arith.index_cast %add3A_590 : i32 to index
        %get3A_592 = arith.constant 0 : index
        %get3A_593 = arith.constant 0 : index
        %get3A_594 = tpu.vector_load %arg9[%get3A_591, %get3A_592, %get3A_593] {strides = array<i32>} : memref<256x2x128xbf16, #tpu.memory_space<vmem>>, vector<1x2x128xbf16>,
        %get3A_595 = vector.shape_cast %get3A_594 : vector<1x2x128xbf16> to vector<2x128xbf16>
        %max3A_596 = arith.maximumf %max3A_588, %get3A_595 : vector<2x128xbf16>
        %add3A_597 = arith.constant 12 : i32
        %add3A_598 = arith.addi %mul3A_504, %add3A_597 : i32
        %get3A_599 = arith.index_cast %add3A_598 : i32 to index
        %get3A_600 = arith.constant 0 : index
        %get3A_601 = arith.constant 0 : index
        %get3A_602 = tpu.vector_load %arg9[%get3A_599, %get3A_600, %get3A_601] {strides = array<i32>} : memref<256x2x128xbf16, #tpu.memory_space<vmem>>, vector<1x2x128xbf16>,
        %get3A_603 = vector.shape_cast %get3A_602 : vector<1x2x128xbf16> to vector<2x128xbf16>
        %max3A_604 = arith.maximumf %max3A_596, %get3A_603 : vector<2x128xbf16>
        %add3A_605 = arith.constant 13 : i32
        %add3A_606 = arith.addi %mul3A_504, %add3A_605 : i32
        %get3A_607 = arith.index_cast %add3A_606 : i32 to index
        %get3A_608 = arith.constant 0 : index
        %get3A_609 = arith.constant 0 : index
        %get3A_610 = tpu.vector_load %arg9[%get3A_607, %get3A_608, %get3A_609] {strides = array<i32>} : memref<256x2x128xbf16, #tpu.memory_space<vmem>>, vector<1x2x128xbf16>,
        %get3A_611 = vector.shape_cast %get3A_610 : vector<1x2x128xbf16> to vector<2x128xbf16>
        %max3A_612 = arith.maximumf %max3A_604, %get3A_611 : vector<2x128xbf16>
        %add3A_613 = arith.constant 14 : i32
        %add3A_614 = arith.addi %mul3A_504, %add3A_613 : i32
        %get3A_615 = arith.index_cast %add3A_614 : i32 to index
        %get3A_616 = arith.constant 0 : index
        %get3A_617 = arith.constant 0 : index
        %get3A_618 = tpu.vector_load %arg9[%get3A_615, %get3A_616, %get3A_617] {strides = array<i32>} : memref<256x2x128xbf16, #tpu.memory_space<vmem>>, vector<1x2x128xbf16>,
        %get3A_619 = vector.shape_cast %get3A_618 : vector<1x2x128xbf16> to vector<2x128xbf16>
        %max3A_620 = arith.maximumf %max3A_612, %get3A_619 : vector<2x128xbf16>
        %add3A_621 = arith.constant 15 : i32
        %add3A_622 = arith.addi %mul3A_504, %add3A_621 : i32
        %get3A_623 = arith.index_cast %add3A_622 : i32 to index
        %get3A_624 = arith.constant 0 : index
        %get3A_625 = arith.constant 0 : index
        %get3A_626 = tpu.vector_load %arg9[%get3A_623, %get3A_624, %get3A_625] {strides = array<i32>} : memref<256x2x128xbf16, #tpu.memory_space<vmem>>, vector<1x2x128xbf16>,
        %get3A_627 = vector.shape_cast %get3A_626 : vector<1x2x128xbf16> to vector<2x128xbf16>
        %max3A_628 = arith.maximumf %max3A_620, %get3A_627 : vector<2x128xbf16>
        %convert_element_type3A_629 = arith.extf %max3A_628 : vector<2x128xbf16> to vector<2x128xf32>
        %slice3A = vector.extract_strided_slice %convert_element_type3A_629 {offsets = [0, 0], sizes = [1, 128], strides = [1, 1]} : vector<2x128xf32> to vector<1x128xf32>
        %squeeze3A = vector.shape_cast %slice3A : vector<1x128xf32> to vector<128xf32>
        %slice3A_630 = vector.extract_strided_slice %convert_element_type3A_629 {offsets = [1, 0], sizes = [1, 128], strides = [1, 1]} : vector<2x128xf32> to vector<1x128xf32>
        %squeeze3A_631 = vector.shape_cast %slice3A_630 : vector<1x128xf32> to vector<128xf32>
        %add3A_632 = arith.addf %squeeze3A, %squeeze3A_631 : vector<128xf32>
        %slice3A_633 = vector.extract_strided_slice %convert_element_type3A_498 {offsets = [0, 0], sizes = [1, 128], strides = [1, 1]} : vector<2x128xf32> to vector<1x128xf32>
        %squeeze3A_634 = vector.shape_cast %slice3A_633 : vector<1x128xf32> to vector<128xf32>
        %add3A_635 = arith.addf %add3A_632, %squeeze3A_634 : vector<128xf32>
        %swap3A_636 = arith.constant 0 : index
        %swap3A_637 = tpu.vector_load %arg17[%swap3A_636] {strides = array<i32>} : memref<256xf32, #tpu.memory_space<vmem>>, vector<128xf32>,
        %swap3A_638 = vector.shape_cast %swap3A_637 : vector<128xf32> to vector<128xf32>
        %swap3A_639 = vector.shape_cast %add3A_635 : vector<128xf32> to vector<128xf32>
        tpu.vector_store %arg17[%swap3A_636], %swap3A_639 {add = true, strides = array<i32>} : memref<256xf32, #tpu.memory_space<vmem>>, vector<128xf32>,
        %mul3A_640 = arith.mulf %add3A_635, %add3A_635 : vector<128xf32>
        %swap3A_641 = arith.constant 128 : index
        %swap3A_642 = tpu.vector_load %arg17[%swap3A_641] {strides = array<i32>} : memref<256xf32, #tpu.memory_space<vmem>>, vector<128xf32>,
        %swap3A_643 = vector.shape_cast %swap3A_642 : vector<128xf32> to vector<128xf32>
        %swap3A_644 = vector.shape_cast %mul3A_640 : vector<128xf32> to vector<128xf32>
        tpu.vector_store %arg17[%swap3A_641], %swap3A_644 {add = true, strides = array<i32>} : memref<256xf32, #tpu.memory_space<vmem>>, vector<128xf32>,
        %broadcast_in_dim3A_645 = vector.shape_cast %add3A_635 : vector<128xf32> to vector<1x128xf32>
        %mul3A_646 = arith.constant 2 : i32
        %mul3A_647 = arith.muli %mul3A_646, %scan3A_493 : i32
        %add3A_648 = arith.constant 1 : i32
        %add3A_649 = arith.addi %mul3A_647, %add3A_648 : i32
        %mul3A_650 = arith.constant 16 : i32
        %mul3A_651 = arith.muli %add3A_649, %mul3A_650 : i32
        %get3A_652 = arith.index_cast %mul3A_651 : i32 to index
        %get3A_653 = arith.constant 0 : index
        %get3A_654 = arith.constant 0 : index
        %get3A_655 = tpu.vector_load %arg9[%get3A_652, %get3A_653, %get3A_654] {strides = array<i32>} : memref<256x2x128xbf16, #tpu.memory_space<vmem>>, vector<1x2x128xbf16>,
        %get3A_656 = vector.shape_cast %get3A_655 : vector<1x2x128xbf16> to vector<2x128xbf16>
        %add3A_657 = arith.constant 1 : i32
        %add3A_658 = arith.addi %mul3A_651, %add3A_657 : i32
        %get3A_659 = arith.index_cast %add3A_658 : i32 to index
        %get3A_660 = arith.constant 0 : index
        %get3A_661 = arith.constant 0 : index
        %get3A_662 = tpu.vector_load %arg9[%get3A_659, %get3A_660, %get3A_661] {strides = array<i32>} : memref<256x2x128xbf16, #tpu.memory_space<vmem>>, vector<1x2x128xbf16>,
        %get3A_663 = vector.shape_cast %get3A_662 : vector<1x2x128xbf16> to vector<2x128xbf16>
        %max3A_664 = arith.maximumf %get3A_656, %get3A_663 : vector<2x128xbf16>
        %add3A_665 = arith.constant 2 : i32
        %add3A_666 = arith.addi %mul3A_651, %add3A_665 : i32
        %get3A_667 = arith.index_cast %add3A_666 : i32 to index
        %get3A_668 = arith.constant 0 : index
        %get3A_669 = arith.constant 0 : index
        %get3A_670 = tpu.vector_load %arg9[%get3A_667, %get3A_668, %get3A_669] {strides = array<i32>} : memref<256x2x128xbf16, #tpu.memory_space<vmem>>, vector<1x2x128xbf16>,
        %get3A_671 = vector.shape_cast %get3A_670 : vector<1x2x128xbf16> to vector<2x128xbf16>
        %max3A_672 = arith.maximumf %max3A_664, %get3A_671 : vector<2x128xbf16>
        %add3A_673 = arith.constant 3 : i32
        %add3A_674 = arith.addi %mul3A_651, %add3A_673 : i32
        %get3A_675 = arith.index_cast %add3A_674 : i32 to index
        %get3A_676 = arith.constant 0 : index
        %get3A_677 = arith.constant 0 : index
        %get3A_678 = tpu.vector_load %arg9[%get3A_675, %get3A_676, %get3A_677] {strides = array<i32>} : memref<256x2x128xbf16, #tpu.memory_space<vmem>>, vector<1x2x128xbf16>,
        %get3A_679 = vector.shape_cast %get3A_678 : vector<1x2x128xbf16> to vector<2x128xbf16>
        %max3A_680 = arith.maximumf %max3A_672, %get3A_679 : vector<2x128xbf16>
        %add3A_681 = arith.constant 4 : i32
        %add3A_682 = arith.addi %mul3A_651, %add3A_681 : i32
        %get3A_683 = arith.index_cast %add3A_682 : i32 to index
        %get3A_684 = arith.constant 0 : index
        %get3A_685 = arith.constant 0 : index
        %get3A_686 = tpu.vector_load %arg9[%get3A_683, %get3A_684, %get3A_685] {strides = array<i32>} : memref<256x2x128xbf16, #tpu.memory_space<vmem>>, vector<1x2x128xbf16>,
        %get3A_687 = vector.shape_cast %get3A_686 : vector<1x2x128xbf16> to vector<2x128xbf16>
        %max3A_688 = arith.maximumf %max3A_680, %get3A_687 : vector<2x128xbf16>
        %add3A_689 = arith.constant 5 : i32
        %add3A_690 = arith.addi %mul3A_651, %add3A_689 : i32
        %get3A_691 = arith.index_cast %add3A_690 : i32 to index
        %get3A_692 = arith.constant 0 : index
        %get3A_693 = arith.constant 0 : index
        %get3A_694 = tpu.vector_load %arg9[%get3A_691, %get3A_692, %get3A_693] {strides = array<i32>} : memref<256x2x128xbf16, #tpu.memory_space<vmem>>, vector<1x2x128xbf16>,
        %get3A_695 = vector.shape_cast %get3A_694 : vector<1x2x128xbf16> to vector<2x128xbf16>
        %max3A_696 = arith.maximumf %max3A_688, %get3A_695 : vector<2x128xbf16>
        %add3A_697 = arith.constant 6 : i32
        %add3A_698 = arith.addi %mul3A_651, %add3A_697 : i32
        %get3A_699 = arith.index_cast %add3A_698 : i32 to index
        %get3A_700 = arith.constant 0 : index
        %get3A_701 = arith.constant 0 : index
        %get3A_702 = tpu.vector_load %arg9[%get3A_699, %get3A_700, %get3A_701] {strides = array<i32>} : memref<256x2x128xbf16, #tpu.memory_space<vmem>>, vector<1x2x128xbf16>,
        %get3A_703 = vector.shape_cast %get3A_702 : vector<1x2x128xbf16> to vector<2x128xbf16>
        %max3A_704 = arith.maximumf %max3A_696, %get3A_703 : vector<2x128xbf16>
        %add3A_705 = arith.constant 7 : i32
        %add3A_706 = arith.addi %mul3A_651, %add3A_705 : i32
        %get3A_707 = arith.index_cast %add3A_706 : i32 to index
        %get3A_708 = arith.constant 0 : index
        %get3A_709 = arith.constant 0 : index
        %get3A_710 = tpu.vector_load %arg9[%get3A_707, %get3A_708, %get3A_709] {strides = array<i32>} : memref<256x2x128xbf16, #tpu.memory_space<vmem>>, vector<1x2x128xbf16>,
        %get3A_711 = vector.shape_cast %get3A_710 : vector<1x2x128xbf16> to vector<2x128xbf16>
        %max3A_712 = arith.maximumf %max3A_704, %get3A_711 : vector<2x128xbf16>
        %add3A_713 = arith.constant 8 : i32
        %add3A_714 = arith.addi %mul3A_651, %add3A_713 : i32
        %get3A_715 = arith.index_cast %add3A_714 : i32 to index
        %get3A_716 = arith.constant 0 : index
        %get3A_717 = arith.constant 0 : index
        %get3A_718 = tpu.vector_load %arg9[%get3A_715, %get3A_716, %get3A_717] {strides = array<i32>} : memref<256x2x128xbf16, #tpu.memory_space<vmem>>, vector<1x2x128xbf16>,
        %get3A_719 = vector.shape_cast %get3A_718 : vector<1x2x128xbf16> to vector<2x128xbf16>
        %max3A_720 = arith.maximumf %max3A_712, %get3A_719 : vector<2x128xbf16>
        %add3A_721 = arith.constant 9 : i32
        %add3A_722 = arith.addi %mul3A_651, %add3A_721 : i32
        %get3A_723 = arith.index_cast %add3A_722 : i32 to index
        %get3A_724 = arith.constant 0 : index
        %get3A_725 = arith.constant 0 : index
        %get3A_726 = tpu.vector_load %arg9[%get3A_723, %get3A_724, %get3A_725] {strides = array<i32>} : memref<256x2x128xbf16, #tpu.memory_space<vmem>>, vector<1x2x128xbf16>,
        %get3A_727 = vector.shape_cast %get3A_726 : vector<1x2x128xbf16> to vector<2x128xbf16>
        %max3A_728 = arith.maximumf %max3A_720, %get3A_727 : vector<2x128xbf16>
        %add3A_729 = arith.constant 10 : i32
        %add3A_730 = arith.addi %mul3A_651, %add3A_729 : i32
        %get3A_731 = arith.index_cast %add3A_730 : i32 to index
        %get3A_732 = arith.constant 0 : index
        %get3A_733 = arith.constant 0 : index
        %get3A_734 = tpu.vector_load %arg9[%get3A_731, %get3A_732, %get3A_733] {strides = array<i32>} : memref<256x2x128xbf16, #tpu.memory_space<vmem>>, vector<1x2x128xbf16>,
        %get3A_735 = vector.shape_cast %get3A_734 : vector<1x2x128xbf16> to vector<2x128xbf16>
        %max3A_736 = arith.maximumf %max3A_728, %get3A_735 : vector<2x128xbf16>
        %add3A_737 = arith.constant 11 : i32
        %add3A_738 = arith.addi %mul3A_651, %add3A_737 : i32
        %get3A_739 = arith.index_cast %add3A_738 : i32 to index
        %get3A_740 = arith.constant 0 : index
        %get3A_741 = arith.constant 0 : index
        %get3A_742 = tpu.vector_load %arg9[%get3A_739, %get3A_740, %get3A_741] {strides = array<i32>} : memref<256x2x128xbf16, #tpu.memory_space<vmem>>, vector<1x2x128xbf16>,
        %get3A_743 = vector.shape_cast %get3A_742 : vector<1x2x128xbf16> to vector<2x128xbf16>
        %max3A_744 = arith.maximumf %max3A_736, %get3A_743 : vector<2x128xbf16>
        %add3A_745 = arith.constant 12 : i32
        %add3A_746 = arith.addi %mul3A_651, %add3A_745 : i32
        %get3A_747 = arith.index_cast %add3A_746 : i32 to index
        %get3A_748 = arith.constant 0 : index
        %get3A_749 = arith.constant 0 : index
        %get3A_750 = tpu.vector_load %arg9[%get3A_747, %get3A_748, %get3A_749] {strides = array<i32>} : memref<256x2x128xbf16, #tpu.memory_space<vmem>>, vector<1x2x128xbf16>,
        %get3A_751 = vector.shape_cast %get3A_750 : vector<1x2x128xbf16> to vector<2x128xbf16>
        %max3A_752 = arith.maximumf %max3A_744, %get3A_751 : vector<2x128xbf16>
        %add3A_753 = arith.constant 13 : i32
        %add3A_754 = arith.addi %mul3A_651, %add3A_753 : i32
        %get3A_755 = arith.index_cast %add3A_754 : i32 to index
        %get3A_756 = arith.constant 0 : index
        %get3A_757 = arith.constant 0 : index
        %get3A_758 = tpu.vector_load %arg9[%get3A_755, %get3A_756, %get3A_757] {strides = array<i32>} : memref<256x2x128xbf16, #tpu.memory_space<vmem>>, vector<1x2x128xbf16>,
        %get3A_759 = vector.shape_cast %get3A_758 : vector<1x2x128xbf16> to vector<2x128xbf16>
        %max3A_760 = arith.maximumf %max3A_752, %get3A_759 : vector<2x128xbf16>
        %add3A_761 = arith.constant 14 : i32
        %add3A_762 = arith.addi %mul3A_651, %add3A_761 : i32
        %get3A_763 = arith.index_cast %add3A_762 : i32 to index
        %get3A_764 = arith.constant 0 : index
        %get3A_765 = arith.constant 0 : index
        %get3A_766 = tpu.vector_load %arg9[%get3A_763, %get3A_764, %get3A_765] {strides = array<i32>} : memref<256x2x128xbf16, #tpu.memory_space<vmem>>, vector<1x2x128xbf16>,
        %get3A_767 = vector.shape_cast %get3A_766 : vector<1x2x128xbf16> to vector<2x128xbf16>
        %max3A_768 = arith.maximumf %max3A_760, %get3A_767 : vector<2x128xbf16>
        %add3A_769 = arith.constant 15 : i32
        %add3A_770 = arith.addi %mul3A_651, %add3A_769 : i32
        %get3A_771 = arith.index_cast %add3A_770 : i32 to index
        %get3A_772 = arith.constant 0 : index
        %get3A_773 = arith.constant 0 : index
        %get3A_774 = tpu.vector_load %arg9[%get3A_771, %get3A_772, %get3A_773] {strides = array<i32>} : memref<256x2x128xbf16, #tpu.memory_space<vmem>>, vector<1x2x128xbf16>,
        %get3A_775 = vector.shape_cast %get3A_774 : vector<1x2x128xbf16> to vector<2x128xbf16>
        %max3A_776 = arith.maximumf %max3A_768, %get3A_775 : vector<2x128xbf16>
        %convert_element_type3A_777 = arith.extf %max3A_776 : vector<2x128xbf16> to vector<2x128xf32>
        %slice3A_778 = vector.extract_strided_slice %convert_element_type3A_777 {offsets = [0, 0], sizes = [1, 128], strides = [1, 1]} : vector<2x128xf32> to vector<1x128xf32>
        %squeeze3A_779 = vector.shape_cast %slice3A_778 : vector<1x128xf32> to vector<128xf32>
        %slice3A_780 = vector.extract_strided_slice %convert_element_type3A_777 {offsets = [1, 0], sizes = [1, 128], strides = [1, 1]} : vector<2x128xf32> to vector<1x128xf32>
        %squeeze3A_781 = vector.shape_cast %slice3A_780 : vector<1x128xf32> to vector<128xf32>
        %add3A_782 = arith.addf %squeeze3A_779, %squeeze3A_781 : vector<128xf32>
        %slice3A_783 = vector.extract_strided_slice %convert_element_type3A_498 {offsets = [1, 0], sizes = [1, 128], strides = [1, 1]} : vector<2x128xf32> to vector<1x128xf32>
        %squeeze3A_784 = vector.shape_cast %slice3A_783 : vector<1x128xf32> to vector<128xf32>
        %add3A_785 = arith.addf %add3A_782, %squeeze3A_784 : vector<128xf32>
        %swap3A_786 = arith.constant 0 : index
        %swap3A_787 = tpu.vector_load %arg17[%swap3A_786] {strides = array<i32>} : memref<256xf32, #tpu.memory_space<vmem>>, vector<128xf32>,
        %swap3A_788 = vector.shape_cast %swap3A_787 : vector<128xf32> to vector<128xf32>
        %swap3A_789 = vector.shape_cast %add3A_785 : vector<128xf32> to vector<128xf32>
        tpu.vector_store %arg17[%swap3A_786], %swap3A_789 {add = true, strides = array<i32>} : memref<256xf32, #tpu.memory_space<vmem>>, vector<128xf32>,
        %mul3A_790 = arith.mulf %add3A_785, %add3A_785 : vector<128xf32>
        %swap3A_791 = arith.constant 128 : index
        %swap3A_792 = tpu.vector_load %arg17[%swap3A_791] {strides = array<i32>} : memref<256xf32, #tpu.memory_space<vmem>>, vector<128xf32>,
        %swap3A_793 = vector.shape_cast %swap3A_792 : vector<128xf32> to vector<128xf32>
        %swap3A_794 = vector.shape_cast %mul3A_790 : vector<128xf32> to vector<128xf32>
        tpu.vector_store %arg17[%swap3A_791], %swap3A_794 {add = true, strides = array<i32>} : memref<256xf32, #tpu.memory_space<vmem>>, vector<128xf32>,
        %broadcast_in_dim3A_795 = vector.shape_cast %add3A_785 : vector<128xf32> to vector<1x128xf32>
        %concatenate3A = tpu.concatenate %broadcast_in_dim3A_645, %broadcast_in_dim3A_795 in 0 : vector<1x128xf32>, vector<1x128xf32> -> vector<2x128xf32>
        %convert_element_type3A_796 = arith.truncf %concatenate3A : vector<2x128xf32> to vector<2x128xbf16>
        %swap3A_797 = arith.index_cast %scan3A_493 : i32 to index
        %swap3A_798 = arith.constant 0 : index
        %swap3A_799 = arith.constant 0 : index
        %swap3A_800 = tpu.vector_load %arg15[%swap3A_797, %swap3A_798, %swap3A_799] {strides = array<i32>} : memref<8x2x128xbf16, #tpu.memory_space<vmem>>, vector<1x2x128xbf16>,
        %swap3A_801 = vector.shape_cast %swap3A_800 : vector<1x2x128xbf16> to vector<2x128xbf16>
        %swap3A_802 = vector.shape_cast %convert_element_type3A_796 : vector<2x128xbf16> to vector<1x2x128xbf16>
        tpu.vector_store %arg15[%swap3A_797, %swap3A_798, %swap3A_799], %swap3A_802 {strides = array<i32>} : memref<8x2x128xbf16, #tpu.memory_space<vmem>>, vector<1x2x128xbf16>,
      }
      %scan3A_392 = arith.constant 8 : i32
      %mul3A_393 = arith.constant 8 : i32
      %mul3A_394 = arith.muli %add3A_336, %mul3A_393 : i32
      %add3A_395 = arith.addi %select_n3A, %mul3A_394 : i32
      %dma_start3A_396 = tpu.memref_bitcast %arg15 : memref<8x2x128xbf16, #tpu.memory_space<vmem>> -> memref<8x1x128xi32, #tpu.memory_space<vmem>>
      %dma_start3A_397 = tpu.memref_bitcast %arg5 : memref<16384x2x128xbf16, #tpu.memory_space<hbm>> -> memref<16384x1x128xi32, #tpu.memory_space<hbm>>
      %dma_start3A_398 = arith.constant 0 : i32
      %dma_start3A_399 = arith.constant 0 : i32
      %dma_start3A_400 = tpu.memref_slice %dma_start3A_397[%add3A_395, %dma_start3A_398, %dma_start3A_399] : memref<16384x1x128xi32, #tpu.memory_space<hbm>> -> memref<8x1x128xi32, #tpu.memory_space<hbm>>
      %dma_start3A_401 = tpu.memref_bitcast %arg5 : memref<16384x2x128xbf16, #tpu.memory_space<hbm>> -> memref<16384x1x128xi32, #tpu.memory_space<hbm>>
      %dma_start3A_402 = arith.constant 0 : i32
      %dma_start3A_403 = arith.constant 0 : i32
      %dma_start3A_404 = tpu.memref_slice %dma_start3A_401[%add3A_395, %dma_start3A_402, %dma_start3A_403] : memref<16384x1x128xi32, #tpu.memory_space<hbm>> -> memref<8x1x128xi32, #tpu.memory_space<hbm>>
      %dma_start3A_405 = tpu.memref_bitcast %arg15 : memref<8x2x128xbf16, #tpu.memory_space<vmem>> -> memref<8x1x128xi32, #tpu.memory_space<vmem>>
      tpu.enqueue_dma source(%dma_start3A_405 : memref<8x1x128xi32, #tpu.memory_space<vmem>>) target(%dma_start3A_404 : memref<8x1x128xi32, #tpu.memory_space<hbm>>) target_semaphore(%arg25 : memref<!tpu.dma_semaphore, #tpu.memory_space<semaphore_mem>>)
      %add3A_406 = arith.constant 3 : i32
      %add3A_407 = arith.addi %add3A_336, %add3A_406 : i32
      %lt3A_408 = arith.constant 64 : i32
      %lt3A_409 = arith.cmpi slt, %add3A_407, %lt3A_408 : i32
      %convert_element_type3A_410 = arith.extui %lt3A_409 : i1 to i32
      %cond3A_411 = arith.constant 0 : i32
      %cond3A_412 = arith.cmpi ne, %convert_element_type3A_410, %cond3A_411 : i32
      scf.if %cond3A_412 {
        %mul3A_493 = arith.constant 2 : i32
        %mul3A_494 = arith.muli %mul3A_493, %add3A_407 : i32
        %dma_start3A_495 = tpu.memref_bitcast %arg9 : memref<256x2x128xbf16, #tpu.memory_space<vmem>> -> memref<256x1x128xi32, #tpu.memory_space<vmem>>
        %dma_start3A_496 = arith.constant 0 : i32
        %dma_start3A_497 = arith.constant 0 : i32
        %dma_start3A_498 = arith.constant 0 : i32
        %dma_start3A_499 = tpu.memref_slice %dma_start3A_495[%dma_start3A_496, %dma_start3A_497, %dma_start3A_498] : memref<256x1x128xi32, #tpu.memory_space<vmem>> -> memref<128x1x128xi32, #tpu.memory_space<vmem>>
        %dma_start3A_500 = arith.constant 0 : i32
        %dma_start3A_501 = tpu.memref_slice %arg7[%mul3A_494, %dma_start3A_500] : memref<128x128xi32, #tpu.memory_space<vmem>> -> memref<1x128xi32, #tpu.memory_space<vmem>>
        %dma_start3A_502 = tpu.memref_squeeze %dma_start3A_501 : memref<1x128xi32, #tpu.memory_space<vmem>> -> memref<128xi32, #tpu.memory_space<vmem>>
        %dma_start3A_503 = tpu.memref_bitcast %arg2 : memref<32768x2x128xbf16, #tpu.memory_space<hbm>> -> memref<32768x1x128xi32, #tpu.memory_space<hbm>>
        %dma_start3A_504 = arith.constant 0 : i32
        %dma_start3A_505 = arith.constant 0 : i32
        %dma_start3A_506 = arith.constant 0 : i32
        %dma_start3A_507 = tpu.memref_slice %dma_start3A_503[%dma_start3A_504, %dma_start3A_505, %dma_start3A_506] : memref<32768x1x128xi32, #tpu.memory_space<hbm>> -> memref<32768x1x128xi32, #tpu.memory_space<hbm>>
        tpu.enqueue_indirect_dma source(%dma_start3A_507 : memref<32768x1x128xi32, #tpu.memory_space<hbm>>) target(%dma_start3A_499 : memref<128x1x128xi32, #tpu.memory_space<vmem>>) offsets(%dma_start3A_502 : memref<128xi32, #tpu.memory_space<vmem>>) semaphore(%arg19 : memref<!tpu.dma_semaphore, #tpu.memory_space<semaphore_mem>>)
        %mul3A_508 = arith.constant 2 : i32
        %mul3A_509 = arith.muli %mul3A_508, %add3A_407 : i32
        %add3A_510 = arith.constant 1 : i32
        %add3A_511 = arith.addi %mul3A_509, %add3A_510 : i32
        %dma_start3A_512 = tpu.memref_bitcast %arg9 : memref<256x2x128xbf16, #tpu.memory_space<vmem>> -> memref<256x1x128xi32, #tpu.memory_space<vmem>>
        %dma_start3A_513 = arith.constant 128 : i32
        %dma_start3A_514 = arith.constant 0 : i32
        %dma_start3A_515 = arith.constant 0 : i32
        %dma_start3A_516 = tpu.memref_slice %dma_start3A_512[%dma_start3A_513, %dma_start3A_514, %dma_start3A_515] : memref<256x1x128xi32, #tpu.memory_space<vmem>> -> memref<128x1x128xi32, #tpu.memory_space<vmem>>
        %dma_start3A_517 = arith.constant 0 : i32
        %dma_start3A_518 = tpu.memref_slice %arg7[%add3A_511, %dma_start3A_517] : memref<128x128xi32, #tpu.memory_space<vmem>> -> memref<1x128xi32, #tpu.memory_space<vmem>>
        %dma_start3A_519 = tpu.memref_squeeze %dma_start3A_518 : memref<1x128xi32, #tpu.memory_space<vmem>> -> memref<128xi32, #tpu.memory_space<vmem>>
        %dma_start3A_520 = tpu.memref_bitcast %arg2 : memref<32768x2x128xbf16, #tpu.memory_space<hbm>> -> memref<32768x1x128xi32, #tpu.memory_space<hbm>>
        %dma_start3A_521 = arith.constant 0 : i32
        %dma_start3A_522 = arith.constant 0 : i32
        %dma_start3A_523 = arith.constant 0 : i32
        %dma_start3A_524 = tpu.memref_slice %dma_start3A_520[%dma_start3A_521, %dma_start3A_522, %dma_start3A_523] : memref<32768x1x128xi32, #tpu.memory_space<hbm>> -> memref<32768x1x128xi32, #tpu.memory_space<hbm>>
        tpu.enqueue_indirect_dma source(%dma_start3A_524 : memref<32768x1x128xi32, #tpu.memory_space<hbm>>) target(%dma_start3A_516 : memref<128x1x128xi32, #tpu.memory_space<vmem>>) offsets(%dma_start3A_519 : memref<128xi32, #tpu.memory_space<vmem>>) semaphore(%arg19 : memref<!tpu.dma_semaphore, #tpu.memory_space<semaphore_mem>>)
        %mul3A_525 = arith.constant 8 : i32
        %mul3A_526 = arith.muli %add3A_407, %mul3A_525 : i32
        %add3A_527 = arith.addi %select_n3A, %mul3A_526 : i32
        %dma_start3A_528 = tpu.memref_bitcast %arg12 : memref<8x2x128xbf16, #tpu.memory_space<vmem>> -> memref<8x1x128xi32, #tpu.memory_space<vmem>>
        %dma_start3A_529 = tpu.memref_bitcast %arg4 : memref<16384x2x128xbf16, #tpu.memory_space<hbm>> -> memref<16384x1x128xi32, #tpu.memory_space<hbm>>
        %dma_start3A_530 = arith.constant 0 : i32
        %dma_start3A_531 = arith.constant 0 : i32
        %dma_start3A_532 = tpu.memref_slice %dma_start3A_529[%add3A_527, %dma_start3A_530, %dma_start3A_531] : memref<16384x1x128xi32, #tpu.memory_space<hbm>> -> memref<8x1x128xi32, #tpu.memory_space<hbm>>
        %dma_start3A_533 = tpu.memref_bitcast %arg12 : memref<8x2x128xbf16, #tpu.memory_space<vmem>> -> memref<8x1x128xi32, #tpu.memory_space<vmem>>
        %dma_start3A_534 = tpu.memref_bitcast %arg4 : memref<16384x2x128xbf16, #tpu.memory_space<hbm>> -> memref<16384x1x128xi32, #tpu.memory_space<hbm>>
        %dma_start3A_535 = arith.constant 0 : i32
        %dma_start3A_536 = arith.constant 0 : i32
        %dma_start3A_537 = tpu.memref_slice %dma_start3A_534[%add3A_527, %dma_start3A_535, %dma_start3A_536] : memref<16384x1x128xi32, #tpu.memory_space<hbm>> -> memref<8x1x128xi32, #tpu.memory_space<hbm>>
        tpu.enqueue_dma source(%dma_start3A_537 : memref<8x1x128xi32, #tpu.memory_space<hbm>>) target(%dma_start3A_533 : memref<8x1x128xi32, #tpu.memory_space<vmem>>) target_semaphore(%arg22 : memref<!tpu.dma_semaphore, #tpu.memory_space<semaphore_mem>>)
      } else {
      }
      %mul3A_413 = arith.constant 3 : i32
      %mul3A_414 = arith.muli %mul3A_413, %scan3A_256 : i32
      %add3A_415 = arith.constant 2 : i32
      %add3A_416 = arith.addi %mul3A_414, %add3A_415 : i32
      %mul3A_417 = arith.constant 2 : i32
      %mul3A_418 = arith.muli %mul3A_417, %add3A_416 : i32
      %dma_wait3A_419 = tpu.memref_bitcast %arg10 : memref<256x2x128xbf16, #tpu.memory_space<vmem>> -> memref<256x1x128xi32, #tpu.memory_space<vmem>>
      %dma_wait3A_420 = arith.constant 0 : i32
      %dma_wait3A_421 = arith.constant 0 : i32
      %dma_wait3A_422 = arith.constant 0 : i32
      %dma_wait3A_423 = tpu.memref_slice %dma_wait3A_419[%dma_wait3A_420, %dma_wait3A_421, %dma_wait3A_422] : memref<256x1x128xi32, #tpu.memory_space<vmem>> -> memref<128x1x128xi32, #tpu.memory_space<vmem>>
      %dma_wait3A_424 = arith.constant 0 : i32
      %dma_wait3A_425 = tpu.memref_slice %arg7[%mul3A_418, %dma_wait3A_424] : memref<128x128xi32, #tpu.memory_space<vmem>> -> memref<1x128xi32, #tpu.memory_space<vmem>>
      %dma_wait3A_426 = tpu.memref_squeeze %dma_wait3A_425 : memref<1x128xi32, #tpu.memory_space<vmem>> -> memref<128xi32, #tpu.memory_space<vmem>>
      %dma_wait3A_427 = tpu.memref_bitcast %arg2 : memref<32768x2x128xbf16, #tpu.memory_space<hbm>> -> memref<32768x1x128xi32, #tpu.memory_space<hbm>>
      %dma_wait3A_428 = arith.constant 0 : i32
      %dma_wait3A_429 = arith.constant 0 : i32
      %dma_wait3A_430 = arith.constant 0 : i32
      %dma_wait3A_431 = tpu.memref_slice %dma_wait3A_427[%dma_wait3A_428, %dma_wait3A_429, %dma_wait3A_430] : memref<32768x1x128xi32, #tpu.memory_space<hbm>> -> memref<32768x1x128xi32, #tpu.memory_space<hbm>>
      tpu.wait_indirect_dma semaphore(%arg20 : memref<!tpu.dma_semaphore, #tpu.memory_space<semaphore_mem>>) src(%dma_wait3A_431 : memref<32768x1x128xi32, #tpu.memory_space<hbm>>) dst(%dma_wait3A_423 : memref<128x1x128xi32, #tpu.memory_space<vmem>>)
      %mul3A_432 = arith.constant 2 : i32
      %mul3A_433 = arith.muli %mul3A_432, %add3A_416 : i32
      %add3A_434 = arith.constant 1 : i32
      %add3A_435 = arith.addi %mul3A_433, %add3A_434 : i32
      %dma_wait3A_436 = tpu.memref_bitcast %arg10 : memref<256x2x128xbf16, #tpu.memory_space<vmem>> -> memref<256x1x128xi32, #tpu.memory_space<vmem>>
      %dma_wait3A_437 = arith.constant 128 : i32
      %dma_wait3A_438 = arith.constant 0 : i32
      %dma_wait3A_439 = arith.constant 0 : i32
      %dma_wait3A_440 = tpu.memref_slice %dma_wait3A_436[%dma_wait3A_437, %dma_wait3A_438, %dma_wait3A_439] : memref<256x1x128xi32, #tpu.memory_space<vmem>> -> memref<128x1x128xi32, #tpu.memory_space<vmem>>
      %dma_wait3A_441 = arith.constant 0 : i32
      %dma_wait3A_442 = tpu.memref_slice %arg7[%add3A_435, %dma_wait3A_441] : memref<128x128xi32, #tpu.memory_space<vmem>> -> memref<1x128xi32, #tpu.memory_space<vmem>>
      %dma_wait3A_443 = tpu.memref_squeeze %dma_wait3A_442 : memref<1x128xi32, #tpu.memory_space<vmem>> -> memref<128xi32, #tpu.memory_space<vmem>>
      %dma_wait3A_444 = tpu.memref_bitcast %arg2 : memref<32768x2x128xbf16, #tpu.memory_space<hbm>> -> memref<32768x1x128xi32, #tpu.memory_space<hbm>>
      %dma_wait3A_445 = arith.constant 0 : i32
      %dma_wait3A_446 = arith.constant 0 : i32
      %dma_wait3A_447 = arith.constant 0 : i32
      %dma_wait3A_448 = tpu.memref_slice %dma_wait3A_444[%dma_wait3A_445, %dma_wait3A_446, %dma_wait3A_447] : memref<32768x1x128xi32, #tpu.memory_space<hbm>> -> memref<32768x1x128xi32, #tpu.memory_space<hbm>>
      tpu.wait_indirect_dma semaphore(%arg20 : memref<!tpu.dma_semaphore, #tpu.memory_space<semaphore_mem>>) src(%dma_wait3A_448 : memref<32768x1x128xi32, #tpu.memory_space<hbm>>) dst(%dma_wait3A_440 : memref<128x1x128xi32, #tpu.memory_space<vmem>>)
      %mul3A_449 = arith.constant 8 : i32
      %mul3A_450 = arith.muli %add3A_416, %mul3A_449 : i32
      %add3A_451 = arith.addi %select_n3A, %mul3A_450 : i32
      %dma_wait3A_452 = tpu.memref_bitcast %arg13 : memref<8x2x128xbf16, #tpu.memory_space<vmem>> -> memref<8x1x128xi32, #tpu.memory_space<vmem>>
      %dma_wait3A_453 = tpu.memref_bitcast %arg4 : memref<16384x2x128xbf16, #tpu.memory_space<hbm>> -> memref<16384x1x128xi32, #tpu.memory_space<hbm>>
      %dma_wait3A_454 = arith.constant 0 : i32
      %dma_wait3A_455 = arith.constant 0 : i32
      %dma_wait3A_456 = tpu.memref_slice %dma_wait3A_453[%add3A_451, %dma_wait3A_454, %dma_wait3A_455] : memref<16384x1x128xi32, #tpu.memory_space<hbm>> -> memref<8x1x128xi32, #tpu.memory_space<hbm>>
      %dma_wait3A_457 = tpu.memref_bitcast %arg13 : memref<8x2x128xbf16, #tpu.memory_space<vmem>> -> memref<8x1x128xi32, #tpu.memory_space<vmem>>
      %dma_wait3A_458 = tpu.memref_bitcast %arg4 : memref<16384x2x128xbf16, #tpu.memory_space<hbm>> -> memref<16384x1x128xi32, #tpu.memory_space<hbm>>
      %dma_wait3A_459 = arith.constant 0 : i32
      %dma_wait3A_460 = arith.constant 0 : i32
      %dma_wait3A_461 = tpu.memref_slice %dma_wait3A_458[%add3A_451, %dma_wait3A_459, %dma_wait3A_460] : memref<16384x1x128xi32, #tpu.memory_space<hbm>> -> memref<8x1x128xi32, #tpu.memory_space<hbm>>
      tpu.wait_dma2 semaphore(%arg23 : memref<!tpu.dma_semaphore, #tpu.memory_space<semaphore_mem>>) src(%dma_wait3A_461 : memref<8x1x128xi32, #tpu.memory_space<hbm>>) dst(%dma_wait3A_457 : memref<8x1x128xi32, #tpu.memory_space<vmem>>)
      %ge3A_462 = arith.constant 3 : i32
      %ge3A_463 = arith.cmpi sge, %add3A_416, %ge3A_462 : i32
      %convert_element_type3A_464 = arith.extui %ge3A_463 : i1 to i32
      %cond3A_465 = arith.constant 0 : i32
      %cond3A_466 = arith.cmpi ne, %convert_element_type3A_464, %cond3A_465 : i32
      scf.if %cond3A_466 {
        %sub3A_493 = arith.constant 3 : i32
        %sub3A_494 = arith.subi %add3A_416, %sub3A_493 : i32
        %mul3A_495 = arith.constant 8 : i32
        %mul3A_496 = arith.muli %sub3A_494, %mul3A_495 : i32
        %add3A_497 = arith.addi %select_n3A, %mul3A_496 : i32
        %dma_wait3A_498 = tpu.memref_bitcast %arg16 : memref<8x2x128xbf16, #tpu.memory_space<vmem>> -> memref<8x1x128xi32, #tpu.memory_space<vmem>>
        %dma_wait3A_499 = tpu.memref_bitcast %arg5 : memref<16384x2x128xbf16, #tpu.memory_space<hbm>> -> memref<16384x1x128xi32, #tpu.memory_space<hbm>>
        %dma_wait3A_500 = arith.constant 0 : i32
        %dma_wait3A_501 = arith.constant 0 : i32
        %dma_wait3A_502 = tpu.memref_slice %dma_wait3A_499[%add3A_497, %dma_wait3A_500, %dma_wait3A_501] : memref<16384x1x128xi32, #tpu.memory_space<hbm>> -> memref<8x1x128xi32, #tpu.memory_space<hbm>>
        %dma_wait3A_503 = tpu.memref_bitcast %arg5 : memref<16384x2x128xbf16, #tpu.memory_space<hbm>> -> memref<16384x1x128xi32, #tpu.memory_space<hbm>>
        %dma_wait3A_504 = arith.constant 0 : i32
        %dma_wait3A_505 = arith.constant 0 : i32
        %dma_wait3A_506 = tpu.memref_slice %dma_wait3A_503[%add3A_497, %dma_wait3A_504, %dma_wait3A_505] : memref<16384x1x128xi32, #tpu.memory_space<hbm>> -> memref<8x1x128xi32, #tpu.memory_space<hbm>>
        %dma_wait3A_507 = tpu.memref_bitcast %arg16 : memref<8x2x128xbf16, #tpu.memory_space<vmem>> -> memref<8x1x128xi32, #tpu.memory_space<vmem>>
        tpu.wait_dma2 semaphore(%arg26 : memref<!tpu.dma_semaphore, #tpu.memory_space<semaphore_mem>>) src(%dma_wait3A_507 : memref<8x1x128xi32, #tpu.memory_space<vmem>>) dst(%dma_wait3A_506 : memref<8x1x128xi32, #tpu.memory_space<hbm>>)
      } else {
      }
      %scan3A_467 = arith.constant 0 : i32
      %scan3A_468 = arith.constant 0 : i32
      %scan3A_469 = arith.constant 8 : i32
      %scan3A_470 = arith.addi %scan3A_468, %scan3A_469 : i32
      %scan3A_471 = arith.constant 1 : i32
      scf.for %scan3A_493 = %scan3A_468 to %scan3A_470 step %scan3A_471  : i32 {
        %get3A = arith.index_cast %scan3A_493 : i32 to index
        %get3A_494 = arith.constant 0 : index
        %get3A_495 = arith.constant 0 : index
        %get3A_496 = tpu.vector_load %arg13[%get3A, %get3A_494, %get3A_495] {strides = array<i32>} : memref<8x2x128xbf16, #tpu.memory_space<vmem>>, vector<1x2x128xbf16>,
        %get3A_497 = vector.shape_cast %get3A_496 : vector<1x2x128xbf16> to vector<2x128xbf16>
        %convert_element_type3A_498 = arith.extf %get3A_497 : vector<2x128xbf16> to vector<2x128xf32>
        %mul3A_499 = arith.constant 2 : i32
        %mul3A_500 = arith.muli %mul3A_499, %scan3A_493 : i32
        %add3A_501 = arith.constant 0 : i32
        %add3A_502 = arith.addi %mul3A_500, %add3A_501 : i32
        %mul3A_503 = arith.constant 16 : i32
        %mul3A_504 = arith.muli %add3A_502, %mul3A_503 : i32
        %get3A_505 = arith.index_cast %mul3A_504 : i32 to index
        %get3A_506 = arith.constant 0 : index
        %get3A_507 = arith.constant 0 : index
        %get3A_508 = tpu.vector_load %arg10[%get3A_505, %get3A_506, %get3A_507] {strides = array<i32>} : memref<256x2x128xbf16, #tpu.memory_space<vmem>>, vector<1x2x128xbf16>,
        %get3A_509 = vector.shape_cast %get3A_508 : vector<1x2x128xbf16> to vector<2x128xbf16>
        %add3A_510 = arith.constant 1 : i32
        %add3A_511 = arith.addi %mul3A_504, %add3A_510 : i32
        %get3A_512 = arith.index_cast %add3A_511 : i32 to index
        %get3A_513 = arith.constant 0 : index
        %get3A_514 = arith.constant 0 : index
        %get3A_515 = tpu.vector_load %arg10[%get3A_512, %get3A_513, %get3A_514] {strides = array<i32>} : memref<256x2x128xbf16, #tpu.memory_space<vmem>>, vector<1x2x128xbf16>,
        %get3A_516 = vector.shape_cast %get3A_515 : vector<1x2x128xbf16> to vector<2x128xbf16>
        %max3A = arith.maximumf %get3A_509, %get3A_516 : vector<2x128xbf16>
        %add3A_517 = arith.constant 2 : i32
        %add3A_518 = arith.addi %mul3A_504, %add3A_517 : i32
        %get3A_519 = arith.index_cast %add3A_518 : i32 to index
        %get3A_520 = arith.constant 0 : index
        %get3A_521 = arith.constant 0 : index
        %get3A_522 = tpu.vector_load %arg10[%get3A_519, %get3A_520, %get3A_521] {strides = array<i32>} : memref<256x2x128xbf16, #tpu.memory_space<vmem>>, vector<1x2x128xbf16>,
        %get3A_523 = vector.shape_cast %get3A_522 : vector<1x2x128xbf16> to vector<2x128xbf16>
        %max3A_524 = arith.maximumf %max3A, %get3A_523 : vector<2x128xbf16>
        %add3A_525 = arith.constant 3 : i32
        %add3A_526 = arith.addi %mul3A_504, %add3A_525 : i32
        %get3A_527 = arith.index_cast %add3A_526 : i32 to index
        %get3A_528 = arith.constant 0 : index
        %get3A_529 = arith.constant 0 : index
        %get3A_530 = tpu.vector_load %arg10[%get3A_527, %get3A_528, %get3A_529] {strides = array<i32>} : memref<256x2x128xbf16, #tpu.memory_space<vmem>>, vector<1x2x128xbf16>,
        %get3A_531 = vector.shape_cast %get3A_530 : vector<1x2x128xbf16> to vector<2x128xbf16>
        %max3A_532 = arith.maximumf %max3A_524, %get3A_531 : vector<2x128xbf16>
        %add3A_533 = arith.constant 4 : i32
        %add3A_534 = arith.addi %mul3A_504, %add3A_533 : i32
        %get3A_535 = arith.index_cast %add3A_534 : i32 to index
        %get3A_536 = arith.constant 0 : index
        %get3A_537 = arith.constant 0 : index
        %get3A_538 = tpu.vector_load %arg10[%get3A_535, %get3A_536, %get3A_537] {strides = array<i32>} : memref<256x2x128xbf16, #tpu.memory_space<vmem>>, vector<1x2x128xbf16>,
        %get3A_539 = vector.shape_cast %get3A_538 : vector<1x2x128xbf16> to vector<2x128xbf16>
        %max3A_540 = arith.maximumf %max3A_532, %get3A_539 : vector<2x128xbf16>
        %add3A_541 = arith.constant 5 : i32
        %add3A_542 = arith.addi %mul3A_504, %add3A_541 : i32
        %get3A_543 = arith.index_cast %add3A_542 : i32 to index
        %get3A_544 = arith.constant 0 : index
        %get3A_545 = arith.constant 0 : index
        %get3A_546 = tpu.vector_load %arg10[%get3A_543, %get3A_544, %get3A_545] {strides = array<i32>} : memref<256x2x128xbf16, #tpu.memory_space<vmem>>, vector<1x2x128xbf16>,
        %get3A_547 = vector.shape_cast %get3A_546 : vector<1x2x128xbf16> to vector<2x128xbf16>
        %max3A_548 = arith.maximumf %max3A_540, %get3A_547 : vector<2x128xbf16>
        %add3A_549 = arith.constant 6 : i32
        %add3A_550 = arith.addi %mul3A_504, %add3A_549 : i32
        %get3A_551 = arith.index_cast %add3A_550 : i32 to index
        %get3A_552 = arith.constant 0 : index
        %get3A_553 = arith.constant 0 : index
        %get3A_554 = tpu.vector_load %arg10[%get3A_551, %get3A_552, %get3A_553] {strides = array<i32>} : memref<256x2x128xbf16, #tpu.memory_space<vmem>>, vector<1x2x128xbf16>,
        %get3A_555 = vector.shape_cast %get3A_554 : vector<1x2x128xbf16> to vector<2x128xbf16>
        %max3A_556 = arith.maximumf %max3A_548, %get3A_555 : vector<2x128xbf16>
        %add3A_557 = arith.constant 7 : i32
        %add3A_558 = arith.addi %mul3A_504, %add3A_557 : i32
        %get3A_559 = arith.index_cast %add3A_558 : i32 to index
        %get3A_560 = arith.constant 0 : index
        %get3A_561 = arith.constant 0 : index
        %get3A_562 = tpu.vector_load %arg10[%get3A_559, %get3A_560, %get3A_561] {strides = array<i32>} : memref<256x2x128xbf16, #tpu.memory_space<vmem>>, vector<1x2x128xbf16>,
        %get3A_563 = vector.shape_cast %get3A_562 : vector<1x2x128xbf16> to vector<2x128xbf16>
        %max3A_564 = arith.maximumf %max3A_556, %get3A_563 : vector<2x128xbf16>
        %add3A_565 = arith.constant 8 : i32
        %add3A_566 = arith.addi %mul3A_504, %add3A_565 : i32
        %get3A_567 = arith.index_cast %add3A_566 : i32 to index
        %get3A_568 = arith.constant 0 : index
        %get3A_569 = arith.constant 0 : index
        %get3A_570 = tpu.vector_load %arg10[%get3A_567, %get3A_568, %get3A_569] {strides = array<i32>} : memref<256x2x128xbf16, #tpu.memory_space<vmem>>, vector<1x2x128xbf16>,
        %get3A_571 = vector.shape_cast %get3A_570 : vector<1x2x128xbf16> to vector<2x128xbf16>
        %max3A_572 = arith.maximumf %max3A_564, %get3A_571 : vector<2x128xbf16>
        %add3A_573 = arith.constant 9 : i32
        %add3A_574 = arith.addi %mul3A_504, %add3A_573 : i32
        %get3A_575 = arith.index_cast %add3A_574 : i32 to index
        %get3A_576 = arith.constant 0 : index
        %get3A_577 = arith.constant 0 : index
        %get3A_578 = tpu.vector_load %arg10[%get3A_575, %get3A_576, %get3A_577] {strides = array<i32>} : memref<256x2x128xbf16, #tpu.memory_space<vmem>>, vector<1x2x128xbf16>,
        %get3A_579 = vector.shape_cast %get3A_578 : vector<1x2x128xbf16> to vector<2x128xbf16>
        %max3A_580 = arith.maximumf %max3A_572, %get3A_579 : vector<2x128xbf16>
        %add3A_581 = arith.constant 10 : i32
        %add3A_582 = arith.addi %mul3A_504, %add3A_581 : i32
        %get3A_583 = arith.index_cast %add3A_582 : i32 to index
        %get3A_584 = arith.constant 0 : index
        %get3A_585 = arith.constant 0 : index
        %get3A_586 = tpu.vector_load %arg10[%get3A_583, %get3A_584, %get3A_585] {strides = array<i32>} : memref<256x2x128xbf16, #tpu.memory_space<vmem>>, vector<1x2x128xbf16>,
        %get3A_587 = vector.shape_cast %get3A_586 : vector<1x2x128xbf16> to vector<2x128xbf16>
        %max3A_588 = arith.maximumf %max3A_580, %get3A_587 : vector<2x128xbf16>
        %add3A_589 = arith.constant 11 : i32
        %add3A_590 = arith.addi %mul3A_504, %add3A_589 : i32
        %get3A_591 = arith.index_cast %add3A_590 : i32 to index
        %get3A_592 = arith.constant 0 : index
        %get3A_593 = arith.constant 0 : index
        %get3A_594 = tpu.vector_load %arg10[%get3A_591, %get3A_592, %get3A_593] {strides = array<i32>} : memref<256x2x128xbf16, #tpu.memory_space<vmem>>, vector<1x2x128xbf16>,
        %get3A_595 = vector.shape_cast %get3A_594 : vector<1x2x128xbf16> to vector<2x128xbf16>
        %max3A_596 = arith.maximumf %max3A_588, %get3A_595 : vector<2x128xbf16>
        %add3A_597 = arith.constant 12 : i32
        %add3A_598 = arith.addi %mul3A_504, %add3A_597 : i32
        %get3A_599 = arith.index_cast %add3A_598 : i32 to index
        %get3A_600 = arith.constant 0 : index
        %get3A_601 = arith.constant 0 : index
        %get3A_602 = tpu.vector_load %arg10[%get3A_599, %get3A_600, %get3A_601] {strides = array<i32>} : memref<256x2x128xbf16, #tpu.memory_space<vmem>>, vector<1x2x128xbf16>,
        %get3A_603 = vector.shape_cast %get3A_602 : vector<1x2x128xbf16> to vector<2x128xbf16>
        %max3A_604 = arith.maximumf %max3A_596, %get3A_603 : vector<2x128xbf16>
        %add3A_605 = arith.constant 13 : i32
        %add3A_606 = arith.addi %mul3A_504, %add3A_605 : i32
        %get3A_607 = arith.index_cast %add3A_606 : i32 to index
        %get3A_608 = arith.constant 0 : index
        %get3A_609 = arith.constant 0 : index
        %get3A_610 = tpu.vector_load %arg10[%get3A_607, %get3A_608, %get3A_609] {strides = array<i32>} : memref<256x2x128xbf16, #tpu.memory_space<vmem>>, vector<1x2x128xbf16>,
        %get3A_611 = vector.shape_cast %get3A_610 : vector<1x2x128xbf16> to vector<2x128xbf16>
        %max3A_612 = arith.maximumf %max3A_604, %get3A_611 : vector<2x128xbf16>
        %add3A_613 = arith.constant 14 : i32
        %add3A_614 = arith.addi %mul3A_504, %add3A_613 : i32
        %get3A_615 = arith.index_cast %add3A_614 : i32 to index
        %get3A_616 = arith.constant 0 : index
        %get3A_617 = arith.constant 0 : index
        %get3A_618 = tpu.vector_load %arg10[%get3A_615, %get3A_616, %get3A_617] {strides = array<i32>} : memref<256x2x128xbf16, #tpu.memory_space<vmem>>, vector<1x2x128xbf16>,
        %get3A_619 = vector.shape_cast %get3A_618 : vector<1x2x128xbf16> to vector<2x128xbf16>
        %max3A_620 = arith.maximumf %max3A_612, %get3A_619 : vector<2x128xbf16>
        %add3A_621 = arith.constant 15 : i32
        %add3A_622 = arith.addi %mul3A_504, %add3A_621 : i32
        %get3A_623 = arith.index_cast %add3A_622 : i32 to index
        %get3A_624 = arith.constant 0 : index
        %get3A_625 = arith.constant 0 : index
        %get3A_626 = tpu.vector_load %arg10[%get3A_623, %get3A_624, %get3A_625] {strides = array<i32>} : memref<256x2x128xbf16, #tpu.memory_space<vmem>>, vector<1x2x128xbf16>,
        %get3A_627 = vector.shape_cast %get3A_626 : vector<1x2x128xbf16> to vector<2x128xbf16>
        %max3A_628 = arith.maximumf %max3A_620, %get3A_627 : vector<2x128xbf16>
        %convert_element_type3A_629 = arith.extf %max3A_628 : vector<2x128xbf16> to vector<2x128xf32>
        %slice3A = vector.extract_strided_slice %convert_element_type3A_629 {offsets = [0, 0], sizes = [1, 128], strides = [1, 1]} : vector<2x128xf32> to vector<1x128xf32>
        %squeeze3A = vector.shape_cast %slice3A : vector<1x128xf32> to vector<128xf32>
        %slice3A_630 = vector.extract_strided_slice %convert_element_type3A_629 {offsets = [1, 0], sizes = [1, 128], strides = [1, 1]} : vector<2x128xf32> to vector<1x128xf32>
        %squeeze3A_631 = vector.shape_cast %slice3A_630 : vector<1x128xf32> to vector<128xf32>
        %add3A_632 = arith.addf %squeeze3A, %squeeze3A_631 : vector<128xf32>
        %slice3A_633 = vector.extract_strided_slice %convert_element_type3A_498 {offsets = [0, 0], sizes = [1, 128], strides = [1, 1]} : vector<2x128xf32> to vector<1x128xf32>
        %squeeze3A_634 = vector.shape_cast %slice3A_633 : vector<1x128xf32> to vector<128xf32>
        %add3A_635 = arith.addf %add3A_632, %squeeze3A_634 : vector<128xf32>
        %swap3A_636 = arith.constant 0 : index
        %swap3A_637 = tpu.vector_load %arg17[%swap3A_636] {strides = array<i32>} : memref<256xf32, #tpu.memory_space<vmem>>, vector<128xf32>,
        %swap3A_638 = vector.shape_cast %swap3A_637 : vector<128xf32> to vector<128xf32>
        %swap3A_639 = vector.shape_cast %add3A_635 : vector<128xf32> to vector<128xf32>
        tpu.vector_store %arg17[%swap3A_636], %swap3A_639 {add = true, strides = array<i32>} : memref<256xf32, #tpu.memory_space<vmem>>, vector<128xf32>,
        %mul3A_640 = arith.mulf %add3A_635, %add3A_635 : vector<128xf32>
        %swap3A_641 = arith.constant 128 : index
        %swap3A_642 = tpu.vector_load %arg17[%swap3A_641] {strides = array<i32>} : memref<256xf32, #tpu.memory_space<vmem>>, vector<128xf32>,
        %swap3A_643 = vector.shape_cast %swap3A_642 : vector<128xf32> to vector<128xf32>
        %swap3A_644 = vector.shape_cast %mul3A_640 : vector<128xf32> to vector<128xf32>
        tpu.vector_store %arg17[%swap3A_641], %swap3A_644 {add = true, strides = array<i32>} : memref<256xf32, #tpu.memory_space<vmem>>, vector<128xf32>,
        %broadcast_in_dim3A_645 = vector.shape_cast %add3A_635 : vector<128xf32> to vector<1x128xf32>
        %mul3A_646 = arith.constant 2 : i32
        %mul3A_647 = arith.muli %mul3A_646, %scan3A_493 : i32
        %add3A_648 = arith.constant 1 : i32
        %add3A_649 = arith.addi %mul3A_647, %add3A_648 : i32
        %mul3A_650 = arith.constant 16 : i32
        %mul3A_651 = arith.muli %add3A_649, %mul3A_650 : i32
        %get3A_652 = arith.index_cast %mul3A_651 : i32 to index
        %get3A_653 = arith.constant 0 : index
        %get3A_654 = arith.constant 0 : index
        %get3A_655 = tpu.vector_load %arg10[%get3A_652, %get3A_653, %get3A_654] {strides = array<i32>} : memref<256x2x128xbf16, #tpu.memory_space<vmem>>, vector<1x2x128xbf16>,
        %get3A_656 = vector.shape_cast %get3A_655 : vector<1x2x128xbf16> to vector<2x128xbf16>
        %add3A_657 = arith.constant 1 : i32
        %add3A_658 = arith.addi %mul3A_651, %add3A_657 : i32
        %get3A_659 = arith.index_cast %add3A_658 : i32 to index
        %get3A_660 = arith.constant 0 : index
        %get3A_661 = arith.constant 0 : index
        %get3A_662 = tpu.vector_load %arg10[%get3A_659, %get3A_660, %get3A_661] {strides = array<i32>} : memref<256x2x128xbf16, #tpu.memory_space<vmem>>, vector<1x2x128xbf16>,
        %get3A_663 = vector.shape_cast %get3A_662 : vector<1x2x128xbf16> to vector<2x128xbf16>
        %max3A_664 = arith.maximumf %get3A_656, %get3A_663 : vector<2x128xbf16>
        %add3A_665 = arith.constant 2 : i32
        %add3A_666 = arith.addi %mul3A_651, %add3A_665 : i32
        %get3A_667 = arith.index_cast %add3A_666 : i32 to index
        %get3A_668 = arith.constant 0 : index
        %get3A_669 = arith.constant 0 : index
        %get3A_670 = tpu.vector_load %arg10[%get3A_667, %get3A_668, %get3A_669] {strides = array<i32>} : memref<256x2x128xbf16, #tpu.memory_space<vmem>>, vector<1x2x128xbf16>,
        %get3A_671 = vector.shape_cast %get3A_670 : vector<1x2x128xbf16> to vector<2x128xbf16>
        %max3A_672 = arith.maximumf %max3A_664, %get3A_671 : vector<2x128xbf16>
        %add3A_673 = arith.constant 3 : i32
        %add3A_674 = arith.addi %mul3A_651, %add3A_673 : i32
        %get3A_675 = arith.index_cast %add3A_674 : i32 to index
        %get3A_676 = arith.constant 0 : index
        %get3A_677 = arith.constant 0 : index
        %get3A_678 = tpu.vector_load %arg10[%get3A_675, %get3A_676, %get3A_677] {strides = array<i32>} : memref<256x2x128xbf16, #tpu.memory_space<vmem>>, vector<1x2x128xbf16>,
        %get3A_679 = vector.shape_cast %get3A_678 : vector<1x2x128xbf16> to vector<2x128xbf16>
        %max3A_680 = arith.maximumf %max3A_672, %get3A_679 : vector<2x128xbf16>
        %add3A_681 = arith.constant 4 : i32
        %add3A_682 = arith.addi %mul3A_651, %add3A_681 : i32
        %get3A_683 = arith.index_cast %add3A_682 : i32 to index
        %get3A_684 = arith.constant 0 : index
        %get3A_685 = arith.constant 0 : index
        %get3A_686 = tpu.vector_load %arg10[%get3A_683, %get3A_684, %get3A_685] {strides = array<i32>} : memref<256x2x128xbf16, #tpu.memory_space<vmem>>, vector<1x2x128xbf16>,
        %get3A_687 = vector.shape_cast %get3A_686 : vector<1x2x128xbf16> to vector<2x128xbf16>
        %max3A_688 = arith.maximumf %max3A_680, %get3A_687 : vector<2x128xbf16>
        %add3A_689 = arith.constant 5 : i32
        %add3A_690 = arith.addi %mul3A_651, %add3A_689 : i32
        %get3A_691 = arith.index_cast %add3A_690 : i32 to index
        %get3A_692 = arith.constant 0 : index
        %get3A_693 = arith.constant 0 : index
        %get3A_694 = tpu.vector_load %arg10[%get3A_691, %get3A_692, %get3A_693] {strides = array<i32>} : memref<256x2x128xbf16, #tpu.memory_space<vmem>>, vector<1x2x128xbf16>,
        %get3A_695 = vector.shape_cast %get3A_694 : vector<1x2x128xbf16> to vector<2x128xbf16>
        %max3A_696 = arith.maximumf %max3A_688, %get3A_695 : vector<2x128xbf16>
        %add3A_697 = arith.constant 6 : i32
        %add3A_698 = arith.addi %mul3A_651, %add3A_697 : i32
        %get3A_699 = arith.index_cast %add3A_698 : i32 to index
        %get3A_700 = arith.constant 0 : index
        %get3A_701 = arith.constant 0 : index
        %get3A_702 = tpu.vector_load %arg10[%get3A_699, %get3A_700, %get3A_701] {strides = array<i32>} : memref<256x2x128xbf16, #tpu.memory_space<vmem>>, vector<1x2x128xbf16>,
        %get3A_703 = vector.shape_cast %get3A_702 : vector<1x2x128xbf16> to vector<2x128xbf16>
        %max3A_704 = arith.maximumf %max3A_696, %get3A_703 : vector<2x128xbf16>
        %add3A_705 = arith.constant 7 : i32
        %add3A_706 = arith.addi %mul3A_651, %add3A_705 : i32
        %get3A_707 = arith.index_cast %add3A_706 : i32 to index
        %get3A_708 = arith.constant 0 : index
        %get3A_709 = arith.constant 0 : index
        %get3A_710 = tpu.vector_load %arg10[%get3A_707, %get3A_708, %get3A_709] {strides = array<i32>} : memref<256x2x128xbf16, #tpu.memory_space<vmem>>, vector<1x2x128xbf16>,
        %get3A_711 = vector.shape_cast %get3A_710 : vector<1x2x128xbf16> to vector<2x128xbf16>
        %max3A_712 = arith.maximumf %max3A_704, %get3A_711 : vector<2x128xbf16>
        %add3A_713 = arith.constant 8 : i32
        %add3A_714 = arith.addi %mul3A_651, %add3A_713 : i32
        %get3A_715 = arith.index_cast %add3A_714 : i32 to index
        %get3A_716 = arith.constant 0 : index
        %get3A_717 = arith.constant 0 : index
        %get3A_718 = tpu.vector_load %arg10[%get3A_715, %get3A_716, %get3A_717] {strides = array<i32>} : memref<256x2x128xbf16, #tpu.memory_space<vmem>>, vector<1x2x128xbf16>,
        %get3A_719 = vector.shape_cast %get3A_718 : vector<1x2x128xbf16> to vector<2x128xbf16>
        %max3A_720 = arith.maximumf %max3A_712, %get3A_719 : vector<2x128xbf16>
        %add3A_721 = arith.constant 9 : i32
        %add3A_722 = arith.addi %mul3A_651, %add3A_721 : i32
        %get3A_723 = arith.index_cast %add3A_722 : i32 to index
        %get3A_724 = arith.constant 0 : index
        %get3A_725 = arith.constant 0 : index
        %get3A_726 = tpu.vector_load %arg10[%get3A_723, %get3A_724, %get3A_725] {strides = array<i32>} : memref<256x2x128xbf16, #tpu.memory_space<vmem>>, vector<1x2x128xbf16>,
        %get3A_727 = vector.shape_cast %get3A_726 : vector<1x2x128xbf16> to vector<2x128xbf16>
        %max3A_728 = arith.maximumf %max3A_720, %get3A_727 : vector<2x128xbf16>
        %add3A_729 = arith.constant 10 : i32
        %add3A_730 = arith.addi %mul3A_651, %add3A_729 : i32
        %get3A_731 = arith.index_cast %add3A_730 : i32 to index
        %get3A_732 = arith.constant 0 : index
        %get3A_733 = arith.constant 0 : index
        %get3A_734 = tpu.vector_load %arg10[%get3A_731, %get3A_732, %get3A_733] {strides = array<i32>} : memref<256x2x128xbf16, #tpu.memory_space<vmem>>, vector<1x2x128xbf16>,
        %get3A_735 = vector.shape_cast %get3A_734 : vector<1x2x128xbf16> to vector<2x128xbf16>
        %max3A_736 = arith.maximumf %max3A_728, %get3A_735 : vector<2x128xbf16>
        %add3A_737 = arith.constant 11 : i32
        %add3A_738 = arith.addi %mul3A_651, %add3A_737 : i32
        %get3A_739 = arith.index_cast %add3A_738 : i32 to index
        %get3A_740 = arith.constant 0 : index
        %get3A_741 = arith.constant 0 : index
        %get3A_742 = tpu.vector_load %arg10[%get3A_739, %get3A_740, %get3A_741] {strides = array<i32>} : memref<256x2x128xbf16, #tpu.memory_space<vmem>>, vector<1x2x128xbf16>,
        %get3A_743 = vector.shape_cast %get3A_742 : vector<1x2x128xbf16> to vector<2x128xbf16>
        %max3A_744 = arith.maximumf %max3A_736, %get3A_743 : vector<2x128xbf16>
        %add3A_745 = arith.constant 12 : i32
        %add3A_746 = arith.addi %mul3A_651, %add3A_745 : i32
        %get3A_747 = arith.index_cast %add3A_746 : i32 to index
        %get3A_748 = arith.constant 0 : index
        %get3A_749 = arith.constant 0 : index
        %get3A_750 = tpu.vector_load %arg10[%get3A_747, %get3A_748, %get3A_749] {strides = array<i32>} : memref<256x2x128xbf16, #tpu.memory_space<vmem>>, vector<1x2x128xbf16>,
        %get3A_751 = vector.shape_cast %get3A_750 : vector<1x2x128xbf16> to vector<2x128xbf16>
        %max3A_752 = arith.maximumf %max3A_744, %get3A_751 : vector<2x128xbf16>
        %add3A_753 = arith.constant 13 : i32
        %add3A_754 = arith.addi %mul3A_651, %add3A_753 : i32
        %get3A_755 = arith.index_cast %add3A_754 : i32 to index
        %get3A_756 = arith.constant 0 : index
        %get3A_757 = arith.constant 0 : index
        %get3A_758 = tpu.vector_load %arg10[%get3A_755, %get3A_756, %get3A_757] {strides = array<i32>} : memref<256x2x128xbf16, #tpu.memory_space<vmem>>, vector<1x2x128xbf16>,
        %get3A_759 = vector.shape_cast %get3A_758 : vector<1x2x128xbf16> to vector<2x128xbf16>
        %max3A_760 = arith.maximumf %max3A_752, %get3A_759 : vector<2x128xbf16>
        %add3A_761 = arith.constant 14 : i32
        %add3A_762 = arith.addi %mul3A_651, %add3A_761 : i32
        %get3A_763 = arith.index_cast %add3A_762 : i32 to index
        %get3A_764 = arith.constant 0 : index
        %get3A_765 = arith.constant 0 : index
        %get3A_766 = tpu.vector_load %arg10[%get3A_763, %get3A_764, %get3A_765] {strides = array<i32>} : memref<256x2x128xbf16, #tpu.memory_space<vmem>>, vector<1x2x128xbf16>,
        %get3A_767 = vector.shape_cast %get3A_766 : vector<1x2x128xbf16> to vector<2x128xbf16>
        %max3A_768 = arith.maximumf %max3A_760, %get3A_767 : vector<2x128xbf16>
        %add3A_769 = arith.constant 15 : i32
        %add3A_770 = arith.addi %mul3A_651, %add3A_769 : i32
        %get3A_771 = arith.index_cast %add3A_770 : i32 to index
        %get3A_772 = arith.constant 0 : index
        %get3A_773 = arith.constant 0 : index
        %get3A_774 = tpu.vector_load %arg10[%get3A_771, %get3A_772, %get3A_773] {strides = array<i32>} : memref<256x2x128xbf16, #tpu.memory_space<vmem>>, vector<1x2x128xbf16>,
        %get3A_775 = vector.shape_cast %get3A_774 : vector<1x2x128xbf16> to vector<2x128xbf16>
        %max3A_776 = arith.maximumf %max3A_768, %get3A_775 : vector<2x128xbf16>
        %convert_element_type3A_777 = arith.extf %max3A_776 : vector<2x128xbf16> to vector<2x128xf32>
        %slice3A_778 = vector.extract_strided_slice %convert_element_type3A_777 {offsets = [0, 0], sizes = [1, 128], strides = [1, 1]} : vector<2x128xf32> to vector<1x128xf32>
        %squeeze3A_779 = vector.shape_cast %slice3A_778 : vector<1x128xf32> to vector<128xf32>
        %slice3A_780 = vector.extract_strided_slice %convert_element_type3A_777 {offsets = [1, 0], sizes = [1, 128], strides = [1, 1]} : vector<2x128xf32> to vector<1x128xf32>
        %squeeze3A_781 = vector.shape_cast %slice3A_780 : vector<1x128xf32> to vector<128xf32>
        %add3A_782 = arith.addf %squeeze3A_779, %squeeze3A_781 : vector<128xf32>
        %slice3A_783 = vector.extract_strided_slice %convert_element_type3A_498 {offsets = [1, 0], sizes = [1, 128], strides = [1, 1]} : vector<2x128xf32> to vector<1x128xf32>
        %squeeze3A_784 = vector.shape_cast %slice3A_783 : vector<1x128xf32> to vector<128xf32>
        %add3A_785 = arith.addf %add3A_782, %squeeze3A_784 : vector<128xf32>
        %swap3A_786 = arith.constant 0 : index
        %swap3A_787 = tpu.vector_load %arg17[%swap3A_786] {strides = array<i32>} : memref<256xf32, #tpu.memory_space<vmem>>, vector<128xf32>,
        %swap3A_788 = vector.shape_cast %swap3A_787 : vector<128xf32> to vector<128xf32>
        %swap3A_789 = vector.shape_cast %add3A_785 : vector<128xf32> to vector<128xf32>
        tpu.vector_store %arg17[%swap3A_786], %swap3A_789 {add = true, strides = array<i32>} : memref<256xf32, #tpu.memory_space<vmem>>, vector<128xf32>,
        %mul3A_790 = arith.mulf %add3A_785, %add3A_785 : vector<128xf32>
        %swap3A_791 = arith.constant 128 : index
        %swap3A_792 = tpu.vector_load %arg17[%swap3A_791] {strides = array<i32>} : memref<256xf32, #tpu.memory_space<vmem>>, vector<128xf32>,
        %swap3A_793 = vector.shape_cast %swap3A_792 : vector<128xf32> to vector<128xf32>
        %swap3A_794 = vector.shape_cast %mul3A_790 : vector<128xf32> to vector<128xf32>
        tpu.vector_store %arg17[%swap3A_791], %swap3A_794 {add = true, strides = array<i32>} : memref<256xf32, #tpu.memory_space<vmem>>, vector<128xf32>,
        %broadcast_in_dim3A_795 = vector.shape_cast %add3A_785 : vector<128xf32> to vector<1x128xf32>
        %concatenate3A = tpu.concatenate %broadcast_in_dim3A_645, %broadcast_in_dim3A_795 in 0 : vector<1x128xf32>, vector<1x128xf32> -> vector<2x128xf32>
        %convert_element_type3A_796 = arith.truncf %concatenate3A : vector<2x128xf32> to vector<2x128xbf16>
        %swap3A_797 = arith.index_cast %scan3A_493 : i32 to index
        %swap3A_798 = arith.constant 0 : index
        %swap3A_799 = arith.constant 0 : index
        %swap3A_800 = tpu.vector_load %arg16[%swap3A_797, %swap3A_798, %swap3A_799] {strides = array<i32>} : memref<8x2x128xbf16, #tpu.memory_space<vmem>>, vector<1x2x128xbf16>,
        %swap3A_801 = vector.shape_cast %swap3A_800 : vector<1x2x128xbf16> to vector<2x128xbf16>
        %swap3A_802 = vector.shape_cast %convert_element_type3A_796 : vector<2x128xbf16> to vector<1x2x128xbf16>
        tpu.vector_store %arg16[%swap3A_797, %swap3A_798, %swap3A_799], %swap3A_802 {strides = array<i32>} : memref<8x2x128xbf16, #tpu.memory_space<vmem>>, vector<1x2x128xbf16>,
      }
      %scan3A_472 = arith.constant 8 : i32
      %mul3A_473 = arith.constant 8 : i32
      %mul3A_474 = arith.muli %add3A_416, %mul3A_473 : i32
      %add3A_475 = arith.addi %select_n3A, %mul3A_474 : i32
      %dma_start3A_476 = tpu.memref_bitcast %arg16 : memref<8x2x128xbf16, #tpu.memory_space<vmem>> -> memref<8x1x128xi32, #tpu.memory_space<vmem>>
      %dma_start3A_477 = tpu.memref_bitcast %arg5 : memref<16384x2x128xbf16, #tpu.memory_space<hbm>> -> memref<16384x1x128xi32, #tpu.memory_space<hbm>>
      %dma_start3A_478 = arith.constant 0 : i32
      %dma_start3A_479 = arith.constant 0 : i32
      %dma_start3A_480 = tpu.memref_slice %dma_start3A_477[%add3A_475, %dma_start3A_478, %dma_start3A_479] : memref<16384x1x128xi32, #tpu.memory_space<hbm>> -> memref<8x1x128xi32, #tpu.memory_space<hbm>>
      %dma_start3A_481 = tpu.memref_bitcast %arg5 : memref<16384x2x128xbf16, #tpu.memory_space<hbm>> -> memref<16384x1x128xi32, #tpu.memory_space<hbm>>
      %dma_start3A_482 = arith.constant 0 : i32
      %dma_start3A_483 = arith.constant 0 : i32
      %dma_start3A_484 = tpu.memref_slice %dma_start3A_481[%add3A_475, %dma_start3A_482, %dma_start3A_483] : memref<16384x1x128xi32, #tpu.memory_space<hbm>> -> memref<8x1x128xi32, #tpu.memory_space<hbm>>
      %dma_start3A_485 = tpu.memref_bitcast %arg16 : memref<8x2x128xbf16, #tpu.memory_space<vmem>> -> memref<8x1x128xi32, #tpu.memory_space<vmem>>
      tpu.enqueue_dma source(%dma_start3A_485 : memref<8x1x128xi32, #tpu.memory_space<vmem>>) target(%dma_start3A_484 : memref<8x1x128xi32, #tpu.memory_space<hbm>>) target_semaphore(%arg26 : memref<!tpu.dma_semaphore, #tpu.memory_space<semaphore_mem>>)
      %add3A_486 = arith.constant 3 : i32
      %add3A_487 = arith.addi %add3A_416, %add3A_486 : i32
      %lt3A_488 = arith.constant 64 : i32
      %lt3A_489 = arith.cmpi slt, %add3A_487, %lt3A_488 : i32
      %convert_element_type3A_490 = arith.extui %lt3A_489 : i1 to i32
      %cond3A_491 = arith.constant 0 : i32
      %cond3A_492 = arith.cmpi ne, %convert_element_type3A_490, %cond3A_491 : i32
      scf.if %cond3A_492 {
        %mul3A_493 = arith.constant 2 : i32
        %mul3A_494 = arith.muli %mul3A_493, %add3A_487 : i32
        %dma_start3A_495 = tpu.memref_bitcast %arg10 : memref<256x2x128xbf16, #tpu.memory_space<vmem>> -> memref<256x1x128xi32, #tpu.memory_space<vmem>>
        %dma_start3A_496 = arith.constant 0 : i32
        %dma_start3A_497 = arith.constant 0 : i32
        %dma_start3A_498 = arith.constant 0 : i32
        %dma_start3A_499 = tpu.memref_slice %dma_start3A_495[%dma_start3A_496, %dma_start3A_497, %dma_start3A_498] : memref<256x1x128xi32, #tpu.memory_space<vmem>> -> memref<128x1x128xi32, #tpu.memory_space<vmem>>
        %dma_start3A_500 = arith.constant 0 : i32
        %dma_start3A_501 = tpu.memref_slice %arg7[%mul3A_494, %dma_start3A_500] : memref<128x128xi32, #tpu.memory_space<vmem>> -> memref<1x128xi32, #tpu.memory_space<vmem>>
        %dma_start3A_502 = tpu.memref_squeeze %dma_start3A_501 : memref<1x128xi32, #tpu.memory_space<vmem>> -> memref<128xi32, #tpu.memory_space<vmem>>
        %dma_start3A_503 = tpu.memref_bitcast %arg2 : memref<32768x2x128xbf16, #tpu.memory_space<hbm>> -> memref<32768x1x128xi32, #tpu.memory_space<hbm>>
        %dma_start3A_504 = arith.constant 0 : i32
        %dma_start3A_505 = arith.constant 0 : i32
        %dma_start3A_506 = arith.constant 0 : i32
        %dma_start3A_507 = tpu.memref_slice %dma_start3A_503[%dma_start3A_504, %dma_start3A_505, %dma_start3A_506] : memref<32768x1x128xi32, #tpu.memory_space<hbm>> -> memref<32768x1x128xi32, #tpu.memory_space<hbm>>
        tpu.enqueue_indirect_dma source(%dma_start3A_507 : memref<32768x1x128xi32, #tpu.memory_space<hbm>>) target(%dma_start3A_499 : memref<128x1x128xi32, #tpu.memory_space<vmem>>) offsets(%dma_start3A_502 : memref<128xi32, #tpu.memory_space<vmem>>) semaphore(%arg20 : memref<!tpu.dma_semaphore, #tpu.memory_space<semaphore_mem>>)
        %mul3A_508 = arith.constant 2 : i32
        %mul3A_509 = arith.muli %mul3A_508, %add3A_487 : i32
        %add3A_510 = arith.constant 1 : i32
        %add3A_511 = arith.addi %mul3A_509, %add3A_510 : i32
        %dma_start3A_512 = tpu.memref_bitcast %arg10 : memref<256x2x128xbf16, #tpu.memory_space<vmem>> -> memref<256x1x128xi32, #tpu.memory_space<vmem>>
        %dma_start3A_513 = arith.constant 128 : i32
        %dma_start3A_514 = arith.constant 0 : i32
        %dma_start3A_515 = arith.constant 0 : i32
        %dma_start3A_516 = tpu.memref_slice %dma_start3A_512[%dma_start3A_513, %dma_start3A_514, %dma_start3A_515] : memref<256x1x128xi32, #tpu.memory_space<vmem>> -> memref<128x1x128xi32, #tpu.memory_space<vmem>>
        %dma_start3A_517 = arith.constant 0 : i32
        %dma_start3A_518 = tpu.memref_slice %arg7[%add3A_511, %dma_start3A_517] : memref<128x128xi32, #tpu.memory_space<vmem>> -> memref<1x128xi32, #tpu.memory_space<vmem>>
        %dma_start3A_519 = tpu.memref_squeeze %dma_start3A_518 : memref<1x128xi32, #tpu.memory_space<vmem>> -> memref<128xi32, #tpu.memory_space<vmem>>
        %dma_start3A_520 = tpu.memref_bitcast %arg2 : memref<32768x2x128xbf16, #tpu.memory_space<hbm>> -> memref<32768x1x128xi32, #tpu.memory_space<hbm>>
        %dma_start3A_521 = arith.constant 0 : i32
        %dma_start3A_522 = arith.constant 0 : i32
        %dma_start3A_523 = arith.constant 0 : i32
        %dma_start3A_524 = tpu.memref_slice %dma_start3A_520[%dma_start3A_521, %dma_start3A_522, %dma_start3A_523] : memref<32768x1x128xi32, #tpu.memory_space<hbm>> -> memref<32768x1x128xi32, #tpu.memory_space<hbm>>
        tpu.enqueue_indirect_dma source(%dma_start3A_524 : memref<32768x1x128xi32, #tpu.memory_space<hbm>>) target(%dma_start3A_516 : memref<128x1x128xi32, #tpu.memory_space<vmem>>) offsets(%dma_start3A_519 : memref<128xi32, #tpu.memory_space<vmem>>) semaphore(%arg20 : memref<!tpu.dma_semaphore, #tpu.memory_space<semaphore_mem>>)
        %mul3A_525 = arith.constant 8 : i32
        %mul3A_526 = arith.muli %add3A_487, %mul3A_525 : i32
        %add3A_527 = arith.addi %select_n3A, %mul3A_526 : i32
        %dma_start3A_528 = tpu.memref_bitcast %arg13 : memref<8x2x128xbf16, #tpu.memory_space<vmem>> -> memref<8x1x128xi32, #tpu.memory_space<vmem>>
        %dma_start3A_529 = tpu.memref_bitcast %arg4 : memref<16384x2x128xbf16, #tpu.memory_space<hbm>> -> memref<16384x1x128xi32, #tpu.memory_space<hbm>>
        %dma_start3A_530 = arith.constant 0 : i32
        %dma_start3A_531 = arith.constant 0 : i32
        %dma_start3A_532 = tpu.memref_slice %dma_start3A_529[%add3A_527, %dma_start3A_530, %dma_start3A_531] : memref<16384x1x128xi32, #tpu.memory_space<hbm>> -> memref<8x1x128xi32, #tpu.memory_space<hbm>>
        %dma_start3A_533 = tpu.memref_bitcast %arg13 : memref<8x2x128xbf16, #tpu.memory_space<vmem>> -> memref<8x1x128xi32, #tpu.memory_space<vmem>>
        %dma_start3A_534 = tpu.memref_bitcast %arg4 : memref<16384x2x128xbf16, #tpu.memory_space<hbm>> -> memref<16384x1x128xi32, #tpu.memory_space<hbm>>
        %dma_start3A_535 = arith.constant 0 : i32
        %dma_start3A_536 = arith.constant 0 : i32
        %dma_start3A_537 = tpu.memref_slice %dma_start3A_534[%add3A_527, %dma_start3A_535, %dma_start3A_536] : memref<16384x1x128xi32, #tpu.memory_space<hbm>> -> memref<8x1x128xi32, #tpu.memory_space<hbm>>
        tpu.enqueue_dma source(%dma_start3A_537 : memref<8x1x128xi32, #tpu.memory_space<hbm>>) target(%dma_start3A_533 : memref<8x1x128xi32, #tpu.memory_space<vmem>>) target_semaphore(%arg23 : memref<!tpu.dma_semaphore, #tpu.memory_space<semaphore_mem>>)
      } else {
      }
    }
    %scan3A_150 = arith.constant 21 : i32
    %dma_wait3A = arith.constant 126 : i32
    %dma_wait3A_151 = tpu.memref_bitcast %arg8 : memref<256x2x128xbf16, #tpu.memory_space<vmem>> -> memref<256x1x128xi32, #tpu.memory_space<vmem>>
    %dma_wait3A_152 = arith.constant 0 : i32
    %dma_wait3A_153 = arith.constant 0 : i32
    %dma_wait3A_154 = arith.constant 0 : i32
    %dma_wait3A_155 = tpu.memref_slice %dma_wait3A_151[%dma_wait3A_152, %dma_wait3A_153, %dma_wait3A_154] : memref<256x1x128xi32, #tpu.memory_space<vmem>> -> memref<128x1x128xi32, #tpu.memory_space<vmem>>
    %dma_wait3A_156 = arith.constant 0 : i32
    %dma_wait3A_157 = tpu.memref_slice %arg7[%dma_wait3A, %dma_wait3A_156] : memref<128x128xi32, #tpu.memory_space<vmem>> -> memref<1x128xi32, #tpu.memory_space<vmem>>
    %dma_wait3A_158 = tpu.memref_squeeze %dma_wait3A_157 : memref<1x128xi32, #tpu.memory_space<vmem>> -> memref<128xi32, #tpu.memory_space<vmem>>
    %dma_wait3A_159 = tpu.memref_bitcast %arg2 : memref<32768x2x128xbf16, #tpu.memory_space<hbm>> -> memref<32768x1x128xi32, #tpu.memory_space<hbm>>
    %dma_wait3A_160 = arith.constant 0 : i32
    %dma_wait3A_161 = arith.constant 0 : i32
    %dma_wait3A_162 = arith.constant 0 : i32
    %dma_wait3A_163 = tpu.memref_slice %dma_wait3A_159[%dma_wait3A_160, %dma_wait3A_161, %dma_wait3A_162] : memref<32768x1x128xi32, #tpu.memory_space<hbm>> -> memref<32768x1x128xi32, #tpu.memory_space<hbm>>
    tpu.wait_indirect_dma semaphore(%arg18 : memref<!tpu.dma_semaphore, #tpu.memory_space<semaphore_mem>>) src(%dma_wait3A_163 : memref<32768x1x128xi32, #tpu.memory_space<hbm>>) dst(%dma_wait3A_155 : memref<128x1x128xi32, #tpu.memory_space<vmem>>)
    %dma_wait3A_164 = arith.constant 127 : i32
    %dma_wait3A_165 = tpu.memref_bitcast %arg8 : memref<256x2x128xbf16, #tpu.memory_space<vmem>> -> memref<256x1x128xi32, #tpu.memory_space<vmem>>
    %dma_wait3A_166 = arith.constant 128 : i32
    %dma_wait3A_167 = arith.constant 0 : i32
    %dma_wait3A_168 = arith.constant 0 : i32
    %dma_wait3A_169 = tpu.memref_slice %dma_wait3A_165[%dma_wait3A_166, %dma_wait3A_167, %dma_wait3A_168] : memref<256x1x128xi32, #tpu.memory_space<vmem>> -> memref<128x1x128xi32, #tpu.memory_space<vmem>>
    %dma_wait3A_170 = arith.constant 0 : i32
    %dma_wait3A_171 = tpu.memref_slice %arg7[%dma_wait3A_164, %dma_wait3A_170] : memref<128x128xi32, #tpu.memory_space<vmem>> -> memref<1x128xi32, #tpu.memory_space<vmem>>
    %dma_wait3A_172 = tpu.memref_squeeze %dma_wait3A_171 : memref<1x128xi32, #tpu.memory_space<vmem>> -> memref<128xi32, #tpu.memory_space<vmem>>
    %dma_wait3A_173 = tpu.memref_bitcast %arg2 : memref<32768x2x128xbf16, #tpu.memory_space<hbm>> -> memref<32768x1x128xi32, #tpu.memory_space<hbm>>
    %dma_wait3A_174 = arith.constant 0 : i32
    %dma_wait3A_175 = arith.constant 0 : i32
    %dma_wait3A_176 = arith.constant 0 : i32
    %dma_wait3A_177 = tpu.memref_slice %dma_wait3A_173[%dma_wait3A_174, %dma_wait3A_175, %dma_wait3A_176] : memref<32768x1x128xi32, #tpu.memory_space<hbm>> -> memref<32768x1x128xi32, #tpu.memory_space<hbm>>
    tpu.wait_indirect_dma semaphore(%arg18 : memref<!tpu.dma_semaphore, #tpu.memory_space<semaphore_mem>>) src(%dma_wait3A_177 : memref<32768x1x128xi32, #tpu.memory_space<hbm>>) dst(%dma_wait3A_169 : memref<128x1x128xi32, #tpu.memory_space<vmem>>)
    %add3A_178 = arith.constant 504 : i32
    %add3A_179 = arith.addi %select_n3A, %add3A_178 : i32
    %dma_wait3A_180 = tpu.memref_bitcast %arg11 : memref<8x2x128xbf16, #tpu.memory_space<vmem>> -> memref<8x1x128xi32, #tpu.memory_space<vmem>>
    %dma_wait3A_181 = tpu.memref_bitcast %arg4 : memref<16384x2x128xbf16, #tpu.memory_space<hbm>> -> memref<16384x1x128xi32, #tpu.memory_space<hbm>>
    %dma_wait3A_182 = arith.constant 0 : i32
    %dma_wait3A_183 = arith.constant 0 : i32
    %dma_wait3A_184 = tpu.memref_slice %dma_wait3A_181[%add3A_179, %dma_wait3A_182, %dma_wait3A_183] : memref<16384x1x128xi32, #tpu.memory_space<hbm>> -> memref<8x1x128xi32, #tpu.memory_space<hbm>>
    %dma_wait3A_185 = tpu.memref_bitcast %arg11 : memref<8x2x128xbf16, #tpu.memory_space<vmem>> -> memref<8x1x128xi32, #tpu.memory_space<vmem>>
    %dma_wait3A_186 = tpu.memref_bitcast %arg4 : memref<16384x2x128xbf16, #tpu.memory_space<hbm>> -> memref<16384x1x128xi32, #tpu.memory_space<hbm>>
    %dma_wait3A_187 = arith.constant 0 : i32
    %dma_wait3A_188 = arith.constant 0 : i32
    %dma_wait3A_189 = tpu.memref_slice %dma_wait3A_186[%add3A_179, %dma_wait3A_187, %dma_wait3A_188] : memref<16384x1x128xi32, #tpu.memory_space<hbm>> -> memref<8x1x128xi32, #tpu.memory_space<hbm>>
    tpu.wait_dma2 semaphore(%arg21 : memref<!tpu.dma_semaphore, #tpu.memory_space<semaphore_mem>>) src(%dma_wait3A_189 : memref<8x1x128xi32, #tpu.memory_space<hbm>>) dst(%dma_wait3A_185 : memref<8x1x128xi32, #tpu.memory_space<vmem>>)
    %add3A_190 = arith.constant 480 : i32
    %add3A_191 = arith.addi %select_n3A, %add3A_190 : i32
    %dma_wait3A_192 = tpu.memref_bitcast %arg14 : memref<8x2x128xbf16, #tpu.memory_space<vmem>> -> memref<8x1x128xi32, #tpu.memory_space<vmem>>
    %dma_wait3A_193 = tpu.memref_bitcast %arg5 : memref<16384x2x128xbf16, #tpu.memory_space<hbm>> -> memref<16384x1x128xi32, #tpu.memory_space<hbm>>
    %dma_wait3A_194 = arith.constant 0 : i32
    %dma_wait3A_195 = arith.constant 0 : i32
    %dma_wait3A_196 = tpu.memref_slice %dma_wait3A_193[%add3A_191, %dma_wait3A_194, %dma_wait3A_195] : memref<16384x1x128xi32, #tpu.memory_space<hbm>> -> memref<8x1x128xi32, #tpu.memory_space<hbm>>
    %dma_wait3A_197 = tpu.memref_bitcast %arg5 : memref<16384x2x128xbf16, #tpu.memory_space<hbm>> -> memref<16384x1x128xi32, #tpu.memory_space<hbm>>
    %dma_wait3A_198 = arith.constant 0 : i32
    %dma_wait3A_199 = arith.constant 0 : i32
    %dma_wait3A_200 = tpu.memref_slice %dma_wait3A_197[%add3A_191, %dma_wait3A_198, %dma_wait3A_199] : memref<16384x1x128xi32, #tpu.memory_space<hbm>> -> memref<8x1x128xi32, #tpu.memory_space<hbm>>
    %dma_wait3A_201 = tpu.memref_bitcast %arg14 : memref<8x2x128xbf16, #tpu.memory_space<vmem>> -> memref<8x1x128xi32, #tpu.memory_space<vmem>>
    tpu.wait_dma2 semaphore(%arg24 : memref<!tpu.dma_semaphore, #tpu.memory_space<semaphore_mem>>) src(%dma_wait3A_201 : memref<8x1x128xi32, #tpu.memory_space<vmem>>) dst(%dma_wait3A_200 : memref<8x1x128xi32, #tpu.memory_space<hbm>>)
    %scan3A_202 = arith.constant 0 : i32
    %scan3A_203 = arith.constant 0 : i32
    %scan3A_204 = arith.constant 8 : i32
    %scan3A_205 = arith.addi %scan3A_203, %scan3A_204 : i32
    %scan3A_206 = arith.constant 1 : i32
    scf.for %scan3A_256 = %scan3A_203 to %scan3A_205 step %scan3A_206  : i32 {
      %get3A = arith.index_cast %scan3A_256 : i32 to index
      %get3A_257 = arith.constant 0 : index
      %get3A_258 = arith.constant 0 : index
      %get3A_259 = tpu.vector_load %arg11[%get3A, %get3A_257, %get3A_258] {strides = array<i32>} : memref<8x2x128xbf16, #tpu.memory_space<vmem>>, vector<1x2x128xbf16>,
      %get3A_260 = vector.shape_cast %get3A_259 : vector<1x2x128xbf16> to vector<2x128xbf16>
      %convert_element_type3A = arith.extf %get3A_260 : vector<2x128xbf16> to vector<2x128xf32>
      %mul3A_261 = arith.constant 2 : i32
      %mul3A_262 = arith.muli %mul3A_261, %scan3A_256 : i32
      %add3A_263 = arith.constant 0 : i32
      %add3A_264 = arith.addi %mul3A_262, %add3A_263 : i32
      %mul3A_265 = arith.constant 16 : i32
      %mul3A_266 = arith.muli %add3A_264, %mul3A_265 : i32
      %get3A_267 = arith.index_cast %mul3A_266 : i32 to index
      %get3A_268 = arith.constant 0 : index
      %get3A_269 = arith.constant 0 : index
      %get3A_270 = tpu.vector_load %arg8[%get3A_267, %get3A_268, %get3A_269] {strides = array<i32>} : memref<256x2x128xbf16, #tpu.memory_space<vmem>>, vector<1x2x128xbf16>,
      %get3A_271 = vector.shape_cast %get3A_270 : vector<1x2x128xbf16> to vector<2x128xbf16>
      %add3A_272 = arith.constant 1 : i32
      %add3A_273 = arith.addi %mul3A_266, %add3A_272 : i32
      %get3A_274 = arith.index_cast %add3A_273 : i32 to index
      %get3A_275 = arith.constant 0 : index
      %get3A_276 = arith.constant 0 : index
      %get3A_277 = tpu.vector_load %arg8[%get3A_274, %get3A_275, %get3A_276] {strides = array<i32>} : memref<256x2x128xbf16, #tpu.memory_space<vmem>>, vector<1x2x128xbf16>,
      %get3A_278 = vector.shape_cast %get3A_277 : vector<1x2x128xbf16> to vector<2x128xbf16>
      %max3A = arith.maximumf %get3A_271, %get3A_278 : vector<2x128xbf16>
      %add3A_279 = arith.constant 2 : i32
      %add3A_280 = arith.addi %mul3A_266, %add3A_279 : i32
      %get3A_281 = arith.index_cast %add3A_280 : i32 to index
      %get3A_282 = arith.constant 0 : index
      %get3A_283 = arith.constant 0 : index
      %get3A_284 = tpu.vector_load %arg8[%get3A_281, %get3A_282, %get3A_283] {strides = array<i32>} : memref<256x2x128xbf16, #tpu.memory_space<vmem>>, vector<1x2x128xbf16>,
      %get3A_285 = vector.shape_cast %get3A_284 : vector<1x2x128xbf16> to vector<2x128xbf16>
      %max3A_286 = arith.maximumf %max3A, %get3A_285 : vector<2x128xbf16>
      %add3A_287 = arith.constant 3 : i32
      %add3A_288 = arith.addi %mul3A_266, %add3A_287 : i32
      %get3A_289 = arith.index_cast %add3A_288 : i32 to index
      %get3A_290 = arith.constant 0 : index
      %get3A_291 = arith.constant 0 : index
      %get3A_292 = tpu.vector_load %arg8[%get3A_289, %get3A_290, %get3A_291] {strides = array<i32>} : memref<256x2x128xbf16, #tpu.memory_space<vmem>>, vector<1x2x128xbf16>,
      %get3A_293 = vector.shape_cast %get3A_292 : vector<1x2x128xbf16> to vector<2x128xbf16>
      %max3A_294 = arith.maximumf %max3A_286, %get3A_293 : vector<2x128xbf16>
      %add3A_295 = arith.constant 4 : i32
      %add3A_296 = arith.addi %mul3A_266, %add3A_295 : i32
      %get3A_297 = arith.index_cast %add3A_296 : i32 to index
      %get3A_298 = arith.constant 0 : index
      %get3A_299 = arith.constant 0 : index
      %get3A_300 = tpu.vector_load %arg8[%get3A_297, %get3A_298, %get3A_299] {strides = array<i32>} : memref<256x2x128xbf16, #tpu.memory_space<vmem>>, vector<1x2x128xbf16>,
      %get3A_301 = vector.shape_cast %get3A_300 : vector<1x2x128xbf16> to vector<2x128xbf16>
      %max3A_302 = arith.maximumf %max3A_294, %get3A_301 : vector<2x128xbf16>
      %add3A_303 = arith.constant 5 : i32
      %add3A_304 = arith.addi %mul3A_266, %add3A_303 : i32
      %get3A_305 = arith.index_cast %add3A_304 : i32 to index
      %get3A_306 = arith.constant 0 : index
      %get3A_307 = arith.constant 0 : index
      %get3A_308 = tpu.vector_load %arg8[%get3A_305, %get3A_306, %get3A_307] {strides = array<i32>} : memref<256x2x128xbf16, #tpu.memory_space<vmem>>, vector<1x2x128xbf16>,
      %get3A_309 = vector.shape_cast %get3A_308 : vector<1x2x128xbf16> to vector<2x128xbf16>
      %max3A_310 = arith.maximumf %max3A_302, %get3A_309 : vector<2x128xbf16>
      %add3A_311 = arith.constant 6 : i32
      %add3A_312 = arith.addi %mul3A_266, %add3A_311 : i32
      %get3A_313 = arith.index_cast %add3A_312 : i32 to index
      %get3A_314 = arith.constant 0 : index
      %get3A_315 = arith.constant 0 : index
      %get3A_316 = tpu.vector_load %arg8[%get3A_313, %get3A_314, %get3A_315] {strides = array<i32>} : memref<256x2x128xbf16, #tpu.memory_space<vmem>>, vector<1x2x128xbf16>,
      %get3A_317 = vector.shape_cast %get3A_316 : vector<1x2x128xbf16> to vector<2x128xbf16>
      %max3A_318 = arith.maximumf %max3A_310, %get3A_317 : vector<2x128xbf16>
      %add3A_319 = arith.constant 7 : i32
      %add3A_320 = arith.addi %mul3A_266, %add3A_319 : i32
      %get3A_321 = arith.index_cast %add3A_320 : i32 to index
      %get3A_322 = arith.constant 0 : index
      %get3A_323 = arith.constant 0 : index
      %get3A_324 = tpu.vector_load %arg8[%get3A_321, %get3A_322, %get3A_323] {strides = array<i32>} : memref<256x2x128xbf16, #tpu.memory_space<vmem>>, vector<1x2x128xbf16>,
      %get3A_325 = vector.shape_cast %get3A_324 : vector<1x2x128xbf16> to vector<2x128xbf16>
      %max3A_326 = arith.maximumf %max3A_318, %get3A_325 : vector<2x128xbf16>
      %add3A_327 = arith.constant 8 : i32
      %add3A_328 = arith.addi %mul3A_266, %add3A_327 : i32
      %get3A_329 = arith.index_cast %add3A_328 : i32 to index
      %get3A_330 = arith.constant 0 : index
      %get3A_331 = arith.constant 0 : index
      %get3A_332 = tpu.vector_load %arg8[%get3A_329, %get3A_330, %get3A_331] {strides = array<i32>} : memref<256x2x128xbf16, #tpu.memory_space<vmem>>, vector<1x2x128xbf16>,
      %get3A_333 = vector.shape_cast %get3A_332 : vector<1x2x128xbf16> to vector<2x128xbf16>
      %max3A_334 = arith.maximumf %max3A_326, %get3A_333 : vector<2x128xbf16>
      %add3A_335 = arith.constant 9 : i32
      %add3A_336 = arith.addi %mul3A_266, %add3A_335 : i32
      %get3A_337 = arith.index_cast %add3A_336 : i32 to index
      %get3A_338 = arith.constant 0 : index
      %get3A_339 = arith.constant 0 : index
      %get3A_340 = tpu.vector_load %arg8[%get3A_337, %get3A_338, %get3A_339] {strides = array<i32>} : memref<256x2x128xbf16, #tpu.memory_space<vmem>>, vector<1x2x128xbf16>,
      %get3A_341 = vector.shape_cast %get3A_340 : vector<1x2x128xbf16> to vector<2x128xbf16>
      %max3A_342 = arith.maximumf %max3A_334, %get3A_341 : vector<2x128xbf16>
      %add3A_343 = arith.constant 10 : i32
      %add3A_344 = arith.addi %mul3A_266, %add3A_343 : i32
      %get3A_345 = arith.index_cast %add3A_344 : i32 to index
      %get3A_346 = arith.constant 0 : index
      %get3A_347 = arith.constant 0 : index
      %get3A_348 = tpu.vector_load %arg8[%get3A_345, %get3A_346, %get3A_347] {strides = array<i32>} : memref<256x2x128xbf16, #tpu.memory_space<vmem>>, vector<1x2x128xbf16>,
      %get3A_349 = vector.shape_cast %get3A_348 : vector<1x2x128xbf16> to vector<2x128xbf16>
      %max3A_350 = arith.maximumf %max3A_342, %get3A_349 : vector<2x128xbf16>
      %add3A_351 = arith.constant 11 : i32
      %add3A_352 = arith.addi %mul3A_266, %add3A_351 : i32
      %get3A_353 = arith.index_cast %add3A_352 : i32 to index
      %get3A_354 = arith.constant 0 : index
      %get3A_355 = arith.constant 0 : index
      %get3A_356 = tpu.vector_load %arg8[%get3A_353, %get3A_354, %get3A_355] {strides = array<i32>} : memref<256x2x128xbf16, #tpu.memory_space<vmem>>, vector<1x2x128xbf16>,
      %get3A_357 = vector.shape_cast %get3A_356 : vector<1x2x128xbf16> to vector<2x128xbf16>
      %max3A_358 = arith.maximumf %max3A_350, %get3A_357 : vector<2x128xbf16>
      %add3A_359 = arith.constant 12 : i32
      %add3A_360 = arith.addi %mul3A_266, %add3A_359 : i32
      %get3A_361 = arith.index_cast %add3A_360 : i32 to index
      %get3A_362 = arith.constant 0 : index
      %get3A_363 = arith.constant 0 : index
      %get3A_364 = tpu.vector_load %arg8[%get3A_361, %get3A_362, %get3A_363] {strides = array<i32>} : memref<256x2x128xbf16, #tpu.memory_space<vmem>>, vector<1x2x128xbf16>,
      %get3A_365 = vector.shape_cast %get3A_364 : vector<1x2x128xbf16> to vector<2x128xbf16>
      %max3A_366 = arith.maximumf %max3A_358, %get3A_365 : vector<2x128xbf16>
      %add3A_367 = arith.constant 13 : i32
      %add3A_368 = arith.addi %mul3A_266, %add3A_367 : i32
      %get3A_369 = arith.index_cast %add3A_368 : i32 to index
      %get3A_370 = arith.constant 0 : index
      %get3A_371 = arith.constant 0 : index
      %get3A_372 = tpu.vector_load %arg8[%get3A_369, %get3A_370, %get3A_371] {strides = array<i32>} : memref<256x2x128xbf16, #tpu.memory_space<vmem>>, vector<1x2x128xbf16>,
      %get3A_373 = vector.shape_cast %get3A_372 : vector<1x2x128xbf16> to vector<2x128xbf16>
      %max3A_374 = arith.maximumf %max3A_366, %get3A_373 : vector<2x128xbf16>
      %add3A_375 = arith.constant 14 : i32
      %add3A_376 = arith.addi %mul3A_266, %add3A_375 : i32
      %get3A_377 = arith.index_cast %add3A_376 : i32 to index
      %get3A_378 = arith.constant 0 : index
      %get3A_379 = arith.constant 0 : index
      %get3A_380 = tpu.vector_load %arg8[%get3A_377, %get3A_378, %get3A_379] {strides = array<i32>} : memref<256x2x128xbf16, #tpu.memory_space<vmem>>, vector<1x2x128xbf16>,
      %get3A_381 = vector.shape_cast %get3A_380 : vector<1x2x128xbf16> to vector<2x128xbf16>
      %max3A_382 = arith.maximumf %max3A_374, %get3A_381 : vector<2x128xbf16>
      %add3A_383 = arith.constant 15 : i32
      %add3A_384 = arith.addi %mul3A_266, %add3A_383 : i32
      %get3A_385 = arith.index_cast %add3A_384 : i32 to index
      %get3A_386 = arith.constant 0 : index
      %get3A_387 = arith.constant 0 : index
      %get3A_388 = tpu.vector_load %arg8[%get3A_385, %get3A_386, %get3A_387] {strides = array<i32>} : memref<256x2x128xbf16, #tpu.memory_space<vmem>>, vector<1x2x128xbf16>,
      %get3A_389 = vector.shape_cast %get3A_388 : vector<1x2x128xbf16> to vector<2x128xbf16>
      %max3A_390 = arith.maximumf %max3A_382, %get3A_389 : vector<2x128xbf16>
      %convert_element_type3A_391 = arith.extf %max3A_390 : vector<2x128xbf16> to vector<2x128xf32>
      %slice3A = vector.extract_strided_slice %convert_element_type3A_391 {offsets = [0, 0], sizes = [1, 128], strides = [1, 1]} : vector<2x128xf32> to vector<1x128xf32>
      %squeeze3A = vector.shape_cast %slice3A : vector<1x128xf32> to vector<128xf32>
      %slice3A_392 = vector.extract_strided_slice %convert_element_type3A_391 {offsets = [1, 0], sizes = [1, 128], strides = [1, 1]} : vector<2x128xf32> to vector<1x128xf32>
      %squeeze3A_393 = vector.shape_cast %slice3A_392 : vector<1x128xf32> to vector<128xf32>
      %add3A_394 = arith.addf %squeeze3A, %squeeze3A_393 : vector<128xf32>
      %slice3A_395 = vector.extract_strided_slice %convert_element_type3A {offsets = [0, 0], sizes = [1, 128], strides = [1, 1]} : vector<2x128xf32> to vector<1x128xf32>
      %squeeze3A_396 = vector.shape_cast %slice3A_395 : vector<1x128xf32> to vector<128xf32>
      %add3A_397 = arith.addf %add3A_394, %squeeze3A_396 : vector<128xf32>
      %swap3A_398 = arith.constant 0 : index
      %swap3A_399 = tpu.vector_load %arg17[%swap3A_398] {strides = array<i32>} : memref<256xf32, #tpu.memory_space<vmem>>, vector<128xf32>,
      %swap3A_400 = vector.shape_cast %swap3A_399 : vector<128xf32> to vector<128xf32>
      %swap3A_401 = vector.shape_cast %add3A_397 : vector<128xf32> to vector<128xf32>
      tpu.vector_store %arg17[%swap3A_398], %swap3A_401 {add = true, strides = array<i32>} : memref<256xf32, #tpu.memory_space<vmem>>, vector<128xf32>,
      %mul3A_402 = arith.mulf %add3A_397, %add3A_397 : vector<128xf32>
      %swap3A_403 = arith.constant 128 : index
      %swap3A_404 = tpu.vector_load %arg17[%swap3A_403] {strides = array<i32>} : memref<256xf32, #tpu.memory_space<vmem>>, vector<128xf32>,
      %swap3A_405 = vector.shape_cast %swap3A_404 : vector<128xf32> to vector<128xf32>
      %swap3A_406 = vector.shape_cast %mul3A_402 : vector<128xf32> to vector<128xf32>
      tpu.vector_store %arg17[%swap3A_403], %swap3A_406 {add = true, strides = array<i32>} : memref<256xf32, #tpu.memory_space<vmem>>, vector<128xf32>,
      %broadcast_in_dim3A_407 = vector.shape_cast %add3A_397 : vector<128xf32> to vector<1x128xf32>
      %mul3A_408 = arith.constant 2 : i32
      %mul3A_409 = arith.muli %mul3A_408, %scan3A_256 : i32
      %add3A_410 = arith.constant 1 : i32
      %add3A_411 = arith.addi %mul3A_409, %add3A_410 : i32
      %mul3A_412 = arith.constant 16 : i32
      %mul3A_413 = arith.muli %add3A_411, %mul3A_412 : i32
      %get3A_414 = arith.index_cast %mul3A_413 : i32 to index
      %get3A_415 = arith.constant 0 : index
      %get3A_416 = arith.constant 0 : index
      %get3A_417 = tpu.vector_load %arg8[%get3A_414, %get3A_415, %get3A_416] {strides = array<i32>} : memref<256x2x128xbf16, #tpu.memory_space<vmem>>, vector<1x2x128xbf16>,
      %get3A_418 = vector.shape_cast %get3A_417 : vector<1x2x128xbf16> to vector<2x128xbf16>
      %add3A_419 = arith.constant 1 : i32
      %add3A_420 = arith.addi %mul3A_413, %add3A_419 : i32
      %get3A_421 = arith.index_cast %add3A_420 : i32 to index
      %get3A_422 = arith.constant 0 : index
      %get3A_423 = arith.constant 0 : index
      %get3A_424 = tpu.vector_load %arg8[%get3A_421, %get3A_422, %get3A_423] {strides = array<i32>} : memref<256x2x128xbf16, #tpu.memory_space<vmem>>, vector<1x2x128xbf16>,
      %get3A_425 = vector.shape_cast %get3A_424 : vector<1x2x128xbf16> to vector<2x128xbf16>
      %max3A_426 = arith.maximumf %get3A_418, %get3A_425 : vector<2x128xbf16>
      %add3A_427 = arith.constant 2 : i32
      %add3A_428 = arith.addi %mul3A_413, %add3A_427 : i32
      %get3A_429 = arith.index_cast %add3A_428 : i32 to index
      %get3A_430 = arith.constant 0 : index
      %get3A_431 = arith.constant 0 : index
      %get3A_432 = tpu.vector_load %arg8[%get3A_429, %get3A_430, %get3A_431] {strides = array<i32>} : memref<256x2x128xbf16, #tpu.memory_space<vmem>>, vector<1x2x128xbf16>,
      %get3A_433 = vector.shape_cast %get3A_432 : vector<1x2x128xbf16> to vector<2x128xbf16>
      %max3A_434 = arith.maximumf %max3A_426, %get3A_433 : vector<2x128xbf16>
      %add3A_435 = arith.constant 3 : i32
      %add3A_436 = arith.addi %mul3A_413, %add3A_435 : i32
      %get3A_437 = arith.index_cast %add3A_436 : i32 to index
      %get3A_438 = arith.constant 0 : index
      %get3A_439 = arith.constant 0 : index
      %get3A_440 = tpu.vector_load %arg8[%get3A_437, %get3A_438, %get3A_439] {strides = array<i32>} : memref<256x2x128xbf16, #tpu.memory_space<vmem>>, vector<1x2x128xbf16>,
      %get3A_441 = vector.shape_cast %get3A_440 : vector<1x2x128xbf16> to vector<2x128xbf16>
      %max3A_442 = arith.maximumf %max3A_434, %get3A_441 : vector<2x128xbf16>
      %add3A_443 = arith.constant 4 : i32
      %add3A_444 = arith.addi %mul3A_413, %add3A_443 : i32
      %get3A_445 = arith.index_cast %add3A_444 : i32 to index
      %get3A_446 = arith.constant 0 : index
      %get3A_447 = arith.constant 0 : index
      %get3A_448 = tpu.vector_load %arg8[%get3A_445, %get3A_446, %get3A_447] {strides = array<i32>} : memref<256x2x128xbf16, #tpu.memory_space<vmem>>, vector<1x2x128xbf16>,
      %get3A_449 = vector.shape_cast %get3A_448 : vector<1x2x128xbf16> to vector<2x128xbf16>
      %max3A_450 = arith.maximumf %max3A_442, %get3A_449 : vector<2x128xbf16>
      %add3A_451 = arith.constant 5 : i32
      %add3A_452 = arith.addi %mul3A_413, %add3A_451 : i32
      %get3A_453 = arith.index_cast %add3A_452 : i32 to index
      %get3A_454 = arith.constant 0 : index
      %get3A_455 = arith.constant 0 : index
      %get3A_456 = tpu.vector_load %arg8[%get3A_453, %get3A_454, %get3A_455] {strides = array<i32>} : memref<256x2x128xbf16, #tpu.memory_space<vmem>>, vector<1x2x128xbf16>,
      %get3A_457 = vector.shape_cast %get3A_456 : vector<1x2x128xbf16> to vector<2x128xbf16>
      %max3A_458 = arith.maximumf %max3A_450, %get3A_457 : vector<2x128xbf16>
      %add3A_459 = arith.constant 6 : i32
      %add3A_460 = arith.addi %mul3A_413, %add3A_459 : i32
      %get3A_461 = arith.index_cast %add3A_460 : i32 to index
      %get3A_462 = arith.constant 0 : index
      %get3A_463 = arith.constant 0 : index
      %get3A_464 = tpu.vector_load %arg8[%get3A_461, %get3A_462, %get3A_463] {strides = array<i32>} : memref<256x2x128xbf16, #tpu.memory_space<vmem>>, vector<1x2x128xbf16>,
      %get3A_465 = vector.shape_cast %get3A_464 : vector<1x2x128xbf16> to vector<2x128xbf16>
      %max3A_466 = arith.maximumf %max3A_458, %get3A_465 : vector<2x128xbf16>
      %add3A_467 = arith.constant 7 : i32
      %add3A_468 = arith.addi %mul3A_413, %add3A_467 : i32
      %get3A_469 = arith.index_cast %add3A_468 : i32 to index
      %get3A_470 = arith.constant 0 : index
      %get3A_471 = arith.constant 0 : index
      %get3A_472 = tpu.vector_load %arg8[%get3A_469, %get3A_470, %get3A_471] {strides = array<i32>} : memref<256x2x128xbf16, #tpu.memory_space<vmem>>, vector<1x2x128xbf16>,
      %get3A_473 = vector.shape_cast %get3A_472 : vector<1x2x128xbf16> to vector<2x128xbf16>
      %max3A_474 = arith.maximumf %max3A_466, %get3A_473 : vector<2x128xbf16>
      %add3A_475 = arith.constant 8 : i32
      %add3A_476 = arith.addi %mul3A_413, %add3A_475 : i32
      %get3A_477 = arith.index_cast %add3A_476 : i32 to index
      %get3A_478 = arith.constant 0 : index
      %get3A_479 = arith.constant 0 : index
      %get3A_480 = tpu.vector_load %arg8[%get3A_477, %get3A_478, %get3A_479] {strides = array<i32>} : memref<256x2x128xbf16, #tpu.memory_space<vmem>>, vector<1x2x128xbf16>,
      %get3A_481 = vector.shape_cast %get3A_480 : vector<1x2x128xbf16> to vector<2x128xbf16>
      %max3A_482 = arith.maximumf %max3A_474, %get3A_481 : vector<2x128xbf16>
      %add3A_483 = arith.constant 9 : i32
      %add3A_484 = arith.addi %mul3A_413, %add3A_483 : i32
      %get3A_485 = arith.index_cast %add3A_484 : i32 to index
      %get3A_486 = arith.constant 0 : index
      %get3A_487 = arith.constant 0 : index
      %get3A_488 = tpu.vector_load %arg8[%get3A_485, %get3A_486, %get3A_487] {strides = array<i32>} : memref<256x2x128xbf16, #tpu.memory_space<vmem>>, vector<1x2x128xbf16>,
      %get3A_489 = vector.shape_cast %get3A_488 : vector<1x2x128xbf16> to vector<2x128xbf16>
      %max3A_490 = arith.maximumf %max3A_482, %get3A_489 : vector<2x128xbf16>
      %add3A_491 = arith.constant 10 : i32
      %add3A_492 = arith.addi %mul3A_413, %add3A_491 : i32
      %get3A_493 = arith.index_cast %add3A_492 : i32 to index
      %get3A_494 = arith.constant 0 : index
      %get3A_495 = arith.constant 0 : index
      %get3A_496 = tpu.vector_load %arg8[%get3A_493, %get3A_494, %get3A_495] {strides = array<i32>} : memref<256x2x128xbf16, #tpu.memory_space<vmem>>, vector<1x2x128xbf16>,
      %get3A_497 = vector.shape_cast %get3A_496 : vector<1x2x128xbf16> to vector<2x128xbf16>
      %max3A_498 = arith.maximumf %max3A_490, %get3A_497 : vector<2x128xbf16>
      %add3A_499 = arith.constant 11 : i32
      %add3A_500 = arith.addi %mul3A_413, %add3A_499 : i32
      %get3A_501 = arith.index_cast %add3A_500 : i32 to index
      %get3A_502 = arith.constant 0 : index
      %get3A_503 = arith.constant 0 : index
      %get3A_504 = tpu.vector_load %arg8[%get3A_501, %get3A_502, %get3A_503] {strides = array<i32>} : memref<256x2x128xbf16, #tpu.memory_space<vmem>>, vector<1x2x128xbf16>,
      %get3A_505 = vector.shape_cast %get3A_504 : vector<1x2x128xbf16> to vector<2x128xbf16>
      %max3A_506 = arith.maximumf %max3A_498, %get3A_505 : vector<2x128xbf16>
      %add3A_507 = arith.constant 12 : i32
      %add3A_508 = arith.addi %mul3A_413, %add3A_507 : i32
      %get3A_509 = arith.index_cast %add3A_508 : i32 to index
      %get3A_510 = arith.constant 0 : index
      %get3A_511 = arith.constant 0 : index
      %get3A_512 = tpu.vector_load %arg8[%get3A_509, %get3A_510, %get3A_511] {strides = array<i32>} : memref<256x2x128xbf16, #tpu.memory_space<vmem>>, vector<1x2x128xbf16>,
      %get3A_513 = vector.shape_cast %get3A_512 : vector<1x2x128xbf16> to vector<2x128xbf16>
      %max3A_514 = arith.maximumf %max3A_506, %get3A_513 : vector<2x128xbf16>
      %add3A_515 = arith.constant 13 : i32
      %add3A_516 = arith.addi %mul3A_413, %add3A_515 : i32
      %get3A_517 = arith.index_cast %add3A_516 : i32 to index
      %get3A_518 = arith.constant 0 : index
      %get3A_519 = arith.constant 0 : index
      %get3A_520 = tpu.vector_load %arg8[%get3A_517, %get3A_518, %get3A_519] {strides = array<i32>} : memref<256x2x128xbf16, #tpu.memory_space<vmem>>, vector<1x2x128xbf16>,
      %get3A_521 = vector.shape_cast %get3A_520 : vector<1x2x128xbf16> to vector<2x128xbf16>
      %max3A_522 = arith.maximumf %max3A_514, %get3A_521 : vector<2x128xbf16>
      %add3A_523 = arith.constant 14 : i32
      %add3A_524 = arith.addi %mul3A_413, %add3A_523 : i32
      %get3A_525 = arith.index_cast %add3A_524 : i32 to index
      %get3A_526 = arith.constant 0 : index
      %get3A_527 = arith.constant 0 : index
      %get3A_528 = tpu.vector_load %arg8[%get3A_525, %get3A_526, %get3A_527] {strides = array<i32>} : memref<256x2x128xbf16, #tpu.memory_space<vmem>>, vector<1x2x128xbf16>,
      %get3A_529 = vector.shape_cast %get3A_528 : vector<1x2x128xbf16> to vector<2x128xbf16>
      %max3A_530 = arith.maximumf %max3A_522, %get3A_529 : vector<2x128xbf16>
      %add3A_531 = arith.constant 15 : i32
      %add3A_532 = arith.addi %mul3A_413, %add3A_531 : i32
      %get3A_533 = arith.index_cast %add3A_532 : i32 to index
      %get3A_534 = arith.constant 0 : index
      %get3A_535 = arith.constant 0 : index
      %get3A_536 = tpu.vector_load %arg8[%get3A_533, %get3A_534, %get3A_535] {strides = array<i32>} : memref<256x2x128xbf16, #tpu.memory_space<vmem>>, vector<1x2x128xbf16>,
      %get3A_537 = vector.shape_cast %get3A_536 : vector<1x2x128xbf16> to vector<2x128xbf16>
      %max3A_538 = arith.maximumf %max3A_530, %get3A_537 : vector<2x128xbf16>
      %convert_element_type3A_539 = arith.extf %max3A_538 : vector<2x128xbf16> to vector<2x128xf32>
      %slice3A_540 = vector.extract_strided_slice %convert_element_type3A_539 {offsets = [0, 0], sizes = [1, 128], strides = [1, 1]} : vector<2x128xf32> to vector<1x128xf32>
      %squeeze3A_541 = vector.shape_cast %slice3A_540 : vector<1x128xf32> to vector<128xf32>
      %slice3A_542 = vector.extract_strided_slice %convert_element_type3A_539 {offsets = [1, 0], sizes = [1, 128], strides = [1, 1]} : vector<2x128xf32> to vector<1x128xf32>
      %squeeze3A_543 = vector.shape_cast %slice3A_542 : vector<1x128xf32> to vector<128xf32>
      %add3A_544 = arith.addf %squeeze3A_541, %squeeze3A_543 : vector<128xf32>
      %slice3A_545 = vector.extract_strided_slice %convert_element_type3A {offsets = [1, 0], sizes = [1, 128], strides = [1, 1]} : vector<2x128xf32> to vector<1x128xf32>
      %squeeze3A_546 = vector.shape_cast %slice3A_545 : vector<1x128xf32> to vector<128xf32>
      %add3A_547 = arith.addf %add3A_544, %squeeze3A_546 : vector<128xf32>
      %swap3A_548 = arith.constant 0 : index
      %swap3A_549 = tpu.vector_load %arg17[%swap3A_548] {strides = array<i32>} : memref<256xf32, #tpu.memory_space<vmem>>, vector<128xf32>,
      %swap3A_550 = vector.shape_cast %swap3A_549 : vector<128xf32> to vector<128xf32>
      %swap3A_551 = vector.shape_cast %add3A_547 : vector<128xf32> to vector<128xf32>
      tpu.vector_store %arg17[%swap3A_548], %swap3A_551 {add = true, strides = array<i32>} : memref<256xf32, #tpu.memory_space<vmem>>, vector<128xf32>,
      %mul3A_552 = arith.mulf %add3A_547, %add3A_547 : vector<128xf32>
      %swap3A_553 = arith.constant 128 : index
      %swap3A_554 = tpu.vector_load %arg17[%swap3A_553] {strides = array<i32>} : memref<256xf32, #tpu.memory_space<vmem>>, vector<128xf32>,
      %swap3A_555 = vector.shape_cast %swap3A_554 : vector<128xf32> to vector<128xf32>
      %swap3A_556 = vector.shape_cast %mul3A_552 : vector<128xf32> to vector<128xf32>
      tpu.vector_store %arg17[%swap3A_553], %swap3A_556 {add = true, strides = array<i32>} : memref<256xf32, #tpu.memory_space<vmem>>, vector<128xf32>,
      %broadcast_in_dim3A_557 = vector.shape_cast %add3A_547 : vector<128xf32> to vector<1x128xf32>
      %concatenate3A = tpu.concatenate %broadcast_in_dim3A_407, %broadcast_in_dim3A_557 in 0 : vector<1x128xf32>, vector<1x128xf32> -> vector<2x128xf32>
      %convert_element_type3A_558 = arith.truncf %concatenate3A : vector<2x128xf32> to vector<2x128xbf16>
      %swap3A_559 = arith.index_cast %scan3A_256 : i32 to index
      %swap3A_560 = arith.constant 0 : index
      %swap3A_561 = arith.constant 0 : index
      %swap3A_562 = tpu.vector_load %arg14[%swap3A_559, %swap3A_560, %swap3A_561] {strides = array<i32>} : memref<8x2x128xbf16, #tpu.memory_space<vmem>>, vector<1x2x128xbf16>,
      %swap3A_563 = vector.shape_cast %swap3A_562 : vector<1x2x128xbf16> to vector<2x128xbf16>
      %swap3A_564 = vector.shape_cast %convert_element_type3A_558 : vector<2x128xbf16> to vector<1x2x128xbf16>
      tpu.vector_store %arg14[%swap3A_559, %swap3A_560, %swap3A_561], %swap3A_564 {strides = array<i32>} : memref<8x2x128xbf16, #tpu.memory_space<vmem>>, vector<1x2x128xbf16>,
    }
    %scan3A_207 = arith.constant 8 : i32
    %add3A_208 = arith.constant 504 : i32
    %add3A_209 = arith.addi %select_n3A, %add3A_208 : i32
    %dma_start3A_210 = tpu.memref_bitcast %arg14 : memref<8x2x128xbf16, #tpu.memory_space<vmem>> -> memref<8x1x128xi32, #tpu.memory_space<vmem>>
    %dma_start3A_211 = tpu.memref_bitcast %arg5 : memref<16384x2x128xbf16, #tpu.memory_space<hbm>> -> memref<16384x1x128xi32, #tpu.memory_space<hbm>>
    %dma_start3A_212 = arith.constant 0 : i32
    %dma_start3A_213 = arith.constant 0 : i32
    %dma_start3A_214 = tpu.memref_slice %dma_start3A_211[%add3A_209, %dma_start3A_212, %dma_start3A_213] : memref<16384x1x128xi32, #tpu.memory_space<hbm>> -> memref<8x1x128xi32, #tpu.memory_space<hbm>>
    %dma_start3A_215 = tpu.memref_bitcast %arg5 : memref<16384x2x128xbf16, #tpu.memory_space<hbm>> -> memref<16384x1x128xi32, #tpu.memory_space<hbm>>
    %dma_start3A_216 = arith.constant 0 : i32
    %dma_start3A_217 = arith.constant 0 : i32
    %dma_start3A_218 = tpu.memref_slice %dma_start3A_215[%add3A_209, %dma_start3A_216, %dma_start3A_217] : memref<16384x1x128xi32, #tpu.memory_space<hbm>> -> memref<8x1x128xi32, #tpu.memory_space<hbm>>
    %dma_start3A_219 = tpu.memref_bitcast %arg14 : memref<8x2x128xbf16, #tpu.memory_space<vmem>> -> memref<8x1x128xi32, #tpu.memory_space<vmem>>
    tpu.enqueue_dma source(%dma_start3A_219 : memref<8x1x128xi32, #tpu.memory_space<vmem>>) target(%dma_start3A_218 : memref<8x1x128xi32, #tpu.memory_space<hbm>>) target_semaphore(%arg24 : memref<!tpu.dma_semaphore, #tpu.memory_space<semaphore_mem>>)
    %add3A_220 = arith.constant 488 : i32
    %add3A_221 = arith.addi %select_n3A, %add3A_220 : i32
    %dma_wait3A_222 = tpu.memref_bitcast %arg15 : memref<8x2x128xbf16, #tpu.memory_space<vmem>> -> memref<8x1x128xi32, #tpu.memory_space<vmem>>
    %dma_wait3A_223 = tpu.memref_bitcast %arg5 : memref<16384x2x128xbf16, #tpu.memory_space<hbm>> -> memref<16384x1x128xi32, #tpu.memory_space<hbm>>
    %dma_wait3A_224 = arith.constant 0 : i32
    %dma_wait3A_225 = arith.constant 0 : i32
    %dma_wait3A_226 = tpu.memref_slice %dma_wait3A_223[%add3A_221, %dma_wait3A_224, %dma_wait3A_225] : memref<16384x1x128xi32, #tpu.memory_space<hbm>> -> memref<8x1x128xi32, #tpu.memory_space<hbm>>
    %dma_wait3A_227 = tpu.memref_bitcast %arg5 : memref<16384x2x128xbf16, #tpu.memory_space<hbm>> -> memref<16384x1x128xi32, #tpu.memory_space<hbm>>
    %dma_wait3A_228 = arith.constant 0 : i32
    %dma_wait3A_229 = arith.constant 0 : i32
    %dma_wait3A_230 = tpu.memref_slice %dma_wait3A_227[%add3A_221, %dma_wait3A_228, %dma_wait3A_229] : memref<16384x1x128xi32, #tpu.memory_space<hbm>> -> memref<8x1x128xi32, #tpu.memory_space<hbm>>
    %dma_wait3A_231 = tpu.memref_bitcast %arg15 : memref<8x2x128xbf16, #tpu.memory_space<vmem>> -> memref<8x1x128xi32, #tpu.memory_space<vmem>>
    tpu.wait_dma2 semaphore(%arg25 : memref<!tpu.dma_semaphore, #tpu.memory_space<semaphore_mem>>) src(%dma_wait3A_231 : memref<8x1x128xi32, #tpu.memory_space<vmem>>) dst(%dma_wait3A_230 : memref<8x1x128xi32, #tpu.memory_space<hbm>>)
    %add3A_232 = arith.constant 496 : i32
    %add3A_233 = arith.addi %select_n3A, %add3A_232 : i32
    %dma_wait3A_234 = tpu.memref_bitcast %arg16 : memref<8x2x128xbf16, #tpu.memory_space<vmem>> -> memref<8x1x128xi32, #tpu.memory_space<vmem>>
    %dma_wait3A_235 = tpu.memref_bitcast %arg5 : memref<16384x2x128xbf16, #tpu.memory_space<hbm>> -> memref<16384x1x128xi32, #tpu.memory_space<hbm>>
    %dma_wait3A_236 = arith.constant 0 : i32
    %dma_wait3A_237 = arith.constant 0 : i32
    %dma_wait3A_238 = tpu.memref_slice %dma_wait3A_235[%add3A_233, %dma_wait3A_236, %dma_wait3A_237] : memref<16384x1x128xi32, #tpu.memory_space<hbm>> -> memref<8x1x128xi32, #tpu.memory_space<hbm>>
    %dma_wait3A_239 = tpu.memref_bitcast %arg5 : memref<16384x2x128xbf16, #tpu.memory_space<hbm>> -> memref<16384x1x128xi32, #tpu.memory_space<hbm>>
    %dma_wait3A_240 = arith.constant 0 : i32
    %dma_wait3A_241 = arith.constant 0 : i32
    %dma_wait3A_242 = tpu.memref_slice %dma_wait3A_239[%add3A_233, %dma_wait3A_240, %dma_wait3A_241] : memref<16384x1x128xi32, #tpu.memory_space<hbm>> -> memref<8x1x128xi32, #tpu.memory_space<hbm>>
    %dma_wait3A_243 = tpu.memref_bitcast %arg16 : memref<8x2x128xbf16, #tpu.memory_space<vmem>> -> memref<8x1x128xi32, #tpu.memory_space<vmem>>
    tpu.wait_dma2 semaphore(%arg26 : memref<!tpu.dma_semaphore, #tpu.memory_space<semaphore_mem>>) src(%dma_wait3A_243 : memref<8x1x128xi32, #tpu.memory_space<vmem>>) dst(%dma_wait3A_242 : memref<8x1x128xi32, #tpu.memory_space<hbm>>)
    %add3A_244 = arith.constant 504 : i32
    %add3A_245 = arith.addi %select_n3A, %add3A_244 : i32
    %dma_wait3A_246 = tpu.memref_bitcast %arg14 : memref<8x2x128xbf16, #tpu.memory_space<vmem>> -> memref<8x1x128xi32, #tpu.memory_space<vmem>>
    %dma_wait3A_247 = tpu.memref_bitcast %arg5 : memref<16384x2x128xbf16, #tpu.memory_space<hbm>> -> memref<16384x1x128xi32, #tpu.memory_space<hbm>>
    %dma_wait3A_248 = arith.constant 0 : i32
    %dma_wait3A_249 = arith.constant 0 : i32
    %dma_wait3A_250 = tpu.memref_slice %dma_wait3A_247[%add3A_245, %dma_wait3A_248, %dma_wait3A_249] : memref<16384x1x128xi32, #tpu.memory_space<hbm>> -> memref<8x1x128xi32, #tpu.memory_space<hbm>>
    %dma_wait3A_251 = tpu.memref_bitcast %arg5 : memref<16384x2x128xbf16, #tpu.memory_space<hbm>> -> memref<16384x1x128xi32, #tpu.memory_space<hbm>>
    %dma_wait3A_252 = arith.constant 0 : i32
    %dma_wait3A_253 = arith.constant 0 : i32
    %dma_wait3A_254 = tpu.memref_slice %dma_wait3A_251[%add3A_245, %dma_wait3A_252, %dma_wait3A_253] : memref<16384x1x128xi32, #tpu.memory_space<hbm>> -> memref<8x1x128xi32, #tpu.memory_space<hbm>>
    %dma_wait3A_255 = tpu.memref_bitcast %arg14 : memref<8x2x128xbf16, #tpu.memory_space<vmem>> -> memref<8x1x128xi32, #tpu.memory_space<vmem>>
    tpu.wait_dma2 semaphore(%arg24 : memref<!tpu.dma_semaphore, #tpu.memory_space<semaphore_mem>>) src(%dma_wait3A_255 : memref<8x1x128xi32, #tpu.memory_space<vmem>>) dst(%dma_wait3A_254 : memref<8x1x128xi32, #tpu.memory_space<hbm>>)
    "tpu.region"() ({
      %run_scoped3A = tpu.sem_alloc : memref<!tpu.dma_semaphore, #tpu.memory_space<semaphore_mem>>
      %dma_start3A_256 = arith.constant 0 : i32
      %dma_start3A_257 = tpu.memref_slice %arg6[%add3A, %dma_start3A_256] : memref<32x256xf32, #tpu.memory_space<hbm>> -> memref<1x256xf32, #tpu.memory_space<hbm>>
      %dma_start3A_258 = tpu.memref_squeeze %dma_start3A_257 : memref<1x256xf32, #tpu.memory_space<hbm>> -> memref<256xf32, #tpu.memory_space<hbm>>
      %dma_start3A_259 = arith.constant 0 : i32
      %dma_start3A_260 = tpu.memref_slice %arg6[%add3A, %dma_start3A_259] : memref<32x256xf32, #tpu.memory_space<hbm>> -> memref<1x256xf32, #tpu.memory_space<hbm>>
      %dma_start3A_261 = tpu.memref_squeeze %dma_start3A_260 : memref<1x256xf32, #tpu.memory_space<hbm>> -> memref<256xf32, #tpu.memory_space<hbm>>
      tpu.enqueue_dma source(%arg17 : memref<256xf32, #tpu.memory_space<vmem>>) target(%dma_start3A_261 : memref<256xf32, #tpu.memory_space<hbm>>) target_semaphore(%run_scoped3A : memref<!tpu.dma_semaphore, #tpu.memory_space<semaphore_mem>>)
      %dma_wait3A_262 = arith.constant 0 : i32
      %dma_wait3A_263 = tpu.memref_slice %arg6[%add3A, %dma_wait3A_262] : memref<32x256xf32, #tpu.memory_space<hbm>> -> memref<1x256xf32, #tpu.memory_space<hbm>>
      %dma_wait3A_264 = tpu.memref_squeeze %dma_wait3A_263 : memref<1x256xf32, #tpu.memory_space<hbm>> -> memref<256xf32, #tpu.memory_space<hbm>>
      %dma_wait3A_265 = arith.constant 0 : i32
      %dma_wait3A_266 = tpu.memref_slice %arg6[%add3A, %dma_wait3A_265] : memref<32x256xf32, #tpu.memory_space<hbm>> -> memref<1x256xf32, #tpu.memory_space<hbm>>
      %dma_wait3A_267 = tpu.memref_squeeze %dma_wait3A_266 : memref<1x256xf32, #tpu.memory_space<hbm>> -> memref<256xf32, #tpu.memory_space<hbm>>
      tpu.wait_dma2 semaphore(%run_scoped3A : memref<!tpu.dma_semaphore, #tpu.memory_space<semaphore_mem>>) src(%arg17 : memref<256xf32, #tpu.memory_space<vmem>>) dst(%dma_wait3A_267 : memref<256xf32, #tpu.memory_space<hbm>>)
      tpu.yield
    }) : () -> ()
    return
  }
}

module attributes {stable_mosaic.version = 14 : i64} {
  func.func @_matmul_body(%arg0: i32, %arg1: i32, %arg2: memref<1x128x2048xf32, #tpu.memory_space<vmem>>, %arg3: memref<256x128xf32, #tpu.memory_space<vmem>>, %arg4: memref<1x256xf32, #tpu.memory_space<vmem>>, %arg5: memref<128x128xf32, #tpu.memory_space<vmem>>, %arg6: memref<1x128xf32, #tpu.memory_space<vmem>>, %arg7: memref<1x2048x2x128xbf16, #tpu.memory_space<vmem>>, %arg8: memref<1x1024x2x128xbf16, #tpu.memory_space<vmem>>) attributes {dimension_semantics = [#tpu.dimension_semantics<arbitrary>, #tpu.dimension_semantics<arbitrary>], iteration_bounds = array<i64: 8, 2>, scalar_prefetch = 0 : i64, scratch_operands = 0 : i64, tpu.core_type = #tpu.core_type<tc>, window_params = [{transform_indices = @transform_0, window_bounds = array<i64: 1, 128, 2048>}, {pipeline_mode = #tpu.pipeline_mode<synchronous>, transform_indices = @transform_1, window_bounds = array<i64: 256, 128>}, {pipeline_mode = #tpu.pipeline_mode<synchronous>, transform_indices = @transform_2, window_bounds = array<i64: 1, 256>}, {pipeline_mode = #tpu.pipeline_mode<synchronous>, transform_indices = @transform_3, window_bounds = array<i64: 128, 128>}, {pipeline_mode = #tpu.pipeline_mode<synchronous>, transform_indices = @transform_4, window_bounds = array<i64: 1, 128>}, {transform_indices = @transform_5, window_bounds = array<i64: 1, 2048, 2, 128>}, {transform_indices = @transform_6, window_bounds = array<i64: 1, 1024, 2, 128>}]} {
    %get3A = arith.constant 0 : index
    %get3A_0 = arith.constant 0 : index
    %get3A_1 = arith.constant 0 : index
    %get3A_2 = vector.load %arg2[%get3A, %get3A_0, %get3A_1] : memref<1x128x2048xf32, #tpu.memory_space<vmem>>, vector<1x128x2048xf32>
    %get3A_3 = vector.shape_cast %get3A_2 : vector<1x128x2048xf32> to vector<128x2048xf32>
    %get3A_4 = arith.constant 0 : index
    %get3A_5 = arith.constant 0 : index
    %get3A_6 = vector.load %arg3[%get3A_4, %get3A_5] : memref<256x128xf32, #tpu.memory_space<vmem>>, vector<256x128xf32>
    %dot_general3A = arith.constant dense<0.000000e+00> : vector<2048x256xf32>
    %dot_general3A_7 = tpu.matmul %get3A_3, %get3A_6, %dot_general3A {dimension_numbers = #tpu.dot_dimension_numbers<[0], [1], [1], [0], [0, 1, 1, 0], [], []>, transpose_lhs_hint = false} : vector<128x2048xf32>, vector<256x128xf32>, vector<2048x256xf32> -> vector<2048x256xf32>
    %get3A_8 = arith.constant 0 : index
    %get3A_9 = arith.constant 0 : index
    %get3A_10 = vector.load %arg4[%get3A_8, %get3A_9] : memref<1x256xf32, #tpu.memory_space<vmem>>, vector<1x256xf32>
    %add3A = vector.broadcast %get3A_10 : vector<1x256xf32> to vector<2048x256xf32>
    %add3A_11 = arith.addf %dot_general3A_7, %add3A : vector<2048x256xf32>
    %convert_element_type3A = arith.truncf %add3A_11 : vector<2048x256xf32> to vector<2048x256xbf16>
    %reshape3A = vector.shape_cast %convert_element_type3A : vector<2048x256xbf16> to vector<2048x2x128xbf16>
    %swap3A = arith.constant 0 : index
    %swap3A_12 = arith.constant 0 : index
    %swap3A_13 = arith.constant 0 : index
    %swap3A_14 = arith.constant 0 : index
    %swap3A_15 = vector.load %arg7[%swap3A, %swap3A_12, %swap3A_13, %swap3A_14] : memref<1x2048x2x128xbf16, #tpu.memory_space<vmem>>, vector<1x2048x2x128xbf16>
    %swap3A_16 = vector.shape_cast %swap3A_15 : vector<1x2048x2x128xbf16> to vector<2048x2x128xbf16>
    %swap3A_17 = vector.shape_cast %reshape3A : vector<2048x2x128xbf16> to vector<1x2048x2x128xbf16>
    tpu.vector_store %arg7[%swap3A, %swap3A_12, %swap3A_13, %swap3A_14], %swap3A_17 {strides = array<i32>} : memref<1x2048x2x128xbf16, #tpu.memory_space<vmem>>, vector<1x2048x2x128xbf16>,
    %get3A_18 = arith.constant 0 : index
    %get3A_19 = arith.constant 0 : index
    %get3A_20 = vector.load %arg5[%get3A_18, %get3A_19] : memref<128x128xf32, #tpu.memory_space<vmem>>, vector<128x128xf32>
    %dot_general3A_21 = arith.constant dense<0.000000e+00> : vector<2048x128xf32>
    %dot_general3A_22 = tpu.matmul %get3A_3, %get3A_20, %dot_general3A_21 {dimension_numbers = #tpu.dot_dimension_numbers<[0], [1], [1], [0], [0, 1, 1, 0], [], []>, transpose_lhs_hint = false} : vector<128x2048xf32>, vector<128x128xf32>, vector<2048x128xf32> -> vector<2048x128xf32>
    %get3A_23 = arith.constant 0 : index
    %get3A_24 = arith.constant 0 : index
    %get3A_25 = vector.load %arg6[%get3A_23, %get3A_24] : memref<1x128xf32, #tpu.memory_space<vmem>>, vector<1x128xf32>
    %add3A_26 = vector.broadcast %get3A_25 : vector<1x128xf32> to vector<2048x128xf32>
    %add3A_27 = arith.addf %dot_general3A_22, %add3A_26 : vector<2048x128xf32>
    %convert_element_type3A_28 = arith.truncf %add3A_27 : vector<2048x128xf32> to vector<2048x128xbf16>
    %reshape3A_29 = vector.shape_cast %convert_element_type3A_28 : vector<2048x128xbf16> to vector<1024x2x128xbf16>
    %swap3A_30 = arith.constant 0 : index
    %swap3A_31 = arith.constant 0 : index
    %swap3A_32 = arith.constant 0 : index
    %swap3A_33 = arith.constant 0 : index
    %swap3A_34 = vector.load %arg8[%swap3A_30, %swap3A_31, %swap3A_32, %swap3A_33] : memref<1x1024x2x128xbf16, #tpu.memory_space<vmem>>, vector<1x1024x2x128xbf16>
    %swap3A_35 = vector.shape_cast %swap3A_34 : vector<1x1024x2x128xbf16> to vector<1024x2x128xbf16>
    %swap3A_36 = vector.shape_cast %reshape3A_29 : vector<1024x2x128xbf16> to vector<1x1024x2x128xbf16>
    tpu.vector_store %arg8[%swap3A_30, %swap3A_31, %swap3A_32, %swap3A_33], %swap3A_36 {strides = array<i32>} : memref<1x1024x2x128xbf16, #tpu.memory_space<vmem>>, vector<1x1024x2x128xbf16>,
    return
  }
  func.func @transform_0(%arg0: i32, %arg1: i32) -> (i32, i32, i32) {
    %c0_i32 = arith.constant 0 : i32
    %c0_i32_0 = arith.constant 0 : i32
    return %arg0, %c0_i32, %arg1 : i32, i32, i32
  }
  func.func @transform_1(%arg0: i32, %arg1: i32) -> (i32, i32) {
    %c0_i32 = arith.constant 0 : i32
    %c0_i32_0 = arith.constant 0 : i32
    %c0_i32_1 = arith.constant 0 : i32
    return %c0_i32, %c0_i32_0 : i32, i32
  }
  func.func @transform_2(%arg0: i32, %arg1: i32) -> (i32, i32) {
    %c0_i32 = arith.constant 0 : i32
    %c0_i32_0 = arith.constant 0 : i32
    %c0_i32_1 = arith.constant 0 : i32
    return %c0_i32, %c0_i32_0 : i32, i32
  }
  func.func @transform_3(%arg0: i32, %arg1: i32) -> (i32, i32) {
    %c0_i32 = arith.constant 0 : i32
    %c0_i32_0 = arith.constant 0 : i32
    %c0_i32_1 = arith.constant 0 : i32
    return %c0_i32, %c0_i32_0 : i32, i32
  }
  func.func @transform_4(%arg0: i32, %arg1: i32) -> (i32, i32) {
    %c0_i32 = arith.constant 0 : i32
    %c0_i32_0 = arith.constant 0 : i32
    %c0_i32_1 = arith.constant 0 : i32
    return %c0_i32, %c0_i32_0 : i32, i32
  }
  func.func @transform_5(%arg0: i32, %arg1: i32) -> (i32, i32, i32, i32) {
    %c0_i32 = arith.constant 0 : i32
    %c0_i32_0 = arith.constant 0 : i32
    %c0_i32_1 = arith.constant 0 : i32
    return %arg0, %arg1, %c0_i32, %c0_i32_0 : i32, i32, i32, i32
  }
  func.func @transform_6(%arg0: i32, %arg1: i32) -> (i32, i32, i32, i32) {
    %c0_i32 = arith.constant 0 : i32
    %c0_i32_0 = arith.constant 0 : i32
    %c0_i32_1 = arith.constant 0 : i32
    return %arg0, %arg1, %c0_i32, %c0_i32_0 : i32, i32, i32, i32
  }
}

module attributes {stable_mosaic.version = 14 : i64} {
  func.func @_norm_body(%arg0: i32, %arg1: i32, %arg2: memref<1x2048x128xbf16, #tpu.memory_space<vmem>>, %arg3: memref<32x256xf32, #tpu.memory_space<vmem>>, %arg4: memref<1x128xf32, #tpu.memory_space<vmem>>, %arg5: memref<1x128xf32, #tpu.memory_space<vmem>>, %arg6: memref<1x128x2048xf32, #tpu.memory_space<vmem>>) attributes {dimension_semantics = [#tpu.dimension_semantics<arbitrary>, #tpu.dimension_semantics<arbitrary>], iteration_bounds = array<i64: 8, 2>, scalar_prefetch = 0 : i64, scratch_operands = 0 : i64, tpu.core_type = #tpu.core_type<tc>, window_params = [{transform_indices = @transform_0, window_bounds = array<i64: 1, 2048, 128>}, {pipeline_mode = #tpu.pipeline_mode<synchronous>, transform_indices = @transform_1, window_bounds = array<i64: 32, 256>}, {pipeline_mode = #tpu.pipeline_mode<synchronous>, transform_indices = @transform_2, window_bounds = array<i64: 1, 128>}, {pipeline_mode = #tpu.pipeline_mode<synchronous>, transform_indices = @transform_3, window_bounds = array<i64: 1, 128>}, {transform_indices = @transform_4, window_bounds = array<i64: 1, 128, 2048>}]} {
    %get3A = arith.constant 0 : index
    %get3A_0 = arith.constant 0 : index
    %get3A_1 = vector.load %arg3[%get3A, %get3A_0] : memref<32x256xf32, #tpu.memory_space<vmem>>, vector<32x256xf32>
    %slice3A = vector.extract_strided_slice %get3A_1 {offsets = [0, 0], sizes = [32, 128], strides = [1, 1]} : vector<32x256xf32> to vector<32x128xf32>
    %reduce_sum3A = arith.constant dense<0.000000e+00> : vector<128xf32>
    %reduce_sum3A_2 = vector.multi_reduction <add>, %slice3A, %reduce_sum3A [0] : vector<32x128xf32> to vector<128xf32>
    %slice3A_3 = vector.extract_strided_slice %get3A_1 {offsets = [0, 128], sizes = [32, 128], strides = [1, 1]} : vector<32x256xf32> to vector<32x128xf32>
    %reduce_sum3A_4 = arith.constant dense<0.000000e+00> : vector<128xf32>
    %reduce_sum3A_5 = vector.multi_reduction <add>, %slice3A_3, %reduce_sum3A_4 [0] : vector<32x128xf32> to vector<128xf32>
    %div3A = arith.constant 3.276800e+04 : f32
    %div3A_6 = vector.broadcast %div3A : f32 to vector<128xf32>
    %div3A_7 = arith.divf %reduce_sum3A_2, %div3A_6 : vector<128xf32>
    %div3A_8 = arith.constant 3.276800e+04 : f32
    %div3A_9 = vector.broadcast %div3A_8 : f32 to vector<128xf32>
    %div3A_10 = arith.divf %reduce_sum3A_5, %div3A_9 : vector<128xf32>
    %mul3A = arith.mulf %div3A_7, %div3A_7 : vector<128xf32>
    %sub3A = arith.subf %div3A_10, %mul3A : vector<128xf32>
    %get3A_11 = arith.constant 0 : index
    %get3A_12 = arith.constant 0 : index
    %get3A_13 = vector.load %arg4[%get3A_11, %get3A_12] : memref<1x128xf32, #tpu.memory_space<vmem>>, vector<1x128xf32>
    %get3A_14 = vector.shape_cast %get3A_13 : vector<1x128xf32> to vector<128xf32>
    %add3A = arith.constant 9.99999974E-6 : f32
    %add3A_15 = vector.broadcast %add3A : f32 to vector<128xf32>
    %add3A_16 = arith.addf %sub3A, %add3A_15 : vector<128xf32>
    %rsqrt3A = math.rsqrt %add3A_16 : vector<128xf32>
    %mul3A_17 = arith.mulf %get3A_14, %rsqrt3A : vector<128xf32>
    %get3A_18 = arith.constant 0 : index
    %get3A_19 = arith.constant 0 : index
    %get3A_20 = vector.load %arg5[%get3A_18, %get3A_19] : memref<1x128xf32, #tpu.memory_space<vmem>>, vector<1x128xf32>
    %get3A_21 = vector.shape_cast %get3A_20 : vector<1x128xf32> to vector<128xf32>
    %mul3A_22 = arith.mulf %div3A_7, %mul3A_17 : vector<128xf32>
    %sub3A_23 = arith.subf %get3A_21, %mul3A_22 : vector<128xf32>
    %get3A_24 = arith.constant 0 : index
    %get3A_25 = arith.constant 0 : index
    %get3A_26 = arith.constant 0 : index
    %get3A_27 = vector.load %arg2[%get3A_24, %get3A_25, %get3A_26] : memref<1x2048x128xbf16, #tpu.memory_space<vmem>>, vector<1x2048x128xbf16>
    %get3A_28 = vector.shape_cast %get3A_27 : vector<1x2048x128xbf16> to vector<2048x128xbf16>
    %convert_element_type3A = arith.extf %get3A_28 : vector<2048x128xbf16> to vector<2048x128xf32>
    %transpose3A = tpu.transpose %convert_element_type3A, [1, 0] : vector<2048x128xf32> -> vector<128x2048xf32>
    %broadcast_in_dim3A = vector.shape_cast %mul3A_17 : vector<128xf32> to vector<128x1xf32>
    %mul3A_29 = vector.broadcast %broadcast_in_dim3A : vector<128x1xf32> to vector<128x2048xf32>
    %mul3A_30 = arith.mulf %transpose3A, %mul3A_29 : vector<128x2048xf32>
    %broadcast_in_dim3A_31 = vector.shape_cast %sub3A_23 : vector<128xf32> to vector<128x1xf32>
    %add3A_32 = vector.broadcast %broadcast_in_dim3A_31 : vector<128x1xf32> to vector<128x2048xf32>
    %add3A_33 = arith.addf %mul3A_30, %add3A_32 : vector<128x2048xf32>
    %swap3A = arith.constant 0 : index
    %swap3A_34 = arith.constant 0 : index
    %swap3A_35 = arith.constant 0 : index
    %swap3A_36 = vector.load %arg6[%swap3A, %swap3A_34, %swap3A_35] : memref<1x128x2048xf32, #tpu.memory_space<vmem>>, vector<1x128x2048xf32>
    %swap3A_37 = vector.shape_cast %swap3A_36 : vector<1x128x2048xf32> to vector<128x2048xf32>
    %swap3A_38 = vector.shape_cast %add3A_33 : vector<128x2048xf32> to vector<1x128x2048xf32>
    tpu.vector_store %arg6[%swap3A, %swap3A_34, %swap3A_35], %swap3A_38 {strides = array<i32>} : memref<1x128x2048xf32, #tpu.memory_space<vmem>>, vector<1x128x2048xf32>,
    return
  }
  func.func @transform_0(%arg0: i32, %arg1: i32) -> (i32, i32, i32) {
    %c0_i32 = arith.constant 0 : i32
    %c0_i32_0 = arith.constant 0 : i32
    return %arg0, %arg1, %c0_i32 : i32, i32, i32
  }
  func.func @transform_1(%arg0: i32, %arg1: i32) -> (i32, i32) {
    %c0_i32 = arith.constant 0 : i32
    %c0_i32_0 = arith.constant 0 : i32
    %c0_i32_1 = arith.constant 0 : i32
    return %c0_i32, %c0_i32_0 : i32, i32
  }
  func.func @transform_2(%arg0: i32, %arg1: i32) -> (i32, i32) {
    %c0_i32 = arith.constant 0 : i32
    %c0_i32_0 = arith.constant 0 : i32
    %c0_i32_1 = arith.constant 0 : i32
    return %c0_i32, %c0_i32_0 : i32, i32
  }
  func.func @transform_3(%arg0: i32, %arg1: i32) -> (i32, i32) {
    %c0_i32 = arith.constant 0 : i32
    %c0_i32_0 = arith.constant 0 : i32
    %c0_i32_1 = arith.constant 0 : i32
    return %c0_i32, %c0_i32_0 : i32, i32
  }
  func.func @transform_4(%arg0: i32, %arg1: i32) -> (i32, i32, i32) {
    %c0_i32 = arith.constant 0 : i32
    %c0_i32_0 = arith.constant 0 : i32
    return %arg0, %c0_i32, %arg1 : i32, i32, i32
  }
}

</mosaic_0001>

<sc_bundles>
// kernel: kernel.5.cloned.1.call-start
scs
__scs_entry_jumppad:
0x0: {  	(pc) =	sbr.rel $0x88, $3  }
0x1: {  	(tag) =	ssettag $0x0;
	lr =	simm.s32 $0x1  }
0x2: {  	[smem:$0x3F97] =	sst lr;
	_ =	strace $0xD0000000  }
0x3: {  	_ = 	snop  }
0x4: {  	_ = 	snop  }
0x5: {  	_ = 	snop  }
0x6: {  	_ = 	snop  }
0x7: {  	_ = 	snop  }
__scs_overlays_trampoline_lowered:
0x8: {  	[smem:$0x3FA6] =	sst s0  }
0x9: {  	[smem:$0x3FA7] =	sst s1  }
0xa: {  	[smem:$0x3FA8] =	sst s2  }
0xb: {  	[smem:$0x3FA9] =	sst s3  }
0xc: {  	[smem:$0x3FAA] =	sst s4  }
0xd: {  	[smem:$0x3FAB] =	sst s5  }
0xe: {  	[smem:$0x3FAC] =	sst s6  }
0xf: {  	[smem:$0x3FAD] =	sst s7  }
0x10: {  	[smem:$0x3FAE] =	sst s8  }
0x11: {  	[smem:$0x3FAF] =	sst s9;
	s0 =	simm.s32 @!p0 $0x0  }
0x12: {  	s1 =	sld [smem:$0x3F95];
	s0 =	simm.s32 @p0 $0x1  }
0x13: {  	[smem:$0x3FB0] =	sst s0;
	s0 =	simm.s32 @!p1 $0x0  }
0x14: {  	s2 =	sld [smem:$0x3F94];
	s0 =	simm.s32 @p1 $0x1  }
0x15: {  	[smem:$0x3FB1] =	sst s0;
	s0 =	simm.s32 @!p2 $0x0  }
0x16: {  	s3 =	sld [smem:$0x3FDB];
	s0 =	simm.s32 @p2 $0x1  }
0x17: {  	s4 =	simm.s32 $0x1BF5;
	[smem:$0x3FB3] =	sst s0  }
0x18: {  	s0 =	sld [smem:$0x3F96];
	_ =	swait.ge [sflag:s4], $0x0  }
0x19: {  	s7 =	sld [smem:$0x3F97]  }
0x1a: {  	s8 =	sadd.s32 $0xFFFFE003, lr  }
0x1b: {  	s9 =	sadd.s32 $0xFFFFFEF7, lr;
	s5 =	simm.s32 $0xFFFFFFFF;
	p2 =	slt.u32 s8, $0xFFFFF086  }
0x1c: {  	p1 =	slt.u32 s9, $0xF7A;
	s5 =	simm.s32 @!p2 $0x0  }
0x1d: {  	s5 =	simm.s32 @p1 $0x1;
	p0 =	seq.s32 s7, s2  }
0x1e: {  	s7 =	smul.u32 @!p0 $0xF7A, s2;
	p2 =	seq.s32 @!p0 s5, $0x0  }
0x1f: {  	s9 =	smul.u32 $0xF7A, s1;
	s8 =	simm.s32 @!p0 $0x1BF5;
	p2 =	por !p2, p0  }
0x20: {  	[sflag:s8] =	ssyncset.s32 @!p0 $0xFFFFF086;
	s6 =	sadd.s32 @!p0 s3, s7;
	s7 =	simm.s32 @!p0 $0x108  }
0x21: {  	s3 =	sadd.s32 s3, s9;
	s6 =	sadd.s32 @!p0 $0x88, s6;
	s7 =	simm.s32 @p2 $0x1082  }
0x22: {  	[simem:s7], [sflag:s8] =	dma.local @!p0 [hbm:s6], $0xF7A  }
0x23: {  	s9 =	sor.u32 $0xD0000000, s2;
	s6 =	simm.s32 $0x108;
	_ =	swait.ge @!p0 [sflag:s8], $0x0  }
0x24: {  	s3 =	sadd.s32 $0x88, s3;
	s6 =	simm.s32 @!p1 $0x1082;
	[sflag:s4] =	ssyncset.s32 $0xFFFFF086  }
0x25: {  	[simem:s6], [sflag:s4] =	dma.local [hbm:s3], $0xF7A  }
0x26: {  	[smem:$0x3F97] =	sst s1;
	(tag) =	ssettag s2;
	_ =	strace s9  }
0x27: {  	s1 =	sld [smem:$0x3FA7]  }
0x28: {  	s2 =	sld [smem:$0x3FA8]  }
0x29: {  	s4 =	sld [smem:$0x3FAA]  }
0x2a: {  	p0 =	seq.s32 s5, $0x0;
	s5 =	sld [smem:$0x3FAB]  }
0x2b: {  	s6 =	sld [smem:$0x3FAC]  }
0x2c: {  	s7 =	sld [smem:$0x3FAD]  }
0x2d: {  	s3 =	simm.s32 $0x108;
	s8 =	sld [smem:$0x3FAE]  }
0x2e: {  	s3 =	simm.s32 @!p0 $0x1082;
	s9 =	sld [smem:$0x3FAF]  }
0x2f: {  	lr =	sadd.s32 s0, s3;
	s0 =	sld [smem:$0x3FA6]  }
0x30: {  	s3 =	sld [smem:$0x3FA9]  }
0x31: {  	[smem:$0x3FB2] =	sst s10  }
0x32: {  	s10 =	sld [smem:$0x3FB0];
	_ =	sdelay $0x3  }
0x33: {  	p0 =	seq.s32 s10, $0x1;
	s10 =	sld [smem:$0x3FB2];
	_ =	sdelay $0x3  }
0x34: {  	[smem:$0x3FB2] =	sst s10  }
0x35: {  	s10 =	sld [smem:$0x3FB1];
	_ =	sdelay $0x3  }
0x36: {  	p1 =	seq.s32 s10, $0x1;
	s10 =	sld [smem:$0x3FB2];
	_ =	sdelay $0x3  }
0x37: {  	[smem:$0x3FB2] =	sst s10  }
0x38: {  	s10 =	sld [smem:$0x3FB3]  }
0x39: {  	_ = 	snop;
	(pc) =	sbr.ind lr, $3  }
0x3a: {  	_ = 	snop  }
0x3b: {  	_ = 	snop  }
0x3c: {  	p2 =	seq.s32 s10, $0x1;
	s10 =	sld [smem:$0x3FB2]  }
0x3d: {  	_ =	shalt  }
0x3e: {  	_ =	shalt  }
0x3f: {  	_ =	shalt  }
0x40: {  	_ =	shalt  }
0x41: {  	_ =	shalt  }
0x42: {  	_ =	shalt  }
0x43: {  	_ =	shalt  }
0x44: {  	_ =	shalt  }
0x45: {  	_ =	shalt  }
0x46: {  	_ =	shalt  }
0x47: {  	_ =	shalt  }
0x48: {  	_ =	shalt  }
0x49: {  	_ =	shalt  }
0x4a: {  	_ =	shalt  }
0x4b: {  	_ =	shalt  }
0x4c: {  	_ =	shalt  }
0x4d: {  	_ =	shalt  }
0x4e: {  	_ =	shalt  }
0x4f: {  	_ =	shalt  }
0x50: {  	_ =	shalt  }
0x51: {  	_ =	shalt  }
0x52: {  	_ =	shalt  }
0x53: {  	_ =	shalt  }
0x54: {  	_ =	shalt  }
0x55: {  	_ =	shalt  }
0x56: {  	_ =	shalt  }
0x57: {  	_ =	shalt  }
0x58: {  	_ =	shalt  }
0x59: {  	_ =	shalt  }
0x5a: {  	_ =	shalt  }
0x5b: {  	_ =	shalt  }
0x5c: {  	_ =	shalt  }
0x5d: {  	_ =	shalt  }
0x5e: {  	_ =	shalt  }
0x5f: {  	_ =	shalt  }
0x60: {  	_ =	shalt  }
0x61: {  	_ =	shalt  }
0x62: {  	_ =	shalt  }
0x63: {  	_ =	shalt  }
0x64: {  	_ =	shalt  }
0x65: {  	_ =	shalt  }
0x66: {  	_ =	shalt  }
0x67: {  	_ =	shalt  }
0x68: {  	_ =	shalt  }
0x69: {  	_ =	shalt  }
0x6a: {  	_ =	shalt  }
0x6b: {  	_ =	shalt  }
0x6c: {  	_ =	shalt  }
0x6d: {  	_ =	shalt  }
0x6e: {  	_ =	shalt  }
0x6f: {  	_ =	shalt  }
0x70: {  	_ =	shalt  }
0x71: {  	_ =	shalt  }
0x72: {  	_ =	shalt  }
0x73: {  	_ =	shalt  }
0x74: {  	_ =	shalt  }
0x75: {  	_ =	shalt  }
0x76: {  	_ =	shalt  }
0x77: {  	_ =	shalt  }
0x78: {  	_ =	shalt  }
0x79: {  	_ =	shalt  }
0x7a: {  	_ =	shalt  }
0x7b: {  	_ =	shalt  }
0x7c: {  	_ =	shalt  }
0x7d: {  	_ =	shalt  }
0x7e: {  	_ =	shalt  }
0x7f: {  	_ =	shalt  }
0x80: {  	_ =	shalt  }
0x81: {  	_ =	shalt  }
0x82: {  	_ =	shalt  }
0x83: {  	_ =	shalt  }
0x84: {  	_ =	shalt  }
0x85: {  	_ =	shalt  }
0x86: {  	_ =	shalt  }
0x87: {  	_ =	shalt  }
.Lfunc_end0:
.L_simem_size_0:
called_computation_lowered:
.L_overlay_start_0:
0x88: {  	s2 =	sld [smem:$0x3FD9]  }
0x89: {  	s3 =	sld [smem:$0x3FFE];
	_ =	sdelay $0x1  }
0x8a: {  	s1 =	srdreg.scid  }
0x8b: {  	s0 =	sand.u32 $0x1, s1  }
0x8c: {  	s17 =	sshll.u32 s0, $0xA;
	s2 =	sadd.s32 s3, s2  }
0x8d: {  	s2 =	sadd.s32 s2, s17  }
0x8e: {  	[smem:$0x3FBE] =	sst s2  }
0x8f: {  	_ = 	snop  }
0x90: {  	s2 =	sld [smem:$0x3FD0];
	(tm) =	ssettm $0x1  }
0x91: {  	s18 =	sld [smem:$0x3FFB];
	_ =	sdelay $0x3  }
0x92: {  	_ =	strace s18  }
0x93: {  	s3 =	sld [smem:$0x3FFC];
	_ =	sdelay $0x3  }
0x94: {  	_ =	strace s3  }
0x95: {  	s3 =	sld [smem:$0x3FFD];
	_ =	sdelay $0x3  }
0x96: {  	_ =	strace s3  }
0x97: {  	_ =	strace $0x8FFFFFFF  }
0x98: {  	s19 =	sld [smem:$0x3FDB];
	_ =	sdelay $0x1  }
0x99: {  	s4 =	simm.s32 $_scs_section_size  }
0x9a: {  	s5 =	simm.s32 $_size__tile_overlayer_lowered;
	s6 =	simm.s32 $_tile_overlayer_lowered  }
0x9b: {  	s22 =	simm.s32 $0x1BFF;
	s21 =	sshll.u32 s6, $0x1;
	s3 =	sadd.s32 s4, s19  }
0x9c: {  	s7 =	simm.s32 $0x0;
	s20 =	sshll.u32 s5, $0x1;
	s5 =	sadd.s32 s21, s3  }
0x9d: {  	[timem:s7], [sflag:s22] =	dma.local [hbm:s5], s20  }
0x9e: {  	_ =	swait.ge [sflag:s22], s20  }
0x9f: {  	s4 =	ssub.s32 $0x0, s20;
	[sflag:s22] =	ssyncset.done $0x0  }
0xa0: {  	[sflag:s22] =	ssyncadd.s32 s4;
	_ =	sdelay $0x1  }
0xa1: {  	s23 =	simm.s32 $0x1B8B  }
0xa2: {  	_ =	swait.ge [sflag:s23], $0x1  }
0xa3: {  	[sflag:s23] =	ssyncset.done $0x0  }
0xa4: {  	s25 =	simm.s32 $0x1B8E;
	s24 =	sld [smem:$0x3FFE];
	[sflag:s23] =	ssyncadd.s32 $0xFFFFFFFF  }
0xa5: {  	s26 =	simm.s32 $execute0_lowered;
	[smem:$0x3FD2] =	sst s25  }
0xa6: {  	s5 =	sshll.u32 s26, $0x1;
	_ =	strace $0x80000046;
	[dreg:$0x1] =	wrdreg $0xFFFFFFFF  }
0xa7: {  	s28 =	simm.s32 $_size_execute0_lowered;
	s3 =	sadd.s32 s3, s5;
	[dreg:$0x0] =	wrdreg $0x0  }
0xa8: {  	s5 =	sshll.u32 s28, $0x1;
	[dreg:$0x2] =	wrdreg s3  }
0xa9: {  	[dreg:$0x3] =	wrdreg s5  }
0xaa: {  	[dreg:$0x4] =	wrdreg $0xC0  }
0xab: {  	_ =	task [dreg:s7], $0x5FFFF  }
0xac: {  	[dreg:$0x1] =	wrdreg $0xFFFFFFFF  }
0xad: {  	[dreg:$0x0] =	wrdreg $0x60  }
0xae: {  	[dreg:$0x2] =	wrdreg s2  }
0xaf: {  	[dreg:$0x3] =	wrdreg s24  }
0xb0: {  	[dreg:$0x4] =	wrdreg $0x9  }
0xb1: {  	_ =	task.clear_ibuf [dreg:s7], $0x5FFFF;
	_ =	strace $0x90000046  }
0xb2: {  	s29 =	simm.s32 $0x9;
	_ =	strace $0x80000048  }
0xb3: {  	_ =	swait.ge [sflag:s29], $0x1  }
0xb4: {  	[sflag:s29] =	ssyncadd.s32 $0xFFFFFFFF  }
0xb5: {  	_ =	strace $0x90000048  }
0xb6: {  	_ =	sfence  }
0xb7: {  	s30 =	sld [smem:$0x0];
	_ =	sdelay $0x2  }
0xb8: {  	s31 =	sshll.u32 s1, $0xD;
	s1 =	sshrl.u32 s1, $0x2  }
0xb9: {  	s3 =	sand.u32 $0x4000, s31;
	s1 =	sadd.s32 s1, s30  }
0xba: {  	s0 =	sor.u32 s3, s0;
	s1 =	sshll.u32 s1, $0x11  }
0xbb: {  	s0 =	sor.u32 s1, s0  }
0xbc: {  	s0 =	sadd.s32 $0x8F2B, s0  }
0xbd: {  	[sflag:s0] =	ssyncadd.remote.s32 $0x1  }
0xbe: {  	_ =	sfence.sel $0xFFFF  }
0xbf: {  	[dreg:$0x0] =	wrdreg $0xFFFFFFFF;
	(pc) =	sbr.abs _section_cstart, $3  }
0xc0: {  	[dreg:$0x1] =	wrdreg $0xFFFFFFFF  }
0xc1: {  	_ =	task.clear_ibuf [dreg:s7], $0x2FFFF;
	_ =	strace $0x9FFFFFFF  }
0xc2: {  	(tm) =	ssettm $0x7FFFFFFF  }
0xc3: {  	_ =	shalt  }
tec
execute0_lowered:
.L_overlay_start_1:
0x0: {  	(tag) =	ssettag $0x1  }
0x1: {  	s2 =	rddreg [dreg:$0x0]  }
0x2: {  	s0 =	rddreg [dreg:$0x1];
	s1 =	srdreg.scid  }
0x3: {  	s8 =	stileid.u32;
	s3 =	simm.s32 $0x0;
	s16 =	simm.s32 $0x80  }
0x4: {  	s31 =	simm.s32 $0x1;
	s28 =	simm.s32 $0x1D870;
	s12 =	simm.s32 $0x1D8B0  }
0x5: {  	s13 =	simm.s32 $0x1D8C0;
	s14 =	simm.s32 $0x1D8D0;
	s15 =	simm.s32 $0x1D8E0  }
0x6: {  	s30 =	simm.s32 $0x2;
	s10 =	simm.s32 $0x0;
	s1 =	sand.u32 $0x1, s1  }
0x7: {  	s4 =	sshll.u32 s8, $0x1;
	[smem:$0x7FF] =	sst s3;
	s18 =	sshll.u32 s8, $0x6  }
0x8: {  	s5 =	sor.u32 s1, s4;
	_ =	strace $0x80000047;
	s9 =	sand.u32 $0x300, s18  }
0x9: {  	s1 =	ssub.s32 $0x2, s1;
	s18 =	simm.s32 $0x3;
	s4 =	sshll.u32 s5, $0xB  }
0xa: {  	s7 =	sshll.u32 s5, $0xD;
	s20 =	sshrl.u32 s1, $0x1;
	s22 =	sshll.u32 s5, $0x4  }
0xb: {  	s5 =	sshll.u32 s5, $0x10;
	s6 =	sadd.s32 s4, s0;
	s19 =	sadd.s32 s7, s0  }
0xc: {  	s4 =	sadd.s32 $0x51400, s0;
	s0 =	sadd.s32 s9, s0;
	s1 =	ssub.s32 s1, s20  }
0xd: {  	s24 =	sand.u32 $0x70, s22;
	s25 =	sor.u32 $0x400, s5;
	s5 =	sor.u32 $0x800, s5  }
0xe: {  	s9 =	simm.s32 $0xA;
	s20 =	simm.s32 $0x1D810;
	s22 =	simm.s32 $0x1D830  }
0xf: {  	s6 =	sadd.s32 $0x1400, s6;
	s21 =	sadd.s32 $0x11480, s19;
	[dreg:$0x7] =	wrdreg s25  }
0x10: {  	s8 =	sadd.s32 $0x11500, s19;
	s23 =	sadd.s32 s4, s7;
	[dreg:$0x8] =	wrdreg s5  }
0x11: {  	s0 =	sadd.s32 s24, s0;
	s29 =	smax.u32 s1, $0x1;
	[dreg:$0x3] =	wrdreg s6  }
0x12: {  	s1 =	simm.s32 $0x1D800;
	s24 =	simm.s32 $0x1D850;
	[dreg:$0x4] =	wrdreg s21  }
0x13: {  	s25 =	simm.s32 $0x1D860;
	s5 =	simm.s32 $0x1D880;
	[dreg:$0x5] =	wrdreg s8  }
0x14: {  	s7 =	simm.s32 $0x1D890;
	s6 =	sadd.s32 $0x11400, s19;
	[dreg:$0x6] =	wrdreg s23  }
0x15: {  	s26 =	sadd.s32 $0x1F80, s23;
	s0 =	sadd.s32 $0x91400, s0;
	[dreg:$0xb] =	wrdreg s29  }
0x16: {  	s21 =	simm.s32 $0x1D820;
	s23 =	simm.s32 $0x1D840;
	[dreg:$0x9] =	wrdreg s26  }
0x17: {  	s8 =	simm.s32 $0x1D8A0;
	[dreg:$0xa] =	wrdreg s0;
	s26 =	simm.s32 $0x1D8F0  }
.LBB2_1:
0x18: {  	[dreg:$0xc] =	wrdreg s10  }
0x19: {  	s0 =	rddreg [dreg:$0x3]  }
0x1a: {  	[tilespmem:s3], [sflag:$0xA] =	stream.linear.gather [hbm4b:s0+s3], $0x4000, $0x38;
	[tilespmem:$0x1D900] =	vst v63  }
0x1b: {  	_ =	swait.ge [sflag:s9], $0x4000  }
0x1c: {  	[sflag:s9] =	ssyncset.done $0x0  }
0x1d: {  	v0 =	vimm.f32 $0.0e+00;
	[sflag:s9] =	ssyncadd.s32 $0xFFFFC000  }
0x1e: {  	[tilespmem:$0x1D800] =	vst v0  }
0x1f: {  	[tilespmem:$0x1D810] =	vst v0  }
0x20: {  	[tilespmem:$0x1D820] =	vst v0  }
0x21: {  	[tilespmem:$0x1D830] =	vst v0  }
0x22: {  	[tilespmem:$0x1D840] =	vst v0  }
0x23: {  	[tilespmem:$0x1D850] =	vst v0  }
0x24: {  	[tilespmem:$0x1D860] =	vst v0  }
0x25: {  	[tilespmem:$0x1D870] =	vst v0  }
0x26: {  	[tilespmem:$0x1D880] =	vst v0  }
0x27: {  	[tilespmem:$0x1D890] =	vst v0  }
0x28: {  	[tilespmem:$0x1D8A0] =	vst v0  }
0x29: {  	[tilespmem:$0x1D8B0] =	vst v0  }
0x2a: {  	[tilespmem:$0x1D8C0] =	vst v0  }
0x2b: {  	[tilespmem:$0x1D8D0] =	vst v0  }
0x2c: {  	[tilespmem:$0x1D8E0] =	vst v0  }
0x2d: {  	s17 =	simm.s32 $0x4000;
	[tilespmem:$0x1D8F0] =	vst v0  }
0x2e: {  	[tilespmem:s17], [sflag:$0x1] =	stream.indirect.gather [hbm4b:s2+s16], $0x80, s3, s16, $0xb8;
	[tilespmem:$0x1D900] =	vst v63  }
0x2f: {  	s19 =	simm.s32 $0x8000  }
0x30: {  	[tilespmem:s19], [sflag:$0x1] =	stream.indirect.gather [hbm4b:s2+s16], $0x80, s16, s16, $0xb8;
	[tilespmem:$0x1D900] =	vst v63  }
0x31: {  	s9 =	simm.s32 $0x1C000  }
0x32: {  	[tilespmem:s9], [sflag:$0x4] =	stream.linear.gather [hbm4b:s6+s3], $0x400, $0x38;
	[tilespmem:$0x1D900] =	vst v63  }
0x33: {  	s10 =	simm.s32 $0x100;
	s11 =	simm.s32 $0xC000  }
0x34: {  	[tilespmem:s11], [sflag:$0x2] =	stream.indirect.gather [hbm4b:s2+s16], $0x80, s10, s16, $0xb8;
	[tilespmem:$0x1D900] =	vst v63  }
0x35: {  	s17 =	simm.s32 $0x180;
	s19 =	simm.s32 $0x10000  }
0x36: {  	[tilespmem:s19], [sflag:$0x2] =	stream.indirect.gather [hbm4b:s2+s16], $0x80, s17, s16, $0xb8;
	[tilespmem:$0x1D900] =	vst v63  }
0x37: {  	s10 =	rddreg [dreg:$0x4];
	s11 =	simm.s32 $0x1C400  }
0x38: {  	[tilespmem:s11], [sflag:$0x5] =	stream.linear.gather [hbm4b:s10+s3], $0x400, $0x38;
	[tilespmem:$0x1D900] =	vst v63  }
0x39: {  	s17 =	simm.s32 $0x200;
	s19 =	simm.s32 $0x14000  }
0x3a: {  	[tilespmem:s19], [sflag:$0x3] =	stream.indirect.gather [hbm4b:s2+s16], $0x80, s17, s16, $0xb8;
	[tilespmem:$0x1D900] =	vst v63  }
0x3b: {  	s10 =	simm.s32 $0x280;
	s11 =	simm.s32 $0x18000  }
0x3c: {  	[tilespmem:s11], [sflag:$0x3] =	stream.indirect.gather [hbm4b:s2+s16], $0x80, s10, s16, $0xb8;
	[tilespmem:$0x1D900] =	vst v63  }
0x3d: {  	s29 =	simm.s32 $0x0;
	s17 =	rddreg [dreg:$0x5];
	s19 =	simm.s32 $0x1C800  }
0x3e: {  	[tilespmem:s19], [sflag:$0x6] =	stream.linear.gather [hbm4b:s17+s3], $0x400, $0x38;
	[tilespmem:$0x1D900] =	vst v63  }
.LBB2_2:
0x3f: {  	_ =	swait.ge [sflag:s31], $0x4000  }
0x40: {  	[sflag:s31] =	ssyncset.done $0x0  }
0x41: {  	[sflag:s31] =	ssyncadd.s32 $0xFFFFC000  }
0x42: {  	_ =	swait.ge [sflag:s31], $0x4000  }
0x43: {  	[sflag:s31] =	ssyncset.done $0x0  }
0x44: {  	s0 =	simm.s32 $0x4;
	[sflag:s31] =	ssyncadd.s32 $0xFFFFC000  }
0x45: {  	_ =	swait.ge [sflag:s0], $0x400  }
0x46: {  	p0 =	seq.s32 s29, $0x0;
	[sflag:s0] =	ssyncset.done $0x0  }
0x47: {  	s10 =	simm.s32 @!p0 $0x7;
	[sflag:s0] =	ssyncadd.s32 $0xFFFFFC00  }
0x48: {  	_ =	swait.ge @!p0 [sflag:s10], $0x400  }
0x49: {  	[sflag:s10] =	ssyncset.done @!p0 $0x0  }
0x4a: {  	s9 =	smul.u32 $0x3, s29;
	[sflag:s10] =	ssyncadd.s32 @!p0 $0xFFFFFC00;
	s10 =	simm.s32 $0x0  }
.LBB2_3:
0x4b: {  	s11 =	sshll.u32 s10, $0x7  }
0x4c: {  	s11 =	sand.u32 $0x7FFFFF80, s11  }
0x4d: {  	v2 =	vld [tilespmem:s11+$0x1C000]  }
0x4e: {  	v0 =	vld [tilespmem:s11+$0x1C010]  }
0x4f: {  	v41 =	vld [tilespmem:s11+$0x1C020]  }
0x50: {  	v42 =	vld [tilespmem:s11+$0x1C030]  }
0x51: {  	s17 =	sshll.u32 s10, $0xE;
	v43 =	vld [tilespmem:s11+$0x1C040]  }
0x52: {  	s17 =	sshra.s32 s17, $0x2;
	v44 =	vld [tilespmem:s11+$0x1C050]  }
0x53: {  	v7 =	vld [tilespmem:s17+$0x4000]  }
0x54: {  	v8 =	vld [tilespmem:s17+$0x4010]  }
0x55: {  	v9 =	vld [tilespmem:s17+$0x4020]  }
0x56: {  	v10 =	vld [tilespmem:s17+$0x4030]  }
0x57: {  	v11 =	vld [tilespmem:s17+$0x4040]  }
0x58: {  	v12 =	vld [tilespmem:s17+$0x4050]  }
0x59: {  	v13 =	vld [tilespmem:s17+$0x4060]  }
0x5a: {  	v14 =	vld [tilespmem:s17+$0x4070]  }
0x5b: {  	v15 =	vld [tilespmem:s17+$0x4080]  }
0x5c: {  	v6 =	vld [tilespmem:s17+$0x43E0]  }
0x5d: {  	v16 =	vld [tilespmem:s17+$0x4090]  }
0x5e: {  	v17 =	vld [tilespmem:s17+$0x40A0]  }
0x5f: {  	v18 =	vld [tilespmem:s17+$0x40B0]  }
0x60: {  	v19 =	vld [tilespmem:s17+$0x40C0]  }
0x61: {  	[tilespmem:$0x1FB90] =	vst v6;
	v6 =	vld [tilespmem:s17+$0x43F0]  }
0x62: {  	v20 =	vld [tilespmem:s17+$0x40D0]  }
0x63: {  	v21 =	vld [tilespmem:s17+$0x40E0]  }
0x64: {  	v22 =	vld [tilespmem:s17+$0x40F0]  }
0x65: {  	v23 =	vld [tilespmem:s17+$0x4100]  }
0x66: {  	[tilespmem:$0x1FBA0] =	vst v6;
	v6 =	vld [tilespmem:s17+$0x4400]  }
0x67: {  	v24 =	vld [tilespmem:s17+$0x4110]  }
0x68: {  	v25 =	vld [tilespmem:s17+$0x4120]  }
0x69: {  	v26 =	vld [tilespmem:s17+$0x4130]  }
0x6a: {  	v27 =	vld [tilespmem:s17+$0x4140]  }
0x6b: {  	[tilespmem:$0x1FBB0] =	vst v6;
	v6 =	vld [tilespmem:s17+$0x4410]  }
0x6c: {  	v28 =	vld [tilespmem:s17+$0x4150]  }
0x6d: {  	v29 =	vld [tilespmem:s17+$0x4160]  }
0x6e: {  	v30 =	vld [tilespmem:s17+$0x4170]  }
0x6f: {  	v31 =	vld [tilespmem:s17+$0x4180]  }
0x70: {  	[tilespmem:$0x1FBC0] =	vst v6;
	v6 =	vld [tilespmem:s17+$0x4420]  }
0x71: {  	v32 =	vld [tilespmem:s17+$0x4190]  }
0x72: {  	v33 =	vld [tilespmem:s17+$0x41A0]  }
0x73: {  	v34 =	vld [tilespmem:s17+$0x41B0]  }
0x74: {  	v35 =	vld [tilespmem:s17+$0x41C0]  }
0x75: {  	[tilespmem:$0x1FBD0] =	vst v6;
	v6 =	vld [tilespmem:s17+$0x4430]  }
0x76: {  	v36 =	vld [tilespmem:s17+$0x41D0]  }
0x77: {  	v37 =	vld [tilespmem:s17+$0x41E0]  }
0x78: {  	v38 =	vld [tilespmem:s17+$0x41F0]  }
0x79: {  	v39 =	vld [tilespmem:s17+$0x4200]  }
0x7a: {  	[tilespmem:$0x1FBE0] =	vst v6;
	v6 =	vld [tilespmem:s17+$0x4440]  }
0x7b: {  	v40 =	vld [tilespmem:s17+$0x4210]  }
0x7c: {  	v45 =	vld [tilespmem:s17+$0x4260]  }
0x7d: {  	v46 =	vld [tilespmem:s17+$0x4270]  }
0x7e: {  	v47 =	vld [tilespmem:s17+$0x4280]  }
0x7f: {  	[tilespmem:$0x1FBF0] =	vst v6;
	v6 =	vld [tilespmem:s17+$0x4450]  }
0x80: {  	v48 =	vld [tilespmem:s17+$0x4290]  }
0x81: {  	v49 =	vld [tilespmem:s17+$0x42A0]  }
0x82: {  	v50 =	vld [tilespmem:s17+$0x42B0]  }
0x83: {  	v51 =	vld [tilespmem:s17+$0x42C0]  }
0x84: {  	[tilespmem:$0x1FC00] =	vst v6;
	v6 =	vld [tilespmem:s17+$0x4460]  }
0x85: {  	v52 =	vld [tilespmem:s17+$0x42D0]  }
0x86: {  	v53 =	vld [tilespmem:s17+$0x42E0]  }
0x87: {  	v54 =	vld [tilespmem:s17+$0x42F0]  }
0x88: {  	v55 =	vld [tilespmem:s17+$0x4300]  }
0x89: {  	[tilespmem:$0x1FC10] =	vst v6;
	v6 =	vld [tilespmem:s17+$0x4470]  }
0x8a: {  	v56 =	vld [tilespmem:s17+$0x4310]  }
0x8b: {  	v57 =	vld [tilespmem:s17+$0x4320]  }
0x8c: {  	v58 =	vld [tilespmem:s17+$0x4330]  }
0x8d: {  	v59 =	vld [tilespmem:s17+$0x4340]  }
0x8e: {  	[tilespmem:$0x1FC20] =	vst v6;
	v6 =	vld [tilespmem:s17+$0x4480]  }
0x8f: {  	v60 =	vld [tilespmem:s17+$0x4350]  }
0x90: {  	v61 =	vld [tilespmem:s17+$0x4360]  }
0x91: {  	v62 =	vld [tilespmem:s17+$0x4370]  }
0x92: {  	v63 =	vld [tilespmem:s17+$0x4380]  }
0x93: {  	[tilespmem:$0x1FC30] =	vst v6;
	v6 =	vld [tilespmem:s17+$0x4490]  }
0x94: {  	v1 =	vld [tilespmem:s17+$0x43A0]  }
0x95: {  	v3 =	vld [tilespmem:s17+$0x43B0]  }
0x96: {  	v4 =	vld [tilespmem:s17+$0x43C0]  }
0x97: {  	v5 =	vld [tilespmem:s17+$0x43D0]  }
0x98: {  	[tilespmem:$0x1FC40] =	vst v6;
	v6 =	vld [tilespmem:s17+$0x44A0]  }
0x99: {  	[tilespmem:$0x1FF20] =	vst v41;
	v41 =	vld [tilespmem:s17+$0x4220]  }
0x9a: {  	[tilespmem:$0x1FF30] =	vst v42;
	v42 =	vld [tilespmem:s17+$0x4230]  }
0x9b: {  	[tilespmem:$0x1FF40] =	vst v43;
	v43 =	vld [tilespmem:s17+$0x4240]  }
0x9c: {  	[tilespmem:$0x1FF50] =	vst v44;
	v44 =	vld [tilespmem:s17+$0x4250]  }
0x9d: {  	[tilespmem:$0x1FC50] =	vst v6;
	v6 =	vld [tilespmem:s17+$0x44B0]  }
0x9e: {  	[tilespmem:$0x1FF10] =	vst v0;
	v0 =	vld [tilespmem:s17+$0x4390]  }
0x9f: {  	v7 =	vmax.bf16 v7, v15;
	v15 =	vld [tilespmem:s17+$0x45A0]  }
0xa0: {  	v8 =	vmax.bf16 v8, v16;
	v16 =	vld [tilespmem:s17+$0x45B0]  }
0xa1: {  	v9 =	vmax.bf16 v9, v17;
	v17 =	vld [tilespmem:s17+$0x45C0]  }
0xa2: {  	[tilespmem:$0x1FC60] =	vst v6;
	v6 =	vld [tilespmem:s17+$0x44C0]  }
0xa3: {  	v10 =	vmax.bf16 v10, v18;
	v18 =	vld [tilespmem:s17+$0x45D0]  }
0xa4: {  	v11 =	vmax.bf16 v11, v19;
	v19 =	vld [tilespmem:s17+$0x45E0]  }
0xa5: {  	v12 =	vmax.bf16 v12, v20;
	v20 =	vld [tilespmem:s17+$0x45F0]  }
0xa6: {  	v13 =	vmax.bf16 v13, v21;
	v21 =	vld [tilespmem:s17+$0x4600]  }
0xa7: {  	[tilespmem:$0x1FC70] =	vst v6;
	v6 =	vld [tilespmem:s17+$0x44D0]  }
0xa8: {  	v14 =	vmax.bf16 v14, v22;
	v22 =	vld [tilespmem:s17+$0x4610]  }
0xa9: {  	v7 =	vmax.bf16 v7, v23;
	v23 =	vld [tilespmem:s17+$0x4620]  }
0xaa: {  	v8 =	vmax.bf16 v8, v24;
	v24 =	vld [tilespmem:s17+$0x4630]  }
0xab: {  	v9 =	vmax.bf16 v9, v25;
	v25 =	vld [tilespmem:s17+$0x4640]  }
0xac: {  	[tilespmem:$0x1FC80] =	vst v6;
	v6 =	vld [tilespmem:s17+$0x44E0]  }
0xad: {  	v10 =	vmax.bf16 v10, v26;
	v26 =	vld [tilespmem:s17+$0x4650]  }
0xae: {  	v11 =	vmax.bf16 v11, v27;
	v27 =	vld [tilespmem:s17+$0x4660]  }
0xaf: {  	v12 =	vmax.bf16 v12, v28;
	v28 =	vld [tilespmem:s17+$0x4670]  }
0xb0: {  	v13 =	vmax.bf16 v13, v29;
	v29 =	vld [tilespmem:s17+$0x4680]  }
0xb1: {  	[tilespmem:$0x1FC90] =	vst v6;
	v6 =	vld [tilespmem:s17+$0x44F0]  }
0xb2: {  	v14 =	vmax.bf16 v14, v30;
	v30 =	vld [tilespmem:s17+$0x4690]  }
0xb3: {  	v7 =	vmax.bf16 v7, v31;
	v31 =	vld [tilespmem:s17+$0x46A0]  }
0xb4: {  	v8 =	vmax.bf16 v8, v32;
	v32 =	vld [tilespmem:s17+$0x46E0]  }
0xb5: {  	v10 =	vmax.bf16 v10, v34;
	v34 =	vld [tilespmem:s17+$0x46F0]  }
0xb6: {  	[tilespmem:$0x1FCA0] =	vst v6;
	v6 =	vld [tilespmem:s17+$0x4500]  }
0xb7: {  	v12 =	vmax.bf16 v12, v36;
	v36 =	vld [tilespmem:s17+$0x4700]  }
0xb8: {  	v13 =	vmax.bf16 v13, v37;
	v37 =	vld [tilespmem:s17+$0x4710]  }
0xb9: {  	v14 =	vmax.bf16 v14, v38;
	v38 =	vld [tilespmem:s17+$0x4720]  }
0xba: {  	v7 =	vmax.bf16 v7, v39;
	v14 =	vmax.bf16 v14, v46;
	v46 =	vld [tilespmem:$0x1FF10]  }
0xbb: {  	v9 =	vmax.bf16 v9, v33;
	v7 =	vmax.bf16 v7, v47;
	[tilespmem:$0x1FCB0] =	vst v6;
	v6 =	vld [tilespmem:s17+$0x4510]  }
0xbc: {  	v9 =	vmax.bf16 v9, v41;
	v7 =	vmax.bf16 v7, v55;
	v55 =	vld [tilespmem:$0x1FF40]  }
0xbd: {  	v11 =	vmax.bf16 v11, v35;
	v10 =	vmax.bf16 v10, v42;
	v9 =	vmax.bf16 v9, v49;
	v49 =	vld [tilespmem:$0x1FF20]  }
0xbe: {  	v11 =	vmax.bf16 v11, v43;
	v10 =	vmax.bf16 v10, v50;
	v50 =	vld [tilespmem:$0x1FB90]  }
0xbf: {  	v11 =	vmax.bf16 v11, v51;
	v51 =	vld [tilespmem:$0x1FBA0]  }
0xc0: {  	v12 =	vmax.bf16 v12, v44;
	[tilespmem:$0x1FCC0] =	vst v6;
	v6 =	vld [tilespmem:s17+$0x4520]  }
0xc1: {  	v12 =	vmax.bf16 v12, v52;
	v52 =	vld [tilespmem:$0x1FF30]  }
0xc2: {  	v9 =	vmax.bf16 v9, v57;
	v10 =	vmax.bf16 v10, v58;
	v58 =	vld [tilespmem:$0x1FF50]  }
0xc3: {  	v13 =	vmax.bf16 v13, v45;
	v11 =	vmax.bf16 v11, v59;
	v1 =	vmax.bf16 v9, v1;
	v9 =	vld [tilespmem:s17+$0x46B0]  }
0xc4: {  	v13 =	vmax.bf16 v13, v53;
	v47 =	vmax.bf16 v11, v4;
	v11 =	vld [tilespmem:s17+$0x46C0]  }
0xc5: {  	v8 =	vmax.bf16 v8, v40;
	v13 =	vmax.bf16 v13, v61;
	v12 =	vmax.bf16 v12, v60;
	[tilespmem:$0x1FCD0] =	vst v6;
	v6 =	vld [tilespmem:s17+$0x4530]  }
0xc6: {  	v8 =	vmax.bf16 v8, v48;
	v48 =	vmax.bf16 v12, v5;
	v5 =	vmax.bf16 v13, v50;
	v13 =	vld [tilespmem:s17+$0x46D0]  }
0xc7: {  	v53 =	vld [tilespmem:$0x1FBB0]  }
0xc8: {  	v12 =	vunpack.i.l.bf16.f32 v49;
	v49 =	vld [tilespmem:s17+$0x4740]  }
0xc9: {  	v14 =	vmax.bf16 v14, v54;
	v54 =	vld [tilespmem:$0x1FBC0]  }
0xca: {  	[tilespmem:$0x1FCE0] =	vst v6;
	v6 =	vld [tilespmem:s17+$0x4540]  }
0xcb: {  	v7 =	vmax.bf16 v7, v63;
	v57 =	vld [tilespmem:$0x1FBE0]  }
0xcc: {  	v7 =	vmax.bf16 v7, v53;
	v53 =	vld [tilespmem:s17+$0x4750]  }
0xcd: {  	v8 =	vmax.bf16 v8, v56;
	v56 =	vld [tilespmem:$0x1FBD0]  }
0xce: {  	v59 =	vld [tilespmem:$0x1FBF0]  }
0xcf: {  	v45 =	vmax.bf16 v10, v3;
	[tilespmem:$0x1FCF0] =	vst v6;
	v6 =	vld [tilespmem:s17+$0x4550]  }
0xd0: {  	[tilespmem:$0x1FF00] =	vst v2;
	v0 =	vmax.bf16 v8, v0;
	v8 =	vunpack.i.l.bf16.f32 v2;
	v2 =	vmax.bf16 v45, v57;
	v57 =	vld [tilespmem:s17+$0x4760]  }
0xd1: {  	v60 =	vld [tilespmem:$0x1FC00]  }
0xd2: {  	v61 =	vld [tilespmem:$0x1FC10]  }
0xd3: {  	v14 =	vmax.bf16 v14, v62;
	v62 =	vld [tilespmem:$0x1FC20]  }
0xd4: {  	[tilespmem:$0x1FD00] =	vst v6;
	v6 =	vld [tilespmem:s17+$0x4560]  }
0xd5: {  	v63 =	vld [tilespmem:$0x1FC30]  }
0xd6: {  	v40 =	vld [tilespmem:$0x1FC40]  }
0xd7: {  	v41 =	vld [tilespmem:$0x1FC50]  }
0xd8: {  	v42 =	vld [tilespmem:$0x1FC60]  }
0xd9: {  	[tilespmem:$0x1FD10] =	vst v6;
	v6 =	vld [tilespmem:s17+$0x4570]  }
0xda: {  	v43 =	vld [tilespmem:$0x1FC70]  }
0xdb: {  	v44 =	vld [tilespmem:$0x1FC80]  }
0xdc: {  	v10 =	vunpack.i.l.bf16.f32 v46;
	v46 =	vld [tilespmem:$0x1FC90]  }
0xdd: {  	v0 =	vmax.bf16 v0, v54;
	v54 =	vld [tilespmem:$0x1FCF0]  }
0xde: {  	[tilespmem:$0x1FD20] =	vst v6;
	v6 =	vld [tilespmem:s17+$0x4580]  }
0xdf: {  	v4 =	vmax.bf16 v48, v60;
	v48 =	vld [tilespmem:$0x1FCB0]  }
0xe0: {  	v33 =	vunpack.i.l.bf16.f32 v55;
	v35 =	vunpack.i.l.bf16.f32 v58;
	v55 =	vld [tilespmem:$0x1FD00]  }
0xe1: {  	v1 =	vmax.bf16 v1, v56;
	v3 =	vmax.bf16 v47, v59;
	v5 =	vmax.bf16 v5, v61;
	v50 =	vld [tilespmem:$0x1FCC0]  }
0xe2: {  	v7 =	vmax.bf16 v7, v63;
	v0 =	vmax.bf16 v0, v40;
	v3 =	vmax.bf16 v3, v43;
	v56 =	vld [tilespmem:$0x1FD10]  }
0xe3: {  	v1 =	vmax.bf16 v1, v41;
	v2 =	vmax.bf16 v2, v42;
	v3 =	vmax.bf16 v3, v54;
	[tilespmem:$0x1FD30] =	vst v6;
	v6 =	vld [tilespmem:s17+$0x4590]  }
0xe4: {  	v4 =	vmax.bf16 v4, v44;
	v5 =	vmax.bf16 v5, v46;
	v47 =	vld [tilespmem:$0x1FCA0];
	v3 =	vmax.bf16 v3, v17  }
0xe5: {  	v7 =	vmax.bf16 v7, v48;
	v3 =	vmax.bf16 v3, v25;
	v4 =	vmax.bf16 v4, v55;
	v59 =	vld [tilespmem:$0x1FD30]  }
0xe6: {  	v0 =	vmax.bf16 v0, v50;
	v25 =	vld [tilespmem:s17+$0x47E0];
	v3 =	vmax.bf16 v3, v11;
	v4 =	vmax.bf16 v4, v18  }
0xe7: {  	v3 =	vmax.bf16 v3, v49;
	v4 =	vmax.bf16 v4, v26;
	v5 =	vmax.bf16 v5, v56;
	v58 =	vld [tilespmem:$0x1FD20]  }
0xe8: {  	v4 =	vmax.bf16 v4, v13;
	v5 =	vmax.bf16 v5, v19;
	[tilespmem:$0x1FD40] =	vst v6;
	v6 =	vmax.bf16 v14, v51;
	v51 =	vld [tilespmem:$0x1FCD0]  }
0xe9: {  	v4 =	vmax.bf16 v4, v53;
	v5 =	vmax.bf16 v5, v27;
	v14 =	vunpack.i.l.bf16.f32 v52;
	v52 =	vld [tilespmem:$0x1FCE0]  }
0xea: {  	v5 =	vmax.bf16 v5, v32;
	v6 =	vmax.bf16 v6, v62;
	v7 =	vmax.bf16 v7, v59;
	v60 =	vld [tilespmem:$0x1FD40]  }
0xeb: {  	v5 =	vmax.bf16 v5, v57;
	v62 =	vld [tilespmem:s17+$0x4780];
	v6 =	vmax.bf16 v6, v47;
	v7 =	vmax.bf16 v7, v21  }
0xec: {  	v61 =	vld [tilespmem:s17+$0x4770];
	v5 =	vmax.bf16 v5, v25;
	v6 =	vmax.bf16 v6, v58;
	v7 =	vmax.bf16 v7, v29  }
0xed: {  	v45 =	vld [tilespmem:s17+$0x4730];
	v39 =	vunpack.i.l.bf16.f32 v5;
	v6 =	vmax.bf16 v6, v20;
	v7 =	vmax.bf16 v7, v36  }
0xee: {  	v26 =	vld [tilespmem:s17+$0x47F0];
	v1 =	vmax.bf16 v1, v51;
	v2 =	vmax.bf16 v2, v52;
	v6 =	vmax.bf16 v6, v28  }
0xef: {  	v63 =	vld [tilespmem:s17+$0x4790];
	v0 =	vmax.bf16 v0, v60;
	v1 =	vmax.bf16 v1, v15;
	v2 =	vmax.bf16 v2, v16  }
0xf0: {  	v21 =	vld [tilespmem:s17+$0x47A0];
	v6 =	vmax.bf16 v6, v34;
	v7 =	vmax.bf16 v7, v62;
	v0 =	vmax.bf16 v0, v22  }
0xf1: {  	v1 =	vmax.bf16 v1, v23;
	v2 =	vmax.bf16 v2, v24;
	v22 =	vld [tilespmem:s17+$0x47B0];
	v6 =	vmax.bf16 v6, v61  }
0xf2: {  	v23 =	vld [tilespmem:s17+$0x47C0];
	v27 =	vunpack.i.u.bf16.f32 v7;
	v7 =	vunpack.i.l.bf16.f32 v7;
	v0 =	vmax.bf16 v0, v30  }
0xf3: {  	v24 =	vld [tilespmem:s17+$0x47D0];
	v1 =	vmax.bf16 v1, v31;
	v2 =	vmax.bf16 v2, v9;
	v6 =	vmax.bf16 v6, v26  }
0xf4: {  	v7 =	vadd.f32 v7, v27;
	v0 =	vmax.bf16 v0, v37;
	v1 =	vmax.bf16 v1, v38  }
0xf5: {  	v2 =	vmax.bf16 v2, v45;
	v37 =	vunpack.i.u.bf16.f32 v5;
	v0 =	vmax.bf16 v0, v63  }
0xf6: {  	v1 =	vmax.bf16 v1, v21;
	v7 =	vadd.f32 v7, v8;
	v28 =	vunpack.i.u.bf16.f32 v0  }
0xf7: {  	v0 =	vunpack.i.l.bf16.f32 v0;
	v29 =	vunpack.i.u.bf16.f32 v1;
	v1 =	vunpack.i.l.bf16.f32 v1  }
0xf8: {  	v2 =	vmax.bf16 v2, v22;
	v3 =	vmax.bf16 v3, v23;
	v4 =	vmax.bf16 v4, v24  }
0xf9: {  	v0 =	vadd.f32 v0, v28;
	v1 =	vadd.f32 v1, v29;
	v30 =	vunpack.i.u.bf16.f32 v2  }
0xfa: {  	v34 =	vld [tilespmem:s11+$0x1C060];
	v2 =	vunpack.i.l.bf16.f32 v2;
	v31 =	vunpack.i.u.bf16.f32 v3;
	v3 =	vunpack.i.l.bf16.f32 v3  }
0xfb: {  	v36 =	vld [tilespmem:s11+$0x1C070];
	v32 =	vunpack.i.u.bf16.f32 v4;
	v2 =	vadd.f32 v2, v30;
	v38 =	vadd.f32 v0, v10  }
0xfc: {  	[tilespmem:s1+$0x0] =	vst.add.f32.msk $0xffff, v7;
	v4 =	vunpack.i.l.bf16.f32 v4;
	v3 =	vadd.f32 v3, v31;
	v40 =	vadd.f32 v1, v12  }
0xfd: {  	v42 =	vunpack.i.u.bf16.f32 v6;
	v4 =	vadd.f32 v4, v32;
	v43 =	vadd.f32 v2, v14;
	[tilespmem:s20+$0x0] =	vst.add.f32.msk $0xffff, v38  }
0xfe: {  	v45 =	vunpack.i.l.bf16.f32 v6;
	v0 =	vadd.f32 v39, v37;
	v46 =	vadd.f32 v3, v33;
	[tilespmem:s21+$0x0] =	vst.add.f32.msk $0xffff, v40  }
0xff: {  	v48 =	vunpack.i.l.bf16.f32 v34;
	v1 =	vadd.f32 v45, v42;
	v4 =	vadd.f32 v4, v35;
	[tilespmem:s22+$0x0] =	vst.add.f32.msk $0xffff, v43  }
0x100: {  	v49 =	vunpack.i.l.bf16.f32 v36;
	v3 =	vadd.f32 v0, v48;
	[tilespmem:s23+$0x0] =	vst.add.f32.msk $0xffff, v46  }
0x101: {  	v41 =	vmov v7;
	v50 =	vadd.f32 v1, v49;
	[tilespmem:s24+$0x0] =	vst.add.f32.msk $0xffff, v4  }
0x102: {  	v51 =	vmul.f32 v41, v41;
	v44 =	vmov v38;
	[tilespmem:s25+$0x0] =	vst.add.f32.msk $0xffff, v3  }
0x103: {  	v47 =	vmov v40;
	v52 =	vmul.f32 v44, v44;
	[tilespmem:s28+$0x0] =	vst.add.f32.msk $0xffff, v50  }
0x104: {  	v53 =	vmul.f32 v47, v47;
	[tilespmem:s5+$0x0] =	vst.add.f32.msk $0xffff, v51  }
0x105: {  	v54 =	vmul.f32 v43, v43;
	[tilespmem:s7+$0x0] =	vst.add.f32.msk $0xffff, v52  }
0x106: {  	v55 =	vmul.f32 v46, v46;
	[tilespmem:s8+$0x0] =	vst.add.f32.msk $0xffff, v53  }
0x107: {  	v56 =	vmul.f32 v4, v4;
	[tilespmem:s12+$0x0] =	vst.add.f32.msk $0xffff, v54  }
0x108: {  	v57 =	vmul.f32 v3, v3;
	[tilespmem:s13+$0x0] =	vst.add.f32.msk $0xffff, v55  }
0x109: {  	v58 =	vmul.f32 v50, v50;
	[tilespmem:s14+$0x0] =	vst.add.f32.msk $0xffff, v56  }
0x10a: {  	[tilespmem:s15+$0x0] =	vst.add.f32.msk $0xffff, v57  }
0x10b: {  	[tilespmem:s26+$0x0] =	vst.add.f32.msk $0xffff, v58  }
0x10c: {  	v0 =	vld [tilespmem:s17+$0x4800]  }
0x10d: {  	v1 =	vld [tilespmem:s17+$0x4810]  }
0x10e: {  	v2 =	vld [tilespmem:s17+$0x4820]  }
0x10f: {  	[tilespmem:$0x1FFE0] =	vst v3;
	v3 =	vld [tilespmem:s17+$0x4830]  }
0x110: {  	[tilespmem:$0x1FFD0] =	vst v4;
	v4 =	vld [tilespmem:s17+$0x4840]  }
0x111: {  	v5 =	vld [tilespmem:s17+$0x4850]  }
0x112: {  	v6 =	vld [tilespmem:s17+$0x4860]  }
0x113: {  	v17 =	vld [tilespmem:s17+$0x4870]  }
0x114: {  	v18 =	vld [tilespmem:s17+$0x4880]  }
0x115: {  	v19 =	vld [tilespmem:s17+$0x4890]  }
0x116: {  	v20 =	vld [tilespmem:s17+$0x48A0]  }
0x117: {  	v21 =	vld [tilespmem:s17+$0x48B0]  }
0x118: {  	v22 =	vld [tilespmem:s17+$0x48C0]  }
0x119: {  	v23 =	vld [tilespmem:s17+$0x48D0]  }
0x11a: {  	v24 =	vld [tilespmem:s17+$0x48E0]  }
0x11b: {  	v25 =	vld [tilespmem:s17+$0x48F0]  }
0x11c: {  	v26 =	vld [tilespmem:s17+$0x4900]  }
0x11d: {  	v16 =	vld [tilespmem:s17+$0x4BF0]  }
0x11e: {  	v27 =	vld [tilespmem:s17+$0x4910]  }
0x11f: {  	v28 =	vld [tilespmem:s17+$0x4920]  }
0x120: {  	v29 =	vld [tilespmem:s17+$0x4930]  }
0x121: {  	v30 =	vld [tilespmem:s17+$0x4940]  }
0x122: {  	[tilespmem:$0x1FD50] =	vst v16;
	v16 =	vld [tilespmem:s17+$0x4C00]  }
0x123: {  	v31 =	vld [tilespmem:s17+$0x4950]  }
0x124: {  	v32 =	vld [tilespmem:s17+$0x4960]  }
0x125: {  	v33 =	vld [tilespmem:s17+$0x4970]  }
0x126: {  	[tilespmem:$0x1FF60] =	vst v34;
	v34 =	vld [tilespmem:s17+$0x4980]  }
0x127: {  	[tilespmem:$0x1FD60] =	vst v16;
	v16 =	vld [tilespmem:s17+$0x4C10]  }
0x128: {  	v35 =	vld [tilespmem:s17+$0x4990]  }
0x129: {  	[tilespmem:$0x1FF70] =	vst v36;
	v36 =	vld [tilespmem:s17+$0x49A0]  }
0x12a: {  	v37 =	vld [tilespmem:s17+$0x49B0]  }
0x12b: {  	[tilespmem:$0x1FF90] =	vst v38;
	v38 =	vld [tilespmem:s17+$0x49C0]  }
0x12c: {  	[tilespmem:$0x1FD70] =	vst v16;
	v16 =	vld [tilespmem:s17+$0x4C20]  }
0x12d: {  	v39 =	vld [tilespmem:s17+$0x49D0]  }
0x12e: {  	[tilespmem:$0x1FFA0] =	vst v40;
	v40 =	vld [tilespmem:s17+$0x49E0]  }
0x12f: {  	v41 =	vld [tilespmem:s17+$0x49F0]  }
0x130: {  	v42 =	vld [tilespmem:s17+$0x4A00]  }
0x131: {  	[tilespmem:$0x1FD80] =	vst v16;
	v16 =	vld [tilespmem:s17+$0x4C30]  }
0x132: {  	[tilespmem:$0x1FFB0] =	vst v43;
	v43 =	vld [tilespmem:s17+$0x4A10]  }
0x133: {  	v44 =	vld [tilespmem:s17+$0x4A20]  }
0x134: {  	v45 =	vld [tilespmem:s17+$0x4A30]  }
0x135: {  	[tilespmem:$0x1FFC0] =	vst v46;
	v46 =	vld [tilespmem:s17+$0x4A40]  }
0x136: {  	[tilespmem:$0x1FD90] =	vst v16;
	v16 =	vld [tilespmem:s17+$0x4C40]  }
0x137: {  	v47 =	vld [tilespmem:s17+$0x4A50]  }
0x138: {  	v48 =	vld [tilespmem:s17+$0x4A60]  }
0x139: {  	v49 =	vld [tilespmem:s17+$0x4A70]  }
0x13a: {  	[tilespmem:$0x1FFF0] =	vst v50;
	v50 =	vld [tilespmem:s17+$0x4A80]  }
0x13b: {  	[tilespmem:$0x1FDA0] =	vst v16;
	v16 =	vld [tilespmem:s17+$0x4C50]  }
0x13c: {  	v51 =	vld [tilespmem:s17+$0x4A90]  }
0x13d: {  	v52 =	vld [tilespmem:s17+$0x4AA0]  }
0x13e: {  	v53 =	vld [tilespmem:s17+$0x4AB0]  }
0x13f: {  	v54 =	vld [tilespmem:s17+$0x4AC0]  }
0x140: {  	[tilespmem:$0x1FDB0] =	vst v16;
	v16 =	vld [tilespmem:s17+$0x4C60]  }
0x141: {  	v55 =	vld [tilespmem:s17+$0x4AD0]  }
0x142: {  	v56 =	vld [tilespmem:s17+$0x4AE0]  }
0x143: {  	v57 =	vld [tilespmem:s17+$0x4AF0]  }
0x144: {  	v58 =	vld [tilespmem:s17+$0x4B00]  }
0x145: {  	[tilespmem:$0x1FDC0] =	vst v16;
	v16 =	vld [tilespmem:s17+$0x4C70]  }
0x146: {  	v59 =	vld [tilespmem:s17+$0x4B10]  }
0x147: {  	v60 =	vld [tilespmem:s17+$0x4B20]  }
0x148: {  	v61 =	vld [tilespmem:s17+$0x4B30]  }
0x149: {  	v62 =	vld [tilespmem:s17+$0x4B40]  }
0x14a: {  	[tilespmem:$0x1FDD0] =	vst v16;
	v16 =	vld [tilespmem:s17+$0x4C80]  }
0x14b: {  	v63 =	vld [tilespmem:s17+$0x4B50]  }
0x14c: {  	[tilespmem:$0x1FF80] =	vst v7;
	v7 =	vld [tilespmem:s17+$0x4B60]  }
0x14d: {  	v8 =	vld [tilespmem:s17+$0x4B70]  }
0x14e: {  	v9 =	vld [tilespmem:s17+$0x4B80]  }
0x14f: {  	[tilespmem:$0x1FDE0] =	vst v16;
	v16 =	vld [tilespmem:s17+$0x4C90]  }
0x150: {  	v10 =	vld [tilespmem:s17+$0x4B90]  }
0x151: {  	v11 =	vld [tilespmem:s17+$0x4BA0]  }
0x152: {  	v12 =	vld [tilespmem:s17+$0x4BB0]  }
0x153: {  	v13 =	vld [tilespmem:s17+$0x4BC0]  }
0x154: {  	[tilespmem:$0x1FDF0] =	vst v16;
	v16 =	vld [tilespmem:s17+$0x4CA0]  }
0x155: {  	v14 =	vld [tilespmem:s17+$0x4BD0]  }
0x156: {  	v15 =	vld [tilespmem:s17+$0x4BE0]  }
0x157: {  	v0 =	vmax.bf16 v0, v18;
	v18 =	vld [tilespmem:s17+$0x4DA0]  }
0x158: {  	v1 =	vmax.bf16 v1, v19;
	v19 =	vld [tilespmem:s17+$0x4DB0]  }
0x159: {  	[tilespmem:$0x1FE00] =	vst v16;
	v16 =	vld [tilespmem:s17+$0x4CB0]  }
0x15a: {  	v2 =	vmax.bf16 v2, v20;
	v20 =	vld [tilespmem:s17+$0x4DC0]  }
0x15b: {  	v3 =	vmax.bf16 v3, v21;
	v21 =	vld [tilespmem:s17+$0x4DD0]  }
0x15c: {  	v4 =	vmax.bf16 v4, v22;
	v22 =	vld [tilespmem:s17+$0x4DE0]  }
0x15d: {  	v5 =	vmax.bf16 v5, v23;
	v23 =	vld [tilespmem:s17+$0x4DF0]  }
0x15e: {  	[tilespmem:$0x1FE10] =	vst v16;
	v16 =	vld [tilespmem:s17+$0x4CC0]  }
0x15f: {  	v6 =	vmax.bf16 v6, v24;
	v24 =	vld [tilespmem:s17+$0x4E00]  }
0x160: {  	v17 =	vmax.bf16 v17, v25;
	v25 =	vld [tilespmem:s17+$0x4E10]  }
0x161: {  	v0 =	vmax.bf16 v0, v26;
	v26 =	vld [tilespmem:s17+$0x4E20]  }
0x162: {  	v1 =	vmax.bf16 v1, v27;
	v27 =	vld [tilespmem:s17+$0x4E30]  }
0x163: {  	[tilespmem:$0x1FE20] =	vst v16;
	v16 =	vld [tilespmem:s17+$0x4CD0]  }
0x164: {  	v2 =	vmax.bf16 v2, v28;
	v28 =	vld [tilespmem:s17+$0x4E40]  }
0x165: {  	v3 =	vmax.bf16 v3, v29;
	v29 =	vld [tilespmem:s17+$0x4E50]  }
0x166: {  	v4 =	vmax.bf16 v4, v30;
	v30 =	vld [tilespmem:s17+$0x4E60]  }
0x167: {  	v5 =	vmax.bf16 v5, v31;
	v31 =	vld [tilespmem:s17+$0x4E70]  }
0x168: {  	[tilespmem:$0x1FE30] =	vst v16;
	v16 =	vld [tilespmem:s17+$0x4CE0]  }
0x169: {  	v6 =	vmax.bf16 v6, v32;
	v32 =	vld [tilespmem:s17+$0x4E80]  }
0x16a: {  	v17 =	vmax.bf16 v17, v33;
	v33 =	vld [tilespmem:s17+$0x4E90]  }
0x16b: {  	v3 =	vmax.bf16 v3, v37;
	v37 =	vld [tilespmem:s17+$0x4EF0]  }
0x16c: {  	v17 =	vmax.bf16 v17, v41;
	v41 =	vld [tilespmem:s17+$0x4F00]  }
0x16d: {  	[tilespmem:$0x1FE40] =	vst v16;
	v16 =	vld [tilespmem:s17+$0x4CF0]  }
0x16e: {  	v3 =	vmax.bf16 v3, v45;
	v45 =	vld [tilespmem:s17+$0x4F10]  }
0x16f: {  	v0 =	vmax.bf16 v0, v34;
	v17 =	vmax.bf16 v17, v49;
	v49 =	vld [tilespmem:s17+$0x4F20]  }
0x170: {  	v1 =	vmax.bf16 v1, v35;
	v2 =	vmax.bf16 v2, v36;
	v3 =	vmax.bf16 v3, v53;
	v53 =	vld [tilespmem:s17+$0x4F30]  }
0x171: {  	v0 =	vmax.bf16 v0, v42;
	v1 =	vmax.bf16 v1, v43;
	v17 =	vmax.bf16 v17, v57;
	v57 =	vld [tilespmem:s17+$0x4F40]  }
0x172: {  	v2 =	vmax.bf16 v2, v44;
	v0 =	vmax.bf16 v0, v50;
	v1 =	vmax.bf16 v1, v51;
	[tilespmem:$0x1FE50] =	vst v16;
	v16 =	vld [tilespmem:s17+$0x4D00]  }
0x173: {  	v2 =	vmax.bf16 v2, v52;
	v1 =	vmax.bf16 v1, v59;
	v59 =	vmax.bf16 v17, v8;
	v8 =	vld [tilespmem:s17+$0x4EA0]  }
0x174: {  	v0 =	vmax.bf16 v0, v58;
	v2 =	vmax.bf16 v2, v60;
	v60 =	vld [tilespmem:$0x1FD50]  }
0x175: {  	v0 =	vmax.bf16 v0, v9;
	v9 =	vld [tilespmem:s17+$0x4EB0]  }
0x176: {  	v1 =	vmax.bf16 v1, v10;
	v10 =	vld [tilespmem:s17+$0x4EC0]  }
0x177: {  	v4 =	vmax.bf16 v4, v38;
	[tilespmem:$0x1FE60] =	vst v16;
	v16 =	vld [tilespmem:s17+$0x4D10]  }
0x178: {  	v5 =	vmax.bf16 v5, v39;
	v4 =	vmax.bf16 v4, v46;
	v3 =	vmax.bf16 v3, v61;
	v61 =	vld [tilespmem:$0x1FD60]  }
0x179: {  	v5 =	vmax.bf16 v5, v47;
	v4 =	vmax.bf16 v4, v54;
	v2 =	vmax.bf16 v2, v11;
	v11 =	vld [tilespmem:s17+$0x4ED0]  }
0x17a: {  	v5 =	vmax.bf16 v5, v55;
	v4 =	vmax.bf16 v4, v62;
	v62 =	vld [tilespmem:$0x1FD70]  }
0x17b: {  	v5 =	vmax.bf16 v5, v63;
	v63 =	vld [tilespmem:$0x1FD80]  }
0x17c: {  	[tilespmem:$0x1FE70] =	vst v16;
	v16 =	vld [tilespmem:s17+$0x4D20]  }
0x17d: {  	v3 =	vmax.bf16 v3, v12;
	v12 =	vld [tilespmem:s17+$0x4EE0]  }
0x17e: {  	v0 =	vmax.bf16 v0, v61;
	v61 =	vld [tilespmem:s17+$0x4F50]  }
0x17f: {  	v1 =	vmax.bf16 v1, v62;
	v62 =	vld [tilespmem:s17+$0x4F60]  }
0x180: {  	v2 =	vmax.bf16 v2, v63;
	v63 =	vld [tilespmem:s17+$0x4F70]  }
0x181: {  	[tilespmem:$0x1FE80] =	vst v16;
	v16 =	vld [tilespmem:s17+$0x4D30]  }
0x182: {  	v34 =	vld [tilespmem:$0x1FDB0]  }
0x183: {  	v6 =	vmax.bf16 v6, v40;
	v35 =	vld [tilespmem:$0x1FDC0]  }
0x184: {  	v6 =	vmax.bf16 v6, v48;
	v17 =	vld [tilespmem:$0x1FDA0]  }
0x185: {  	v6 =	vmax.bf16 v6, v56;
	v36 =	vld [tilespmem:$0x1FDD0]  }
0x186: {  	v6 =	vmax.bf16 v6, v7;
	v5 =	vmax.bf16 v5, v14;
	[tilespmem:$0x1FE90] =	vst v16;
	v16 =	vld [tilespmem:s17+$0x4D40]  }
0x187: {  	v6 =	vmax.bf16 v6, v15;
	v5 =	vmax.bf16 v5, v34;
	v34 =	vld [tilespmem:$0x1FF20]  }
0x188: {  	v6 =	vmax.bf16 v6, v35;
	v35 =	vld [tilespmem:$0x1FF30]  }
0x189: {  	v7 =	vmax.bf16 v59, v60;
	v38 =	vld [tilespmem:$0x1FDE0]  }
0x18a: {  	v7 =	vmax.bf16 v7, v36;
	v36 =	vld [tilespmem:$0x1FF40]  }
0x18b: {  	[tilespmem:$0x1FEA0] =	vst v16;
	v16 =	vld [tilespmem:s17+$0x4D50]  }
0x18c: {  	v39 =	vld [tilespmem:$0x1FDF0]  }
0x18d: {  	v40 =	vld [tilespmem:$0x1FE00]  }
0x18e: {  	v42 =	vld [tilespmem:$0x1FE10]  }
0x18f: {  	v43 =	vld [tilespmem:$0x1FE20]  }
0x190: {  	[tilespmem:$0x1FEB0] =	vst v16;
	v16 =	vld [tilespmem:s17+$0x4D60]  }
0x191: {  	v46 =	vld [tilespmem:$0x1FE40]  }
0x192: {  	v44 =	vld [tilespmem:$0x1FE30]  }
0x193: {  	v47 =	vld [tilespmem:$0x1FE50]  }
0x194: {  	v51 =	vld [tilespmem:$0x1FE80]  }
0x195: {  	[tilespmem:$0x1FEC0] =	vst v16;
	v16 =	vld [tilespmem:s17+$0x4D70]  }
0x196: {  	v6 =	vmax.bf16 v6, v46;
	v46 =	vld [tilespmem:$0x1FF60]  }
0x197: {  	v54 =	vld [tilespmem:$0x1FEA0]  }
0x198: {  	v2 =	vmax.bf16 v2, v40;
	v48 =	vld [tilespmem:$0x1FE60]  }
0x199: {  	v4 =	vmax.bf16 v4, v13;
	v2 =	vmax.bf16 v2, v51;
	v55 =	vld [tilespmem:$0x1FEB0]  }
0x19a: {  	v4 =	vmax.bf16 v4, v17;
	v2 =	vmax.bf16 v2, v18;
	[tilespmem:$0x1FED0] =	vst v16;
	v16 =	vld [tilespmem:s17+$0x4D80]  }
0x19b: {  	v15 =	vunpack.i.u.bf16.f32 v34;
	v4 =	vmax.bf16 v4, v43;
	v2 =	vmax.bf16 v2, v26;
	v26 =	vld [tilespmem:s17+$0x4FA0]  }
0x19c: {  	v0 =	vmax.bf16 v0, v38;
	v17 =	vunpack.i.u.bf16.f32 v36;
	v4 =	vmax.bf16 v4, v54;
	v56 =	vld [tilespmem:$0x1FEC0]  }
0x19d: {  	v1 =	vmax.bf16 v1, v39;
	v5 =	vmax.bf16 v5, v44;
	v50 =	vld [tilespmem:$0x1FE70];
	v4 =	vmax.bf16 v4, v20  }
0x19e: {  	v2 =	vmax.bf16 v2, v8;
	v4 =	vmax.bf16 v4, v28;
	v28 =	vld [tilespmem:s17+$0x4FC0];
	v5 =	vmax.bf16 v5, v55  }
0x19f: {  	v7 =	vmax.bf16 v7, v47;
	v2 =	vmax.bf16 v2, v49;
	v5 =	vmax.bf16 v5, v21;
	[tilespmem:$0x1FEE0] =	vst v16;
	v16 =	vld [tilespmem:s17+$0x4D90]  }
0x1a0: {  	v0 =	vmax.bf16 v0, v48;
	v2 =	vmax.bf16 v2, v26;
	v5 =	vmax.bf16 v5, v29;
	v29 =	vld [tilespmem:s17+$0x4FD0]  }
0x1a1: {  	v40 =	vunpack.i.u.bf16.f32 v2;
	v2 =	vunpack.i.l.bf16.f32 v2;
	v6 =	vmax.bf16 v6, v56;
	v58 =	vld [tilespmem:$0x1FED0]  }
0x1a2: {  	v1 =	vmax.bf16 v1, v50;
	v2 =	vadd.f32 v2, v40;
	v6 =	vmax.bf16 v6, v22;
	v59 =	vld [tilespmem:$0x1FEE0]  }
0x1a3: {  	v4 =	vmax.bf16 v4, v10;
	v5 =	vmax.bf16 v5, v11;
	v6 =	vmax.bf16 v6, v30;
	v30 =	vld [tilespmem:s17+$0x4FE0]  }
0x1a4: {  	v2 =	vadd.f32 v2, v15;
	v4 =	vmax.bf16 v4, v57;
	v5 =	vmax.bf16 v5, v61;
	[tilespmem:$0x1FEF0] =	vst v16;
	v16 =	vld [tilespmem:$0x1FD90]  }
0x1a5: {  	v4 =	vmax.bf16 v4, v28;
	v5 =	vmax.bf16 v5, v29;
	v6 =	vmax.bf16 v6, v12;
	v60 =	vld [tilespmem:$0x1FEF0]  }
0x1a6: {  	v52 =	vld [tilespmem:$0x1FE90];
	v43 =	vunpack.i.u.bf16.f32 v5;
	v5 =	vunpack.i.l.bf16.f32 v5;
	v7 =	vmax.bf16 v7, v58  }
0x1a7: {  	v47 =	vld [tilespmem:$0x1FF70];
	v6 =	vmax.bf16 v6, v62;
	v7 =	vmax.bf16 v7, v23;
	v0 =	vmax.bf16 v0, v59  }
0x1a8: {  	v5 =	vadd.f32 v5, v43;
	v7 =	vmax.bf16 v7, v31;
	v0 =	vmax.bf16 v0, v24;
	v24 =	vld [tilespmem:s17+$0x4F80]  }
0x1a9: {  	v6 =	vmax.bf16 v6, v30;
	v0 =	vmax.bf16 v0, v32;
	v32 =	vld [tilespmem:$0x1FF00];
	v3 =	vmax.bf16 v3, v16  }
0x1aa: {  	v57 =	vld [tilespmem:$0x1FF90];
	v7 =	vmax.bf16 v7, v37;
	v3 =	vmax.bf16 v3, v42;
	v1 =	vmax.bf16 v1, v60  }
0x1ab: {  	v44 =	vunpack.i.u.bf16.f32 v6;
	v3 =	vmax.bf16 v3, v52;
	v1 =	vmax.bf16 v1, v25;
	v25 =	vld [tilespmem:s17+$0x4F90]  }
0x1ac: {  	v61 =	vld [tilespmem:$0x1FFD0];
	v6 =	vunpack.i.l.bf16.f32 v6;
	v7 =	vmax.bf16 v7, v63;
	v3 =	vmax.bf16 v3, v19  }
0x1ad: {  	v0 =	vmax.bf16 v0, v41;
	v42 =	vunpack.i.u.bf16.f32 v4;
	v3 =	vmax.bf16 v3, v27;
	v27 =	vld [tilespmem:s17+$0x4FB0]  }
0x1ae: {  	v0 =	vmax.bf16 v0, v24;
	v1 =	vmax.bf16 v1, v33;
	v13 =	vunpack.i.u.bf16.f32 v32;
	v33 =	vld [tilespmem:$0x1FF10]  }
0x1af: {  	v56 =	vld [tilespmem:$0x1FF80];
	v38 =	vunpack.i.u.bf16.f32 v0;
	v0 =	vunpack.i.l.bf16.f32 v0;
	v1 =	vmax.bf16 v1, v45  }
0x1b0: {  	v31 =	vld [tilespmem:s17+$0x4FF0];
	v0 =	vadd.f32 v0, v38;
	v3 =	vmax.bf16 v3, v9;
	v1 =	vmax.bf16 v1, v25  }
0x1b1: {  	v37 =	vld [tilespmem:$0x1FF50];
	v3 =	vmax.bf16 v3, v53;
	v39 =	vunpack.i.u.bf16.f32 v1;
	v1 =	vunpack.i.l.bf16.f32 v1  }
0x1b2: {  	v58 =	vld [tilespmem:$0x1FFA0];
	v0 =	vadd.f32 v0, v13;
	v3 =	vmax.bf16 v3, v27;
	v1 =	vadd.f32 v1, v39  }
0x1b3: {  	v59 =	vld [tilespmem:$0x1FFB0];
	v14 =	vunpack.i.u.bf16.f32 v33;
	v41 =	vunpack.i.u.bf16.f32 v3;
	v3 =	vunpack.i.l.bf16.f32 v3  }
0x1b4: {  	v4 =	vunpack.i.l.bf16.f32 v4;
	v60 =	vld [tilespmem:$0x1FFC0];
	v3 =	vadd.f32 v3, v41;
	v1 =	vadd.f32 v1, v14  }
0x1b5: {  	v6 =	vadd.f32 v6, v44;
	v16 =	vunpack.i.u.bf16.f32 v35;
	v4 =	vadd.f32 v4, v42;
	[tilespmem:s1+$0x0] =	vst.add.f32.msk $0xffff, v0  }
0x1b6: {  	v7 =	vmax.bf16 v7, v31;
	v18 =	vunpack.i.u.bf16.f32 v37;
	v3 =	vadd.f32 v3, v16;
	[tilespmem:s20+$0x0] =	vst.add.f32.msk $0xffff, v1  }
0x1b7: {  	v45 =	vunpack.i.u.bf16.f32 v7;
	v7 =	vunpack.i.l.bf16.f32 v7;
	v4 =	vadd.f32 v4, v17;
	[tilespmem:s21+$0x0] =	vst.add.f32.msk $0xffff, v2  }
0x1b8: {  	v8 =	vunpack.i.u.bf16.f32 v46;
	v5 =	vadd.f32 v5, v18;
	v7 =	vadd.f32 v7, v45;
	[tilespmem:s22+$0x0] =	vst.add.f32.msk $0xffff, v3  }
0x1b9: {  	v6 =	vadd.f32 v6, v8;
	v9 =	vunpack.i.u.bf16.f32 v47;
	[tilespmem:s23+$0x0] =	vst.add.f32.msk $0xffff, v4  }
0x1ba: {  	v7 =	vadd.f32 v7, v9;
	[tilespmem:s24+$0x0] =	vst.add.f32.msk $0xffff, v5  }
0x1bb: {  	v48 =	vmul.f32 v0, v0;
	[tilespmem:s25+$0x0] =	vst.add.f32.msk $0xffff, v6  }
0x1bc: {  	v49 =	vmul.f32 v1, v1;
	[tilespmem:s28+$0x0] =	vst.add.f32.msk $0xffff, v7  }
0x1bd: {  	v50 =	vmul.f32 v2, v2;
	[tilespmem:s5+$0x0] =	vst.add.f32.msk $0xffff, v48  }
0x1be: {  	v51 =	vmul.f32 v3, v3;
	[tilespmem:s7+$0x0] =	vst.add.f32.msk $0xffff, v49  }
0x1bf: {  	v52 =	vmul.f32 v4, v4;
	[tilespmem:s8+$0x0] =	vst.add.f32.msk $0xffff, v50  }
0x1c0: {  	v53 =	vmul.f32 v5, v5;
	[tilespmem:s12+$0x0] =	vst.add.f32.msk $0xffff, v51  }
0x1c1: {  	v54 =	vmul.f32 v6, v6;
	[tilespmem:s13+$0x0] =	vst.add.f32.msk $0xffff, v52  }
0x1c2: {  	v55 =	vmul.f32 v7, v7;
	[tilespmem:s14+$0x0] =	vst.add.f32.msk $0xffff, v53  }
0x1c3: {  	[tilespmem:s15+$0x0] =	vst.add.f32.msk $0xffff, v54  }
0x1c4: {  	v0 =	vpack.i.f32.bf16 v0, v56;
	[tilespmem:s26+$0x0] =	vst.add.f32.msk $0xffff, v55  }
0x1c5: {  	v62 =	vld [tilespmem:$0x1FFE0];
	v1 =	vpack.i.f32.bf16 v1, v57;
	[tilespmem:s11+$0x1CC00] =	vst v0  }
0x1c6: {  	v63 =	vld [tilespmem:$0x1FFF0];
	v0 =	vpack.i.f32.bf16 v2, v58;
	[tilespmem:s11+$0x1CC10] =	vst v1  }
0x1c7: {  	p1 =	sne.s32 s10, $0x7;
	v1 =	vpack.i.f32.bf16 v3, v59;
	[tilespmem:s11+$0x1CC20] =	vst v0  }
.Ltmp0:
0x1c8: {  	v0 =	vpack.i.f32.bf16 v4, v60;
	[tilespmem:s11+$0x1CC30] =	vst v1;
	(pc) =	sbr.rel @p1 .LBB2_3-.Ltmp0, $4  }
0x1c9: {  	v1 =	vpack.i.f32.bf16 v5, v61;
	[tilespmem:s11+$0x1CC40] =	vst v0  }
0x1ca: {  	v0 =	vpack.i.f32.bf16 v6, v62;
	[tilespmem:s11+$0x1CC50] =	vst v1  }
0x1cb: {  	v1 =	vpack.i.f32.bf16 v7, v63;
	[tilespmem:s11+$0x1CC60] =	vst v0  }
0x1cc: {  	s10 =	sadd.s32 $0x1, s10;
	[tilespmem:s11+$0x1CC70] =	vst v1  }
0x1cd: {  	s10 =	smul.u32 $0x180, s29  }
0x1ce: {  	s0 =	rddreg [dreg:$0x6]  }
0x1cf: {  	s11 =	simm.s32 $0x1CC00;
	s10 =	sadd.s32 s10, s0  }
0x1d0: {  	[hbm4b:s10+s3] =	stream.linear.scatter [tilespmem:s11], [sflag:$0x7], $0x400, $0x38;
	[tilespmem:$0x1D900] =	vst v63  }
0x1d1: {  	s10 =	sadd.s32 $0x3, s9  }
0x1d2: {  	s11 =	sshll.u32 s10, $0x8  }
0x1d3: {  	s17 =	simm.s32 $0x4000;
	s11 =	sand.u32 $0x3FFFFF00, s11  }
0x1d4: {  	[tilespmem:s17], [sflag:$0x1] =	stream.indirect.gather [hbm4b:s2+s16], $0x80, s11, s16, $0xb8;
	[tilespmem:$0x1D900] =	vst v63  }
0x1d5: {  	s19 =	simm.s32 $0x8000;
	s10 =	sshll.u32 s10, $0x7;
	s11 =	sor.u32 $0x80, s11  }
0x1d6: {  	[tilespmem:s19], [sflag:$0x1] =	stream.indirect.gather [hbm4b:s2+s16], $0x80, s11, s16, $0xb8;
	[tilespmem:$0x1D900] =	vst v63  }
0x1d7: {  	s10 =	sadd.s32 s10, s6;
	s17 =	simm.s32 $0x1C000  }
0x1d8: {  	[tilespmem:s17], [sflag:$0x4] =	stream.linear.gather [hbm4b:s10+s3], $0x400, $0x38;
	[tilespmem:$0x1D900] =	vst v63  }
0x1d9: {  	_ =	swait.ge [sflag:s30], $0x4000  }
0x1da: {  	[sflag:s30] =	ssyncset.done $0x0  }
0x1db: {  	[sflag:s30] =	ssyncadd.s32 $0xFFFFC000  }
0x1dc: {  	_ =	swait.ge [sflag:s30], $0x4000  }
0x1dd: {  	[sflag:s30] =	ssyncset.done $0x0  }
0x1de: {  	s19 =	simm.s32 $0x5;
	[sflag:s30] =	ssyncadd.s32 $0xFFFFC000  }
0x1df: {  	_ =	swait.ge [sflag:s19], $0x400  }
0x1e0: {  	[sflag:s19] =	ssyncset.done $0x0  }
0x1e1: {  	s10 =	simm.s32 @!p0 $0x8;
	[sflag:s19] =	ssyncadd.s32 $0xFFFFFC00  }
0x1e2: {  	_ =	swait.ge @!p0 [sflag:s10], $0x400  }
0x1e3: {  	[sflag:s10] =	ssyncset.done @!p0 $0x0  }
0x1e4: {  	[sflag:s10] =	ssyncadd.s32 @!p0 $0xFFFFFC00;
	s10 =	simm.s32 $0x0  }
.LBB2_5:
0x1e5: {  	s11 =	sshll.u32 s10, $0x7  }
0x1e6: {  	s11 =	sand.u32 $0x7FFFFF80, s11  }
0x1e7: {  	v2 =	vld [tilespmem:s11+$0x1C400]  }
0x1e8: {  	v0 =	vld [tilespmem:s11+$0x1C410]  }
0x1e9: {  	v41 =	vld [tilespmem:s11+$0x1C420]  }
0x1ea: {  	v42 =	vld [tilespmem:s11+$0x1C430]  }
0x1eb: {  	s17 =	sshll.u32 s10, $0xE;
	v43 =	vld [tilespmem:s11+$0x1C440]  }
0x1ec: {  	s17 =	sshra.s32 s17, $0x2;
	v44 =	vld [tilespmem:s11+$0x1C450]  }
0x1ed: {  	v7 =	vld [tilespmem:s17+$0xC010]  }
0x1ee: {  	v8 =	vld [tilespmem:s17+$0xC020]  }
0x1ef: {  	v9 =	vld [tilespmem:s17+$0xC030]  }
0x1f0: {  	v10 =	vld [tilespmem:s17+$0xC040]  }
0x1f1: {  	v11 =	vld [tilespmem:s17+$0xC050]  }
0x1f2: {  	v12 =	vld [tilespmem:s17+$0xC060]  }
0x1f3: {  	v13 =	vld [tilespmem:s17+$0xC070]  }
0x1f4: {  	v14 =	vld [tilespmem:s17+$0xC080]  }
0x1f5: {  	v6 =	vld [tilespmem:s17+$0xC3E0]  }
0x1f6: {  	v15 =	vld [tilespmem:s17+$0xC090]  }
0x1f7: {  	v16 =	vld [tilespmem:s17+$0xC0A0]  }
0x1f8: {  	v17 =	vld [tilespmem:s17+$0xC0B0]  }
0x1f9: {  	v18 =	vld [tilespmem:s17+$0xC0C0]  }
0x1fa: {  	[tilespmem:$0x1F720] =	vst v6;
	v6 =	vld [tilespmem:s17+$0xC3F0]  }
0x1fb: {  	v19 =	vld [tilespmem:s17+$0xC0D0]  }
0x1fc: {  	v20 =	vld [tilespmem:s17+$0xC0E0]  }
0x1fd: {  	v21 =	vld [tilespmem:s17+$0xC0F0]  }
0x1fe: {  	v22 =	vld [tilespmem:s17+$0xC100]  }
0x1ff: {  	[tilespmem:$0x1F730] =	vst v6;
	v6 =	vld [tilespmem:s17+$0xC400]  }
0x200: {  	v23 =	vld [tilespmem:s17+$0xC110]  }
0x201: {  	v24 =	vld [tilespmem:s17+$0xC120]  }
0x202: {  	v25 =	vld [tilespmem:s17+$0xC130]  }
0x203: {  	v26 =	vld [tilespmem:s17+$0xC140]  }
0x204: {  	[tilespmem:$0x1F740] =	vst v6;
	v6 =	vld [tilespmem:s17+$0xC410]  }
0x205: {  	v27 =	vld [tilespmem:s17+$0xC150]  }
0x206: {  	v28 =	vld [tilespmem:s17+$0xC160]  }
0x207: {  	v29 =	vld [tilespmem:s17+$0xC170]  }
0x208: {  	v30 =	vld [tilespmem:s17+$0xC180]  }
0x209: {  	[tilespmem:$0x1F750] =	vst v6;
	v6 =	vld [tilespmem:s17+$0xC420]  }
0x20a: {  	v31 =	vld [tilespmem:s17+$0xC190]  }
0x20b: {  	v32 =	vld [tilespmem:s17+$0xC1A0]  }
0x20c: {  	v33 =	vld [tilespmem:s17+$0xC1B0]  }
0x20d: {  	v34 =	vld [tilespmem:s17+$0xC1C0]  }
0x20e: {  	[tilespmem:$0x1F760] =	vst v6;
	v6 =	vld [tilespmem:s17+$0xC430]  }
0x20f: {  	v35 =	vld [tilespmem:s17+$0xC1D0]  }
0x210: {  	v36 =	vld [tilespmem:s17+$0xC1E0]  }
0x211: {  	v37 =	vld [tilespmem:s17+$0xC1F0]  }
0x212: {  	v38 =	vld [tilespmem:s17+$0xC200]  }
0x213: {  	[tilespmem:$0x1F770] =	vst v6;
	v6 =	vld [tilespmem:s17+$0xC440]  }
0x214: {  	v39 =	vld [tilespmem:s17+$0xC210]  }
0x215: {  	v40 =	vld [tilespmem:s17+$0xC220]  }
0x216: {  	v45 =	vld [tilespmem:s17+$0xC270]  }
0x217: {  	v46 =	vld [tilespmem:s17+$0xC280]  }
0x218: {  	[tilespmem:$0x1F780] =	vst v6;
	v6 =	vld [tilespmem:s17+$0xC450]  }
0x219: {  	v47 =	vld [tilespmem:s17+$0xC290]  }
0x21a: {  	v48 =	vld [tilespmem:s17+$0xC2A0]  }
0x21b: {  	v49 =	vld [tilespmem:s17+$0xC2B0]  }
0x21c: {  	v50 =	vld [tilespmem:s17+$0xC2C0]  }
0x21d: {  	[tilespmem:$0x1F790] =	vst v6;
	v6 =	vld [tilespmem:s17+$0xC460]  }
0x21e: {  	v51 =	vld [tilespmem:s17+$0xC2D0]  }
0x21f: {  	v52 =	vld [tilespmem:s17+$0xC2E0]  }
0x220: {  	v53 =	vld [tilespmem:s17+$0xC2F0]  }
0x221: {  	v54 =	vld [tilespmem:s17+$0xC300]  }
0x222: {  	[tilespmem:$0x1F7A0] =	vst v6;
	v6 =	vld [tilespmem:s17+$0xC470]  }
0x223: {  	v55 =	vld [tilespmem:s17+$0xC310]  }
0x224: {  	v56 =	vld [tilespmem:s17+$0xC320]  }
0x225: {  	v57 =	vld [tilespmem:s17+$0xC330]  }
0x226: {  	v58 =	vld [tilespmem:s17+$0xC340]  }
0x227: {  	[tilespmem:$0x1F7B0] =	vst v6;
	v6 =	vld [tilespmem:s17+$0xC480]  }
0x228: {  	v59 =	vld [tilespmem:s17+$0xC350]  }
0x229: {  	v60 =	vld [tilespmem:s17+$0xC360]  }
0x22a: {  	v61 =	vld [tilespmem:s17+$0xC370]  }
0x22b: {  	v62 =	vld [tilespmem:s17+$0xC380]  }
0x22c: {  	[tilespmem:$0x1F7C0] =	vst v6;
	v6 =	vld [tilespmem:s17+$0xC490]  }
0x22d: {  	v63 =	vld [tilespmem:s17+$0xC390]  }
0x22e: {  	v1 =	vld [tilespmem:s17+$0xC3A0]  }
0x22f: {  	v3 =	vld [tilespmem:s17+$0xC3B0]  }
0x230: {  	v4 =	vld [tilespmem:s17+$0xC3C0]  }
0x231: {  	[tilespmem:$0x1F7D0] =	vst v6;
	v6 =	vld [tilespmem:s17+$0xC4A0]  }
0x232: {  	v5 =	vld [tilespmem:s17+$0xC3D0]  }
0x233: {  	[tilespmem:$0x1FAA0] =	vst v0;
	v0 =	vld [tilespmem:s17+$0xC000]  }
0x234: {  	[tilespmem:$0x1FAB0] =	vst v41;
	v41 =	vld [tilespmem:s17+$0xC230]  }
0x235: {  	[tilespmem:$0x1FAC0] =	vst v42;
	v42 =	vld [tilespmem:s17+$0xC240]  }
0x236: {  	[tilespmem:$0x1F7E0] =	vst v6;
	v6 =	vld [tilespmem:s17+$0xC4B0]  }
0x237: {  	[tilespmem:$0x1FAD0] =	vst v43;
	v43 =	vld [tilespmem:s17+$0xC250]  }
0x238: {  	[tilespmem:$0x1FAE0] =	vst v44;
	v44 =	vld [tilespmem:s17+$0xC260]  }
0x239: {  	v7 =	vmax.bf16 v7, v15;
	v15 =	vld [tilespmem:s17+$0xC5B0]  }
0x23a: {  	v8 =	vmax.bf16 v8, v16;
	v16 =	vld [tilespmem:s17+$0xC5C0]  }
0x23b: {  	[tilespmem:$0x1F7F0] =	vst v6;
	v6 =	vld [tilespmem:s17+$0xC4C0]  }
0x23c: {  	v9 =	vmax.bf16 v9, v17;
	v17 =	vld [tilespmem:s17+$0xC5D0]  }
0x23d: {  	v10 =	vmax.bf16 v10, v18;
	v18 =	vld [tilespmem:s17+$0xC5E0]  }
0x23e: {  	v11 =	vmax.bf16 v11, v19;
	v19 =	vld [tilespmem:s17+$0xC5F0]  }
0x23f: {  	v12 =	vmax.bf16 v12, v20;
	v20 =	vld [tilespmem:s17+$0xC600]  }
0x240: {  	[tilespmem:$0x1F800] =	vst v6;
	v6 =	vld [tilespmem:s17+$0xC4D0]  }
0x241: {  	v13 =	vmax.bf16 v13, v21;
	v21 =	vld [tilespmem:s17+$0xC610]  }
0x242: {  	v7 =	vmax.bf16 v7, v23;
	v23 =	vld [tilespmem:s17+$0xC630]  }
0x243: {  	v8 =	vmax.bf16 v8, v24;
	v24 =	vld [tilespmem:s17+$0xC640]  }
0x244: {  	v9 =	vmax.bf16 v9, v25;
	v25 =	vld [tilespmem:s17+$0xC650]  }
0x245: {  	[tilespmem:$0x1F810] =	vst v6;
	v6 =	vld [tilespmem:s17+$0xC4E0]  }
0x246: {  	v10 =	vmax.bf16 v10, v26;
	v26 =	vld [tilespmem:s17+$0xC660]  }
0x247: {  	v11 =	vmax.bf16 v11, v27;
	v27 =	vld [tilespmem:s17+$0xC670]  }
0x248: {  	v12 =	vmax.bf16 v12, v28;
	v28 =	vld [tilespmem:s17+$0xC680]  }
0x249: {  	v13 =	vmax.bf16 v13, v29;
	v29 =	vld [tilespmem:s17+$0xC690]  }
0x24a: {  	[tilespmem:$0x1F820] =	vst v6;
	v6 =	vld [tilespmem:s17+$0xC4F0]  }
0x24b: {  	v8 =	vmax.bf16 v8, v32;
	v32 =	vld [tilespmem:s17+$0xC6E0]  }
0x24c: {  	v10 =	vmax.bf16 v10, v34;
	v34 =	vld [tilespmem:s17+$0xC6F0]  }
0x24d: {  	v12 =	vmax.bf16 v12, v36;
	v36 =	vld [tilespmem:s17+$0xC700]  }
0x24e: {  	v7 =	vmax.bf16 v7, v31;
	v13 =	vmax.bf16 v13, v37;
	v37 =	vld [tilespmem:s17+$0xC710]  }
0x24f: {  	v7 =	vmax.bf16 v7, v39;
	[tilespmem:$0x1F830] =	vst v6;
	v6 =	vld [tilespmem:s17+$0xC500]  }
0x250: {  	v8 =	vmax.bf16 v8, v40;
	v7 =	vmax.bf16 v7, v47;
	v0 =	vmax.bf16 v0, v14;
	v14 =	vld [tilespmem:s17+$0xC5A0]  }
0x251: {  	v8 =	vmax.bf16 v8, v48;
	v7 =	vmax.bf16 v7, v55;
	v55 =	vld [tilespmem:$0x1FAD0]  }
0x252: {  	v8 =	vmax.bf16 v8, v56;
	v0 =	vmax.bf16 v0, v22;
	v22 =	vld [tilespmem:s17+$0xC620]  }
0x253: {  	v9 =	vmax.bf16 v9, v33;
	v1 =	vmax.bf16 v8, v1;
	v8 =	vld [tilespmem:s17+$0xC6B0]  }
0x254: {  	v9 =	vmax.bf16 v9, v41;
	[tilespmem:$0x1F840] =	vst v6;
	v6 =	vld [tilespmem:s17+$0xC510]  }
0x255: {  	v11 =	vmax.bf16 v11, v35;
	v10 =	vmax.bf16 v10, v42;
	v9 =	vmax.bf16 v9, v49;
	v49 =	vld [tilespmem:$0x1FAB0]  }
0x256: {  	v11 =	vmax.bf16 v11, v43;
	v10 =	vmax.bf16 v10, v50;
	v50 =	vld [tilespmem:$0x1F720]  }
0x257: {  	v12 =	vmax.bf16 v12, v44;
	v11 =	vmax.bf16 v11, v51;
	v51 =	vld [tilespmem:$0x1F730]  }
0x258: {  	v12 =	vmax.bf16 v12, v52;
	v52 =	vld [tilespmem:$0x1FAC0]  }
0x259: {  	[tilespmem:$0x1F850] =	vst v6;
	v6 =	vld [tilespmem:s17+$0xC520]  }
0x25a: {  	v0 =	vmax.bf16 v0, v30;
	v10 =	vmax.bf16 v10, v58;
	v58 =	vld [tilespmem:$0x1FAE0]  }
0x25b: {  	v0 =	vmax.bf16 v0, v38;
	v47 =	vmax.bf16 v10, v4;
	v10 =	vld [tilespmem:s17+$0xC6C0]  }
0x25c: {  	v11 =	vmax.bf16 v11, v59;
	v12 =	vmax.bf16 v12, v60;
	v0 =	vmax.bf16 v0, v46;
	v46 =	vld [tilespmem:$0x1FAA0]  }
0x25d: {  	v48 =	vmax.bf16 v11, v5;
	v5 =	vmax.bf16 v12, v50;
	v12 =	vld [tilespmem:s17+$0xC6D0]  }
0x25e: {  	v13 =	vmax.bf16 v13, v45;
	[tilespmem:$0x1F860] =	vst v6;
	v6 =	vld [tilespmem:s17+$0xC530]  }
0x25f: {  	v13 =	vmax.bf16 v13, v53;
	v53 =	vld [tilespmem:$0x1F740]  }
0x260: {  	v11 =	vunpack.i.l.bf16.f32 v49;
	v49 =	vld [tilespmem:s17+$0xC740]  }
0x261: {  	v0 =	vmax.bf16 v0, v54;
	v54 =	vld [tilespmem:$0x1F750]  }
0x262: {  	v9 =	vmax.bf16 v9, v57;
	v57 =	vld [tilespmem:$0x1F770]  }
0x263: {  	v0 =	vmax.bf16 v0, v62;
	[tilespmem:$0x1F870] =	vst v6;
	v6 =	vld [tilespmem:s17+$0xC540]  }
0x264: {  	v0 =	vmax.bf16 v0, v53;
	v53 =	vld [tilespmem:s17+$0xC750]  }
0x265: {  	v56 =	vld [tilespmem:$0x1F760]  }
0x266: {  	v45 =	vmax.bf16 v9, v3;
	v59 =	vld [tilespmem:$0x1F780]  }
0x267: {  	[tilespmem:$0x1FA90] =	vst v2;
	v31 =	vunpack.i.l.bf16.f32 v2;
	v2 =	vmax.bf16 v45, v57;
	v57 =	vld [tilespmem:s17+$0xC760]  }
0x268: {  	[tilespmem:$0x1F880] =	vst v6;
	v6 =	vld [tilespmem:s17+$0xC550]  }
0x269: {  	v60 =	vld [tilespmem:$0x1F790]  }
0x26a: {  	v13 =	vmax.bf16 v13, v61;
	v61 =	vld [tilespmem:$0x1F7A0]  }
0x26b: {  	v62 =	vld [tilespmem:$0x1F7B0]  }
0x26c: {  	v7 =	vmax.bf16 v7, v63;
	v63 =	vld [tilespmem:$0x1F7C0]  }
0x26d: {  	[tilespmem:$0x1F890] =	vst v6;
	v6 =	vld [tilespmem:s17+$0xC560]  }
0x26e: {  	v40 =	vld [tilespmem:$0x1F7D0]  }
0x26f: {  	v41 =	vld [tilespmem:$0x1F7E0]  }
0x270: {  	v42 =	vld [tilespmem:$0x1F7F0]  }
0x271: {  	v43 =	vld [tilespmem:$0x1F800]  }
0x272: {  	[tilespmem:$0x1F8A0] =	vst v6;
	v6 =	vld [tilespmem:s17+$0xC570]  }
0x273: {  	v44 =	vld [tilespmem:$0x1F810]  }
0x274: {  	v9 =	vunpack.i.l.bf16.f32 v46;
	v46 =	vld [tilespmem:$0x1F820]  }
0x275: {  	v7 =	vmax.bf16 v7, v54;
	v54 =	vld [tilespmem:$0x1F880]  }
0x276: {  	v33 =	vunpack.i.l.bf16.f32 v55;
	v55 =	vld [tilespmem:$0x1F890]  }
0x277: {  	[tilespmem:$0x1F8B0] =	vst v6;
	v6 =	vld [tilespmem:s17+$0xC580]  }
0x278: {  	v3 =	vmax.bf16 v47, v59;
	v47 =	vld [tilespmem:$0x1F830]  }
0x279: {  	v4 =	vmax.bf16 v48, v60;
	v48 =	vld [tilespmem:$0x1F840]  }
0x27a: {  	v35 =	vunpack.i.l.bf16.f32 v58;
	v1 =	vmax.bf16 v1, v56;
	v3 =	vmax.bf16 v3, v43;
	v56 =	vld [tilespmem:$0x1F8A0]  }
0x27b: {  	v5 =	vmax.bf16 v5, v61;
	v4 =	vmax.bf16 v4, v44;
	v50 =	vld [tilespmem:$0x1F850];
	v3 =	vmax.bf16 v3, v54  }
0x27c: {  	v0 =	vmax.bf16 v0, v63;
	v3 =	vmax.bf16 v3, v16;
	v4 =	vmax.bf16 v4, v55;
	[tilespmem:$0x1F8C0] =	vst v6;
	v6 =	vld [tilespmem:s17+$0xC590]  }
0x27d: {  	v7 =	vmax.bf16 v7, v40;
	v3 =	vmax.bf16 v3, v24;
	v24 =	vld [tilespmem:s17+$0xC7D0];
	v4 =	vmax.bf16 v4, v17  }
0x27e: {  	v1 =	vmax.bf16 v1, v41;
	v5 =	vmax.bf16 v5, v46;
	v4 =	vmax.bf16 v4, v25;
	v25 =	vld [tilespmem:s17+$0xC7E0]  }
0x27f: {  	v2 =	vmax.bf16 v2, v42;
	v0 =	vmax.bf16 v0, v48;
	v5 =	vmax.bf16 v5, v56;
	v59 =	vld [tilespmem:$0x1F8C0]  }
0x280: {  	v7 =	vmax.bf16 v7, v50;
	v3 =	vmax.bf16 v3, v10;
	v58 =	vld [tilespmem:$0x1F8B0];
	v5 =	vmax.bf16 v5, v18  }
0x281: {  	v4 =	vmax.bf16 v4, v12;
	v5 =	vmax.bf16 v5, v26;
	[tilespmem:$0x1F8D0] =	vst v6;
	v6 =	vmax.bf16 v13, v51;
	v51 =	vld [tilespmem:$0x1F860]  }
0x282: {  	v4 =	vmax.bf16 v4, v53;
	v5 =	vmax.bf16 v5, v32;
	v13 =	vunpack.i.l.bf16.f32 v52;
	v52 =	vld [tilespmem:$0x1F870]  }
0x283: {  	v3 =	vmax.bf16 v3, v49;
	v4 =	vmax.bf16 v4, v24;
	v5 =	vmax.bf16 v5, v57;
	v60 =	vld [tilespmem:$0x1F8D0]  }
0x284: {  	v30 =	vld [tilespmem:s17+$0xC6A0];
	v5 =	vmax.bf16 v5, v25;
	v6 =	vmax.bf16 v6, v62;
	v0 =	vmax.bf16 v0, v59  }
0x285: {  	v40 =	vunpack.i.u.bf16.f32 v5;
	v62 =	vld [tilespmem:s17+$0xC780];
	v6 =	vmax.bf16 v6, v47;
	v0 =	vmax.bf16 v0, v20  }
0x286: {  	v38 =	vld [tilespmem:s17+$0xC720];
	v5 =	vunpack.i.l.bf16.f32 v5;
	v6 =	vmax.bf16 v6, v58;
	v0 =	vmax.bf16 v0, v28  }
0x287: {  	v61 =	vld [tilespmem:s17+$0xC770];
	v6 =	vmax.bf16 v6, v19;
	v0 =	vmax.bf16 v0, v36;
	v1 =	vmax.bf16 v1, v51  }
0x288: {  	v45 =	vld [tilespmem:s17+$0xC730];
	v2 =	vmax.bf16 v2, v52;
	v6 =	vmax.bf16 v6, v27;
	v7 =	vmax.bf16 v7, v60  }
0x289: {  	v63 =	vld [tilespmem:s17+$0xC790];
	v1 =	vmax.bf16 v1, v14;
	v2 =	vmax.bf16 v2, v15;
	v6 =	vmax.bf16 v6, v34  }
0x28a: {  	v0 =	vmax.bf16 v0, v62;
	v34 =	vunpack.i.u.bf16.f32 v4;
	v7 =	vmax.bf16 v7, v21;
	v21 =	vld [tilespmem:s17+$0xC7A0]  }
0x28b: {  	v4 =	vunpack.i.l.bf16.f32 v4;
	v1 =	vmax.bf16 v1, v22;
	v2 =	vmax.bf16 v2, v23;
	v22 =	vld [tilespmem:s17+$0xC7B0]  }
0x28c: {  	v23 =	vld [tilespmem:s17+$0xC7C0];
	v6 =	vmax.bf16 v6, v61;
	v27 =	vunpack.i.u.bf16.f32 v0;
	v0 =	vunpack.i.l.bf16.f32 v0  }
0x28d: {  	v7 =	vmax.bf16 v7, v29;
	v1 =	vmax.bf16 v1, v30;
	v0 =	vadd.f32 v0, v27  }
0x28e: {  	v2 =	vmax.bf16 v2, v8;
	v7 =	vmax.bf16 v7, v37;
	v1 =	vmax.bf16 v1, v38  }
0x28f: {  	v2 =	vmax.bf16 v2, v45;
	v7 =	vmax.bf16 v7, v63;
	v38 =	vadd.f32 v0, v31  }
0x290: {  	v26 =	vld [tilespmem:s17+$0xC7F0];
	v28 =	vunpack.i.u.bf16.f32 v7;
	v7 =	vunpack.i.l.bf16.f32 v7;
	v1 =	vmax.bf16 v1, v21  }
0x291: {  	v2 =	vmax.bf16 v2, v22;
	v3 =	vmax.bf16 v3, v23;
	v36 =	vadd.f32 v7, v28  }
0x292: {  	v29 =	vunpack.i.u.bf16.f32 v1;
	v1 =	vunpack.i.l.bf16.f32 v1;
	v30 =	vunpack.i.u.bf16.f32 v2  }
0x293: {  	v37 =	vld [tilespmem:s11+$0x1C460];
	v2 =	vunpack.i.l.bf16.f32 v2;
	v32 =	vunpack.i.u.bf16.f32 v3;
	v1 =	vadd.f32 v1, v29  }
0x294: {  	v39 =	vld [tilespmem:s11+$0x1C470];
	v3 =	vunpack.i.l.bf16.f32 v3;
	v2 =	vadd.f32 v2, v30;
	v8 =	vadd.f32 v36, v9  }
0x295: {  	v6 =	vmax.bf16 v6, v26;
	[tilespmem:s1+$0x0] =	vst.add.f32.msk $0xffff, v38;
	v3 =	vadd.f32 v3, v32;
	v41 =	vadd.f32 v1, v11  }
0x296: {  	v4 =	vadd.f32 v4, v34;
	v42 =	vunpack.i.u.bf16.f32 v6;
	v43 =	vadd.f32 v2, v13;
	[tilespmem:s20+$0x0] =	vst.add.f32.msk $0xffff, v8  }
0x297: {  	v44 =	vunpack.i.l.bf16.f32 v6;
	v0 =	vadd.f32 v5, v40;
	v45 =	vadd.f32 v3, v33;
	[tilespmem:s21+$0x0] =	vst.add.f32.msk $0xffff, v41  }
0x298: {  	v4 =	vadd.f32 v4, v35;
	v46 =	vunpack.i.l.bf16.f32 v37;
	v1 =	vadd.f32 v44, v42;
	[tilespmem:s22+$0x0] =	vst.add.f32.msk $0xffff, v43  }
0x299: {  	v47 =	vunpack.i.l.bf16.f32 v39;
	v0 =	vadd.f32 v0, v46;
	[tilespmem:s23+$0x0] =	vst.add.f32.msk $0xffff, v45  }
0x29a: {  	v49 =	vadd.f32 v1, v47;
	[tilespmem:s24+$0x0] =	vst.add.f32.msk $0xffff, v4  }
0x29b: {  	v51 =	vmul.f32 v38, v38;
	[tilespmem:s25+$0x0] =	vst.add.f32.msk $0xffff, v0  }
0x29c: {  	v52 =	vmul.f32 v8, v8;
	[tilespmem:s28+$0x0] =	vst.add.f32.msk $0xffff, v49  }
0x29d: {  	v53 =	vmul.f32 v41, v41;
	[tilespmem:s5+$0x0] =	vst.add.f32.msk $0xffff, v51  }
0x29e: {  	v48 =	vmov v45;
	v54 =	vmul.f32 v43, v43;
	[tilespmem:s7+$0x0] =	vst.add.f32.msk $0xffff, v52  }
0x29f: {  	v55 =	vmul.f32 v48, v48;
	[tilespmem:s8+$0x0] =	vst.add.f32.msk $0xffff, v53  }
0x2a0: {  	v56 =	vmul.f32 v4, v4;
	v50 =	vmov v0;
	[tilespmem:s12+$0x0] =	vst.add.f32.msk $0xffff, v54  }
0x2a1: {  	v57 =	vmul.f32 v50, v50;
	[tilespmem:s13+$0x0] =	vst.add.f32.msk $0xffff, v55  }
0x2a2: {  	v58 =	vmul.f32 v49, v49;
	[tilespmem:s14+$0x0] =	vst.add.f32.msk $0xffff, v56  }
0x2a3: {  	[tilespmem:s15+$0x0] =	vst.add.f32.msk $0xffff, v57  }
0x2a4: {  	[tilespmem:s26+$0x0] =	vst.add.f32.msk $0xffff, v58  }
0x2a5: {  	[tilespmem:$0x1FB70] =	vst v0;
	v0 =	vld [tilespmem:s17+$0xC800]  }
0x2a6: {  	v1 =	vld [tilespmem:s17+$0xC810]  }
0x2a7: {  	v2 =	vld [tilespmem:s17+$0xC820]  }
0x2a8: {  	v3 =	vld [tilespmem:s17+$0xC830]  }
0x2a9: {  	[tilespmem:$0x1FB60] =	vst v4;
	v4 =	vld [tilespmem:s17+$0xC840]  }
0x2aa: {  	v5 =	vld [tilespmem:s17+$0xC850]  }
0x2ab: {  	v6 =	vld [tilespmem:s17+$0xC860]  }
0x2ac: {  	v17 =	vld [tilespmem:s17+$0xC870]  }
0x2ad: {  	v18 =	vld [tilespmem:s17+$0xC880]  }
0x2ae: {  	v19 =	vld [tilespmem:s17+$0xC890]  }
0x2af: {  	v20 =	vld [tilespmem:s17+$0xC8A0]  }
0x2b0: {  	v21 =	vld [tilespmem:s17+$0xC8B0]  }
0x2b1: {  	v22 =	vld [tilespmem:s17+$0xC8C0]  }
0x2b2: {  	v23 =	vld [tilespmem:s17+$0xC8D0]  }
0x2b3: {  	v24 =	vld [tilespmem:s17+$0xC8E0]  }
0x2b4: {  	v25 =	vld [tilespmem:s17+$0xC8F0]  }
0x2b5: {  	v26 =	vld [tilespmem:s17+$0xC900]  }
0x2b6: {  	v16 =	vld [tilespmem:s17+$0xCBF0]  }
0x2b7: {  	v27 =	vld [tilespmem:s17+$0xC910]  }
0x2b8: {  	v28 =	vld [tilespmem:s17+$0xC920]  }
0x2b9: {  	v29 =	vld [tilespmem:s17+$0xC930]  }
0x2ba: {  	v30 =	vld [tilespmem:s17+$0xC940]  }
0x2bb: {  	[tilespmem:$0x1F8E0] =	vst v16;
	v16 =	vld [tilespmem:s17+$0xCC00]  }
0x2bc: {  	v31 =	vld [tilespmem:s17+$0xC950]  }
0x2bd: {  	v32 =	vld [tilespmem:s17+$0xC960]  }
0x2be: {  	v33 =	vld [tilespmem:s17+$0xC970]  }
0x2bf: {  	v34 =	vld [tilespmem:s17+$0xC980]  }
0x2c0: {  	[tilespmem:$0x1F8F0] =	vst v16;
	v16 =	vld [tilespmem:s17+$0xCC10]  }
0x2c1: {  	v35 =	vld [tilespmem:s17+$0xC990]  }
0x2c2: {  	v36 =	vld [tilespmem:s17+$0xC9A0]  }
0x2c3: {  	[tilespmem:$0x1FAF0] =	vst v37;
	v37 =	vld [tilespmem:s17+$0xC9B0]  }
0x2c4: {  	[tilespmem:$0x1FB10] =	vst v38;
	v38 =	vld [tilespmem:s17+$0xC9C0]  }
0x2c5: {  	[tilespmem:$0x1F900] =	vst v16;
	v16 =	vld [tilespmem:s17+$0xCC20]  }
0x2c6: {  	[tilespmem:$0x1FB00] =	vst v39;
	v39 =	vld [tilespmem:s17+$0xC9D0]  }
0x2c7: {  	v40 =	vld [tilespmem:s17+$0xC9E0]  }
0x2c8: {  	[tilespmem:$0x1FB30] =	vst v41;
	v41 =	vld [tilespmem:s17+$0xC9F0]  }
0x2c9: {  	v42 =	vld [tilespmem:s17+$0xCA00]  }
0x2ca: {  	[tilespmem:$0x1F910] =	vst v16;
	v16 =	vld [tilespmem:s17+$0xCC30]  }
0x2cb: {  	[tilespmem:$0x1FB40] =	vst v43;
	v43 =	vld [tilespmem:s17+$0xCA10]  }
0x2cc: {  	v44 =	vld [tilespmem:s17+$0xCA20]  }
0x2cd: {  	[tilespmem:$0x1FB50] =	vst v45;
	v45 =	vld [tilespmem:s17+$0xCA30]  }
0x2ce: {  	v46 =	vld [tilespmem:s17+$0xCA40]  }
0x2cf: {  	[tilespmem:$0x1F920] =	vst v16;
	v16 =	vld [tilespmem:s17+$0xCC40]  }
0x2d0: {  	v47 =	vld [tilespmem:s17+$0xCA50]  }
0x2d1: {  	v48 =	vld [tilespmem:s17+$0xCA60]  }
0x2d2: {  	[tilespmem:$0x1FB80] =	vst v49;
	v49 =	vld [tilespmem:s17+$0xCA70]  }
0x2d3: {  	v50 =	vld [tilespmem:s17+$0xCA80]  }
0x2d4: {  	[tilespmem:$0x1F930] =	vst v16;
	v16 =	vld [tilespmem:s17+$0xCC50]  }
0x2d5: {  	v51 =	vld [tilespmem:s17+$0xCA90]  }
0x2d6: {  	v52 =	vld [tilespmem:s17+$0xCAA0]  }
0x2d7: {  	v53 =	vld [tilespmem:s17+$0xCAB0]  }
0x2d8: {  	v54 =	vld [tilespmem:s17+$0xCAC0]  }
0x2d9: {  	[tilespmem:$0x1F940] =	vst v16;
	v16 =	vld [tilespmem:s17+$0xCC60]  }
0x2da: {  	v55 =	vld [tilespmem:s17+$0xCAD0]  }
0x2db: {  	v56 =	vld [tilespmem:s17+$0xCAE0]  }
0x2dc: {  	v57 =	vld [tilespmem:s17+$0xCAF0]  }
0x2dd: {  	v58 =	vld [tilespmem:s17+$0xCB00]  }
0x2de: {  	[tilespmem:$0x1F950] =	vst v16;
	v16 =	vld [tilespmem:s17+$0xCC70]  }
0x2df: {  	v59 =	vld [tilespmem:s17+$0xCB10]  }
0x2e0: {  	v60 =	vld [tilespmem:s17+$0xCB20]  }
0x2e1: {  	v61 =	vld [tilespmem:s17+$0xCB30]  }
0x2e2: {  	v62 =	vld [tilespmem:s17+$0xCB40]  }
0x2e3: {  	[tilespmem:$0x1F960] =	vst v16;
	v16 =	vld [tilespmem:s17+$0xCC80]  }
0x2e4: {  	v63 =	vld [tilespmem:s17+$0xCB50]  }
0x2e5: {  	v7 =	vld [tilespmem:s17+$0xCB60]  }
0x2e6: {  	[tilespmem:$0x1FB20] =	vst v8;
	v8 =	vld [tilespmem:s17+$0xCB70]  }
0x2e7: {  	v9 =	vld [tilespmem:s17+$0xCB80]  }
0x2e8: {  	[tilespmem:$0x1F970] =	vst v16;
	v16 =	vld [tilespmem:s17+$0xCC90]  }
0x2e9: {  	v10 =	vld [tilespmem:s17+$0xCB90]  }
0x2ea: {  	v11 =	vld [tilespmem:s17+$0xCBA0]  }
0x2eb: {  	v12 =	vld [tilespmem:s17+$0xCBB0]  }
0x2ec: {  	v13 =	vld [tilespmem:s17+$0xCBC0]  }
0x2ed: {  	[tilespmem:$0x1F980] =	vst v16;
	v16 =	vld [tilespmem:s17+$0xCCA0]  }
0x2ee: {  	v14 =	vld [tilespmem:s17+$0xCBD0]  }
0x2ef: {  	v15 =	vld [tilespmem:s17+$0xCBE0]  }
0x2f0: {  	v0 =	vmax.bf16 v0, v18;
	v18 =	vld [tilespmem:s17+$0xCDA0]  }
0x2f1: {  	v1 =	vmax.bf16 v1, v19;
	v19 =	vld [tilespmem:s17+$0xCDB0]  }
0x2f2: {  	[tilespmem:$0x1F990] =	vst v16;
	v16 =	vld [tilespmem:s17+$0xCCB0]  }
0x2f3: {  	v2 =	vmax.bf16 v2, v20;
	v20 =	vld [tilespmem:s17+$0xCDC0]  }
0x2f4: {  	v3 =	vmax.bf16 v3, v21;
	v21 =	vld [tilespmem:s17+$0xCDD0]  }
0x2f5: {  	v4 =	vmax.bf16 v4, v22;
	v22 =	vld [tilespmem:s17+$0xCDE0]  }
0x2f6: {  	v5 =	vmax.bf16 v5, v23;
	v23 =	vld [tilespmem:s17+$0xCDF0]  }
0x2f7: {  	[tilespmem:$0x1F9A0] =	vst v16;
	v16 =	vld [tilespmem:s17+$0xCCC0]  }
0x2f8: {  	v6 =	vmax.bf16 v6, v24;
	v24 =	vld [tilespmem:s17+$0xCE00]  }
0x2f9: {  	v17 =	vmax.bf16 v17, v25;
	v25 =	vld [tilespmem:s17+$0xCE10]  }
0x2fa: {  	v0 =	vmax.bf16 v0, v26;
	v26 =	vld [tilespmem:s17+$0xCE20]  }
0x2fb: {  	v1 =	vmax.bf16 v1, v27;
	v27 =	vld [tilespmem:s17+$0xCE30]  }
0x2fc: {  	[tilespmem:$0x1F9B0] =	vst v16;
	v16 =	vld [tilespmem:s17+$0xCCD0]  }
0x2fd: {  	v2 =	vmax.bf16 v2, v28;
	v28 =	vld [tilespmem:s17+$0xCE40]  }
0x2fe: {  	v3 =	vmax.bf16 v3, v29;
	v29 =	vld [tilespmem:s17+$0xCE50]  }
0x2ff: {  	v4 =	vmax.bf16 v4, v30;
	v30 =	vld [tilespmem:s17+$0xCE60]  }
0x300: {  	v5 =	vmax.bf16 v5, v31;
	v31 =	vld [tilespmem:s17+$0xCE70]  }
0x301: {  	[tilespmem:$0x1F9C0] =	vst v16;
	v16 =	vld [tilespmem:s17+$0xCCE0]  }
0x302: {  	v6 =	vmax.bf16 v6, v32;
	v32 =	vld [tilespmem:s17+$0xCE80]  }
0x303: {  	v17 =	vmax.bf16 v17, v33;
	v33 =	vld [tilespmem:s17+$0xCE90]  }
0x304: {  	v3 =	vmax.bf16 v3, v37;
	v37 =	vld [tilespmem:s17+$0xCEF0]  }
0x305: {  	v17 =	vmax.bf16 v17, v41;
	v41 =	vld [tilespmem:s17+$0xCF00]  }
0x306: {  	[tilespmem:$0x1F9D0] =	vst v16;
	v16 =	vld [tilespmem:s17+$0xCCF0]  }
0x307: {  	v3 =	vmax.bf16 v3, v45;
	v45 =	vld [tilespmem:s17+$0xCF10]  }
0x308: {  	v0 =	vmax.bf16 v0, v34;
	v17 =	vmax.bf16 v17, v49;
	v49 =	vld [tilespmem:s17+$0xCF20]  }
0x309: {  	v1 =	vmax.bf16 v1, v35;
	v2 =	vmax.bf16 v2, v36;
	v3 =	vmax.bf16 v3, v53;
	v53 =	vld [tilespmem:s17+$0xCF30]  }
0x30a: {  	v0 =	vmax.bf16 v0, v42;
	v1 =	vmax.bf16 v1, v43;
	v17 =	vmax.bf16 v17, v57;
	v57 =	vld [tilespmem:s17+$0xCF40]  }
0x30b: {  	v2 =	vmax.bf16 v2, v44;
	v0 =	vmax.bf16 v0, v50;
	v1 =	vmax.bf16 v1, v51;
	[tilespmem:$0x1F9E0] =	vst v16;
	v16 =	vld [tilespmem:s17+$0xCD00]  }
0x30c: {  	v2 =	vmax.bf16 v2, v52;
	v1 =	vmax.bf16 v1, v59;
	v59 =	vmax.bf16 v17, v8;
	v8 =	vld [tilespmem:s17+$0xCEA0]  }
0x30d: {  	v0 =	vmax.bf16 v0, v58;
	v2 =	vmax.bf16 v2, v60;
	v60 =	vld [tilespmem:$0x1F8E0]  }
0x30e: {  	v0 =	vmax.bf16 v0, v9;
	v9 =	vld [tilespmem:s17+$0xCEB0]  }
0x30f: {  	v1 =	vmax.bf16 v1, v10;
	v10 =	vld [tilespmem:s17+$0xCEC0]  }
0x310: {  	v4 =	vmax.bf16 v4, v38;
	[tilespmem:$0x1F9F0] =	vst v16;
	v16 =	vld [tilespmem:s17+$0xCD10]  }
0x311: {  	v5 =	vmax.bf16 v5, v39;
	v4 =	vmax.bf16 v4, v46;
	v3 =	vmax.bf16 v3, v61;
	v61 =	vld [tilespmem:$0x1F8F0]  }
0x312: {  	v5 =	vmax.bf16 v5, v47;
	v4 =	vmax.bf16 v4, v54;
	v2 =	vmax.bf16 v2, v11;
	v11 =	vld [tilespmem:s17+$0xCED0]  }
0x313: {  	v5 =	vmax.bf16 v5, v55;
	v4 =	vmax.bf16 v4, v62;
	v62 =	vld [tilespmem:$0x1F900]  }
0x314: {  	v5 =	vmax.bf16 v5, v63;
	v63 =	vld [tilespmem:$0x1F910]  }
0x315: {  	[tilespmem:$0x1FA00] =	vst v16;
	v16 =	vld [tilespmem:s17+$0xCD20]  }
0x316: {  	v3 =	vmax.bf16 v3, v12;
	v12 =	vld [tilespmem:s17+$0xCEE0]  }
0x317: {  	v0 =	vmax.bf16 v0, v61;
	v61 =	vld [tilespmem:s17+$0xCF50]  }
0x318: {  	v1 =	vmax.bf16 v1, v62;
	v62 =	vld [tilespmem:s17+$0xCF60]  }
0x319: {  	v2 =	vmax.bf16 v2, v63;
	v63 =	vld [tilespmem:s17+$0xCF70]  }
0x31a: {  	[tilespmem:$0x1FA10] =	vst v16;
	v16 =	vld [tilespmem:s17+$0xCD30]  }
0x31b: {  	v34 =	vld [tilespmem:$0x1F940]  }
0x31c: {  	v6 =	vmax.bf16 v6, v40;
	v35 =	vld [tilespmem:$0x1F950]  }
0x31d: {  	v6 =	vmax.bf16 v6, v48;
	v17 =	vld [tilespmem:$0x1F930]  }
0x31e: {  	v6 =	vmax.bf16 v6, v56;
	v36 =	vld [tilespmem:$0x1F960]  }
0x31f: {  	v6 =	vmax.bf16 v6, v7;
	v5 =	vmax.bf16 v5, v14;
	[tilespmem:$0x1FA20] =	vst v16;
	v16 =	vld [tilespmem:s17+$0xCD40]  }
0x320: {  	v6 =	vmax.bf16 v6, v15;
	v5 =	vmax.bf16 v5, v34;
	v34 =	vld [tilespmem:$0x1FAB0]  }
0x321: {  	v6 =	vmax.bf16 v6, v35;
	v35 =	vld [tilespmem:$0x1FAC0]  }
0x322: {  	v7 =	vmax.bf16 v59, v60;
	v38 =	vld [tilespmem:$0x1F970]  }
0x323: {  	v7 =	vmax.bf16 v7, v36;
	v36 =	vld [tilespmem:$0x1FAD0]  }
0x324: {  	[tilespmem:$0x1FA30] =	vst v16;
	v16 =	vld [tilespmem:s17+$0xCD50]  }
0x325: {  	v39 =	vld [tilespmem:$0x1F980]  }
0x326: {  	v40 =	vld [tilespmem:$0x1F990]  }
0x327: {  	v42 =	vld [tilespmem:$0x1F9A0]  }
0x328: {  	v43 =	vld [tilespmem:$0x1F9B0]  }
0x329: {  	[tilespmem:$0x1FA40] =	vst v16;
	v16 =	vld [tilespmem:s17+$0xCD60]  }
0x32a: {  	v46 =	vld [tilespmem:$0x1F9D0]  }
0x32b: {  	v44 =	vld [tilespmem:$0x1F9C0]  }
0x32c: {  	v47 =	vld [tilespmem:$0x1F9E0]  }
0x32d: {  	v51 =	vld [tilespmem:$0x1FA10]  }
0x32e: {  	[tilespmem:$0x1FA50] =	vst v16;
	v16 =	vld [tilespmem:s17+$0xCD70]  }
0x32f: {  	v6 =	vmax.bf16 v6, v46;
	v46 =	vld [tilespmem:$0x1FAF0]  }
0x330: {  	v54 =	vld [tilespmem:$0x1FA30]  }
0x331: {  	v2 =	vmax.bf16 v2, v40;
	v48 =	vld [tilespmem:$0x1F9F0]  }
0x332: {  	v4 =	vmax.bf16 v4, v13;
	v2 =	vmax.bf16 v2, v51;
	v55 =	vld [tilespmem:$0x1FA40]  }
0x333: {  	v4 =	vmax.bf16 v4, v17;
	v2 =	vmax.bf16 v2, v18;
	[tilespmem:$0x1FA60] =	vst v16;
	v16 =	vld [tilespmem:s17+$0xCD80]  }
0x334: {  	v15 =	vunpack.i.u.bf16.f32 v34;
	v4 =	vmax.bf16 v4, v43;
	v2 =	vmax.bf16 v2, v26;
	v26 =	vld [tilespmem:s17+$0xCFA0]  }
0x335: {  	v0 =	vmax.bf16 v0, v38;
	v17 =	vunpack.i.u.bf16.f32 v36;
	v4 =	vmax.bf16 v4, v54;
	v56 =	vld [tilespmem:$0x1FA50]  }
0x336: {  	v1 =	vmax.bf16 v1, v39;
	v5 =	vmax.bf16 v5, v44;
	v50 =	vld [tilespmem:$0x1FA00];
	v4 =	vmax.bf16 v4, v20  }
0x337: {  	v2 =	vmax.bf16 v2, v8;
	v4 =	vmax.bf16 v4, v28;
	v28 =	vld [tilespmem:s17+$0xCFC0];
	v5 =	vmax.bf16 v5, v55  }
0x338: {  	v7 =	vmax.bf16 v7, v47;
	v2 =	vmax.bf16 v2, v49;
	v5 =	vmax.bf16 v5, v21;
	[tilespmem:$0x1FA70] =	vst v16;
	v16 =	vld [tilespmem:s17+$0xCD90]  }
0x339: {  	v0 =	vmax.bf16 v0, v48;
	v2 =	vmax.bf16 v2, v26;
	v5 =	vmax.bf16 v5, v29;
	v29 =	vld [tilespmem:s17+$0xCFD0]  }
0x33a: {  	v40 =	vunpack.i.u.bf16.f32 v2;
	v2 =	vunpack.i.l.bf16.f32 v2;
	v6 =	vmax.bf16 v6, v56;
	v58 =	vld [tilespmem:$0x1FA60]  }
0x33b: {  	v1 =	vmax.bf16 v1, v50;
	v2 =	vadd.f32 v2, v40;
	v6 =	vmax.bf16 v6, v22;
	v59 =	vld [tilespmem:$0x1FA70]  }
0x33c: {  	v4 =	vmax.bf16 v4, v10;
	v5 =	vmax.bf16 v5, v11;
	v6 =	vmax.bf16 v6, v30;
	v30 =	vld [tilespmem:s17+$0xCFE0]  }
0x33d: {  	v2 =	vadd.f32 v2, v15;
	v4 =	vmax.bf16 v4, v57;
	v5 =	vmax.bf16 v5, v61;
	[tilespmem:$0x1FA80] =	vst v16;
	v16 =	vld [tilespmem:$0x1F920]  }
0x33e: {  	v4 =	vmax.bf16 v4, v28;
	v5 =	vmax.bf16 v5, v29;
	v6 =	vmax.bf16 v6, v12;
	v60 =	vld [tilespmem:$0x1FA80]  }
0x33f: {  	v52 =	vld [tilespmem:$0x1FA20];
	v43 =	vunpack.i.u.bf16.f32 v5;
	v5 =	vunpack.i.l.bf16.f32 v5;
	v7 =	vmax.bf16 v7, v58  }
0x340: {  	v47 =	vld [tilespmem:$0x1FB00];
	v6 =	vmax.bf16 v6, v62;
	v7 =	vmax.bf16 v7, v23;
	v0 =	vmax.bf16 v0, v59  }
0x341: {  	v5 =	vadd.f32 v5, v43;
	v7 =	vmax.bf16 v7, v31;
	v0 =	vmax.bf16 v0, v24;
	v24 =	vld [tilespmem:s17+$0xCF80]  }
0x342: {  	v6 =	vmax.bf16 v6, v30;
	v0 =	vmax.bf16 v0, v32;
	v32 =	vld [tilespmem:$0x1FA90];
	v3 =	vmax.bf16 v3, v16  }
0x343: {  	v57 =	vld [tilespmem:$0x1FB20];
	v7 =	vmax.bf16 v7, v37;
	v3 =	vmax.bf16 v3, v42;
	v1 =	vmax.bf16 v1, v60  }
0x344: {  	v44 =	vunpack.i.u.bf16.f32 v6;
	v3 =	vmax.bf16 v3, v52;
	v1 =	vmax.bf16 v1, v25;
	v25 =	vld [tilespmem:s17+$0xCF90]  }
0x345: {  	v61 =	vld [tilespmem:$0x1FB60];
	v6 =	vunpack.i.l.bf16.f32 v6;
	v7 =	vmax.bf16 v7, v63;
	v3 =	vmax.bf16 v3, v19  }
0x346: {  	v0 =	vmax.bf16 v0, v41;
	v42 =	vunpack.i.u.bf16.f32 v4;
	v3 =	vmax.bf16 v3, v27;
	v27 =	vld [tilespmem:s17+$0xCFB0]  }
0x347: {  	v0 =	vmax.bf16 v0, v24;
	v1 =	vmax.bf16 v1, v33;
	v13 =	vunpack.i.u.bf16.f32 v32;
	v33 =	vld [tilespmem:$0x1FAA0]  }
0x348: {  	v56 =	vld [tilespmem:$0x1FB10];
	v38 =	vunpack.i.u.bf16.f32 v0;
	v0 =	vunpack.i.l.bf16.f32 v0;
	v1 =	vmax.bf16 v1, v45  }
0x349: {  	v31 =	vld [tilespmem:s17+$0xCFF0];
	v0 =	vadd.f32 v0, v38;
	v3 =	vmax.bf16 v3, v9;
	v1 =	vmax.bf16 v1, v25  }
0x34a: {  	v37 =	vld [tilespmem:$0x1FAE0];
	v3 =	vmax.bf16 v3, v53;
	v39 =	vunpack.i.u.bf16.f32 v1;
	v1 =	vunpack.i.l.bf16.f32 v1  }
0x34b: {  	v58 =	vld [tilespmem:$0x1FB30];
	v0 =	vadd.f32 v0, v13;
	v3 =	vmax.bf16 v3, v27;
	v1 =	vadd.f32 v1, v39  }
0x34c: {  	v59 =	vld [tilespmem:$0x1FB40];
	v14 =	vunpack.i.u.bf16.f32 v33;
	v41 =	vunpack.i.u.bf16.f32 v3;
	v3 =	vunpack.i.l.bf16.f32 v3  }
0x34d: {  	v4 =	vunpack.i.l.bf16.f32 v4;
	v60 =	vld [tilespmem:$0x1FB50];
	v3 =	vadd.f32 v3, v41;
	v1 =	vadd.f32 v1, v14  }
0x34e: {  	v6 =	vadd.f32 v6, v44;
	v16 =	vunpack.i.u.bf16.f32 v35;
	v4 =	vadd.f32 v4, v42;
	[tilespmem:s1+$0x0] =	vst.add.f32.msk $0xffff, v0  }
0x34f: {  	v7 =	vmax.bf16 v7, v31;
	v18 =	vunpack.i.u.bf16.f32 v37;
	v3 =	vadd.f32 v3, v16;
	[tilespmem:s20+$0x0] =	vst.add.f32.msk $0xffff, v1  }
0x350: {  	v45 =	vunpack.i.u.bf16.f32 v7;
	v7 =	vunpack.i.l.bf16.f32 v7;
	v4 =	vadd.f32 v4, v17;
	[tilespmem:s21+$0x0] =	vst.add.f32.msk $0xffff, v2  }
0x351: {  	v8 =	vunpack.i.u.bf16.f32 v46;
	v5 =	vadd.f32 v5, v18;
	v7 =	vadd.f32 v7, v45;
	[tilespmem:s22+$0x0] =	vst.add.f32.msk $0xffff, v3  }
0x352: {  	v6 =	vadd.f32 v6, v8;
	v9 =	vunpack.i.u.bf16.f32 v47;
	[tilespmem:s23+$0x0] =	vst.add.f32.msk $0xffff, v4  }
0x353: {  	v7 =	vadd.f32 v7, v9;
	[tilespmem:s24+$0x0] =	vst.add.f32.msk $0xffff, v5  }
0x354: {  	v48 =	vmul.f32 v0, v0;
	[tilespmem:s25+$0x0] =	vst.add.f32.msk $0xffff, v6  }
0x355: {  	v49 =	vmul.f32 v1, v1;
	[tilespmem:s28+$0x0] =	vst.add.f32.msk $0xffff, v7  }
0x356: {  	v50 =	vmul.f32 v2, v2;
	[tilespmem:s5+$0x0] =	vst.add.f32.msk $0xffff, v48  }
0x357: {  	v51 =	vmul.f32 v3, v3;
	[tilespmem:s7+$0x0] =	vst.add.f32.msk $0xffff, v49  }
0x358: {  	v52 =	vmul.f32 v4, v4;
	[tilespmem:s8+$0x0] =	vst.add.f32.msk $0xffff, v50  }
0x359: {  	v53 =	vmul.f32 v5, v5;
	[tilespmem:s12+$0x0] =	vst.add.f32.msk $0xffff, v51  }
0x35a: {  	v54 =	vmul.f32 v6, v6;
	[tilespmem:s13+$0x0] =	vst.add.f32.msk $0xffff, v52  }
0x35b: {  	v55 =	vmul.f32 v7, v7;
	[tilespmem:s14+$0x0] =	vst.add.f32.msk $0xffff, v53  }
0x35c: {  	[tilespmem:s15+$0x0] =	vst.add.f32.msk $0xffff, v54  }
0x35d: {  	v0 =	vpack.i.f32.bf16 v0, v56;
	[tilespmem:s26+$0x0] =	vst.add.f32.msk $0xffff, v55  }
0x35e: {  	v62 =	vld [tilespmem:$0x1FB70];
	v1 =	vpack.i.f32.bf16 v1, v57;
	[tilespmem:s11+$0x1D000] =	vst v0  }
0x35f: {  	v63 =	vld [tilespmem:$0x1FB80];
	v0 =	vpack.i.f32.bf16 v2, v58;
	[tilespmem:s11+$0x1D010] =	vst v1  }
0x360: {  	p1 =	sne.s32 s10, $0x7;
	v1 =	vpack.i.f32.bf16 v3, v59;
	[tilespmem:s11+$0x1D020] =	vst v0  }
.Ltmp1:
0x361: {  	v0 =	vpack.i.f32.bf16 v4, v60;
	[tilespmem:s11+$0x1D030] =	vst v1;
	(pc) =	sbr.rel @p1 .LBB2_5-.Ltmp1, $4  }
0x362: {  	v1 =	vpack.i.f32.bf16 v5, v61;
	[tilespmem:s11+$0x1D040] =	vst v0  }
0x363: {  	v0 =	vpack.i.f32.bf16 v6, v62;
	[tilespmem:s11+$0x1D050] =	vst v1  }
0x364: {  	v1 =	vpack.i.f32.bf16 v7, v63;
	[tilespmem:s11+$0x1D060] =	vst v0  }
0x365: {  	s10 =	sadd.s32 $0x1, s10;
	[tilespmem:s11+$0x1D070] =	vst v1  }
0x366: {  	s10 =	smul.u32 $0xC00, s29  }
0x367: {  	s0 =	rddreg [dreg:$0x7]  }
0x368: {  	s11 =	sadd.s32 s0, s10  }
0x369: {  	s11 =	sshrl.u32 s11, $0x3  }
0x36a: {  	s17 =	simm.s32 $0x1D000;
	p1 =	seq.s32 s29, $0x14;
	s11 =	sadd.s32 s4, s11  }
0x36b: {  	[hbm4b:s11+s3] =	stream.linear.scatter [tilespmem:s17], [sflag:$0x8], $0x400, $0x38;
	[tilespmem:$0x1D900] =	vst v63  }
0x36c: {  	s11 =	sadd.s32 @!p1 $0x4, s9  }
0x36d: {  	s17 =	sshll.u32 @!p1 s11, $0x8  }
0x36e: {  	s19 =	simm.s32 @!p1 $0x80;
	s0 =	simm.s32 @!p1 $0xC000;
	s17 =	sand.u32 @!p1 $0x3FFFFF00, s17  }
0x36f: {  	[tilespmem:s0], [sflag:$0x2] =	stream.indirect.gather @!p1 [hbm4b:s2+s19], $0x80, s17, s19, $0xb8;
	[tilespmem:$0x1D900] =	vst v63  }
0x370: {  	s0 =	sor.u32 @!p1 $0x80, s17;
	s17 =	simm.s32 @!p1 $0x10000  }
0x371: {  	[tilespmem:s17], [sflag:$0x2] =	stream.indirect.gather @!p1 [hbm4b:s2+s19], $0x80, s0, s19, $0xb8;
	[tilespmem:$0x1D900] =	vst v63  }
0x372: {  	s0 =	sshll.u32 @!p1 s11, $0x7  }
0x373: {  	s11 =	simm.s32 @!p1 $0x0;
	s17 =	simm.s32 @!p1 $0x1C400;
	s0 =	sadd.s32 @!p1 s0, s6  }
0x374: {  	[tilespmem:s17], [sflag:$0x5] =	stream.linear.gather @!p1 [hbm4b:s0+s11], $0x400, $0x38;
	[tilespmem:$0x1D900] =	vst v63  }
0x375: {  	_ =	swait.ge [sflag:s18], $0x4000  }
0x376: {  	[sflag:s18] =	ssyncset.done $0x0  }
0x377: {  	[sflag:s18] =	ssyncadd.s32 $0xFFFFC000  }
0x378: {  	_ =	swait.ge [sflag:s18], $0x4000  }
0x379: {  	[sflag:s18] =	ssyncset.done $0x0  }
0x37a: {  	s19 =	simm.s32 $0x6;
	[sflag:s18] =	ssyncadd.s32 $0xFFFFC000  }
0x37b: {  	_ =	swait.ge [sflag:s19], $0x400  }
0x37c: {  	[sflag:s19] =	ssyncset.done $0x0  }
0x37d: {  	s0 =	simm.s32 @!p0 $0x9;
	[sflag:s19] =	ssyncadd.s32 $0xFFFFFC00  }
0x37e: {  	_ =	swait.ge @!p0 [sflag:s0], $0x400  }
0x37f: {  	[sflag:s0] =	ssyncset.done @!p0 $0x0  }
0x380: {  	s11 =	simm.s32 $0x0;
	[sflag:s0] =	ssyncadd.s32 @!p0 $0xFFFFFC00  }
.LBB2_7:
0x381: {  	s0 =	sshll.u32 s11, $0x7  }
0x382: {  	s17 =	sand.u32 $0x7FFFFF80, s0  }
0x383: {  	v2 =	vld [tilespmem:s17+$0x1C800]  }
0x384: {  	v0 =	vld [tilespmem:s17+$0x1C810]  }
0x385: {  	v41 =	vld [tilespmem:s17+$0x1C820]  }
0x386: {  	v42 =	vld [tilespmem:s17+$0x1C830]  }
0x387: {  	s19 =	sshll.u32 s11, $0xE;
	v43 =	vld [tilespmem:s17+$0x1C840]  }
0x388: {  	s19 =	sshra.s32 s19, $0x2;
	v44 =	vld [tilespmem:s17+$0x1C850]  }
0x389: {  	v7 =	vld [tilespmem:s19+$0x14010]  }
0x38a: {  	v8 =	vld [tilespmem:s19+$0x14020]  }
0x38b: {  	v9 =	vld [tilespmem:s19+$0x14030]  }
0x38c: {  	v10 =	vld [tilespmem:s19+$0x14040]  }
0x38d: {  	v11 =	vld [tilespmem:s19+$0x14050]  }
0x38e: {  	v12 =	vld [tilespmem:s19+$0x14060]  }
0x38f: {  	v13 =	vld [tilespmem:s19+$0x14070]  }
0x390: {  	v14 =	vld [tilespmem:s19+$0x14080]  }
0x391: {  	v6 =	vld [tilespmem:s19+$0x143E0]  }
0x392: {  	v15 =	vld [tilespmem:s19+$0x14090]  }
0x393: {  	v16 =	vld [tilespmem:s19+$0x140A0]  }
0x394: {  	v17 =	vld [tilespmem:s19+$0x140B0]  }
0x395: {  	v18 =	vld [tilespmem:s19+$0x140C0]  }
0x396: {  	[tilespmem:$0x1F2B0] =	vst v6;
	v6 =	vld [tilespmem:s19+$0x143F0]  }
0x397: {  	v19 =	vld [tilespmem:s19+$0x140D0]  }
0x398: {  	v20 =	vld [tilespmem:s19+$0x140E0]  }
0x399: {  	v21 =	vld [tilespmem:s19+$0x140F0]  }
0x39a: {  	v22 =	vld [tilespmem:s19+$0x14100]  }
0x39b: {  	[tilespmem:$0x1F2C0] =	vst v6;
	v6 =	vld [tilespmem:s19+$0x14400]  }
0x39c: {  	v23 =	vld [tilespmem:s19+$0x14110]  }
0x39d: {  	v24 =	vld [tilespmem:s19+$0x14120]  }
0x39e: {  	v25 =	vld [tilespmem:s19+$0x14130]  }
0x39f: {  	v26 =	vld [tilespmem:s19+$0x14140]  }
0x3a0: {  	[tilespmem:$0x1F2D0] =	vst v6;
	v6 =	vld [tilespmem:s19+$0x14410]  }
0x3a1: {  	v27 =	vld [tilespmem:s19+$0x14150]  }
0x3a2: {  	v28 =	vld [tilespmem:s19+$0x14160]  }
0x3a3: {  	v29 =	vld [tilespmem:s19+$0x14170]  }
0x3a4: {  	v30 =	vld [tilespmem:s19+$0x14180]  }
0x3a5: {  	[tilespmem:$0x1F2E0] =	vst v6;
	v6 =	vld [tilespmem:s19+$0x14420]  }
0x3a6: {  	v31 =	vld [tilespmem:s19+$0x14190]  }
0x3a7: {  	v32 =	vld [tilespmem:s19+$0x141A0]  }
0x3a8: {  	v33 =	vld [tilespmem:s19+$0x141B0]  }
0x3a9: {  	v34 =	vld [tilespmem:s19+$0x141C0]  }
0x3aa: {  	[tilespmem:$0x1F2F0] =	vst v6;
	v6 =	vld [tilespmem:s19+$0x14430]  }
0x3ab: {  	v35 =	vld [tilespmem:s19+$0x141D0]  }
0x3ac: {  	v36 =	vld [tilespmem:s19+$0x141E0]  }
0x3ad: {  	v37 =	vld [tilespmem:s19+$0x141F0]  }
0x3ae: {  	v38 =	vld [tilespmem:s19+$0x14200]  }
0x3af: {  	[tilespmem:$0x1F300] =	vst v6;
	v6 =	vld [tilespmem:s19+$0x14440]  }
0x3b0: {  	v39 =	vld [tilespmem:s19+$0x14210]  }
0x3b1: {  	v40 =	vld [tilespmem:s19+$0x14220]  }
0x3b2: {  	v45 =	vld [tilespmem:s19+$0x14270]  }
0x3b3: {  	v46 =	vld [tilespmem:s19+$0x14280]  }
0x3b4: {  	[tilespmem:$0x1F310] =	vst v6;
	v6 =	vld [tilespmem:s19+$0x14450]  }
0x3b5: {  	v47 =	vld [tilespmem:s19+$0x14290]  }
0x3b6: {  	v48 =	vld [tilespmem:s19+$0x142A0]  }
0x3b7: {  	v49 =	vld [tilespmem:s19+$0x142B0]  }
0x3b8: {  	v50 =	vld [tilespmem:s19+$0x142C0]  }
0x3b9: {  	[tilespmem:$0x1F320] =	vst v6;
	v6 =	vld [tilespmem:s19+$0x14460]  }
0x3ba: {  	v51 =	vld [tilespmem:s19+$0x142D0]  }
0x3bb: {  	v52 =	vld [tilespmem:s19+$0x142E0]  }
0x3bc: {  	v53 =	vld [tilespmem:s19+$0x142F0]  }
0x3bd: {  	v54 =	vld [tilespmem:s19+$0x14300]  }
0x3be: {  	[tilespmem:$0x1F330] =	vst v6;
	v6 =	vld [tilespmem:s19+$0x14470]  }
0x3bf: {  	v55 =	vld [tilespmem:s19+$0x14310]  }
0x3c0: {  	v56 =	vld [tilespmem:s19+$0x14320]  }
0x3c1: {  	v57 =	vld [tilespmem:s19+$0x14330]  }
0x3c2: {  	v58 =	vld [tilespmem:s19+$0x14340]  }
0x3c3: {  	[tilespmem:$0x1F340] =	vst v6;
	v6 =	vld [tilespmem:s19+$0x14480]  }
0x3c4: {  	v59 =	vld [tilespmem:s19+$0x14350]  }
0x3c5: {  	v60 =	vld [tilespmem:s19+$0x14360]  }
0x3c6: {  	v61 =	vld [tilespmem:s19+$0x14370]  }
0x3c7: {  	v62 =	vld [tilespmem:s19+$0x14380]  }
0x3c8: {  	[tilespmem:$0x1F350] =	vst v6;
	v6 =	vld [tilespmem:s19+$0x14490]  }
0x3c9: {  	v63 =	vld [tilespmem:s19+$0x14390]  }
0x3ca: {  	v1 =	vld [tilespmem:s19+$0x143A0]  }
0x3cb: {  	v3 =	vld [tilespmem:s19+$0x143B0]  }
0x3cc: {  	v4 =	vld [tilespmem:s19+$0x143C0]  }
0x3cd: {  	[tilespmem:$0x1F360] =	vst v6;
	v6 =	vld [tilespmem:s19+$0x144A0]  }
0x3ce: {  	v5 =	vld [tilespmem:s19+$0x143D0]  }
0x3cf: {  	[tilespmem:$0x1F630] =	vst v0;
	v0 =	vld [tilespmem:s19+$0x14000]  }
0x3d0: {  	[tilespmem:$0x1F640] =	vst v41;
	v41 =	vld [tilespmem:s19+$0x14230]  }
0x3d1: {  	[tilespmem:$0x1F650] =	vst v42;
	v42 =	vld [tilespmem:s19+$0x14240]  }
0x3d2: {  	[tilespmem:$0x1F370] =	vst v6;
	v6 =	vld [tilespmem:s19+$0x144B0]  }
0x3d3: {  	[tilespmem:$0x1F660] =	vst v43;
	v43 =	vld [tilespmem:s19+$0x14250]  }
0x3d4: {  	[tilespmem:$0x1F670] =	vst v44;
	v44 =	vld [tilespmem:s19+$0x14260]  }
0x3d5: {  	v7 =	vmax.bf16 v7, v15;
	v15 =	vld [tilespmem:s19+$0x145B0]  }
0x3d6: {  	v8 =	vmax.bf16 v8, v16;
	v16 =	vld [tilespmem:s19+$0x145C0]  }
0x3d7: {  	[tilespmem:$0x1F380] =	vst v6;
	v6 =	vld [tilespmem:s19+$0x144C0]  }
0x3d8: {  	v9 =	vmax.bf16 v9, v17;
	v17 =	vld [tilespmem:s19+$0x145D0]  }
0x3d9: {  	v10 =	vmax.bf16 v10, v18;
	v18 =	vld [tilespmem:s19+$0x145E0]  }
0x3da: {  	v11 =	vmax.bf16 v11, v19;
	v19 =	vld [tilespmem:s19+$0x145F0]  }
0x3db: {  	v12 =	vmax.bf16 v12, v20;
	v20 =	vld [tilespmem:s19+$0x14600]  }
0x3dc: {  	[tilespmem:$0x1F390] =	vst v6;
	v6 =	vld [tilespmem:s19+$0x144D0]  }
0x3dd: {  	v13 =	vmax.bf16 v13, v21;
	v21 =	vld [tilespmem:s19+$0x14610]  }
0x3de: {  	v7 =	vmax.bf16 v7, v23;
	v23 =	vld [tilespmem:s19+$0x14630]  }
0x3df: {  	v8 =	vmax.bf16 v8, v24;
	v24 =	vld [tilespmem:s19+$0x14640]  }
0x3e0: {  	v9 =	vmax.bf16 v9, v25;
	v25 =	vld [tilespmem:s19+$0x14650]  }
0x3e1: {  	[tilespmem:$0x1F3A0] =	vst v6;
	v6 =	vld [tilespmem:s19+$0x144E0]  }
0x3e2: {  	v10 =	vmax.bf16 v10, v26;
	v26 =	vld [tilespmem:s19+$0x14660]  }
0x3e3: {  	v11 =	vmax.bf16 v11, v27;
	v27 =	vld [tilespmem:s19+$0x14670]  }
0x3e4: {  	v12 =	vmax.bf16 v12, v28;
	v28 =	vld [tilespmem:s19+$0x14680]  }
0x3e5: {  	v13 =	vmax.bf16 v13, v29;
	v29 =	vld [tilespmem:s19+$0x14690]  }
0x3e6: {  	[tilespmem:$0x1F3B0] =	vst v6;
	v6 =	vld [tilespmem:s19+$0x144F0]  }
0x3e7: {  	v8 =	vmax.bf16 v8, v32;
	v32 =	vld [tilespmem:s19+$0x146E0]  }
0x3e8: {  	v10 =	vmax.bf16 v10, v34;
	v34 =	vld [tilespmem:s19+$0x146F0]  }
0x3e9: {  	v12 =	vmax.bf16 v12, v36;
	v36 =	vld [tilespmem:s19+$0x14700]  }
0x3ea: {  	v7 =	vmax.bf16 v7, v31;
	v13 =	vmax.bf16 v13, v37;
	v37 =	vld [tilespmem:s19+$0x14710]  }
0x3eb: {  	v7 =	vmax.bf16 v7, v39;
	[tilespmem:$0x1F3C0] =	vst v6;
	v6 =	vld [tilespmem:s19+$0x14500]  }
0x3ec: {  	v8 =	vmax.bf16 v8, v40;
	v7 =	vmax.bf16 v7, v47;
	v0 =	vmax.bf16 v0, v14;
	v14 =	vld [tilespmem:s19+$0x145A0]  }
0x3ed: {  	v8 =	vmax.bf16 v8, v48;
	v7 =	vmax.bf16 v7, v55;
	v55 =	vld [tilespmem:$0x1F660]  }
0x3ee: {  	v8 =	vmax.bf16 v8, v56;
	v0 =	vmax.bf16 v0, v22;
	v22 =	vld [tilespmem:s19+$0x14620]  }
0x3ef: {  	v9 =	vmax.bf16 v9, v33;
	v1 =	vmax.bf16 v8, v1;
	v8 =	vld [tilespmem:s19+$0x146B0]  }
0x3f0: {  	v9 =	vmax.bf16 v9, v41;
	[tilespmem:$0x1F3D0] =	vst v6;
	v6 =	vld [tilespmem:s19+$0x14510]  }
0x3f1: {  	v11 =	vmax.bf16 v11, v35;
	v10 =	vmax.bf16 v10, v42;
	v9 =	vmax.bf16 v9, v49;
	v49 =	vld [tilespmem:$0x1F640]  }
0x3f2: {  	v11 =	vmax.bf16 v11, v43;
	v10 =	vmax.bf16 v10, v50;
	v50 =	vld [tilespmem:$0x1F2B0]  }
0x3f3: {  	v12 =	vmax.bf16 v12, v44;
	v11 =	vmax.bf16 v11, v51;
	v51 =	vld [tilespmem:$0x1F2C0]  }
0x3f4: {  	v12 =	vmax.bf16 v12, v52;
	v52 =	vld [tilespmem:$0x1F650]  }
0x3f5: {  	[tilespmem:$0x1F3E0] =	vst v6;
	v6 =	vld [tilespmem:s19+$0x14520]  }
0x3f6: {  	v0 =	vmax.bf16 v0, v30;
	v10 =	vmax.bf16 v10, v58;
	v58 =	vld [tilespmem:$0x1F670]  }
0x3f7: {  	v0 =	vmax.bf16 v0, v38;
	v47 =	vmax.bf16 v10, v4;
	v10 =	vld [tilespmem:s19+$0x146C0]  }
0x3f8: {  	v11 =	vmax.bf16 v11, v59;
	v12 =	vmax.bf16 v12, v60;
	v0 =	vmax.bf16 v0, v46;
	v46 =	vld [tilespmem:$0x1F630]  }
0x3f9: {  	v48 =	vmax.bf16 v11, v5;
	v5 =	vmax.bf16 v12, v50;
	v12 =	vld [tilespmem:s19+$0x146D0]  }
0x3fa: {  	v13 =	vmax.bf16 v13, v45;
	[tilespmem:$0x1F3F0] =	vst v6;
	v6 =	vld [tilespmem:s19+$0x14530]  }
0x3fb: {  	v13 =	vmax.bf16 v13, v53;
	v53 =	vld [tilespmem:$0x1F2D0]  }
0x3fc: {  	v11 =	vunpack.i.l.bf16.f32 v49;
	v49 =	vld [tilespmem:s19+$0x14740]  }
0x3fd: {  	v0 =	vmax.bf16 v0, v54;
	v54 =	vld [tilespmem:$0x1F2E0]  }
0x3fe: {  	v9 =	vmax.bf16 v9, v57;
	v57 =	vld [tilespmem:$0x1F300]  }
0x3ff: {  	v0 =	vmax.bf16 v0, v62;
	[tilespmem:$0x1F400] =	vst v6;
	v6 =	vld [tilespmem:s19+$0x14540]  }
0x400: {  	v0 =	vmax.bf16 v0, v53;
	v53 =	vld [tilespmem:s19+$0x14750]  }
0x401: {  	v56 =	vld [tilespmem:$0x1F2F0]  }
0x402: {  	v45 =	vmax.bf16 v9, v3;
	v59 =	vld [tilespmem:$0x1F310]  }
0x403: {  	[tilespmem:$0x1F620] =	vst v2;
	v31 =	vunpack.i.l.bf16.f32 v2;
	v2 =	vmax.bf16 v45, v57;
	v57 =	vld [tilespmem:s19+$0x14760]  }
0x404: {  	[tilespmem:$0x1F410] =	vst v6;
	v6 =	vld [tilespmem:s19+$0x14550]  }
0x405: {  	v60 =	vld [tilespmem:$0x1F320]  }
0x406: {  	v13 =	vmax.bf16 v13, v61;
	v61 =	vld [tilespmem:$0x1F330]  }
0x407: {  	v62 =	vld [tilespmem:$0x1F340]  }
0x408: {  	v7 =	vmax.bf16 v7, v63;
	v63 =	vld [tilespmem:$0x1F350]  }
0x409: {  	[tilespmem:$0x1F420] =	vst v6;
	v6 =	vld [tilespmem:s19+$0x14560]  }
0x40a: {  	v40 =	vld [tilespmem:$0x1F360]  }
0x40b: {  	v41 =	vld [tilespmem:$0x1F370]  }
0x40c: {  	v42 =	vld [tilespmem:$0x1F380]  }
0x40d: {  	v43 =	vld [tilespmem:$0x1F390]  }
0x40e: {  	[tilespmem:$0x1F430] =	vst v6;
	v6 =	vld [tilespmem:s19+$0x14570]  }
0x40f: {  	v44 =	vld [tilespmem:$0x1F3A0]  }
0x410: {  	v9 =	vunpack.i.l.bf16.f32 v46;
	v46 =	vld [tilespmem:$0x1F3B0]  }
0x411: {  	v7 =	vmax.bf16 v7, v54;
	v54 =	vld [tilespmem:$0x1F410]  }
0x412: {  	v33 =	vunpack.i.l.bf16.f32 v55;
	v55 =	vld [tilespmem:$0x1F420]  }
0x413: {  	[tilespmem:$0x1F440] =	vst v6;
	v6 =	vld [tilespmem:s19+$0x14580]  }
0x414: {  	v3 =	vmax.bf16 v47, v59;
	v47 =	vld [tilespmem:$0x1F3C0]  }
0x415: {  	v4 =	vmax.bf16 v48, v60;
	v48 =	vld [tilespmem:$0x1F3D0]  }
0x416: {  	v35 =	vunpack.i.l.bf16.f32 v58;
	v1 =	vmax.bf16 v1, v56;
	v3 =	vmax.bf16 v3, v43;
	v56 =	vld [tilespmem:$0x1F430]  }
0x417: {  	v5 =	vmax.bf16 v5, v61;
	v4 =	vmax.bf16 v4, v44;
	v50 =	vld [tilespmem:$0x1F3E0];
	v3 =	vmax.bf16 v3, v54  }
0x418: {  	v0 =	vmax.bf16 v0, v63;
	v3 =	vmax.bf16 v3, v16;
	v4 =	vmax.bf16 v4, v55;
	[tilespmem:$0x1F450] =	vst v6;
	v6 =	vld [tilespmem:s19+$0x14590]  }
0x419: {  	v7 =	vmax.bf16 v7, v40;
	v3 =	vmax.bf16 v3, v24;
	v24 =	vld [tilespmem:s19+$0x147D0];
	v4 =	vmax.bf16 v4, v17  }
0x41a: {  	v1 =	vmax.bf16 v1, v41;
	v5 =	vmax.bf16 v5, v46;
	v4 =	vmax.bf16 v4, v25;
	v25 =	vld [tilespmem:s19+$0x147E0]  }
0x41b: {  	v2 =	vmax.bf16 v2, v42;
	v0 =	vmax.bf16 v0, v48;
	v5 =	vmax.bf16 v5, v56;
	v59 =	vld [tilespmem:$0x1F450]  }
0x41c: {  	v7 =	vmax.bf16 v7, v50;
	v3 =	vmax.bf16 v3, v10;
	v58 =	vld [tilespmem:$0x1F440];
	v5 =	vmax.bf16 v5, v18  }
0x41d: {  	v4 =	vmax.bf16 v4, v12;
	v5 =	vmax.bf16 v5, v26;
	[tilespmem:$0x1F460] =	vst v6;
	v6 =	vmax.bf16 v13, v51;
	v51 =	vld [tilespmem:$0x1F3F0]  }
0x41e: {  	v4 =	vmax.bf16 v4, v53;
	v5 =	vmax.bf16 v5, v32;
	v13 =	vunpack.i.l.bf16.f32 v52;
	v52 =	vld [tilespmem:$0x1F400]  }
0x41f: {  	v3 =	vmax.bf16 v3, v49;
	v4 =	vmax.bf16 v4, v24;
	v5 =	vmax.bf16 v5, v57;
	v60 =	vld [tilespmem:$0x1F460]  }
0x420: {  	v30 =	vld [tilespmem:s19+$0x146A0];
	v5 =	vmax.bf16 v5, v25;
	v6 =	vmax.bf16 v6, v62;
	v0 =	vmax.bf16 v0, v59  }
0x421: {  	v40 =	vunpack.i.u.bf16.f32 v5;
	v62 =	vld [tilespmem:s19+$0x14780];
	v6 =	vmax.bf16 v6, v47;
	v0 =	vmax.bf16 v0, v20  }
0x422: {  	v38 =	vld [tilespmem:s19+$0x14720];
	v5 =	vunpack.i.l.bf16.f32 v5;
	v6 =	vmax.bf16 v6, v58;
	v0 =	vmax.bf16 v0, v28  }
0x423: {  	v61 =	vld [tilespmem:s19+$0x14770];
	v6 =	vmax.bf16 v6, v19;
	v0 =	vmax.bf16 v0, v36;
	v1 =	vmax.bf16 v1, v51  }
0x424: {  	v45 =	vld [tilespmem:s19+$0x14730];
	v2 =	vmax.bf16 v2, v52;
	v6 =	vmax.bf16 v6, v27;
	v7 =	vmax.bf16 v7, v60  }
0x425: {  	v63 =	vld [tilespmem:s19+$0x14790];
	v1 =	vmax.bf16 v1, v14;
	v2 =	vmax.bf16 v2, v15;
	v6 =	vmax.bf16 v6, v34  }
0x426: {  	v0 =	vmax.bf16 v0, v62;
	v34 =	vunpack.i.u.bf16.f32 v4;
	v7 =	vmax.bf16 v7, v21;
	v21 =	vld [tilespmem:s19+$0x147A0]  }
0x427: {  	v4 =	vunpack.i.l.bf16.f32 v4;
	v1 =	vmax.bf16 v1, v22;
	v2 =	vmax.bf16 v2, v23;
	v22 =	vld [tilespmem:s19+$0x147B0]  }
0x428: {  	v23 =	vld [tilespmem:s19+$0x147C0];
	v6 =	vmax.bf16 v6, v61;
	v27 =	vunpack.i.u.bf16.f32 v0;
	v0 =	vunpack.i.l.bf16.f32 v0  }
0x429: {  	v7 =	vmax.bf16 v7, v29;
	v1 =	vmax.bf16 v1, v30;
	v0 =	vadd.f32 v0, v27  }
0x42a: {  	v2 =	vmax.bf16 v2, v8;
	v7 =	vmax.bf16 v7, v37;
	v1 =	vmax.bf16 v1, v38  }
0x42b: {  	v2 =	vmax.bf16 v2, v45;
	v7 =	vmax.bf16 v7, v63;
	v38 =	vadd.f32 v0, v31  }
0x42c: {  	v26 =	vld [tilespmem:s19+$0x147F0];
	v28 =	vunpack.i.u.bf16.f32 v7;
	v7 =	vunpack.i.l.bf16.f32 v7;
	v1 =	vmax.bf16 v1, v21  }
0x42d: {  	v2 =	vmax.bf16 v2, v22;
	v3 =	vmax.bf16 v3, v23;
	v36 =	vadd.f32 v7, v28  }
0x42e: {  	v29 =	vunpack.i.u.bf16.f32 v1;
	v1 =	vunpack.i.l.bf16.f32 v1;
	v30 =	vunpack.i.u.bf16.f32 v2  }
0x42f: {  	v37 =	vld [tilespmem:s17+$0x1C860];
	v2 =	vunpack.i.l.bf16.f32 v2;
	v32 =	vunpack.i.u.bf16.f32 v3;
	v1 =	vadd.f32 v1, v29  }
0x430: {  	v39 =	vld [tilespmem:s17+$0x1C870];
	v3 =	vunpack.i.l.bf16.f32 v3;
	v2 =	vadd.f32 v2, v30;
	v8 =	vadd.f32 v36, v9  }
0x431: {  	v6 =	vmax.bf16 v6, v26;
	[tilespmem:s1+$0x0] =	vst.add.f32.msk $0xffff, v38;
	v3 =	vadd.f32 v3, v32;
	v41 =	vadd.f32 v1, v11  }
0x432: {  	v4 =	vadd.f32 v4, v34;
	v42 =	vunpack.i.u.bf16.f32 v6;
	v43 =	vadd.f32 v2, v13;
	[tilespmem:s20+$0x0] =	vst.add.f32.msk $0xffff, v8  }
0x433: {  	v44 =	vunpack.i.l.bf16.f32 v6;
	v0 =	vadd.f32 v5, v40;
	v45 =	vadd.f32 v3, v33;
	[tilespmem:s21+$0x0] =	vst.add.f32.msk $0xffff, v41  }
0x434: {  	v4 =	vadd.f32 v4, v35;
	v46 =	vunpack.i.l.bf16.f32 v37;
	v1 =	vadd.f32 v44, v42;
	[tilespmem:s22+$0x0] =	vst.add.f32.msk $0xffff, v43  }
0x435: {  	v47 =	vunpack.i.l.bf16.f32 v39;
	v0 =	vadd.f32 v0, v46;
	[tilespmem:s23+$0x0] =	vst.add.f32.msk $0xffff, v45  }
0x436: {  	v49 =	vadd.f32 v1, v47;
	[tilespmem:s24+$0x0] =	vst.add.f32.msk $0xffff, v4  }
0x437: {  	v51 =	vmul.f32 v38, v38;
	[tilespmem:s25+$0x0] =	vst.add.f32.msk $0xffff, v0  }
0x438: {  	v52 =	vmul.f32 v8, v8;
	[tilespmem:s28+$0x0] =	vst.add.f32.msk $0xffff, v49  }
0x439: {  	v53 =	vmul.f32 v41, v41;
	[tilespmem:s5+$0x0] =	vst.add.f32.msk $0xffff, v51  }
0x43a: {  	v48 =	vmov v45;
	v54 =	vmul.f32 v43, v43;
	[tilespmem:s7+$0x0] =	vst.add.f32.msk $0xffff, v52  }
0x43b: {  	v55 =	vmul.f32 v48, v48;
	[tilespmem:s8+$0x0] =	vst.add.f32.msk $0xffff, v53  }
0x43c: {  	v56 =	vmul.f32 v4, v4;
	v50 =	vmov v0;
	[tilespmem:s12+$0x0] =	vst.add.f32.msk $0xffff, v54  }
0x43d: {  	v57 =	vmul.f32 v50, v50;
	[tilespmem:s13+$0x0] =	vst.add.f32.msk $0xffff, v55  }
0x43e: {  	v58 =	vmul.f32 v49, v49;
	[tilespmem:s14+$0x0] =	vst.add.f32.msk $0xffff, v56  }
0x43f: {  	[tilespmem:s15+$0x0] =	vst.add.f32.msk $0xffff, v57  }
0x440: {  	[tilespmem:s26+$0x0] =	vst.add.f32.msk $0xffff, v58  }
0x441: {  	[tilespmem:$0x1F700] =	vst v0;
	v0 =	vld [tilespmem:s19+$0x14800]  }
0x442: {  	v1 =	vld [tilespmem:s19+$0x14810]  }
0x443: {  	v2 =	vld [tilespmem:s19+$0x14820]  }
0x444: {  	v3 =	vld [tilespmem:s19+$0x14830]  }
0x445: {  	[tilespmem:$0x1F6F0] =	vst v4;
	v4 =	vld [tilespmem:s19+$0x14840]  }
0x446: {  	v5 =	vld [tilespmem:s19+$0x14850]  }
0x447: {  	v6 =	vld [tilespmem:s19+$0x14860]  }
0x448: {  	v17 =	vld [tilespmem:s19+$0x14870]  }
0x449: {  	v18 =	vld [tilespmem:s19+$0x14880]  }
0x44a: {  	v19 =	vld [tilespmem:s19+$0x14890]  }
0x44b: {  	v20 =	vld [tilespmem:s19+$0x148A0]  }
0x44c: {  	v21 =	vld [tilespmem:s19+$0x148B0]  }
0x44d: {  	v22 =	vld [tilespmem:s19+$0x148C0]  }
0x44e: {  	v23 =	vld [tilespmem:s19+$0x148D0]  }
0x44f: {  	v24 =	vld [tilespmem:s19+$0x148E0]  }
0x450: {  	v25 =	vld [tilespmem:s19+$0x148F0]  }
0x451: {  	v26 =	vld [tilespmem:s19+$0x14900]  }
0x452: {  	v16 =	vld [tilespmem:s19+$0x14BF0]  }
0x453: {  	v27 =	vld [tilespmem:s19+$0x14910]  }
0x454: {  	v28 =	vld [tilespmem:s19+$0x14920]  }
0x455: {  	v29 =	vld [tilespmem:s19+$0x14930]  }
0x456: {  	v30 =	vld [tilespmem:s19+$0x14940]  }
0x457: {  	[tilespmem:$0x1F470] =	vst v16;
	v16 =	vld [tilespmem:s19+$0x14C00]  }
0x458: {  	v31 =	vld [tilespmem:s19+$0x14950]  }
0x459: {  	v32 =	vld [tilespmem:s19+$0x14960]  }
0x45a: {  	v33 =	vld [tilespmem:s19+$0x14970]  }
0x45b: {  	v34 =	vld [tilespmem:s19+$0x14980]  }
0x45c: {  	[tilespmem:$0x1F480] =	vst v16;
	v16 =	vld [tilespmem:s19+$0x14C10]  }
0x45d: {  	v35 =	vld [tilespmem:s19+$0x14990]  }
0x45e: {  	v36 =	vld [tilespmem:s19+$0x149A0]  }
0x45f: {  	[tilespmem:$0x1F680] =	vst v37;
	v37 =	vld [tilespmem:s19+$0x149B0]  }
0x460: {  	[tilespmem:$0x1F6A0] =	vst v38;
	v38 =	vld [tilespmem:s19+$0x149C0]  }
0x461: {  	[tilespmem:$0x1F490] =	vst v16;
	v16 =	vld [tilespmem:s19+$0x14C20]  }
0x462: {  	[tilespmem:$0x1F690] =	vst v39;
	v39 =	vld [tilespmem:s19+$0x149D0]  }
0x463: {  	v40 =	vld [tilespmem:s19+$0x149E0]  }
0x464: {  	[tilespmem:$0x1F6C0] =	vst v41;
	v41 =	vld [tilespmem:s19+$0x149F0]  }
0x465: {  	v42 =	vld [tilespmem:s19+$0x14A00]  }
0x466: {  	[tilespmem:$0x1F4A0] =	vst v16;
	v16 =	vld [tilespmem:s19+$0x14C30]  }
0x467: {  	[tilespmem:$0x1F6D0] =	vst v43;
	v43 =	vld [tilespmem:s19+$0x14A10]  }
0x468: {  	v44 =	vld [tilespmem:s19+$0x14A20]  }
0x469: {  	[tilespmem:$0x1F6E0] =	vst v45;
	v45 =	vld [tilespmem:s19+$0x14A30]  }
0x46a: {  	v46 =	vld [tilespmem:s19+$0x14A40]  }
0x46b: {  	[tilespmem:$0x1F4B0] =	vst v16;
	v16 =	vld [tilespmem:s19+$0x14C40]  }
0x46c: {  	v47 =	vld [tilespmem:s19+$0x14A50]  }
0x46d: {  	v48 =	vld [tilespmem:s19+$0x14A60]  }
0x46e: {  	[tilespmem:$0x1F710] =	vst v49;
	v49 =	vld [tilespmem:s19+$0x14A70]  }
0x46f: {  	v50 =	vld [tilespmem:s19+$0x14A80]  }
0x470: {  	[tilespmem:$0x1F4C0] =	vst v16;
	v16 =	vld [tilespmem:s19+$0x14C50]  }
0x471: {  	v51 =	vld [tilespmem:s19+$0x14A90]  }
0x472: {  	v52 =	vld [tilespmem:s19+$0x14AA0]  }
0x473: {  	v53 =	vld [tilespmem:s19+$0x14AB0]  }
0x474: {  	v54 =	vld [tilespmem:s19+$0x14AC0]  }
0x475: {  	[tilespmem:$0x1F4D0] =	vst v16;
	v16 =	vld [tilespmem:s19+$0x14C60]  }
0x476: {  	v55 =	vld [tilespmem:s19+$0x14AD0]  }
0x477: {  	v56 =	vld [tilespmem:s19+$0x14AE0]  }
0x478: {  	v57 =	vld [tilespmem:s19+$0x14AF0]  }
0x479: {  	v58 =	vld [tilespmem:s19+$0x14B00]  }
0x47a: {  	[tilespmem:$0x1F4E0] =	vst v16;
	v16 =	vld [tilespmem:s19+$0x14C70]  }
0x47b: {  	v59 =	vld [tilespmem:s19+$0x14B10]  }
0x47c: {  	v60 =	vld [tilespmem:s19+$0x14B20]  }
0x47d: {  	v61 =	vld [tilespmem:s19+$0x14B30]  }
0x47e: {  	v62 =	vld [tilespmem:s19+$0x14B40]  }
0x47f: {  	[tilespmem:$0x1F4F0] =	vst v16;
	v16 =	vld [tilespmem:s19+$0x14C80]  }
0x480: {  	v63 =	vld [tilespmem:s19+$0x14B50]  }
0x481: {  	v7 =	vld [tilespmem:s19+$0x14B60]  }
0x482: {  	[tilespmem:$0x1F6B0] =	vst v8;
	v8 =	vld [tilespmem:s19+$0x14B70]  }
0x483: {  	v9 =	vld [tilespmem:s19+$0x14B80]  }
0x484: {  	[tilespmem:$0x1F500] =	vst v16;
	v16 =	vld [tilespmem:s19+$0x14C90]  }
0x485: {  	v10 =	vld [tilespmem:s19+$0x14B90]  }
0x486: {  	v11 =	vld [tilespmem:s19+$0x14BA0]  }
0x487: {  	v12 =	vld [tilespmem:s19+$0x14BB0]  }
0x488: {  	v13 =	vld [tilespmem:s19+$0x14BC0]  }
0x489: {  	[tilespmem:$0x1F510] =	vst v16;
	v16 =	vld [tilespmem:s19+$0x14CA0]  }
0x48a: {  	v14 =	vld [tilespmem:s19+$0x14BD0]  }
0x48b: {  	v15 =	vld [tilespmem:s19+$0x14BE0]  }
0x48c: {  	v0 =	vmax.bf16 v0, v18;
	v18 =	vld [tilespmem:s19+$0x14DA0]  }
0x48d: {  	v1 =	vmax.bf16 v1, v19;
	v19 =	vld [tilespmem:s19+$0x14DB0]  }
0x48e: {  	[tilespmem:$0x1F520] =	vst v16;
	v16 =	vld [tilespmem:s19+$0x14CB0]  }
0x48f: {  	v2 =	vmax.bf16 v2, v20;
	v20 =	vld [tilespmem:s19+$0x14DC0]  }
0x490: {  	v3 =	vmax.bf16 v3, v21;
	v21 =	vld [tilespmem:s19+$0x14DD0]  }
0x491: {  	v4 =	vmax.bf16 v4, v22;
	v22 =	vld [tilespmem:s19+$0x14DE0]  }
0x492: {  	v5 =	vmax.bf16 v5, v23;
	v23 =	vld [tilespmem:s19+$0x14DF0]  }
0x493: {  	[tilespmem:$0x1F530] =	vst v16;
	v16 =	vld [tilespmem:s19+$0x14CC0]  }
0x494: {  	v6 =	vmax.bf16 v6, v24;
	v24 =	vld [tilespmem:s19+$0x14E00]  }
0x495: {  	v17 =	vmax.bf16 v17, v25;
	v25 =	vld [tilespmem:s19+$0x14E10]  }
0x496: {  	v0 =	vmax.bf16 v0, v26;
	v26 =	vld [tilespmem:s19+$0x14E20]  }
0x497: {  	v1 =	vmax.bf16 v1, v27;
	v27 =	vld [tilespmem:s19+$0x14E30]  }
0x498: {  	[tilespmem:$0x1F540] =	vst v16;
	v16 =	vld [tilespmem:s19+$0x14CD0]  }
0x499: {  	v2 =	vmax.bf16 v2, v28;
	v28 =	vld [tilespmem:s19+$0x14E40]  }
0x49a: {  	v3 =	vmax.bf16 v3, v29;
	v29 =	vld [tilespmem:s19+$0x14E50]  }
0x49b: {  	v4 =	vmax.bf16 v4, v30;
	v30 =	vld [tilespmem:s19+$0x14E60]  }
0x49c: {  	v5 =	vmax.bf16 v5, v31;
	v31 =	vld [tilespmem:s19+$0x14E70]  }
0x49d: {  	[tilespmem:$0x1F550] =	vst v16;
	v16 =	vld [tilespmem:s19+$0x14CE0]  }
0x49e: {  	v6 =	vmax.bf16 v6, v32;
	v32 =	vld [tilespmem:s19+$0x14E80]  }
0x49f: {  	v17 =	vmax.bf16 v17, v33;
	v33 =	vld [tilespmem:s19+$0x14E90]  }
0x4a0: {  	v3 =	vmax.bf16 v3, v37;
	v37 =	vld [tilespmem:s19+$0x14EF0]  }
0x4a1: {  	v17 =	vmax.bf16 v17, v41;
	v41 =	vld [tilespmem:s19+$0x14F00]  }
0x4a2: {  	[tilespmem:$0x1F560] =	vst v16;
	v16 =	vld [tilespmem:s19+$0x14CF0]  }
0x4a3: {  	v3 =	vmax.bf16 v3, v45;
	v45 =	vld [tilespmem:s19+$0x14F10]  }
0x4a4: {  	v0 =	vmax.bf16 v0, v34;
	v17 =	vmax.bf16 v17, v49;
	v49 =	vld [tilespmem:s19+$0x14F20]  }
0x4a5: {  	v1 =	vmax.bf16 v1, v35;
	v2 =	vmax.bf16 v2, v36;
	v3 =	vmax.bf16 v3, v53;
	v53 =	vld [tilespmem:s19+$0x14F30]  }
0x4a6: {  	v0 =	vmax.bf16 v0, v42;
	v1 =	vmax.bf16 v1, v43;
	v17 =	vmax.bf16 v17, v57;
	v57 =	vld [tilespmem:s19+$0x14F40]  }
0x4a7: {  	v2 =	vmax.bf16 v2, v44;
	v0 =	vmax.bf16 v0, v50;
	v1 =	vmax.bf16 v1, v51;
	[tilespmem:$0x1F570] =	vst v16;
	v16 =	vld [tilespmem:s19+$0x14D00]  }
0x4a8: {  	v2 =	vmax.bf16 v2, v52;
	v1 =	vmax.bf16 v1, v59;
	v59 =	vmax.bf16 v17, v8;
	v8 =	vld [tilespmem:s19+$0x14EA0]  }
0x4a9: {  	v0 =	vmax.bf16 v0, v58;
	v2 =	vmax.bf16 v2, v60;
	v60 =	vld [tilespmem:$0x1F470]  }
0x4aa: {  	v0 =	vmax.bf16 v0, v9;
	v9 =	vld [tilespmem:s19+$0x14EB0]  }
0x4ab: {  	v1 =	vmax.bf16 v1, v10;
	v10 =	vld [tilespmem:s19+$0x14EC0]  }
0x4ac: {  	v4 =	vmax.bf16 v4, v38;
	[tilespmem:$0x1F580] =	vst v16;
	v16 =	vld [tilespmem:s19+$0x14D10]  }
0x4ad: {  	v5 =	vmax.bf16 v5, v39;
	v4 =	vmax.bf16 v4, v46;
	v3 =	vmax.bf16 v3, v61;
	v61 =	vld [tilespmem:$0x1F480]  }
0x4ae: {  	v5 =	vmax.bf16 v5, v47;
	v4 =	vmax.bf16 v4, v54;
	v2 =	vmax.bf16 v2, v11;
	v11 =	vld [tilespmem:s19+$0x14ED0]  }
0x4af: {  	v5 =	vmax.bf16 v5, v55;
	v4 =	vmax.bf16 v4, v62;
	v62 =	vld [tilespmem:$0x1F490]  }
0x4b0: {  	v5 =	vmax.bf16 v5, v63;
	v63 =	vld [tilespmem:$0x1F4A0]  }
0x4b1: {  	[tilespmem:$0x1F590] =	vst v16;
	v16 =	vld [tilespmem:s19+$0x14D20]  }
0x4b2: {  	v3 =	vmax.bf16 v3, v12;
	v12 =	vld [tilespmem:s19+$0x14EE0]  }
0x4b3: {  	v0 =	vmax.bf16 v0, v61;
	v61 =	vld [tilespmem:s19+$0x14F50]  }
0x4b4: {  	v1 =	vmax.bf16 v1, v62;
	v62 =	vld [tilespmem:s19+$0x14F60]  }
0x4b5: {  	v2 =	vmax.bf16 v2, v63;
	v63 =	vld [tilespmem:s19+$0x14F70]  }
0x4b6: {  	[tilespmem:$0x1F5A0] =	vst v16;
	v16 =	vld [tilespmem:s19+$0x14D30]  }
0x4b7: {  	v34 =	vld [tilespmem:$0x1F4D0]  }
0x4b8: {  	v6 =	vmax.bf16 v6, v40;
	v35 =	vld [tilespmem:$0x1F4E0]  }
0x4b9: {  	v6 =	vmax.bf16 v6, v48;
	v17 =	vld [tilespmem:$0x1F4C0]  }
0x4ba: {  	v6 =	vmax.bf16 v6, v56;
	v36 =	vld [tilespmem:$0x1F4F0]  }
0x4bb: {  	v6 =	vmax.bf16 v6, v7;
	v5 =	vmax.bf16 v5, v14;
	[tilespmem:$0x1F5B0] =	vst v16;
	v16 =	vld [tilespmem:s19+$0x14D40]  }
0x4bc: {  	v6 =	vmax.bf16 v6, v15;
	v5 =	vmax.bf16 v5, v34;
	v34 =	vld [tilespmem:$0x1F640]  }
0x4bd: {  	v6 =	vmax.bf16 v6, v35;
	v35 =	vld [tilespmem:$0x1F650]  }
0x4be: {  	v7 =	vmax.bf16 v59, v60;
	v38 =	vld [tilespmem:$0x1F500]  }
0x4bf: {  	v7 =	vmax.bf16 v7, v36;
	v36 =	vld [tilespmem:$0x1F660]  }
0x4c0: {  	[tilespmem:$0x1F5C0] =	vst v16;
	v16 =	vld [tilespmem:s19+$0x14D50]  }
0x4c1: {  	v39 =	vld [tilespmem:$0x1F510]  }
0x4c2: {  	v40 =	vld [tilespmem:$0x1F520]  }
0x4c3: {  	v42 =	vld [tilespmem:$0x1F530]  }
0x4c4: {  	v43 =	vld [tilespmem:$0x1F540]  }
0x4c5: {  	[tilespmem:$0x1F5D0] =	vst v16;
	v16 =	vld [tilespmem:s19+$0x14D60]  }
0x4c6: {  	v46 =	vld [tilespmem:$0x1F560]  }
0x4c7: {  	v44 =	vld [tilespmem:$0x1F550]  }
0x4c8: {  	v47 =	vld [tilespmem:$0x1F570]  }
0x4c9: {  	v51 =	vld [tilespmem:$0x1F5A0]  }
0x4ca: {  	[tilespmem:$0x1F5E0] =	vst v16;
	v16 =	vld [tilespmem:s19+$0x14D70]  }
0x4cb: {  	v6 =	vmax.bf16 v6, v46;
	v46 =	vld [tilespmem:$0x1F680]  }
0x4cc: {  	v54 =	vld [tilespmem:$0x1F5C0]  }
0x4cd: {  	v2 =	vmax.bf16 v2, v40;
	v48 =	vld [tilespmem:$0x1F580]  }
0x4ce: {  	v4 =	vmax.bf16 v4, v13;
	v2 =	vmax.bf16 v2, v51;
	v55 =	vld [tilespmem:$0x1F5D0]  }
0x4cf: {  	v4 =	vmax.bf16 v4, v17;
	v2 =	vmax.bf16 v2, v18;
	[tilespmem:$0x1F5F0] =	vst v16;
	v16 =	vld [tilespmem:s19+$0x14D80]  }
0x4d0: {  	v15 =	vunpack.i.u.bf16.f32 v34;
	v4 =	vmax.bf16 v4, v43;
	v2 =	vmax.bf16 v2, v26;
	v26 =	vld [tilespmem:s19+$0x14FA0]  }
0x4d1: {  	v0 =	vmax.bf16 v0, v38;
	v17 =	vunpack.i.u.bf16.f32 v36;
	v4 =	vmax.bf16 v4, v54;
	v56 =	vld [tilespmem:$0x1F5E0]  }
0x4d2: {  	v1 =	vmax.bf16 v1, v39;
	v5 =	vmax.bf16 v5, v44;
	v50 =	vld [tilespmem:$0x1F590];
	v4 =	vmax.bf16 v4, v20  }
0x4d3: {  	v2 =	vmax.bf16 v2, v8;
	v4 =	vmax.bf16 v4, v28;
	v28 =	vld [tilespmem:s19+$0x14FC0];
	v5 =	vmax.bf16 v5, v55  }
0x4d4: {  	v7 =	vmax.bf16 v7, v47;
	v2 =	vmax.bf16 v2, v49;
	v5 =	vmax.bf16 v5, v21;
	[tilespmem:$0x1F600] =	vst v16;
	v16 =	vld [tilespmem:s19+$0x14D90]  }
0x4d5: {  	v0 =	vmax.bf16 v0, v48;
	v2 =	vmax.bf16 v2, v26;
	v5 =	vmax.bf16 v5, v29;
	v29 =	vld [tilespmem:s19+$0x14FD0]  }
0x4d6: {  	v40 =	vunpack.i.u.bf16.f32 v2;
	v2 =	vunpack.i.l.bf16.f32 v2;
	v6 =	vmax.bf16 v6, v56;
	v58 =	vld [tilespmem:$0x1F5F0]  }
0x4d7: {  	v1 =	vmax.bf16 v1, v50;
	v2 =	vadd.f32 v2, v40;
	v6 =	vmax.bf16 v6, v22;
	v59 =	vld [tilespmem:$0x1F600]  }
0x4d8: {  	v4 =	vmax.bf16 v4, v10;
	v5 =	vmax.bf16 v5, v11;
	v6 =	vmax.bf16 v6, v30;
	v30 =	vld [tilespmem:s19+$0x14FE0]  }
0x4d9: {  	v2 =	vadd.f32 v2, v15;
	v4 =	vmax.bf16 v4, v57;
	v5 =	vmax.bf16 v5, v61;
	[tilespmem:$0x1F610] =	vst v16;
	v16 =	vld [tilespmem:$0x1F4B0]  }
0x4da: {  	v4 =	vmax.bf16 v4, v28;
	v5 =	vmax.bf16 v5, v29;
	v6 =	vmax.bf16 v6, v12;
	v60 =	vld [tilespmem:$0x1F610]  }
0x4db: {  	v52 =	vld [tilespmem:$0x1F5B0];
	v43 =	vunpack.i.u.bf16.f32 v5;
	v5 =	vunpack.i.l.bf16.f32 v5;
	v7 =	vmax.bf16 v7, v58  }
0x4dc: {  	v47 =	vld [tilespmem:$0x1F690];
	v6 =	vmax.bf16 v6, v62;
	v7 =	vmax.bf16 v7, v23;
	v0 =	vmax.bf16 v0, v59  }
0x4dd: {  	v5 =	vadd.f32 v5, v43;
	v7 =	vmax.bf16 v7, v31;
	v0 =	vmax.bf16 v0, v24;
	v24 =	vld [tilespmem:s19+$0x14F80]  }
0x4de: {  	v6 =	vmax.bf16 v6, v30;
	v0 =	vmax.bf16 v0, v32;
	v32 =	vld [tilespmem:$0x1F620];
	v3 =	vmax.bf16 v3, v16  }
0x4df: {  	v57 =	vld [tilespmem:$0x1F6B0];
	v7 =	vmax.bf16 v7, v37;
	v3 =	vmax.bf16 v3, v42;
	v1 =	vmax.bf16 v1, v60  }
0x4e0: {  	v44 =	vunpack.i.u.bf16.f32 v6;
	v3 =	vmax.bf16 v3, v52;
	v1 =	vmax.bf16 v1, v25;
	v25 =	vld [tilespmem:s19+$0x14F90]  }
0x4e1: {  	v61 =	vld [tilespmem:$0x1F6F0];
	v6 =	vunpack.i.l.bf16.f32 v6;
	v7 =	vmax.bf16 v7, v63;
	v3 =	vmax.bf16 v3, v19  }
0x4e2: {  	v0 =	vmax.bf16 v0, v41;
	v42 =	vunpack.i.u.bf16.f32 v4;
	v3 =	vmax.bf16 v3, v27;
	v27 =	vld [tilespmem:s19+$0x14FB0]  }
0x4e3: {  	v0 =	vmax.bf16 v0, v24;
	v1 =	vmax.bf16 v1, v33;
	v13 =	vunpack.i.u.bf16.f32 v32;
	v33 =	vld [tilespmem:$0x1F630]  }
0x4e4: {  	v56 =	vld [tilespmem:$0x1F6A0];
	v38 =	vunpack.i.u.bf16.f32 v0;
	v0 =	vunpack.i.l.bf16.f32 v0;
	v1 =	vmax.bf16 v1, v45  }
0x4e5: {  	v31 =	vld [tilespmem:s19+$0x14FF0];
	v0 =	vadd.f32 v0, v38;
	v3 =	vmax.bf16 v3, v9;
	v1 =	vmax.bf16 v1, v25  }
0x4e6: {  	v37 =	vld [tilespmem:$0x1F670];
	v3 =	vmax.bf16 v3, v53;
	v39 =	vunpack.i.u.bf16.f32 v1;
	v1 =	vunpack.i.l.bf16.f32 v1  }
0x4e7: {  	v58 =	vld [tilespmem:$0x1F6C0];
	v0 =	vadd.f32 v0, v13;
	v3 =	vmax.bf16 v3, v27;
	v1 =	vadd.f32 v1, v39  }
0x4e8: {  	v59 =	vld [tilespmem:$0x1F6D0];
	v14 =	vunpack.i.u.bf16.f32 v33;
	v41 =	vunpack.i.u.bf16.f32 v3;
	v3 =	vunpack.i.l.bf16.f32 v3  }
0x4e9: {  	v4 =	vunpack.i.l.bf16.f32 v4;
	v60 =	vld [tilespmem:$0x1F6E0];
	v3 =	vadd.f32 v3, v41;
	v1 =	vadd.f32 v1, v14  }
0x4ea: {  	v6 =	vadd.f32 v6, v44;
	v16 =	vunpack.i.u.bf16.f32 v35;
	v4 =	vadd.f32 v4, v42;
	[tilespmem:s1+$0x0] =	vst.add.f32.msk $0xffff, v0  }
0x4eb: {  	v7 =	vmax.bf16 v7, v31;
	v18 =	vunpack.i.u.bf16.f32 v37;
	v3 =	vadd.f32 v3, v16;
	[tilespmem:s20+$0x0] =	vst.add.f32.msk $0xffff, v1  }
0x4ec: {  	v45 =	vunpack.i.u.bf16.f32 v7;
	v7 =	vunpack.i.l.bf16.f32 v7;
	v4 =	vadd.f32 v4, v17;
	[tilespmem:s21+$0x0] =	vst.add.f32.msk $0xffff, v2  }
0x4ed: {  	v8 =	vunpack.i.u.bf16.f32 v46;
	v5 =	vadd.f32 v5, v18;
	v7 =	vadd.f32 v7, v45;
	[tilespmem:s22+$0x0] =	vst.add.f32.msk $0xffff, v3  }
0x4ee: {  	v6 =	vadd.f32 v6, v8;
	v9 =	vunpack.i.u.bf16.f32 v47;
	[tilespmem:s23+$0x0] =	vst.add.f32.msk $0xffff, v4  }
0x4ef: {  	v7 =	vadd.f32 v7, v9;
	[tilespmem:s24+$0x0] =	vst.add.f32.msk $0xffff, v5  }
0x4f0: {  	v48 =	vmul.f32 v0, v0;
	[tilespmem:s25+$0x0] =	vst.add.f32.msk $0xffff, v6  }
0x4f1: {  	v49 =	vmul.f32 v1, v1;
	[tilespmem:s28+$0x0] =	vst.add.f32.msk $0xffff, v7  }
0x4f2: {  	v50 =	vmul.f32 v2, v2;
	[tilespmem:s5+$0x0] =	vst.add.f32.msk $0xffff, v48  }
0x4f3: {  	v51 =	vmul.f32 v3, v3;
	[tilespmem:s7+$0x0] =	vst.add.f32.msk $0xffff, v49  }
0x4f4: {  	v52 =	vmul.f32 v4, v4;
	[tilespmem:s8+$0x0] =	vst.add.f32.msk $0xffff, v50  }
0x4f5: {  	v53 =	vmul.f32 v5, v5;
	[tilespmem:s12+$0x0] =	vst.add.f32.msk $0xffff, v51  }
0x4f6: {  	v54 =	vmul.f32 v6, v6;
	[tilespmem:s13+$0x0] =	vst.add.f32.msk $0xffff, v52  }
0x4f7: {  	v55 =	vmul.f32 v7, v7;
	[tilespmem:s14+$0x0] =	vst.add.f32.msk $0xffff, v53  }
0x4f8: {  	[tilespmem:s15+$0x0] =	vst.add.f32.msk $0xffff, v54  }
0x4f9: {  	v0 =	vpack.i.f32.bf16 v0, v56;
	[tilespmem:s26+$0x0] =	vst.add.f32.msk $0xffff, v55  }
0x4fa: {  	v62 =	vld [tilespmem:$0x1F700];
	v1 =	vpack.i.f32.bf16 v1, v57;
	[tilespmem:s17+$0x1D400] =	vst v0  }
0x4fb: {  	v63 =	vld [tilespmem:$0x1F710];
	v0 =	vpack.i.f32.bf16 v2, v58;
	[tilespmem:s17+$0x1D410] =	vst v1  }
0x4fc: {  	p0 =	sne.s32 s11, $0x7;
	v1 =	vpack.i.f32.bf16 v3, v59;
	[tilespmem:s17+$0x1D420] =	vst v0  }
.Ltmp2:
0x4fd: {  	v0 =	vpack.i.f32.bf16 v4, v60;
	[tilespmem:s17+$0x1D430] =	vst v1;
	(pc) =	sbr.rel @p0 .LBB2_7-.Ltmp2, $4  }
0x4fe: {  	v1 =	vpack.i.f32.bf16 v5, v61;
	[tilespmem:s17+$0x1D440] =	vst v0  }
0x4ff: {  	v0 =	vpack.i.f32.bf16 v6, v62;
	[tilespmem:s17+$0x1D450] =	vst v1  }
0x500: {  	v1 =	vpack.i.f32.bf16 v7, v63;
	[tilespmem:s17+$0x1D460] =	vst v0  }
0x501: {  	s11 =	sadd.s32 $0x1, s11;
	[tilespmem:s17+$0x1D470] =	vst v1  }
.Ltmp3:
0x502: {  	s0 =	rddreg [dreg:$0x8];
	(pc) =	sbr.rel @p1 .LBB2_10-.Ltmp3, $4  }
0x503: {  	s0 =	sadd.s32 s0, s10  }
0x504: {  	s0 =	sshrl.u32 s0, $0x3  }
0x505: {  	s19 =	simm.s32 $0x1D400;
	s0 =	sadd.s32 s4, s0  }
0x506: {  	[hbm4b:s0+s3] =	stream.linear.scatter [tilespmem:s19], [sflag:$0x9], $0x400, $0x38;
	[tilespmem:$0x1D900] =	vst v63  }
0x507: {  	s0 =	sadd.s32 $0x5, s9  }
0x508: {  	s9 =	sshll.u32 s0, $0x8  }
0x509: {  	s10 =	simm.s32 $0x14000;
	s9 =	sand.u32 $0x3FFFFF00, s9  }
0x50a: {  	[tilespmem:s10], [sflag:$0x3] =	stream.indirect.gather [hbm4b:s2+s16], $0x80, s9, s16, $0xb8;
	[tilespmem:$0x1D900] =	vst v63  }
.Ltmp4:
0x50b: {  	_ = 	snop;
	(pc) =	sbr.rel .LBB2_2-.Ltmp4, $4  }
0x50c: {  	s17 =	simm.s32 $0x18000;
	s0 =	sshll.u32 s0, $0x7;
	s9 =	sor.u32 $0x80, s9  }
0x50d: {  	[tilespmem:s17], [sflag:$0x3] =	stream.indirect.gather [hbm4b:s2+s16], $0x80, s9, s16, $0xb8;
	[tilespmem:$0x1D900] =	vst v63  }
0x50e: {  	s19 =	simm.s32 $0x1C800;
	s29 =	sadd.s32 $0x1, s29;
	s0 =	sadd.s32 s0, s6  }
0x50f: {  	[tilespmem:s19], [sflag:$0x6] =	stream.linear.gather [hbm4b:s0+s3], $0x400, $0x38;
	[tilespmem:$0x1D900] =	vst v63  }
.LBB2_10:
0x510: {  	_ =	swait.ge [sflag:s31], $0x4000  }
0x511: {  	[sflag:s31] =	ssyncset.done $0x0  }
0x512: {  	[sflag:s31] =	ssyncadd.s32 $0xFFFFC000  }
0x513: {  	_ =	swait.ge [sflag:s31], $0x4000  }
0x514: {  	[sflag:s31] =	ssyncset.done $0x0  }
0x515: {  	s0 =	simm.s32 $0x4;
	[sflag:s31] =	ssyncadd.s32 $0xFFFFC000  }
0x516: {  	_ =	swait.ge [sflag:s0], $0x400  }
0x517: {  	[sflag:s0] =	ssyncset.done $0x0  }
0x518: {  	s17 =	simm.s32 $0x7;
	[sflag:s0] =	ssyncadd.s32 $0xFFFFFC00  }
0x519: {  	_ =	swait.ge [sflag:s17], $0x400  }
0x51a: {  	[sflag:s17] =	ssyncset.done $0x0  }
0x51b: {  	s9 =	simm.s32 $0x0;
	[sflag:s17] =	ssyncadd.s32 $0xFFFFFC00  }
.LBB2_11:
0x51c: {  	s0 =	sshll.u32 s9, $0x7  }
0x51d: {  	s10 =	sand.u32 $0x7FFFFF80, s0  }
0x51e: {  	v2 =	vld [tilespmem:s10+$0x1C000]  }
0x51f: {  	v0 =	vld [tilespmem:s10+$0x1C010]  }
0x520: {  	v41 =	vld [tilespmem:s10+$0x1C020]  }
0x521: {  	v42 =	vld [tilespmem:s10+$0x1C030]  }
0x522: {  	s29 =	sshll.u32 s9, $0xE;
	v43 =	vld [tilespmem:s10+$0x1C040]  }
0x523: {  	s11 =	sshra.s32 s29, $0x2;
	v44 =	vld [tilespmem:s10+$0x1C050]  }
0x524: {  	v7 =	vld [tilespmem:s11+$0x4010]  }
0x525: {  	v8 =	vld [tilespmem:s11+$0x4020]  }
0x526: {  	v9 =	vld [tilespmem:s11+$0x4030]  }
0x527: {  	v10 =	vld [tilespmem:s11+$0x4040]  }
0x528: {  	v11 =	vld [tilespmem:s11+$0x4050]  }
0x529: {  	v12 =	vld [tilespmem:s11+$0x4060]  }
0x52a: {  	v13 =	vld [tilespmem:s11+$0x4070]  }
0x52b: {  	v14 =	vld [tilespmem:s11+$0x4080]  }
0x52c: {  	v6 =	vld [tilespmem:s11+$0x43E0]  }
0x52d: {  	v15 =	vld [tilespmem:s11+$0x4090]  }
0x52e: {  	v16 =	vld [tilespmem:s11+$0x40A0]  }
0x52f: {  	v17 =	vld [tilespmem:s11+$0x40B0]  }
0x530: {  	v18 =	vld [tilespmem:s11+$0x40C0]  }
0x531: {  	[tilespmem:$0x1EE40] =	vst v6;
	v6 =	vld [tilespmem:s11+$0x43F0]  }
0x532: {  	v19 =	vld [tilespmem:s11+$0x40D0]  }
0x533: {  	v20 =	vld [tilespmem:s11+$0x40E0]  }
0x534: {  	v21 =	vld [tilespmem:s11+$0x40F0]  }
0x535: {  	v22 =	vld [tilespmem:s11+$0x4100]  }
0x536: {  	[tilespmem:$0x1EE50] =	vst v6;
	v6 =	vld [tilespmem:s11+$0x4400]  }
0x537: {  	v23 =	vld [tilespmem:s11+$0x4110]  }
0x538: {  	v24 =	vld [tilespmem:s11+$0x4120]  }
0x539: {  	v25 =	vld [tilespmem:s11+$0x4130]  }
0x53a: {  	v26 =	vld [tilespmem:s11+$0x4140]  }
0x53b: {  	[tilespmem:$0x1EE60] =	vst v6;
	v6 =	vld [tilespmem:s11+$0x4410]  }
0x53c: {  	v27 =	vld [tilespmem:s11+$0x4150]  }
0x53d: {  	v28 =	vld [tilespmem:s11+$0x4160]  }
0x53e: {  	v29 =	vld [tilespmem:s11+$0x4170]  }
0x53f: {  	v30 =	vld [tilespmem:s11+$0x4180]  }
0x540: {  	[tilespmem:$0x1EE70] =	vst v6;
	v6 =	vld [tilespmem:s11+$0x4420]  }
0x541: {  	v31 =	vld [tilespmem:s11+$0x4190]  }
0x542: {  	v32 =	vld [tilespmem:s11+$0x41A0]  }
0x543: {  	v33 =	vld [tilespmem:s11+$0x41B0]  }
0x544: {  	v34 =	vld [tilespmem:s11+$0x41C0]  }
0x545: {  	[tilespmem:$0x1EE80] =	vst v6;
	v6 =	vld [tilespmem:s11+$0x4430]  }
0x546: {  	v35 =	vld [tilespmem:s11+$0x41D0]  }
0x547: {  	v36 =	vld [tilespmem:s11+$0x41E0]  }
0x548: {  	v37 =	vld [tilespmem:s11+$0x41F0]  }
0x549: {  	v38 =	vld [tilespmem:s11+$0x4200]  }
0x54a: {  	[tilespmem:$0x1EE90] =	vst v6;
	v6 =	vld [tilespmem:s11+$0x4440]  }
0x54b: {  	v39 =	vld [tilespmem:s11+$0x4210]  }
0x54c: {  	v40 =	vld [tilespmem:s11+$0x4220]  }
0x54d: {  	v45 =	vld [tilespmem:s11+$0x4270]  }
0x54e: {  	v46 =	vld [tilespmem:s11+$0x4280]  }
0x54f: {  	[tilespmem:$0x1EEA0] =	vst v6;
	v6 =	vld [tilespmem:s11+$0x4450]  }
0x550: {  	v47 =	vld [tilespmem:s11+$0x4290]  }
0x551: {  	v48 =	vld [tilespmem:s11+$0x42A0]  }
0x552: {  	v49 =	vld [tilespmem:s11+$0x42B0]  }
0x553: {  	v50 =	vld [tilespmem:s11+$0x42C0]  }
0x554: {  	[tilespmem:$0x1EEB0] =	vst v6;
	v6 =	vld [tilespmem:s11+$0x4460]  }
0x555: {  	v51 =	vld [tilespmem:s11+$0x42D0]  }
0x556: {  	v52 =	vld [tilespmem:s11+$0x42E0]  }
0x557: {  	v53 =	vld [tilespmem:s11+$0x42F0]  }
0x558: {  	v54 =	vld [tilespmem:s11+$0x4300]  }
0x559: {  	[tilespmem:$0x1EEC0] =	vst v6;
	v6 =	vld [tilespmem:s11+$0x4470]  }
0x55a: {  	v55 =	vld [tilespmem:s11+$0x4310]  }
0x55b: {  	v56 =	vld [tilespmem:s11+$0x4320]  }
0x55c: {  	v57 =	vld [tilespmem:s11+$0x4330]  }
0x55d: {  	v58 =	vld [tilespmem:s11+$0x4340]  }
0x55e: {  	[tilespmem:$0x1EED0] =	vst v6;
	v6 =	vld [tilespmem:s11+$0x4480]  }
0x55f: {  	v59 =	vld [tilespmem:s11+$0x4350]  }
0x560: {  	v60 =	vld [tilespmem:s11+$0x4360]  }
0x561: {  	v61 =	vld [tilespmem:s11+$0x4370]  }
0x562: {  	v62 =	vld [tilespmem:s11+$0x4380]  }
0x563: {  	[tilespmem:$0x1EEE0] =	vst v6;
	v6 =	vld [tilespmem:s11+$0x4490]  }
0x564: {  	v63 =	vld [tilespmem:s11+$0x4390]  }
0x565: {  	v1 =	vld [tilespmem:s11+$0x43A0]  }
0x566: {  	v3 =	vld [tilespmem:s11+$0x43B0]  }
0x567: {  	v4 =	vld [tilespmem:s11+$0x43C0]  }
0x568: {  	[tilespmem:$0x1EEF0] =	vst v6;
	v6 =	vld [tilespmem:s11+$0x44A0]  }
0x569: {  	v5 =	vld [tilespmem:s11+$0x43D0]  }
0x56a: {  	[tilespmem:$0x1F1C0] =	vst v0;
	v0 =	vld [tilespmem:s11+$0x4000]  }
0x56b: {  	[tilespmem:$0x1F1D0] =	vst v41;
	v41 =	vld [tilespmem:s11+$0x4230]  }
0x56c: {  	[tilespmem:$0x1F1E0] =	vst v42;
	v42 =	vld [tilespmem:s11+$0x4240]  }
0x56d: {  	[tilespmem:$0x1EF00] =	vst v6;
	v6 =	vld [tilespmem:s11+$0x44B0]  }
0x56e: {  	[tilespmem:$0x1F1F0] =	vst v43;
	v43 =	vld [tilespmem:s11+$0x4250]  }
0x56f: {  	[tilespmem:$0x1F200] =	vst v44;
	v44 =	vld [tilespmem:s11+$0x4260]  }
0x570: {  	v7 =	vmax.bf16 v7, v15;
	v15 =	vld [tilespmem:s11+$0x45B0]  }
0x571: {  	v8 =	vmax.bf16 v8, v16;
	v16 =	vld [tilespmem:s11+$0x45C0]  }
0x572: {  	[tilespmem:$0x1EF10] =	vst v6;
	v6 =	vld [tilespmem:s11+$0x44C0]  }
0x573: {  	v9 =	vmax.bf16 v9, v17;
	v17 =	vld [tilespmem:s11+$0x45D0]  }
0x574: {  	v10 =	vmax.bf16 v10, v18;
	v18 =	vld [tilespmem:s11+$0x45E0]  }
0x575: {  	v11 =	vmax.bf16 v11, v19;
	v19 =	vld [tilespmem:s11+$0x45F0]  }
0x576: {  	v12 =	vmax.bf16 v12, v20;
	v20 =	vld [tilespmem:s11+$0x4600]  }
0x577: {  	[tilespmem:$0x1EF20] =	vst v6;
	v6 =	vld [tilespmem:s11+$0x44D0]  }
0x578: {  	v13 =	vmax.bf16 v13, v21;
	v21 =	vld [tilespmem:s11+$0x4610]  }
0x579: {  	v7 =	vmax.bf16 v7, v23;
	v23 =	vld [tilespmem:s11+$0x4630]  }
0x57a: {  	v8 =	vmax.bf16 v8, v24;
	v24 =	vld [tilespmem:s11+$0x4640]  }
0x57b: {  	v9 =	vmax.bf16 v9, v25;
	v25 =	vld [tilespmem:s11+$0x4650]  }
0x57c: {  	[tilespmem:$0x1EF30] =	vst v6;
	v6 =	vld [tilespmem:s11+$0x44E0]  }
0x57d: {  	v10 =	vmax.bf16 v10, v26;
	v26 =	vld [tilespmem:s11+$0x4660]  }
0x57e: {  	v11 =	vmax.bf16 v11, v27;
	v27 =	vld [tilespmem:s11+$0x4670]  }
0x57f: {  	v12 =	vmax.bf16 v12, v28;
	v28 =	vld [tilespmem:s11+$0x4680]  }
0x580: {  	v13 =	vmax.bf16 v13, v29;
	v29 =	vld [tilespmem:s11+$0x4690]  }
0x581: {  	[tilespmem:$0x1EF40] =	vst v6;
	v6 =	vld [tilespmem:s11+$0x44F0]  }
0x582: {  	v8 =	vmax.bf16 v8, v32;
	v32 =	vld [tilespmem:s11+$0x46E0]  }
0x583: {  	v10 =	vmax.bf16 v10, v34;
	v34 =	vld [tilespmem:s11+$0x46F0]  }
0x584: {  	v12 =	vmax.bf16 v12, v36;
	v36 =	vld [tilespmem:s11+$0x4700]  }
0x585: {  	v7 =	vmax.bf16 v7, v31;
	v13 =	vmax.bf16 v13, v37;
	v37 =	vld [tilespmem:s11+$0x4710]  }
0x586: {  	v7 =	vmax.bf16 v7, v39;
	[tilespmem:$0x1EF50] =	vst v6;
	v6 =	vld [tilespmem:s11+$0x4500]  }
0x587: {  	v8 =	vmax.bf16 v8, v40;
	v7 =	vmax.bf16 v7, v47;
	v0 =	vmax.bf16 v0, v14;
	v14 =	vld [tilespmem:s11+$0x45A0]  }
0x588: {  	v8 =	vmax.bf16 v8, v48;
	v7 =	vmax.bf16 v7, v55;
	v55 =	vld [tilespmem:$0x1F1F0]  }
0x589: {  	v8 =	vmax.bf16 v8, v56;
	v0 =	vmax.bf16 v0, v22;
	v22 =	vld [tilespmem:s11+$0x4620]  }
0x58a: {  	v9 =	vmax.bf16 v9, v33;
	v1 =	vmax.bf16 v8, v1;
	v8 =	vld [tilespmem:s11+$0x46B0]  }
0x58b: {  	v9 =	vmax.bf16 v9, v41;
	[tilespmem:$0x1EF60] =	vst v6;
	v6 =	vld [tilespmem:s11+$0x4510]  }
0x58c: {  	v11 =	vmax.bf16 v11, v35;
	v10 =	vmax.bf16 v10, v42;
	v9 =	vmax.bf16 v9, v49;
	v49 =	vld [tilespmem:$0x1F1D0]  }
0x58d: {  	v11 =	vmax.bf16 v11, v43;
	v10 =	vmax.bf16 v10, v50;
	v50 =	vld [tilespmem:$0x1EE40]  }
0x58e: {  	v12 =	vmax.bf16 v12, v44;
	v11 =	vmax.bf16 v11, v51;
	v51 =	vld [tilespmem:$0x1EE50]  }
0x58f: {  	v12 =	vmax.bf16 v12, v52;
	v52 =	vld [tilespmem:$0x1F1E0]  }
0x590: {  	[tilespmem:$0x1EF70] =	vst v6;
	v6 =	vld [tilespmem:s11+$0x4520]  }
0x591: {  	v0 =	vmax.bf16 v0, v30;
	v10 =	vmax.bf16 v10, v58;
	v58 =	vld [tilespmem:$0x1F200]  }
0x592: {  	v0 =	vmax.bf16 v0, v38;
	v47 =	vmax.bf16 v10, v4;
	v10 =	vld [tilespmem:s11+$0x46C0]  }
0x593: {  	v11 =	vmax.bf16 v11, v59;
	v12 =	vmax.bf16 v12, v60;
	v0 =	vmax.bf16 v0, v46;
	v46 =	vld [tilespmem:$0x1F1C0]  }
0x594: {  	v48 =	vmax.bf16 v11, v5;
	v5 =	vmax.bf16 v12, v50;
	v12 =	vld [tilespmem:s11+$0x46D0]  }
0x595: {  	v13 =	vmax.bf16 v13, v45;
	[tilespmem:$0x1EF80] =	vst v6;
	v6 =	vld [tilespmem:s11+$0x4530]  }
0x596: {  	v13 =	vmax.bf16 v13, v53;
	v53 =	vld [tilespmem:$0x1EE60]  }
0x597: {  	v11 =	vunpack.i.l.bf16.f32 v49;
	v49 =	vld [tilespmem:s11+$0x4740]  }
0x598: {  	v0 =	vmax.bf16 v0, v54;
	v54 =	vld [tilespmem:$0x1EE70]  }
0x599: {  	v9 =	vmax.bf16 v9, v57;
	v57 =	vld [tilespmem:$0x1EE90]  }
0x59a: {  	v0 =	vmax.bf16 v0, v62;
	[tilespmem:$0x1EF90] =	vst v6;
	v6 =	vld [tilespmem:s11+$0x4540]  }
0x59b: {  	v0 =	vmax.bf16 v0, v53;
	v53 =	vld [tilespmem:s11+$0x4750]  }
0x59c: {  	v56 =	vld [tilespmem:$0x1EE80]  }
0x59d: {  	v45 =	vmax.bf16 v9, v3;
	v59 =	vld [tilespmem:$0x1EEA0]  }
0x59e: {  	[tilespmem:$0x1F1B0] =	vst v2;
	v31 =	vunpack.i.l.bf16.f32 v2;
	v2 =	vmax.bf16 v45, v57;
	v57 =	vld [tilespmem:s11+$0x4760]  }
0x59f: {  	[tilespmem:$0x1EFA0] =	vst v6;
	v6 =	vld [tilespmem:s11+$0x4550]  }
0x5a0: {  	v60 =	vld [tilespmem:$0x1EEB0]  }
0x5a1: {  	v13 =	vmax.bf16 v13, v61;
	v61 =	vld [tilespmem:$0x1EEC0]  }
0x5a2: {  	v62 =	vld [tilespmem:$0x1EED0]  }
0x5a3: {  	v7 =	vmax.bf16 v7, v63;
	v63 =	vld [tilespmem:$0x1EEE0]  }
0x5a4: {  	[tilespmem:$0x1EFB0] =	vst v6;
	v6 =	vld [tilespmem:s11+$0x4560]  }
0x5a5: {  	v40 =	vld [tilespmem:$0x1EEF0]  }
0x5a6: {  	v41 =	vld [tilespmem:$0x1EF00]  }
0x5a7: {  	v42 =	vld [tilespmem:$0x1EF10]  }
0x5a8: {  	v43 =	vld [tilespmem:$0x1EF20]  }
0x5a9: {  	[tilespmem:$0x1EFC0] =	vst v6;
	v6 =	vld [tilespmem:s11+$0x4570]  }
0x5aa: {  	v44 =	vld [tilespmem:$0x1EF30]  }
0x5ab: {  	v9 =	vunpack.i.l.bf16.f32 v46;
	v46 =	vld [tilespmem:$0x1EF40]  }
0x5ac: {  	v7 =	vmax.bf16 v7, v54;
	v54 =	vld [tilespmem:$0x1EFA0]  }
0x5ad: {  	v33 =	vunpack.i.l.bf16.f32 v55;
	v55 =	vld [tilespmem:$0x1EFB0]  }
0x5ae: {  	[tilespmem:$0x1EFD0] =	vst v6;
	v6 =	vld [tilespmem:s11+$0x4580]  }
0x5af: {  	v3 =	vmax.bf16 v47, v59;
	v47 =	vld [tilespmem:$0x1EF50]  }
0x5b0: {  	v4 =	vmax.bf16 v48, v60;
	v48 =	vld [tilespmem:$0x1EF60]  }
0x5b1: {  	v35 =	vunpack.i.l.bf16.f32 v58;
	v1 =	vmax.bf16 v1, v56;
	v3 =	vmax.bf16 v3, v43;
	v56 =	vld [tilespmem:$0x1EFC0]  }
0x5b2: {  	v5 =	vmax.bf16 v5, v61;
	v4 =	vmax.bf16 v4, v44;
	v50 =	vld [tilespmem:$0x1EF70];
	v3 =	vmax.bf16 v3, v54  }
0x5b3: {  	v0 =	vmax.bf16 v0, v63;
	v3 =	vmax.bf16 v3, v16;
	v4 =	vmax.bf16 v4, v55;
	[tilespmem:$0x1EFE0] =	vst v6;
	v6 =	vld [tilespmem:s11+$0x4590]  }
0x5b4: {  	v7 =	vmax.bf16 v7, v40;
	v3 =	vmax.bf16 v3, v24;
	v24 =	vld [tilespmem:s11+$0x47D0];
	v4 =	vmax.bf16 v4, v17  }
0x5b5: {  	v1 =	vmax.bf16 v1, v41;
	v5 =	vmax.bf16 v5, v46;
	v4 =	vmax.bf16 v4, v25;
	v25 =	vld [tilespmem:s11+$0x47E0]  }
0x5b6: {  	v2 =	vmax.bf16 v2, v42;
	v0 =	vmax.bf16 v0, v48;
	v5 =	vmax.bf16 v5, v56;
	v59 =	vld [tilespmem:$0x1EFE0]  }
0x5b7: {  	v7 =	vmax.bf16 v7, v50;
	v3 =	vmax.bf16 v3, v10;
	v58 =	vld [tilespmem:$0x1EFD0];
	v5 =	vmax.bf16 v5, v18  }
0x5b8: {  	v4 =	vmax.bf16 v4, v12;
	v5 =	vmax.bf16 v5, v26;
	[tilespmem:$0x1EFF0] =	vst v6;
	v6 =	vmax.bf16 v13, v51;
	v51 =	vld [tilespmem:$0x1EF80]  }
0x5b9: {  	v4 =	vmax.bf16 v4, v53;
	v5 =	vmax.bf16 v5, v32;
	v13 =	vunpack.i.l.bf16.f32 v52;
	v52 =	vld [tilespmem:$0x1EF90]  }
0x5ba: {  	v3 =	vmax.bf16 v3, v49;
	v4 =	vmax.bf16 v4, v24;
	v5 =	vmax.bf16 v5, v57;
	v60 =	vld [tilespmem:$0x1EFF0]  }
0x5bb: {  	v30 =	vld [tilespmem:s11+$0x46A0];
	v5 =	vmax.bf16 v5, v25;
	v6 =	vmax.bf16 v6, v62;
	v0 =	vmax.bf16 v0, v59  }
0x5bc: {  	v40 =	vunpack.i.u.bf16.f32 v5;
	v62 =	vld [tilespmem:s11+$0x4780];
	v6 =	vmax.bf16 v6, v47;
	v0 =	vmax.bf16 v0, v20  }
0x5bd: {  	v38 =	vld [tilespmem:s11+$0x4720];
	v5 =	vunpack.i.l.bf16.f32 v5;
	v6 =	vmax.bf16 v6, v58;
	v0 =	vmax.bf16 v0, v28  }
0x5be: {  	v61 =	vld [tilespmem:s11+$0x4770];
	v6 =	vmax.bf16 v6, v19;
	v0 =	vmax.bf16 v0, v36;
	v1 =	vmax.bf16 v1, v51  }
0x5bf: {  	v45 =	vld [tilespmem:s11+$0x4730];
	v2 =	vmax.bf16 v2, v52;
	v6 =	vmax.bf16 v6, v27;
	v7 =	vmax.bf16 v7, v60  }
0x5c0: {  	v63 =	vld [tilespmem:s11+$0x4790];
	v1 =	vmax.bf16 v1, v14;
	v2 =	vmax.bf16 v2, v15;
	v6 =	vmax.bf16 v6, v34  }
0x5c1: {  	v0 =	vmax.bf16 v0, v62;
	v34 =	vunpack.i.u.bf16.f32 v4;
	v7 =	vmax.bf16 v7, v21;
	v21 =	vld [tilespmem:s11+$0x47A0]  }
0x5c2: {  	v4 =	vunpack.i.l.bf16.f32 v4;
	v1 =	vmax.bf16 v1, v22;
	v2 =	vmax.bf16 v2, v23;
	v22 =	vld [tilespmem:s11+$0x47B0]  }
0x5c3: {  	v23 =	vld [tilespmem:s11+$0x47C0];
	v6 =	vmax.bf16 v6, v61;
	v27 =	vunpack.i.u.bf16.f32 v0;
	v0 =	vunpack.i.l.bf16.f32 v0  }
0x5c4: {  	v7 =	vmax.bf16 v7, v29;
	v1 =	vmax.bf16 v1, v30;
	v0 =	vadd.f32 v0, v27  }
0x5c5: {  	v2 =	vmax.bf16 v2, v8;
	v7 =	vmax.bf16 v7, v37;
	v1 =	vmax.bf16 v1, v38  }
0x5c6: {  	v2 =	vmax.bf16 v2, v45;
	v7 =	vmax.bf16 v7, v63;
	v38 =	vadd.f32 v0, v31  }
0x5c7: {  	v26 =	vld [tilespmem:s11+$0x47F0];
	v28 =	vunpack.i.u.bf16.f32 v7;
	v7 =	vunpack.i.l.bf16.f32 v7;
	v1 =	vmax.bf16 v1, v21  }
0x5c8: {  	v2 =	vmax.bf16 v2, v22;
	v3 =	vmax.bf16 v3, v23;
	v36 =	vadd.f32 v7, v28  }
0x5c9: {  	v29 =	vunpack.i.u.bf16.f32 v1;
	v1 =	vunpack.i.l.bf16.f32 v1;
	v30 =	vunpack.i.u.bf16.f32 v2  }
0x5ca: {  	v37 =	vld [tilespmem:s10+$0x1C060];
	v2 =	vunpack.i.l.bf16.f32 v2;
	v32 =	vunpack.i.u.bf16.f32 v3;
	v1 =	vadd.f32 v1, v29  }
0x5cb: {  	v39 =	vld [tilespmem:s10+$0x1C070];
	v3 =	vunpack.i.l.bf16.f32 v3;
	v2 =	vadd.f32 v2, v30;
	v8 =	vadd.f32 v36, v9  }
0x5cc: {  	v6 =	vmax.bf16 v6, v26;
	[tilespmem:s1+$0x0] =	vst.add.f32.msk $0xffff, v38;
	v3 =	vadd.f32 v3, v32;
	v41 =	vadd.f32 v1, v11  }
0x5cd: {  	v4 =	vadd.f32 v4, v34;
	v42 =	vunpack.i.u.bf16.f32 v6;
	v43 =	vadd.f32 v2, v13;
	[tilespmem:s20+$0x0] =	vst.add.f32.msk $0xffff, v8  }
0x5ce: {  	v44 =	vunpack.i.l.bf16.f32 v6;
	v0 =	vadd.f32 v5, v40;
	v45 =	vadd.f32 v3, v33;
	[tilespmem:s21+$0x0] =	vst.add.f32.msk $0xffff, v41  }
0x5cf: {  	v4 =	vadd.f32 v4, v35;
	v46 =	vunpack.i.l.bf16.f32 v37;
	v1 =	vadd.f32 v44, v42;
	[tilespmem:s22+$0x0] =	vst.add.f32.msk $0xffff, v43  }
0x5d0: {  	v47 =	vunpack.i.l.bf16.f32 v39;
	v0 =	vadd.f32 v0, v46;
	[tilespmem:s23+$0x0] =	vst.add.f32.msk $0xffff, v45  }
0x5d1: {  	v49 =	vadd.f32 v1, v47;
	[tilespmem:s24+$0x0] =	vst.add.f32.msk $0xffff, v4  }
0x5d2: {  	v51 =	vmul.f32 v38, v38;
	[tilespmem:s25+$0x0] =	vst.add.f32.msk $0xffff, v0  }
0x5d3: {  	v52 =	vmul.f32 v8, v8;
	[tilespmem:s28+$0x0] =	vst.add.f32.msk $0xffff, v49  }
0x5d4: {  	v53 =	vmul.f32 v41, v41;
	[tilespmem:s5+$0x0] =	vst.add.f32.msk $0xffff, v51  }
0x5d5: {  	v48 =	vmov v45;
	v54 =	vmul.f32 v43, v43;
	[tilespmem:s7+$0x0] =	vst.add.f32.msk $0xffff, v52  }
0x5d6: {  	v55 =	vmul.f32 v48, v48;
	[tilespmem:s8+$0x0] =	vst.add.f32.msk $0xffff, v53  }
0x5d7: {  	v56 =	vmul.f32 v4, v4;
	v50 =	vmov v0;
	[tilespmem:s12+$0x0] =	vst.add.f32.msk $0xffff, v54  }
0x5d8: {  	v57 =	vmul.f32 v50, v50;
	[tilespmem:s13+$0x0] =	vst.add.f32.msk $0xffff, v55  }
0x5d9: {  	v58 =	vmul.f32 v49, v49;
	[tilespmem:s14+$0x0] =	vst.add.f32.msk $0xffff, v56  }
0x5da: {  	[tilespmem:s15+$0x0] =	vst.add.f32.msk $0xffff, v57  }
0x5db: {  	[tilespmem:s26+$0x0] =	vst.add.f32.msk $0xffff, v58  }
0x5dc: {  	[tilespmem:$0x1F290] =	vst v0;
	v0 =	vld [tilespmem:s11+$0x4800]  }
0x5dd: {  	v1 =	vld [tilespmem:s11+$0x4810]  }
0x5de: {  	v2 =	vld [tilespmem:s11+$0x4820]  }
0x5df: {  	v3 =	vld [tilespmem:s11+$0x4830]  }
0x5e0: {  	[tilespmem:$0x1F280] =	vst v4;
	v4 =	vld [tilespmem:s11+$0x4840]  }
0x5e1: {  	v5 =	vld [tilespmem:s11+$0x4850]  }
0x5e2: {  	v6 =	vld [tilespmem:s11+$0x4860]  }
0x5e3: {  	v17 =	vld [tilespmem:s11+$0x4870]  }
0x5e4: {  	v18 =	vld [tilespmem:s11+$0x4880]  }
0x5e5: {  	v19 =	vld [tilespmem:s11+$0x4890]  }
0x5e6: {  	v20 =	vld [tilespmem:s11+$0x48A0]  }
0x5e7: {  	v21 =	vld [tilespmem:s11+$0x48B0]  }
0x5e8: {  	v22 =	vld [tilespmem:s11+$0x48C0]  }
0x5e9: {  	v23 =	vld [tilespmem:s11+$0x48D0]  }
0x5ea: {  	v24 =	vld [tilespmem:s11+$0x48E0]  }
0x5eb: {  	v25 =	vld [tilespmem:s11+$0x48F0]  }
0x5ec: {  	v26 =	vld [tilespmem:s11+$0x4900]  }
0x5ed: {  	v16 =	vld [tilespmem:s11+$0x4BF0]  }
0x5ee: {  	v27 =	vld [tilespmem:s11+$0x4910]  }
0x5ef: {  	v28 =	vld [tilespmem:s11+$0x4920]  }
0x5f0: {  	v29 =	vld [tilespmem:s11+$0x4930]  }
0x5f1: {  	v30 =	vld [tilespmem:s11+$0x4940]  }
0x5f2: {  	[tilespmem:$0x1F000] =	vst v16;
	v16 =	vld [tilespmem:s11+$0x4C00]  }
0x5f3: {  	v31 =	vld [tilespmem:s11+$0x4950]  }
0x5f4: {  	v32 =	vld [tilespmem:s11+$0x4960]  }
0x5f5: {  	v33 =	vld [tilespmem:s11+$0x4970]  }
0x5f6: {  	v34 =	vld [tilespmem:s11+$0x4980]  }
0x5f7: {  	[tilespmem:$0x1F010] =	vst v16;
	v16 =	vld [tilespmem:s11+$0x4C10]  }
0x5f8: {  	v35 =	vld [tilespmem:s11+$0x4990]  }
0x5f9: {  	v36 =	vld [tilespmem:s11+$0x49A0]  }
0x5fa: {  	[tilespmem:$0x1F210] =	vst v37;
	v37 =	vld [tilespmem:s11+$0x49B0]  }
0x5fb: {  	[tilespmem:$0x1F230] =	vst v38;
	v38 =	vld [tilespmem:s11+$0x49C0]  }
0x5fc: {  	[tilespmem:$0x1F020] =	vst v16;
	v16 =	vld [tilespmem:s11+$0x4C20]  }
0x5fd: {  	[tilespmem:$0x1F220] =	vst v39;
	v39 =	vld [tilespmem:s11+$0x49D0]  }
0x5fe: {  	v40 =	vld [tilespmem:s11+$0x49E0]  }
0x5ff: {  	[tilespmem:$0x1F250] =	vst v41;
	v41 =	vld [tilespmem:s11+$0x49F0]  }
0x600: {  	v42 =	vld [tilespmem:s11+$0x4A00]  }
0x601: {  	[tilespmem:$0x1F030] =	vst v16;
	v16 =	vld [tilespmem:s11+$0x4C30]  }
0x602: {  	[tilespmem:$0x1F260] =	vst v43;
	v43 =	vld [tilespmem:s11+$0x4A10]  }
0x603: {  	v44 =	vld [tilespmem:s11+$0x4A20]  }
0x604: {  	[tilespmem:$0x1F270] =	vst v45;
	v45 =	vld [tilespmem:s11+$0x4A30]  }
0x605: {  	v46 =	vld [tilespmem:s11+$0x4A40]  }
0x606: {  	[tilespmem:$0x1F040] =	vst v16;
	v16 =	vld [tilespmem:s11+$0x4C40]  }
0x607: {  	v47 =	vld [tilespmem:s11+$0x4A50]  }
0x608: {  	v48 =	vld [tilespmem:s11+$0x4A60]  }
0x609: {  	[tilespmem:$0x1F2A0] =	vst v49;
	v49 =	vld [tilespmem:s11+$0x4A70]  }
0x60a: {  	v50 =	vld [tilespmem:s11+$0x4A80]  }
0x60b: {  	[tilespmem:$0x1F050] =	vst v16;
	v16 =	vld [tilespmem:s11+$0x4C50]  }
0x60c: {  	v51 =	vld [tilespmem:s11+$0x4A90]  }
0x60d: {  	v52 =	vld [tilespmem:s11+$0x4AA0]  }
0x60e: {  	v53 =	vld [tilespmem:s11+$0x4AB0]  }
0x60f: {  	v54 =	vld [tilespmem:s11+$0x4AC0]  }
0x610: {  	[tilespmem:$0x1F060] =	vst v16;
	v16 =	vld [tilespmem:s11+$0x4C60]  }
0x611: {  	v55 =	vld [tilespmem:s11+$0x4AD0]  }
0x612: {  	v56 =	vld [tilespmem:s11+$0x4AE0]  }
0x613: {  	v57 =	vld [tilespmem:s11+$0x4AF0]  }
0x614: {  	v58 =	vld [tilespmem:s11+$0x4B00]  }
0x615: {  	[tilespmem:$0x1F070] =	vst v16;
	v16 =	vld [tilespmem:s11+$0x4C70]  }
0x616: {  	v59 =	vld [tilespmem:s11+$0x4B10]  }
0x617: {  	v60 =	vld [tilespmem:s11+$0x4B20]  }
0x618: {  	v61 =	vld [tilespmem:s11+$0x4B30]  }
0x619: {  	v62 =	vld [tilespmem:s11+$0x4B40]  }
0x61a: {  	[tilespmem:$0x1F080] =	vst v16;
	v16 =	vld [tilespmem:s11+$0x4C80]  }
0x61b: {  	v63 =	vld [tilespmem:s11+$0x4B50]  }
0x61c: {  	v7 =	vld [tilespmem:s11+$0x4B60]  }
0x61d: {  	[tilespmem:$0x1F240] =	vst v8;
	v8 =	vld [tilespmem:s11+$0x4B70]  }
0x61e: {  	v9 =	vld [tilespmem:s11+$0x4B80]  }
0x61f: {  	[tilespmem:$0x1F090] =	vst v16;
	v16 =	vld [tilespmem:s11+$0x4C90]  }
0x620: {  	v10 =	vld [tilespmem:s11+$0x4B90]  }
0x621: {  	v11 =	vld [tilespmem:s11+$0x4BA0]  }
0x622: {  	v12 =	vld [tilespmem:s11+$0x4BB0]  }
0x623: {  	v13 =	vld [tilespmem:s11+$0x4BC0]  }
0x624: {  	[tilespmem:$0x1F0A0] =	vst v16;
	v16 =	vld [tilespmem:s11+$0x4CA0]  }
0x625: {  	v14 =	vld [tilespmem:s11+$0x4BD0]  }
0x626: {  	v15 =	vld [tilespmem:s11+$0x4BE0]  }
0x627: {  	v0 =	vmax.bf16 v0, v18;
	v18 =	vld [tilespmem:s11+$0x4DA0]  }
0x628: {  	v1 =	vmax.bf16 v1, v19;
	v19 =	vld [tilespmem:s11+$0x4DB0]  }
0x629: {  	[tilespmem:$0x1F0B0] =	vst v16;
	v16 =	vld [tilespmem:s11+$0x4CB0]  }
0x62a: {  	v2 =	vmax.bf16 v2, v20;
	v20 =	vld [tilespmem:s11+$0x4DC0]  }
0x62b: {  	v3 =	vmax.bf16 v3, v21;
	v21 =	vld [tilespmem:s11+$0x4DD0]  }
0x62c: {  	v4 =	vmax.bf16 v4, v22;
	v22 =	vld [tilespmem:s11+$0x4DE0]  }
0x62d: {  	v5 =	vmax.bf16 v5, v23;
	v23 =	vld [tilespmem:s11+$0x4DF0]  }
0x62e: {  	[tilespmem:$0x1F0C0] =	vst v16;
	v16 =	vld [tilespmem:s11+$0x4CC0]  }
0x62f: {  	v6 =	vmax.bf16 v6, v24;
	v24 =	vld [tilespmem:s11+$0x4E00]  }
0x630: {  	v17 =	vmax.bf16 v17, v25;
	v25 =	vld [tilespmem:s11+$0x4E10]  }
0x631: {  	v0 =	vmax.bf16 v0, v26;
	v26 =	vld [tilespmem:s11+$0x4E20]  }
0x632: {  	v1 =	vmax.bf16 v1, v27;
	v27 =	vld [tilespmem:s11+$0x4E30]  }
0x633: {  	[tilespmem:$0x1F0D0] =	vst v16;
	v16 =	vld [tilespmem:s11+$0x4CD0]  }
0x634: {  	v2 =	vmax.bf16 v2, v28;
	v28 =	vld [tilespmem:s11+$0x4E40]  }
0x635: {  	v3 =	vmax.bf16 v3, v29;
	v29 =	vld [tilespmem:s11+$0x4E50]  }
0x636: {  	v4 =	vmax.bf16 v4, v30;
	v30 =	vld [tilespmem:s11+$0x4E60]  }
0x637: {  	v5 =	vmax.bf16 v5, v31;
	v31 =	vld [tilespmem:s11+$0x4E70]  }
0x638: {  	[tilespmem:$0x1F0E0] =	vst v16;
	v16 =	vld [tilespmem:s11+$0x4CE0]  }
0x639: {  	v6 =	vmax.bf16 v6, v32;
	v32 =	vld [tilespmem:s11+$0x4E80]  }
0x63a: {  	v17 =	vmax.bf16 v17, v33;
	v33 =	vld [tilespmem:s11+$0x4E90]  }
0x63b: {  	v3 =	vmax.bf16 v3, v37;
	v37 =	vld [tilespmem:s11+$0x4EF0]  }
0x63c: {  	v17 =	vmax.bf16 v17, v41;
	v41 =	vld [tilespmem:s11+$0x4F00]  }
0x63d: {  	[tilespmem:$0x1F0F0] =	vst v16;
	v16 =	vld [tilespmem:s11+$0x4CF0]  }
0x63e: {  	v3 =	vmax.bf16 v3, v45;
	v45 =	vld [tilespmem:s11+$0x4F10]  }
0x63f: {  	v0 =	vmax.bf16 v0, v34;
	v17 =	vmax.bf16 v17, v49;
	v49 =	vld [tilespmem:s11+$0x4F20]  }
0x640: {  	v1 =	vmax.bf16 v1, v35;
	v2 =	vmax.bf16 v2, v36;
	v3 =	vmax.bf16 v3, v53;
	v53 =	vld [tilespmem:s11+$0x4F30]  }
0x641: {  	v0 =	vmax.bf16 v0, v42;
	v1 =	vmax.bf16 v1, v43;
	v17 =	vmax.bf16 v17, v57;
	v57 =	vld [tilespmem:s11+$0x4F40]  }
0x642: {  	v2 =	vmax.bf16 v2, v44;
	v0 =	vmax.bf16 v0, v50;
	v1 =	vmax.bf16 v1, v51;
	[tilespmem:$0x1F100] =	vst v16;
	v16 =	vld [tilespmem:s11+$0x4D00]  }
0x643: {  	v2 =	vmax.bf16 v2, v52;
	v1 =	vmax.bf16 v1, v59;
	v59 =	vmax.bf16 v17, v8;
	v8 =	vld [tilespmem:s11+$0x4EA0]  }
0x644: {  	v0 =	vmax.bf16 v0, v58;
	v2 =	vmax.bf16 v2, v60;
	v60 =	vld [tilespmem:$0x1F000]  }
0x645: {  	v0 =	vmax.bf16 v0, v9;
	v9 =	vld [tilespmem:s11+$0x4EB0]  }
0x646: {  	v1 =	vmax.bf16 v1, v10;
	v10 =	vld [tilespmem:s11+$0x4EC0]  }
0x647: {  	v4 =	vmax.bf16 v4, v38;
	[tilespmem:$0x1F110] =	vst v16;
	v16 =	vld [tilespmem:s11+$0x4D10]  }
0x648: {  	v5 =	vmax.bf16 v5, v39;
	v4 =	vmax.bf16 v4, v46;
	v3 =	vmax.bf16 v3, v61;
	v61 =	vld [tilespmem:$0x1F010]  }
0x649: {  	v5 =	vmax.bf16 v5, v47;
	v4 =	vmax.bf16 v4, v54;
	v2 =	vmax.bf16 v2, v11;
	v11 =	vld [tilespmem:s11+$0x4ED0]  }
0x64a: {  	v5 =	vmax.bf16 v5, v55;
	v4 =	vmax.bf16 v4, v62;
	v62 =	vld [tilespmem:$0x1F020]  }
0x64b: {  	v5 =	vmax.bf16 v5, v63;
	v63 =	vld [tilespmem:$0x1F030]  }
0x64c: {  	[tilespmem:$0x1F120] =	vst v16;
	v16 =	vld [tilespmem:s11+$0x4D20]  }
0x64d: {  	v3 =	vmax.bf16 v3, v12;
	v12 =	vld [tilespmem:s11+$0x4EE0]  }
0x64e: {  	v0 =	vmax.bf16 v0, v61;
	v61 =	vld [tilespmem:s11+$0x4F50]  }
0x64f: {  	v1 =	vmax.bf16 v1, v62;
	v62 =	vld [tilespmem:s11+$0x4F60]  }
0x650: {  	v2 =	vmax.bf16 v2, v63;
	v63 =	vld [tilespmem:s11+$0x4F70]  }
0x651: {  	[tilespmem:$0x1F130] =	vst v16;
	v16 =	vld [tilespmem:s11+$0x4D30]  }
0x652: {  	v34 =	vld [tilespmem:$0x1F060]  }
0x653: {  	v6 =	vmax.bf16 v6, v40;
	v35 =	vld [tilespmem:$0x1F070]  }
0x654: {  	v6 =	vmax.bf16 v6, v48;
	v17 =	vld [tilespmem:$0x1F050]  }
0x655: {  	v6 =	vmax.bf16 v6, v56;
	v36 =	vld [tilespmem:$0x1F080]  }
0x656: {  	v6 =	vmax.bf16 v6, v7;
	v5 =	vmax.bf16 v5, v14;
	[tilespmem:$0x1F140] =	vst v16;
	v16 =	vld [tilespmem:s11+$0x4D40]  }
0x657: {  	v6 =	vmax.bf16 v6, v15;
	v5 =	vmax.bf16 v5, v34;
	v34 =	vld [tilespmem:$0x1F1D0]  }
0x658: {  	v6 =	vmax.bf16 v6, v35;
	v35 =	vld [tilespmem:$0x1F1E0]  }
0x659: {  	v7 =	vmax.bf16 v59, v60;
	v38 =	vld [tilespmem:$0x1F090]  }
0x65a: {  	v7 =	vmax.bf16 v7, v36;
	v36 =	vld [tilespmem:$0x1F1F0]  }
0x65b: {  	[tilespmem:$0x1F150] =	vst v16;
	v16 =	vld [tilespmem:s11+$0x4D50]  }
0x65c: {  	v39 =	vld [tilespmem:$0x1F0A0]  }
0x65d: {  	v40 =	vld [tilespmem:$0x1F0B0]  }
0x65e: {  	v42 =	vld [tilespmem:$0x1F0C0]  }
0x65f: {  	v43 =	vld [tilespmem:$0x1F0D0]  }
0x660: {  	[tilespmem:$0x1F160] =	vst v16;
	v16 =	vld [tilespmem:s11+$0x4D60]  }
0x661: {  	v46 =	vld [tilespmem:$0x1F0F0]  }
0x662: {  	v44 =	vld [tilespmem:$0x1F0E0]  }
0x663: {  	v47 =	vld [tilespmem:$0x1F100]  }
0x664: {  	v51 =	vld [tilespmem:$0x1F130]  }
0x665: {  	[tilespmem:$0x1F170] =	vst v16;
	v16 =	vld [tilespmem:s11+$0x4D70]  }
0x666: {  	v6 =	vmax.bf16 v6, v46;
	v46 =	vld [tilespmem:$0x1F210]  }
0x667: {  	v54 =	vld [tilespmem:$0x1F150]  }
0x668: {  	v2 =	vmax.bf16 v2, v40;
	v48 =	vld [tilespmem:$0x1F110]  }
0x669: {  	v4 =	vmax.bf16 v4, v13;
	v2 =	vmax.bf16 v2, v51;
	v55 =	vld [tilespmem:$0x1F160]  }
0x66a: {  	v4 =	vmax.bf16 v4, v17;
	v2 =	vmax.bf16 v2, v18;
	[tilespmem:$0x1F180] =	vst v16;
	v16 =	vld [tilespmem:s11+$0x4D80]  }
0x66b: {  	v15 =	vunpack.i.u.bf16.f32 v34;
	v4 =	vmax.bf16 v4, v43;
	v2 =	vmax.bf16 v2, v26;
	v26 =	vld [tilespmem:s11+$0x4FA0]  }
0x66c: {  	v0 =	vmax.bf16 v0, v38;
	v17 =	vunpack.i.u.bf16.f32 v36;
	v4 =	vmax.bf16 v4, v54;
	v56 =	vld [tilespmem:$0x1F170]  }
0x66d: {  	v1 =	vmax.bf16 v1, v39;
	v5 =	vmax.bf16 v5, v44;
	v50 =	vld [tilespmem:$0x1F120];
	v4 =	vmax.bf16 v4, v20  }
0x66e: {  	v2 =	vmax.bf16 v2, v8;
	v4 =	vmax.bf16 v4, v28;
	v28 =	vld [tilespmem:s11+$0x4FC0];
	v5 =	vmax.bf16 v5, v55  }
0x66f: {  	v7 =	vmax.bf16 v7, v47;
	v2 =	vmax.bf16 v2, v49;
	v5 =	vmax.bf16 v5, v21;
	[tilespmem:$0x1F190] =	vst v16;
	v16 =	vld [tilespmem:s11+$0x4D90]  }
0x670: {  	v0 =	vmax.bf16 v0, v48;
	v2 =	vmax.bf16 v2, v26;
	v5 =	vmax.bf16 v5, v29;
	v29 =	vld [tilespmem:s11+$0x4FD0]  }
0x671: {  	v40 =	vunpack.i.u.bf16.f32 v2;
	v2 =	vunpack.i.l.bf16.f32 v2;
	v6 =	vmax.bf16 v6, v56;
	v58 =	vld [tilespmem:$0x1F180]  }
0x672: {  	v1 =	vmax.bf16 v1, v50;
	v2 =	vadd.f32 v2, v40;
	v6 =	vmax.bf16 v6, v22;
	v59 =	vld [tilespmem:$0x1F190]  }
0x673: {  	v4 =	vmax.bf16 v4, v10;
	v5 =	vmax.bf16 v5, v11;
	v6 =	vmax.bf16 v6, v30;
	v30 =	vld [tilespmem:s11+$0x4FE0]  }
0x674: {  	v2 =	vadd.f32 v2, v15;
	v4 =	vmax.bf16 v4, v57;
	v5 =	vmax.bf16 v5, v61;
	[tilespmem:$0x1F1A0] =	vst v16;
	v16 =	vld [tilespmem:$0x1F040]  }
0x675: {  	v4 =	vmax.bf16 v4, v28;
	v5 =	vmax.bf16 v5, v29;
	v6 =	vmax.bf16 v6, v12;
	v60 =	vld [tilespmem:$0x1F1A0]  }
0x676: {  	v52 =	vld [tilespmem:$0x1F140];
	v43 =	vunpack.i.u.bf16.f32 v5;
	v5 =	vunpack.i.l.bf16.f32 v5;
	v7 =	vmax.bf16 v7, v58  }
0x677: {  	v47 =	vld [tilespmem:$0x1F220];
	v6 =	vmax.bf16 v6, v62;
	v7 =	vmax.bf16 v7, v23;
	v0 =	vmax.bf16 v0, v59  }
0x678: {  	v5 =	vadd.f32 v5, v43;
	v7 =	vmax.bf16 v7, v31;
	v0 =	vmax.bf16 v0, v24;
	v24 =	vld [tilespmem:s11+$0x4F80]  }
0x679: {  	v6 =	vmax.bf16 v6, v30;
	v0 =	vmax.bf16 v0, v32;
	v32 =	vld [tilespmem:$0x1F1B0];
	v3 =	vmax.bf16 v3, v16  }
0x67a: {  	v57 =	vld [tilespmem:$0x1F240];
	v7 =	vmax.bf16 v7, v37;
	v3 =	vmax.bf16 v3, v42;
	v1 =	vmax.bf16 v1, v60  }
0x67b: {  	v44 =	vunpack.i.u.bf16.f32 v6;
	v3 =	vmax.bf16 v3, v52;
	v1 =	vmax.bf16 v1, v25;
	v25 =	vld [tilespmem:s11+$0x4F90]  }
0x67c: {  	v61 =	vld [tilespmem:$0x1F280];
	v6 =	vunpack.i.l.bf16.f32 v6;
	v7 =	vmax.bf16 v7, v63;
	v3 =	vmax.bf16 v3, v19  }
0x67d: {  	v0 =	vmax.bf16 v0, v41;
	v42 =	vunpack.i.u.bf16.f32 v4;
	v3 =	vmax.bf16 v3, v27;
	v27 =	vld [tilespmem:s11+$0x4FB0]  }
0x67e: {  	v0 =	vmax.bf16 v0, v24;
	v1 =	vmax.bf16 v1, v33;
	v13 =	vunpack.i.u.bf16.f32 v32;
	v33 =	vld [tilespmem:$0x1F1C0]  }
0x67f: {  	v56 =	vld [tilespmem:$0x1F230];
	v38 =	vunpack.i.u.bf16.f32 v0;
	v0 =	vunpack.i.l.bf16.f32 v0;
	v1 =	vmax.bf16 v1, v45  }
0x680: {  	v31 =	vld [tilespmem:s11+$0x4FF0];
	v0 =	vadd.f32 v0, v38;
	v3 =	vmax.bf16 v3, v9;
	v1 =	vmax.bf16 v1, v25  }
0x681: {  	v37 =	vld [tilespmem:$0x1F200];
	v3 =	vmax.bf16 v3, v53;
	v39 =	vunpack.i.u.bf16.f32 v1;
	v1 =	vunpack.i.l.bf16.f32 v1  }
0x682: {  	v58 =	vld [tilespmem:$0x1F250];
	v0 =	vadd.f32 v0, v13;
	v3 =	vmax.bf16 v3, v27;
	v1 =	vadd.f32 v1, v39  }
0x683: {  	v59 =	vld [tilespmem:$0x1F260];
	v14 =	vunpack.i.u.bf16.f32 v33;
	v41 =	vunpack.i.u.bf16.f32 v3;
	v3 =	vunpack.i.l.bf16.f32 v3  }
0x684: {  	v4 =	vunpack.i.l.bf16.f32 v4;
	v60 =	vld [tilespmem:$0x1F270];
	v3 =	vadd.f32 v3, v41;
	v1 =	vadd.f32 v1, v14  }
0x685: {  	v6 =	vadd.f32 v6, v44;
	v16 =	vunpack.i.u.bf16.f32 v35;
	v4 =	vadd.f32 v4, v42;
	[tilespmem:s1+$0x0] =	vst.add.f32.msk $0xffff, v0  }
0x686: {  	v7 =	vmax.bf16 v7, v31;
	v18 =	vunpack.i.u.bf16.f32 v37;
	v3 =	vadd.f32 v3, v16;
	[tilespmem:s20+$0x0] =	vst.add.f32.msk $0xffff, v1  }
0x687: {  	v45 =	vunpack.i.u.bf16.f32 v7;
	v7 =	vunpack.i.l.bf16.f32 v7;
	v4 =	vadd.f32 v4, v17;
	[tilespmem:s21+$0x0] =	vst.add.f32.msk $0xffff, v2  }
0x688: {  	v8 =	vunpack.i.u.bf16.f32 v46;
	v5 =	vadd.f32 v5, v18;
	v7 =	vadd.f32 v7, v45;
	[tilespmem:s22+$0x0] =	vst.add.f32.msk $0xffff, v3  }
0x689: {  	v6 =	vadd.f32 v6, v8;
	v9 =	vunpack.i.u.bf16.f32 v47;
	[tilespmem:s23+$0x0] =	vst.add.f32.msk $0xffff, v4  }
0x68a: {  	v7 =	vadd.f32 v7, v9;
	[tilespmem:s24+$0x0] =	vst.add.f32.msk $0xffff, v5  }
0x68b: {  	v48 =	vmul.f32 v0, v0;
	[tilespmem:s25+$0x0] =	vst.add.f32.msk $0xffff, v6  }
0x68c: {  	v49 =	vmul.f32 v1, v1;
	[tilespmem:s28+$0x0] =	vst.add.f32.msk $0xffff, v7  }
0x68d: {  	v50 =	vmul.f32 v2, v2;
	[tilespmem:s5+$0x0] =	vst.add.f32.msk $0xffff, v48  }
0x68e: {  	v51 =	vmul.f32 v3, v3;
	[tilespmem:s7+$0x0] =	vst.add.f32.msk $0xffff, v49  }
0x68f: {  	v52 =	vmul.f32 v4, v4;
	[tilespmem:s8+$0x0] =	vst.add.f32.msk $0xffff, v50  }
0x690: {  	v53 =	vmul.f32 v5, v5;
	[tilespmem:s12+$0x0] =	vst.add.f32.msk $0xffff, v51  }
0x691: {  	v54 =	vmul.f32 v6, v6;
	[tilespmem:s13+$0x0] =	vst.add.f32.msk $0xffff, v52  }
0x692: {  	v55 =	vmul.f32 v7, v7;
	[tilespmem:s14+$0x0] =	vst.add.f32.msk $0xffff, v53  }
0x693: {  	[tilespmem:s15+$0x0] =	vst.add.f32.msk $0xffff, v54  }
0x694: {  	v0 =	vpack.i.f32.bf16 v0, v56;
	[tilespmem:s26+$0x0] =	vst.add.f32.msk $0xffff, v55  }
0x695: {  	v62 =	vld [tilespmem:$0x1F290];
	v1 =	vpack.i.f32.bf16 v1, v57;
	[tilespmem:s10+$0x1CC00] =	vst v0  }
0x696: {  	v63 =	vld [tilespmem:$0x1F2A0];
	v0 =	vpack.i.f32.bf16 v2, v58;
	[tilespmem:s10+$0x1CC10] =	vst v1  }
0x697: {  	p0 =	sne.s32 s9, $0x7;
	v1 =	vpack.i.f32.bf16 v3, v59;
	[tilespmem:s10+$0x1CC20] =	vst v0  }
.Ltmp5:
0x698: {  	v0 =	vpack.i.f32.bf16 v4, v60;
	[tilespmem:s10+$0x1CC30] =	vst v1;
	(pc) =	sbr.rel @p0 .LBB2_11-.Ltmp5, $4  }
0x699: {  	v1 =	vpack.i.f32.bf16 v5, v61;
	[tilespmem:s10+$0x1CC40] =	vst v0  }
0x69a: {  	v0 =	vpack.i.f32.bf16 v6, v62;
	[tilespmem:s10+$0x1CC50] =	vst v1  }
0x69b: {  	v1 =	vpack.i.f32.bf16 v7, v63;
	[tilespmem:s10+$0x1CC60] =	vst v0  }
0x69c: {  	s9 =	sadd.s32 $0x1, s9;
	[tilespmem:s10+$0x1CC70] =	vst v1  }
0x69d: {  	s0 =	rddreg [dreg:$0x9];
	s9 =	simm.s32 $0x1CC00;
	s10 =	simm.s32 $0x8  }
0x69e: {  	[hbm4b:s0+s3] =	stream.linear.scatter [tilespmem:s9], [sflag:$0x7], $0x400, $0x38;
	[tilespmem:$0x1D900] =	vst v63  }
0x69f: {  	_ =	swait.ge [sflag:s10], $0x400  }
0x6a0: {  	[sflag:s10] =	ssyncset.done $0x0  }
0x6a1: {  	s11 =	simm.s32 $0x9;
	[sflag:s10] =	ssyncadd.s32 $0xFFFFFC00  }
0x6a2: {  	_ =	swait.ge [sflag:s11], $0x400  }
0x6a3: {  	[sflag:s11] =	ssyncset.done $0x0  }
0x6a4: {  	[sflag:s11] =	ssyncadd.s32 $0xFFFFFC00  }
0x6a5: {  	_ =	swait.ge [sflag:s17], $0x400  }
0x6a6: {  	s19 =	simm.s32 $0x400;
	[sflag:s17] =	ssyncset.done $0x0  }
0x6a7: {  	s9 =	simm.s32 $0xA;
	[sflag:s17] =	ssyncadd.s32 $0xFFFFFC00;
	s17 =	rddreg [dreg:$0xa]  }
0x6a8: {  	[hbm4b:s17+s16] =	stream.strided.scatter [tilespmem:s1], [sflag:$0xA], $0x100, s19, s16, $0x38;
	[tilespmem:$0x1D900] =	vst v63  }
0x6a9: {  	_ =	swait.ge [sflag:s9], $0x100  }
0x6aa: {  	s10 =	rddreg [dreg:$0xc]  }
0x6ab: {  	s29 =	rddreg [dreg:$0xb];
	s10 =	sadd.s32 $0x1, s10  }
0x6ac: {  	p0 =	sne.s32 s10, s29  }
.Ltmp6:
0x6ad: {  	_ = 	snop;
	(pc) =	sbr.rel @p0 .LBB2_1-.Ltmp6, $3  }
0x6ae: {  	_ =	sdelay $0x1  }
0x6af: {  	[sflag:s9] =	ssyncset.done $0x0  }
0x6b0: {  	[sflag:s9] =	ssyncadd.s32 $0xFFFFFF00  }
0x6b1: {  	_ =	sfence.sel $0x180000  }
0x6b2: {  	[bflag:$0x0] =	sbarrier.arrive $0xFFFF  }
0x6b3: {  	_ =	strace $0x90000047  }
0x6b4: {  	s0 =	stileid.u32;
	[bflag:$0x2] =	sbarrier.arrive $0xFFFF  }
0x6b5: {  	p0 =	sne.s32 s0, $0x0;
	s0 =	rddreg [dreg:$0x2]  }
0x6b6: {  	s0 =	sadd.s32 @!p0 $0x100000, s0  }
0x6b7: {  	[sflag:s0] =	ssyncadd.tile.s32 @!p0 $0x1;
	_ =	shalt  }
.Lfunc_end2:
_tile_overlayer_lowered:
.L_overlay_start_2:
0x6b8: {  	(tag) =	ssettag $0x2  }
0x6b9: {  	s0 =	rddreg [dreg:$0x0];
	s2 =	stileid.u32  }
0x6ba: {  	s1 =	rddreg [dreg:$0x1];
	p0 =	sne.s32 s2, $0x0  }
0x6bb: {  	s3 =	rddreg [dreg:$0x2];
	[bflag:$0x3] =	sbarrier.arrive $0xFFFF;
	s2 =	simm.s32 @!p0 $0x1C0A  }
0x6bc: {  	[timem:s3], [sflag:s2] =	dma.local @!p0 [hbm:s0], s1  }
0x6bd: {  	s0 =	simm.s32 @!p0 $0xA  }
0x6be: {  	_ =	swait.ge @!p0 [sflag:s0], s1  }
0x6bf: {  	s1 =	ssub.s32 @!p0 $0x0, s1;
	[sflag:s0] =	ssyncset.done @!p0 $0x0  }
0x6c0: {  	[sflag:s0] =	ssyncadd.s32 @!p0 s1  }
0x6c1: {  	[bflag:$0x3] =	sbarrier.arrive $0xFFFF  }
0x6c2: {  	_ =	shalt  }

</sc_bundles>
